<compile_context>
chip_gen: v7x
topology: tpu7x:2x2x1
jax: 0.10.2.dev20260603
libtpu: 0.0.44.dev20260713+nightly
codegen_flags: <defaults>
</compile_context>

<pallas_src>
import math

import jax
import jax.numpy as jnp
from jax import lax
from jax.experimental import pallas as pl
from jax.experimental.pallas import tpu as pltpu
from jax.experimental.pallas import tpu_sc as plsc

_NA = 10000
_NB = 10000
_E = 160000
_D = 256
_H = 8
_DH = _D // _H
_INV_SQRT_DH = 1.0 / math.sqrt(_DH)
_ROW_BLK = 1000

_NC = 2
_NS = 16
_NW = _NC * _NS

_C1 = 80
_NCH1 = _E // _C1
_K1_BASE = _NCH1 // _NW
_K1_EXTRA = _NCH1 % _NW

_C2 = 80
_NCH2 = _E // _C2
_K2_BASE = _NCH2 // _NS
_K2_EXTRA = _NCH2 % _NS

_GW = 136
_RPT = _NA // _NS

_sc_mesh = plsc.VectorSubcoreMesh(
    core_axis_name="c", subcore_axis_name="s", num_cores=_NC, num_subcores=_NS)
_sc_params = pltpu.CompilerParams(
    needs_layout_passes=False, use_tc_tiling_on_sc=False)
_sc_params_tiled = pltpu.CompilerParams(
    needs_layout_passes=False, use_tc_tiling_on_sc=True)


def _qkv_body(fa_ref, fb_ref, wq_ref, wk_ref, wv_ref, q_ref, k_ref, v_ref):
    c = pl.program_id(1)

    @pl.when(c == 0)
    def _():
        q_ref[...] = fa_ref[...] @ wq_ref[...]
        k_ref[...] = fb_ref[...] @ wk_ref[...]

    v_ref[...] = fb_ref[...] @ wv_ref[...]


def _qkv(Fa, Fb, Wq, Wk, Wv):
    n_blk = _NA // _ROW_BLK
    row_spec = pl.BlockSpec((_ROW_BLK, _D), lambda i, c: (i, 0))
    w_spec = pl.BlockSpec((_D, _D), lambda i, c: (0, 0))
    wv_spec = pl.BlockSpec((_D, 128), lambda i, c: (0, c))
    v_spec = pl.BlockSpec((_ROW_BLK, 128), lambda i, c: (c * n_blk + i, 0))
    return pl.pallas_call(
        _qkv_body,
        grid=(n_blk, 2),
        in_specs=[row_spec, row_spec, w_spec, w_spec, wv_spec],
        out_specs=[row_spec, row_spec, v_spec],
        out_shape=[
            jax.ShapeDtypeStruct((_NA, _D), jnp.float32),
            jax.ShapeDtypeStruct((_NB, _D), jnp.float32),
            jax.ShapeDtypeStruct((2 * _NB, 128), jnp.float32),
        ],
    )(Fa, Fb, Wq, Wk, Wv)


def _k1_body(q_hbm, k_hbm, a_hbm, b_hbm, ex_hbm,
             av0, av1, bv0, bv1, qb0, qb1, kb0, kb1, exb0, exb1,
             isem0, isem1, gsem0, gsem1, ssem0, ssem1):
    isem = (isem0, isem1)
    gsem = (gsem0, gsem1)
    ssem = (ssem0, ssem1)
    cid = lax.axis_index("c")
    sid = lax.axis_index("s")
    wid = cid * _NS + sid
    nt = jnp.where(wid < _K1_EXTRA, _K1_BASE + 1, _K1_BASE)
    av = (av0, av1)
    bv = (bv0, bv1)
    qb = (qb0, qb1)
    kb = (kb0, kb1)
    exb = (exb0, exb1)

    lane = lax.iota(jnp.int32, 16)
    masks = [lane == i for i in range(16)]
    last_lane = jnp.full((16,), 15, jnp.int32)

    def coff(t):
        return (wid + _NW * t) * _C1

    def issue_idx(t, s):
        off = coff(t)
        pltpu.async_copy(a_hbm.at[pl.ds(off, _C1)], av[s], isem[s])
        pltpu.async_copy(b_hbm.at[pl.ds(off, _C1)], bv[s], isem[s])

    def wait_idx(t, s):
        off = coff(t)
        pltpu.make_async_copy(a_hbm.at[pl.ds(off, _C1)], av[s], isem[s]).wait()
        pltpu.make_async_copy(b_hbm.at[pl.ds(off, _C1)], bv[s], isem[s]).wait()

    def issue_gather(s):
        pltpu.async_copy(q_hbm.at[av[s]], qb[s], gsem[s])
        pltpu.async_copy(k_hbm.at[bv[s]], kb[s], gsem[s])

    def wait_gather(s):
        pltpu.make_async_copy(q_hbm.at[av[s]], qb[s], gsem[s]).wait()
        pltpu.make_async_copy(k_hbm.at[bv[s]], kb[s], gsem[s]).wait()

    def issue_store(t, s):
        off = coff(t)
        pltpu.async_copy(exb[s], ex_hbm.at[pl.ds(off * _H, _C1 * _H)], ssem[s])

    def wait_store(t, s):
        off = coff(t)
        pltpu.make_async_copy(
            exb[s], ex_hbm.at[pl.ds(off * _H, _C1 * _H)], ssem[s]).wait()

    issue_idx(0, 0)
    wait_idx(0, 0)
    issue_gather(0)
    issue_idx(1, 1)

    def iter_t(t, b):
        ob = 1 - b
        wait_gather(b)

        @pl.when(t >= 2)
        def _():
            wait_store(t - 2, b)

        @pl.when(t + 1 < nt)
        def _():
            wait_idx(t + 1, ob)
            issue_gather(ob)

        @pl.when(t + 2 < nt)
        def _():
            issue_idx(t + 2, b)

        qbb = qb[b]
        kbb = kb[b]
        exbb = exb[b]

        @plsc.parallel_loop(0, _C1 // 2, unroll=2)
        def pair_body(p):
            acc = jnp.zeros((16,), jnp.float32)
            for half in range(2):
                e = 2 * p + half
                for h in range(_H):
                    q0 = qbb[e, pl.ds(32 * h, 16)]
                    q1 = qbb[e, pl.ds(32 * h + 16, 16)]
                    k0 = kbb[e, pl.ds(32 * h, 16)]
                    k1 = kbb[e, pl.ds(32 * h + 16, 16)]
                    cs = jnp.cumsum(q0 * k0 + q1 * k1)
                    acc = jnp.where(masks[half * _H + h],
                                    jnp.take(cs, last_lane), acc)
            exbb[pl.ds(p * 16, 16)] = acc

        issue_store(t, b)

    def outer(u, carry):
        for b in range(2):
            t = 2 * u + b

            @pl.when(t < nt)
            def _():
                iter_t(t, b)
        return carry

    lax.fori_loop(0, (_K1_BASE + 2) // 2, outer, 0)
    wait_store(0, 0)
    wait_store(1, 1)


def _sc_logits(Q, K, a_idx, b_idx):
    f = pl.kernel(
        _k1_body,
        out_type=jax.ShapeDtypeStruct((_E * _H,), jnp.float32),
        mesh=_sc_mesh,
        compiler_params=_sc_params_tiled,
        scratch_types=(
            [pltpu.VMEM((_C1,), jnp.int32)] * 4
            + [pltpu.VMEM((_C1, _D), jnp.float32)] * 4
            + [pltpu.VMEM((_C1 * _H,), jnp.float32)] * 2
            + [pltpu.SemaphoreType.DMA] * 6
        ),
    )
    return f(Q, K, a_idx, b_idx)


def _k2_body(ex_hbm, a_hbm, b_hbm, vh_hbm, out_hbm,
             av0, av1, bv0, bv1, sav0, sav1, vb0, vb1, exb0, exb1,
             wvb0, wvb1, isem0, isem1, gsem0, gsem1, ssem0, ssem1, out_acc):
    isem = (isem0, isem1)
    gsem = (gsem0, gsem1)
    ssem = (ssem0, ssem1)
    cid = lax.axis_index("c")
    sid = lax.axis_index("s")
    nt = jnp.where(sid < _K2_EXTRA, _K2_BASE + 1, _K2_BASE)
    av = (av0, av1)
    bv = (bv0, bv1)
    sav = (sav0, sav1)
    vb = (vb0, vb1)
    exb = (exb0, exb1)
    wvb = (wvb0, wvb1)

    def zrow(r, carry):
        for j in range(8):
            wvb0[r, pl.ds(16 * j, 16)] = jnp.zeros((16,), jnp.float32)
        wvb0[r, pl.ds(_GW - 16, 16)] = jnp.zeros((16,), jnp.float32)
        return carry

    lax.fori_loop(0, _C2, zrow, 0)
    r0 = sid * _RPT
    off2 = 0
    for sz in (80,) * 7 + (65,):
        pltpu.sync_copy(wvb0.at[pl.ds(0, sz)], out_acc.at[pl.ds(r0 + off2, sz)])
        off2 += sz
    plsc.subcore_barrier()

    def coff(t):
        return (sid + _NS * t) * _C2

    def issue_idx(t, s):
        off = coff(t)
        pltpu.async_copy(a_hbm.at[pl.ds(off, _C2)], av[s], isem[s])
        pltpu.async_copy(b_hbm.at[pl.ds(off, _C2)], bv[s], isem[s])

    def wait_idx(t, s):
        off = coff(t)
        pltpu.make_async_copy(a_hbm.at[pl.ds(off, _C2)], av[s], isem[s]).wait()
        pltpu.make_async_copy(b_hbm.at[pl.ds(off, _C2)], bv[s], isem[s]).wait()

    def issue_gather(t, s):
        off = coff(t)

        def addb(i, c2):
            bv[s][pl.ds(i * 16, 16)] = bv[s][pl.ds(i * 16, 16)] + cid * _NB
            return c2

        lax.fori_loop(0, _C2 // 16, addb, 0)
        pltpu.async_copy(vh_hbm.at[bv[s]], vb[s], gsem[s])
        pltpu.async_copy(ex_hbm.at[pl.ds(off * _H, _C2 * _H)],
                         exb[s].at[pl.ds(0, _C2 * _H)], gsem[s])

    def wait_gather(t, s):
        off = coff(t)
        pltpu.make_async_copy(vh_hbm.at[bv[s]], vb[s], gsem[s]).wait()
        pltpu.make_async_copy(ex_hbm.at[pl.ds(off * _H, _C2 * _H)],
                              exb[s].at[pl.ds(0, _C2 * _H)], gsem[s]).wait()

    def issue_scatter(s):
        pltpu.async_copy(wvb[s], out_acc.at[sav[s]], ssem[s], add=True)

    def wait_scatter(s):
        pltpu.make_async_copy(wvb[s], out_acc.at[sav[s]], ssem[s]).wait()

    issue_idx(0, 0)
    wait_idx(0, 0)
    issue_gather(0, 0)
    issue_idx(1, 1)

    def iter_t(t, b):
        ob = 1 - b
        wait_gather(t, b)

        @pl.when(t >= 2)
        def _():
            wait_scatter(b)

        def cpav(i, c2):
            sav[b][pl.ds(i * 16, 16)] = av[b][pl.ds(i * 16, 16)]
            return c2

        lax.fori_loop(0, _C2 // 16, cpav, 0)

        @pl.when(t + 1 < nt)
        def _():
            wait_idx(t + 1, ob)
            issue_gather(t + 1, ob)

        @pl.when(t + 2 < nt)
        def _():
            issue_idx(t + 2, b)

        exbb = exb[b]
        vbb = vb[b]
        wvbb = wvb[b]

        @plsc.parallel_loop(0, _C2 * _H // 16, unroll=4)
        def exp_body(t2):
            v = exbb[pl.ds(t2 * 16, 16)]
            exbb[pl.ds(t2 * 16, 16)] = jnp.exp(v * _INV_SQRT_DH)

        bidx = [jnp.full((16,), i, jnp.int32) for i in range(4)]

        @plsc.parallel_loop(0, _C2, unroll=2)
        def edge_body(e):
            wvbb[e, pl.ds(0, 16)] = exbb[pl.ds(e * _H, 16)]
            exv = exbb[pl.ds(e * _H + 4 * cid, 16)]
            mv = [jnp.take(exv, bidx[i]) for i in range(4)]
            for j in range(8):
                wvbb[e, pl.ds(8 + 16 * j, 16)] = (
                    vbb[e, pl.ds(16 * j, 16)] * mv[j // 2])

        issue_scatter(b)

    def outer(u, carry):
        for b in range(2):
            t = 2 * u + b

            @pl.when(t < nt)
            def _():
                iter_t(t, b)
        return carry

    lax.fori_loop(0, (_K2_BASE + 2) // 2, outer, 0)
    wait_scatter(0)
    wait_scatter(1)
    plsc.subcore_barrier()

    off2 = 0
    for sz in (80,) * 7 + (65,):
        pltpu.sync_copy(out_acc.at[pl.ds(r0 + off2, sz)], wvb0.at[pl.ds(0, sz)])
        pltpu.sync_copy(wvb0.at[pl.ds(0, sz)],
                        out_hbm.at[cid, pl.ds(r0 + off2, sz)])
        off2 += sz


def _sc_scatter(ex, a_idx, b_idx, Vh):
    f = pl.kernel(
        _k2_body,
        out_type=jax.ShapeDtypeStruct((2, _NA, _GW), jnp.float32),
        mesh=_sc_mesh,
        compiler_params=_sc_params,
        scratch_types=(
            [pltpu.VMEM((_C2,), jnp.int32)] * 6
            + [pltpu.VMEM((_C2, 128), jnp.float32)] * 2
            + [pltpu.VMEM((_C2 * _H + 16,), jnp.float32)] * 2
            + [pltpu.VMEM((_C2, _GW), jnp.float32)] * 2
            + [pltpu.SemaphoreType.DMA] * 6
            + [pltpu.VMEM_SHARED((_NA, _GW), jnp.float32)]
        ),
    )
    return f(ex, a_idx, b_idx, Vh)


def _final_body(fa_ref, g0_ref, g1_ref, wp_ref, y_ref):
    g0 = g0_ref[0]
    g1 = g1_ref[0]
    s = g0[:, 0:8]
    s = jnp.where(s > 0.0, s, 1.0)
    o = jnp.concatenate([g0[:, 8:_GW], g1[:, 8:_GW]], axis=1)
    o = (o.reshape(_ROW_BLK, _H, _DH) / s[:, :, None]).reshape(_ROW_BLK, _D)
    y_ref[...] = fa_ref[...] + o @ wp_ref[...]


def _final(Fa, g, Wp):
    n_blk = _NA // _ROW_BLK
    row_spec = pl.BlockSpec((_ROW_BLK, _D), lambda i: (i, 0))
    g0_spec = pl.BlockSpec((1, _ROW_BLK, _GW), lambda i: (0, i, 0))
    g1_spec = pl.BlockSpec((1, _ROW_BLK, _GW), lambda i: (1, i, 0))
    w_spec = pl.BlockSpec((_D, _D), lambda i: (0, 0))
    return pl.pallas_call(
        _final_body,
        grid=(n_blk,),
        in_specs=[row_spec, g0_spec, g1_spec, w_spec],
        out_specs=row_spec,
        out_shape=jax.ShapeDtypeStruct((_NA, _D), jnp.float32),
    )(Fa, g, g, Wp)


def kernel(Fa, Fb, a_idx, b_idx, Wq, Wk, Wv, Wp):
    a_idx = a_idx.astype(jnp.int32)
    b_idx = b_idx.astype(jnp.int32)
    Q, K, Vh = _qkv(Fa, Fb, Wq, Wk, Wv)
    ex = _sc_logits(Q, K, a_idx, b_idx)
    g = _sc_scatter(ex, a_idx, b_idx, Vh)
    return _final(Fa, g, Wp)

# --- scband reference (transcript-rebuilt; emitter-appended) ---
"""Pipeline reference for scband-multi-head-attention-31233002176665 (READ-ONLY COPY).

The authoritative reference and input builder live on the scoring server;
editing this copy changes nothing except your own understanding.
"""

import math
import jax, jax.numpy as jnp
import numpy as np

Na = 10000
Nb = 10000
E = 160000
CA = 256
CB = 256
D = 256
H = 8


def setup_inputs(seed: int = 0) -> dict:
    key = jax.random.key(seed)
    ks = jax.random.split(key, 8)
    Fa = jax.random.normal(ks[0], (Na, CA), dtype=jnp.float32)
    Fb = jax.random.normal(ks[1], (Nb, CB), dtype=jnp.float32)
    a_idx = jax.random.randint(ks[2], (E,), 0, Na)
    b_idx = jax.random.randint(ks[3], (E,), 0, Nb)
    Wq = jax.random.normal(ks[4], (CA, D), dtype=jnp.float32) * (1.0 / math.sqrt(CA))
    Wk = jax.random.normal(ks[5], (CB, D), dtype=jnp.float32) * (1.0 / math.sqrt(CB))
    Wv = jax.random.normal(ks[6], (CB, D), dtype=jnp.float32) * (1.0 / math.sqrt(CB))
    Wp = jax.random.normal(ks[7], (D, CA), dtype=jnp.float32) * (1.0 / math.sqrt(D))
    return {"Fa": Fa, "Fb": Fb, "a_idx": a_idx, "b_idx": b_idx,
            "Wq": Wq, "Wk": Wk, "Wv": Wv, "Wp": Wp}


def reference(Fa, Fb, a_idx, b_idx, Wq, Wk, Wv, Wp):
    dh = D // H
    Q = (Fa @ Wq).reshape(Na, H, dh)
    K = (Fb @ Wk).reshape(-1, H, dh)
    V = (Fb @ Wv).reshape(-1, H, dh)
    # per-edge, per-head logits
    logits = jnp.sum(Q[a_idx] * K[b_idx], axis=-1) / math.sqrt(dh)  # (E, H)
    logits_flat = logits.reshape(-1)  # (E*H,)
    groups = (a_idx[:, None] * H + jnp.arange(H, dtype=a_idx.dtype)).reshape(-1)  # (E*H,)
    n_seg = Na * H
    # segmented softmax (numerically stable)
    m = jax.ops.segment_max(logits_flat, groups, num_segments=n_seg)
    m = jnp.where(jnp.isfinite(m), m, 0.0)
    ex = jnp.exp(logits_flat - m[groups])
    s = jax.ops.segment_sum(ex, groups, num_segments=n_seg)
    w = ex / s[groups]
    weights = w.reshape(E, H)
    # weighted scatter-add of values into query rows
    out = jnp.zeros((Na, H, dh), dtype=Fa.dtype)
    out = out.at[a_idx].add(weights[..., None] * V[b_idx])
    out = out.reshape(Na, H * dh)
    return Fa + out @ Wp

if __name__ == "__main__":
    import jax
    _d = setup_inputs()
    print(jax.jit(kernel)(*tuple(_d.values())))

</pallas_src>

<mosaic_0001>
#map = affine_map<(d0, d1) -> (0)>
#map1 = affine_map<(d0, d1) -> (0, 0)>
#map2 = affine_map<(d0, d1) -> (0, 0, 0)>
module attributes {stable_mosaic.version = 14 : i64} {
  func.func @_k2_body(%arg0: i32, %arg1: i32, %arg2: memref<1280000xf32, #tpu.memory_space<hbm>>, %arg3: memref<160000xi32, #tpu.memory_space<hbm>>, %arg4: memref<160000xi32, #tpu.memory_space<hbm>>, %arg5: memref<20000x128xf32, #tpu.memory_space<hbm>>, %arg6: memref<2x10000x136xf32, #tpu.memory_space<hbm>>, %arg7: memref<80xi32, #tpu.memory_space<vmem>>, %arg8: memref<80xi32, #tpu.memory_space<vmem>>, %arg9: memref<80xi32, #tpu.memory_space<vmem>>, %arg10: memref<80xi32, #tpu.memory_space<vmem>>, %arg11: memref<80xi32, #tpu.memory_space<vmem>>, %arg12: memref<80xi32, #tpu.memory_space<vmem>>, %arg13: memref<80x128xf32, #tpu.memory_space<vmem>>, %arg14: memref<80x128xf32, #tpu.memory_space<vmem>>, %arg15: memref<656xf32, #tpu.memory_space<vmem>>, %arg16: memref<656xf32, #tpu.memory_space<vmem>>, %arg17: memref<80x136xf32, #tpu.memory_space<vmem>>, %arg18: memref<80x136xf32, #tpu.memory_space<vmem>>, %arg19: memref<!tpu.dma_semaphore, #tpu.memory_space<semaphore_mem>>, %arg20: memref<!tpu.dma_semaphore, #tpu.memory_space<semaphore_mem>>, %arg21: memref<!tpu.dma_semaphore, #tpu.memory_space<semaphore_mem>>, %arg22: memref<!tpu.dma_semaphore, #tpu.memory_space<semaphore_mem>>, %arg23: memref<!tpu.dma_semaphore, #tpu.memory_space<semaphore_mem>>, %arg24: memref<!tpu.dma_semaphore, #tpu.memory_space<semaphore_mem>>, %arg25: memref<10000x136xf32, #tpu.memory_space<vmem_shared>>) attributes {dimension_semantics = [#tpu.dimension_semantics<core_parallel>, #tpu.dimension_semantics<subcore_parallel>], iteration_bounds = array<i64: 2, 16>, scalar_prefetch = 0 : i64, scratch_operands = 19 : i64, tpu.core_type = #tpu.core_type<sc_vector_subcore>, window_params = [{transform_indices = #map}, {transform_indices = #map}, {transform_indices = #map}, {transform_indices = #map1}, {transform_indices = #map2}]} {
    %lt3A = arith.constant 0 : i32
    %lt3A_0 = arith.cmpi slt, %arg1, %lt3A : i32
    %jit3A = arith.constant 126 : i32
    %jit3A_1 = arith.constant 125 : i32
    %select_n3A = arith.select %lt3A_0, %jit3A, %jit3A_1 : i32
    %scan3A = arith.constant 0 : i32
    %scan3A_2 = arith.constant 0 : i32
    %scan3A_3 = arith.constant 80 : i32
    %scan3A_4 = arith.addi %scan3A_2, %scan3A_3 : i32
    %scan3A_5 = arith.constant 1 : i32
    scf.for %scan3A_111 = %scan3A_2 to %scan3A_4 step %scan3A_5  : i32 {
      %broadcast_in_dim3A = arith.constant 0.000000e+00 : f32
      %broadcast_in_dim3A_112 = vector.broadcast %broadcast_in_dim3A : f32 to vector<16xf32>
      %swap3A = arith.index_cast %scan3A_111 : i32 to index
      %swap3A_113 = arith.constant 0 : index
      %swap3A_114 = tpu.vector_load %arg17[%swap3A, %swap3A_113] {strides = array<i32>} : memref<80x136xf32, #tpu.memory_space<vmem>>, vector<16xf32>,
      tpu.vector_store %arg17[%swap3A, %swap3A_113], %broadcast_in_dim3A_112 {strides = array<i32>} : memref<80x136xf32, #tpu.memory_space<vmem>>, vector<16xf32>,
      %broadcast_in_dim3A_115 = arith.constant 0.000000e+00 : f32
      %broadcast_in_dim3A_116 = vector.broadcast %broadcast_in_dim3A_115 : f32 to vector<16xf32>
      %swap3A_117 = arith.index_cast %scan3A_111 : i32 to index
      %swap3A_118 = arith.constant 16 : index
      %swap3A_119 = tpu.vector_load %arg17[%swap3A_117, %swap3A_118] {strides = array<i32>} : memref<80x136xf32, #tpu.memory_space<vmem>>, vector<16xf32>,
      tpu.vector_store %arg17[%swap3A_117, %swap3A_118], %broadcast_in_dim3A_116 {strides = array<i32>} : memref<80x136xf32, #tpu.memory_space<vmem>>, vector<16xf32>,
      %broadcast_in_dim3A_120 = arith.constant 0.000000e+00 : f32
      %broadcast_in_dim3A_121 = vector.broadcast %broadcast_in_dim3A_120 : f32 to vector<16xf32>
      %swap3A_122 = arith.index_cast %scan3A_111 : i32 to index
      %swap3A_123 = arith.constant 32 : index
      %swap3A_124 = tpu.vector_load %arg17[%swap3A_122, %swap3A_123] {strides = array<i32>} : memref<80x136xf32, #tpu.memory_space<vmem>>, vector<16xf32>,
      tpu.vector_store %arg17[%swap3A_122, %swap3A_123], %broadcast_in_dim3A_121 {strides = array<i32>} : memref<80x136xf32, #tpu.memory_space<vmem>>, vector<16xf32>,
      %broadcast_in_dim3A_125 = arith.constant 0.000000e+00 : f32
      %broadcast_in_dim3A_126 = vector.broadcast %broadcast_in_dim3A_125 : f32 to vector<16xf32>
      %swap3A_127 = arith.index_cast %scan3A_111 : i32 to index
      %swap3A_128 = arith.constant 48 : index
      %swap3A_129 = tpu.vector_load %arg17[%swap3A_127, %swap3A_128] {strides = array<i32>} : memref<80x136xf32, #tpu.memory_space<vmem>>, vector<16xf32>,
      tpu.vector_store %arg17[%swap3A_127, %swap3A_128], %broadcast_in_dim3A_126 {strides = array<i32>} : memref<80x136xf32, #tpu.memory_space<vmem>>, vector<16xf32>,
      %broadcast_in_dim3A_130 = arith.constant 0.000000e+00 : f32
      %broadcast_in_dim3A_131 = vector.broadcast %broadcast_in_dim3A_130 : f32 to vector<16xf32>
      %swap3A_132 = arith.index_cast %scan3A_111 : i32 to index
      %swap3A_133 = arith.constant 64 : index
      %swap3A_134 = tpu.vector_load %arg17[%swap3A_132, %swap3A_133] {strides = array<i32>} : memref<80x136xf32, #tpu.memory_space<vmem>>, vector<16xf32>,
      tpu.vector_store %arg17[%swap3A_132, %swap3A_133], %broadcast_in_dim3A_131 {strides = array<i32>} : memref<80x136xf32, #tpu.memory_space<vmem>>, vector<16xf32>,
      %broadcast_in_dim3A_135 = arith.constant 0.000000e+00 : f32
      %broadcast_in_dim3A_136 = vector.broadcast %broadcast_in_dim3A_135 : f32 to vector<16xf32>
      %swap3A_137 = arith.index_cast %scan3A_111 : i32 to index
      %swap3A_138 = arith.constant 80 : index
      %swap3A_139 = tpu.vector_load %arg17[%swap3A_137, %swap3A_138] {strides = array<i32>} : memref<80x136xf32, #tpu.memory_space<vmem>>, vector<16xf32>,
      tpu.vector_store %arg17[%swap3A_137, %swap3A_138], %broadcast_in_dim3A_136 {strides = array<i32>} : memref<80x136xf32, #tpu.memory_space<vmem>>, vector<16xf32>,
      %broadcast_in_dim3A_140 = arith.constant 0.000000e+00 : f32
      %broadcast_in_dim3A_141 = vector.broadcast %broadcast_in_dim3A_140 : f32 to vector<16xf32>
      %swap3A_142 = arith.index_cast %scan3A_111 : i32 to index
      %swap3A_143 = arith.constant 96 : index
      %swap3A_144 = tpu.vector_load %arg17[%swap3A_142, %swap3A_143] {strides = array<i32>} : memref<80x136xf32, #tpu.memory_space<vmem>>, vector<16xf32>,
      tpu.vector_store %arg17[%swap3A_142, %swap3A_143], %broadcast_in_dim3A_141 {strides = array<i32>} : memref<80x136xf32, #tpu.memory_space<vmem>>, vector<16xf32>,
      %broadcast_in_dim3A_145 = arith.constant 0.000000e+00 : f32
      %broadcast_in_dim3A_146 = vector.broadcast %broadcast_in_dim3A_145 : f32 to vector<16xf32>
      %swap3A_147 = arith.index_cast %scan3A_111 : i32 to index
      %swap3A_148 = arith.constant 112 : index
      %swap3A_149 = tpu.vector_load %arg17[%swap3A_147, %swap3A_148] {strides = array<i32>} : memref<80x136xf32, #tpu.memory_space<vmem>>, vector<16xf32>,
      tpu.vector_store %arg17[%swap3A_147, %swap3A_148], %broadcast_in_dim3A_146 {strides = array<i32>} : memref<80x136xf32, #tpu.memory_space<vmem>>, vector<16xf32>,
      %broadcast_in_dim3A_150 = arith.constant 0.000000e+00 : f32
      %broadcast_in_dim3A_151 = vector.broadcast %broadcast_in_dim3A_150 : f32 to vector<16xf32>
      %swap3A_152 = arith.index_cast %scan3A_111 : i32 to index
      %swap3A_153 = arith.constant 120 : index
      %swap3A_154 = tpu.vector_load %arg17[%swap3A_152, %swap3A_153] {strides = array<i32>} : memref<80x136xf32, #tpu.memory_space<vmem>>, vector<16xf32>,
      tpu.vector_store %arg17[%swap3A_152, %swap3A_153], %broadcast_in_dim3A_151 {strides = array<i32>} : memref<80x136xf32, #tpu.memory_space<vmem>>, vector<16xf32>,
    }
    %scan3A_6 = arith.constant 80 : i32
    %mul3A = arith.constant 625 : i32
    %mul3A_7 = arith.muli %arg1, %mul3A : i32
    %add3A = arith.constant 0 : i32
    %add3A_8 = arith.addi %mul3A_7, %add3A : i32
    "tpu.region"() ({
      %run_scoped3A = tpu.sem_alloc : memref<!tpu.dma_semaphore, #tpu.memory_space<semaphore_mem>>
      %dma_start3A_111 = arith.constant 0 : i32
      %dma_start3A_112 = arith.constant 0 : i32
      %dma_start3A_113 = tpu.memref_slice %arg17[%dma_start3A_111, %dma_start3A_112] : memref<80x136xf32, #tpu.memory_space<vmem>> -> memref<80x136xf32, #tpu.memory_space<vmem>>
      %dma_start3A_114 = arith.constant 0 : i32
      %dma_start3A_115 = tpu.memref_slice %arg25[%add3A_8, %dma_start3A_114] : memref<10000x136xf32, #tpu.memory_space<vmem_shared>> -> memref<80x136xf32, #tpu.memory_space<vmem_shared>>
      %dma_start3A_116 = arith.constant 0 : i32
      %dma_start3A_117 = tpu.memref_slice %arg25[%add3A_8, %dma_start3A_116] : memref<10000x136xf32, #tpu.memory_space<vmem_shared>> -> memref<80x136xf32, #tpu.memory_space<vmem_shared>>
      %dma_start3A_118 = arith.constant 0 : i32
      %dma_start3A_119 = arith.constant 0 : i32
      %dma_start3A_120 = tpu.memref_slice %arg17[%dma_start3A_118, %dma_start3A_119] : memref<80x136xf32, #tpu.memory_space<vmem>> -> memref<80x136xf32, #tpu.memory_space<vmem>>
      tpu.enqueue_dma source(%dma_start3A_120 : memref<80x136xf32, #tpu.memory_space<vmem>>) target(%dma_start3A_117 : memref<80x136xf32, #tpu.memory_space<vmem_shared>>) target_semaphore(%run_scoped3A : memref<!tpu.dma_semaphore, #tpu.memory_space<semaphore_mem>>)
      %dma_wait3A_121 = arith.constant 0 : i32
      %dma_wait3A_122 = arith.constant 0 : i32
      %dma_wait3A_123 = tpu.memref_slice %arg17[%dma_wait3A_121, %dma_wait3A_122] : memref<80x136xf32, #tpu.memory_space<vmem>> -> memref<80x136xf32, #tpu.memory_space<vmem>>
      %dma_wait3A_124 = arith.constant 0 : i32
      %dma_wait3A_125 = tpu.memref_slice %arg25[%add3A_8, %dma_wait3A_124] : memref<10000x136xf32, #tpu.memory_space<vmem_shared>> -> memref<80x136xf32, #tpu.memory_space<vmem_shared>>
      %dma_wait3A_126 = arith.constant 0 : i32
      %dma_wait3A_127 = tpu.memref_slice %arg25[%add3A_8, %dma_wait3A_126] : memref<10000x136xf32, #tpu.memory_space<vmem_shared>> -> memref<80x136xf32, #tpu.memory_space<vmem_shared>>
      %dma_wait3A_128 = arith.constant 0 : i32
      %dma_wait3A_129 = arith.constant 0 : i32
      %dma_wait3A_130 = tpu.memref_slice %arg17[%dma_wait3A_128, %dma_wait3A_129] : memref<80x136xf32, #tpu.memory_space<vmem>> -> memref<80x136xf32, #tpu.memory_space<vmem>>
      tpu.wait_dma2 semaphore(%run_scoped3A : memref<!tpu.dma_semaphore, #tpu.memory_space<semaphore_mem>>) src(%dma_wait3A_130 : memref<80x136xf32, #tpu.memory_space<vmem>>) dst(%dma_wait3A_127 : memref<80x136xf32, #tpu.memory_space<vmem_shared>>)
      tpu.yield
    }) : () -> ()
    %add3A_9 = arith.constant 80 : i32
    %add3A_10 = arith.addi %mul3A_7, %add3A_9 : i32
    "tpu.region"() ({
      %run_scoped3A = tpu.sem_alloc : memref<!tpu.dma_semaphore, #tpu.memory_space<semaphore_mem>>
      %dma_start3A_111 = arith.constant 0 : i32
      %dma_start3A_112 = arith.constant 0 : i32
      %dma_start3A_113 = tpu.memref_slice %arg17[%dma_start3A_111, %dma_start3A_112] : memref<80x136xf32, #tpu.memory_space<vmem>> -> memref<80x136xf32, #tpu.memory_space<vmem>>
      %dma_start3A_114 = arith.constant 0 : i32
      %dma_start3A_115 = tpu.memref_slice %arg25[%add3A_10, %dma_start3A_114] : memref<10000x136xf32, #tpu.memory_space<vmem_shared>> -> memref<80x136xf32, #tpu.memory_space<vmem_shared>>
      %dma_start3A_116 = arith.constant 0 : i32
      %dma_start3A_117 = tpu.memref_slice %arg25[%add3A_10, %dma_start3A_116] : memref<10000x136xf32, #tpu.memory_space<vmem_shared>> -> memref<80x136xf32, #tpu.memory_space<vmem_shared>>
      %dma_start3A_118 = arith.constant 0 : i32
      %dma_start3A_119 = arith.constant 0 : i32
      %dma_start3A_120 = tpu.memref_slice %arg17[%dma_start3A_118, %dma_start3A_119] : memref<80x136xf32, #tpu.memory_space<vmem>> -> memref<80x136xf32, #tpu.memory_space<vmem>>
      tpu.enqueue_dma source(%dma_start3A_120 : memref<80x136xf32, #tpu.memory_space<vmem>>) target(%dma_start3A_117 : memref<80x136xf32, #tpu.memory_space<vmem_shared>>) target_semaphore(%run_scoped3A : memref<!tpu.dma_semaphore, #tpu.memory_space<semaphore_mem>>)
      %dma_wait3A_121 = arith.constant 0 : i32
      %dma_wait3A_122 = arith.constant 0 : i32
      %dma_wait3A_123 = tpu.memref_slice %arg17[%dma_wait3A_121, %dma_wait3A_122] : memref<80x136xf32, #tpu.memory_space<vmem>> -> memref<80x136xf32, #tpu.memory_space<vmem>>
      %dma_wait3A_124 = arith.constant 0 : i32
      %dma_wait3A_125 = tpu.memref_slice %arg25[%add3A_10, %dma_wait3A_124] : memref<10000x136xf32, #tpu.memory_space<vmem_shared>> -> memref<80x136xf32, #tpu.memory_space<vmem_shared>>
      %dma_wait3A_126 = arith.constant 0 : i32
      %dma_wait3A_127 = tpu.memref_slice %arg25[%add3A_10, %dma_wait3A_126] : memref<10000x136xf32, #tpu.memory_space<vmem_shared>> -> memref<80x136xf32, #tpu.memory_space<vmem_shared>>
      %dma_wait3A_128 = arith.constant 0 : i32
      %dma_wait3A_129 = arith.constant 0 : i32
      %dma_wait3A_130 = tpu.memref_slice %arg17[%dma_wait3A_128, %dma_wait3A_129] : memref<80x136xf32, #tpu.memory_space<vmem>> -> memref<80x136xf32, #tpu.memory_space<vmem>>
      tpu.wait_dma2 semaphore(%run_scoped3A : memref<!tpu.dma_semaphore, #tpu.memory_space<semaphore_mem>>) src(%dma_wait3A_130 : memref<80x136xf32, #tpu.memory_space<vmem>>) dst(%dma_wait3A_127 : memref<80x136xf32, #tpu.memory_space<vmem_shared>>)
      tpu.yield
    }) : () -> ()
    %add3A_11 = arith.constant 160 : i32
    %add3A_12 = arith.addi %mul3A_7, %add3A_11 : i32
    "tpu.region"() ({
      %run_scoped3A = tpu.sem_alloc : memref<!tpu.dma_semaphore, #tpu.memory_space<semaphore_mem>>
      %dma_start3A_111 = arith.constant 0 : i32
      %dma_start3A_112 = arith.constant 0 : i32
      %dma_start3A_113 = tpu.memref_slice %arg17[%dma_start3A_111, %dma_start3A_112] : memref<80x136xf32, #tpu.memory_space<vmem>> -> memref<80x136xf32, #tpu.memory_space<vmem>>
      %dma_start3A_114 = arith.constant 0 : i32
      %dma_start3A_115 = tpu.memref_slice %arg25[%add3A_12, %dma_start3A_114] : memref<10000x136xf32, #tpu.memory_space<vmem_shared>> -> memref<80x136xf32, #tpu.memory_space<vmem_shared>>
      %dma_start3A_116 = arith.constant 0 : i32
      %dma_start3A_117 = tpu.memref_slice %arg25[%add3A_12, %dma_start3A_116] : memref<10000x136xf32, #tpu.memory_space<vmem_shared>> -> memref<80x136xf32, #tpu.memory_space<vmem_shared>>
      %dma_start3A_118 = arith.constant 0 : i32
      %dma_start3A_119 = arith.constant 0 : i32
      %dma_start3A_120 = tpu.memref_slice %arg17[%dma_start3A_118, %dma_start3A_119] : memref<80x136xf32, #tpu.memory_space<vmem>> -> memref<80x136xf32, #tpu.memory_space<vmem>>
      tpu.enqueue_dma source(%dma_start3A_120 : memref<80x136xf32, #tpu.memory_space<vmem>>) target(%dma_start3A_117 : memref<80x136xf32, #tpu.memory_space<vmem_shared>>) target_semaphore(%run_scoped3A : memref<!tpu.dma_semaphore, #tpu.memory_space<semaphore_mem>>)
      %dma_wait3A_121 = arith.constant 0 : i32
      %dma_wait3A_122 = arith.constant 0 : i32
      %dma_wait3A_123 = tpu.memref_slice %arg17[%dma_wait3A_121, %dma_wait3A_122] : memref<80x136xf32, #tpu.memory_space<vmem>> -> memref<80x136xf32, #tpu.memory_space<vmem>>
      %dma_wait3A_124 = arith.constant 0 : i32
      %dma_wait3A_125 = tpu.memref_slice %arg25[%add3A_12, %dma_wait3A_124] : memref<10000x136xf32, #tpu.memory_space<vmem_shared>> -> memref<80x136xf32, #tpu.memory_space<vmem_shared>>
      %dma_wait3A_126 = arith.constant 0 : i32
      %dma_wait3A_127 = tpu.memref_slice %arg25[%add3A_12, %dma_wait3A_126] : memref<10000x136xf32, #tpu.memory_space<vmem_shared>> -> memref<80x136xf32, #tpu.memory_space<vmem_shared>>
      %dma_wait3A_128 = arith.constant 0 : i32
      %dma_wait3A_129 = arith.constant 0 : i32
      %dma_wait3A_130 = tpu.memref_slice %arg17[%dma_wait3A_128, %dma_wait3A_129] : memref<80x136xf32, #tpu.memory_space<vmem>> -> memref<80x136xf32, #tpu.memory_space<vmem>>
      tpu.wait_dma2 semaphore(%run_scoped3A : memref<!tpu.dma_semaphore, #tpu.memory_space<semaphore_mem>>) src(%dma_wait3A_130 : memref<80x136xf32, #tpu.memory_space<vmem>>) dst(%dma_wait3A_127 : memref<80x136xf32, #tpu.memory_space<vmem_shared>>)
      tpu.yield
    }) : () -> ()
    %add3A_13 = arith.constant 240 : i32
    %add3A_14 = arith.addi %mul3A_7, %add3A_13 : i32
    "tpu.region"() ({
      %run_scoped3A = tpu.sem_alloc : memref<!tpu.dma_semaphore, #tpu.memory_space<semaphore_mem>>
      %dma_start3A_111 = arith.constant 0 : i32
      %dma_start3A_112 = arith.constant 0 : i32
      %dma_start3A_113 = tpu.memref_slice %arg17[%dma_start3A_111, %dma_start3A_112] : memref<80x136xf32, #tpu.memory_space<vmem>> -> memref<80x136xf32, #tpu.memory_space<vmem>>
      %dma_start3A_114 = arith.constant 0 : i32
      %dma_start3A_115 = tpu.memref_slice %arg25[%add3A_14, %dma_start3A_114] : memref<10000x136xf32, #tpu.memory_space<vmem_shared>> -> memref<80x136xf32, #tpu.memory_space<vmem_shared>>
      %dma_start3A_116 = arith.constant 0 : i32
      %dma_start3A_117 = tpu.memref_slice %arg25[%add3A_14, %dma_start3A_116] : memref<10000x136xf32, #tpu.memory_space<vmem_shared>> -> memref<80x136xf32, #tpu.memory_space<vmem_shared>>
      %dma_start3A_118 = arith.constant 0 : i32
      %dma_start3A_119 = arith.constant 0 : i32
      %dma_start3A_120 = tpu.memref_slice %arg17[%dma_start3A_118, %dma_start3A_119] : memref<80x136xf32, #tpu.memory_space<vmem>> -> memref<80x136xf32, #tpu.memory_space<vmem>>
      tpu.enqueue_dma source(%dma_start3A_120 : memref<80x136xf32, #tpu.memory_space<vmem>>) target(%dma_start3A_117 : memref<80x136xf32, #tpu.memory_space<vmem_shared>>) target_semaphore(%run_scoped3A : memref<!tpu.dma_semaphore, #tpu.memory_space<semaphore_mem>>)
      %dma_wait3A_121 = arith.constant 0 : i32
      %dma_wait3A_122 = arith.constant 0 : i32
      %dma_wait3A_123 = tpu.memref_slice %arg17[%dma_wait3A_121, %dma_wait3A_122] : memref<80x136xf32, #tpu.memory_space<vmem>> -> memref<80x136xf32, #tpu.memory_space<vmem>>
      %dma_wait3A_124 = arith.constant 0 : i32
      %dma_wait3A_125 = tpu.memref_slice %arg25[%add3A_14, %dma_wait3A_124] : memref<10000x136xf32, #tpu.memory_space<vmem_shared>> -> memref<80x136xf32, #tpu.memory_space<vmem_shared>>
      %dma_wait3A_126 = arith.constant 0 : i32
      %dma_wait3A_127 = tpu.memref_slice %arg25[%add3A_14, %dma_wait3A_126] : memref<10000x136xf32, #tpu.memory_space<vmem_shared>> -> memref<80x136xf32, #tpu.memory_space<vmem_shared>>
      %dma_wait3A_128 = arith.constant 0 : i32
      %dma_wait3A_129 = arith.constant 0 : i32
      %dma_wait3A_130 = tpu.memref_slice %arg17[%dma_wait3A_128, %dma_wait3A_129] : memref<80x136xf32, #tpu.memory_space<vmem>> -> memref<80x136xf32, #tpu.memory_space<vmem>>
      tpu.wait_dma2 semaphore(%run_scoped3A : memref<!tpu.dma_semaphore, #tpu.memory_space<semaphore_mem>>) src(%dma_wait3A_130 : memref<80x136xf32, #tpu.memory_space<vmem>>) dst(%dma_wait3A_127 : memref<80x136xf32, #tpu.memory_space<vmem_shared>>)
      tpu.yield
    }) : () -> ()
    %add3A_15 = arith.constant 320 : i32
    %add3A_16 = arith.addi %mul3A_7, %add3A_15 : i32
    "tpu.region"() ({
      %run_scoped3A = tpu.sem_alloc : memref<!tpu.dma_semaphore, #tpu.memory_space<semaphore_mem>>
      %dma_start3A_111 = arith.constant 0 : i32
      %dma_start3A_112 = arith.constant 0 : i32
      %dma_start3A_113 = tpu.memref_slice %arg17[%dma_start3A_111, %dma_start3A_112] : memref<80x136xf32, #tpu.memory_space<vmem>> -> memref<80x136xf32, #tpu.memory_space<vmem>>
      %dma_start3A_114 = arith.constant 0 : i32
      %dma_start3A_115 = tpu.memref_slice %arg25[%add3A_16, %dma_start3A_114] : memref<10000x136xf32, #tpu.memory_space<vmem_shared>> -> memref<80x136xf32, #tpu.memory_space<vmem_shared>>
      %dma_start3A_116 = arith.constant 0 : i32
      %dma_start3A_117 = tpu.memref_slice %arg25[%add3A_16, %dma_start3A_116] : memref<10000x136xf32, #tpu.memory_space<vmem_shared>> -> memref<80x136xf32, #tpu.memory_space<vmem_shared>>
      %dma_start3A_118 = arith.constant 0 : i32
      %dma_start3A_119 = arith.constant 0 : i32
      %dma_start3A_120 = tpu.memref_slice %arg17[%dma_start3A_118, %dma_start3A_119] : memref<80x136xf32, #tpu.memory_space<vmem>> -> memref<80x136xf32, #tpu.memory_space<vmem>>
      tpu.enqueue_dma source(%dma_start3A_120 : memref<80x136xf32, #tpu.memory_space<vmem>>) target(%dma_start3A_117 : memref<80x136xf32, #tpu.memory_space<vmem_shared>>) target_semaphore(%run_scoped3A : memref<!tpu.dma_semaphore, #tpu.memory_space<semaphore_mem>>)
      %dma_wait3A_121 = arith.constant 0 : i32
      %dma_wait3A_122 = arith.constant 0 : i32
      %dma_wait3A_123 = tpu.memref_slice %arg17[%dma_wait3A_121, %dma_wait3A_122] : memref<80x136xf32, #tpu.memory_space<vmem>> -> memref<80x136xf32, #tpu.memory_space<vmem>>
      %dma_wait3A_124 = arith.constant 0 : i32
      %dma_wait3A_125 = tpu.memref_slice %arg25[%add3A_16, %dma_wait3A_124] : memref<10000x136xf32, #tpu.memory_space<vmem_shared>> -> memref<80x136xf32, #tpu.memory_space<vmem_shared>>
      %dma_wait3A_126 = arith.constant 0 : i32
      %dma_wait3A_127 = tpu.memref_slice %arg25[%add3A_16, %dma_wait3A_126] : memref<10000x136xf32, #tpu.memory_space<vmem_shared>> -> memref<80x136xf32, #tpu.memory_space<vmem_shared>>
      %dma_wait3A_128 = arith.constant 0 : i32
      %dma_wait3A_129 = arith.constant 0 : i32
      %dma_wait3A_130 = tpu.memref_slice %arg17[%dma_wait3A_128, %dma_wait3A_129] : memref<80x136xf32, #tpu.memory_space<vmem>> -> memref<80x136xf32, #tpu.memory_space<vmem>>
      tpu.wait_dma2 semaphore(%run_scoped3A : memref<!tpu.dma_semaphore, #tpu.memory_space<semaphore_mem>>) src(%dma_wait3A_130 : memref<80x136xf32, #tpu.memory_space<vmem>>) dst(%dma_wait3A_127 : memref<80x136xf32, #tpu.memory_space<vmem_shared>>)
      tpu.yield
    }) : () -> ()
    %add3A_17 = arith.constant 400 : i32
    %add3A_18 = arith.addi %mul3A_7, %add3A_17 : i32
    "tpu.region"() ({
      %run_scoped3A = tpu.sem_alloc : memref<!tpu.dma_semaphore, #tpu.memory_space<semaphore_mem>>
      %dma_start3A_111 = arith.constant 0 : i32
      %dma_start3A_112 = arith.constant 0 : i32
      %dma_start3A_113 = tpu.memref_slice %arg17[%dma_start3A_111, %dma_start3A_112] : memref<80x136xf32, #tpu.memory_space<vmem>> -> memref<80x136xf32, #tpu.memory_space<vmem>>
      %dma_start3A_114 = arith.constant 0 : i32
      %dma_start3A_115 = tpu.memref_slice %arg25[%add3A_18, %dma_start3A_114] : memref<10000x136xf32, #tpu.memory_space<vmem_shared>> -> memref<80x136xf32, #tpu.memory_space<vmem_shared>>
      %dma_start3A_116 = arith.constant 0 : i32
      %dma_start3A_117 = tpu.memref_slice %arg25[%add3A_18, %dma_start3A_116] : memref<10000x136xf32, #tpu.memory_space<vmem_shared>> -> memref<80x136xf32, #tpu.memory_space<vmem_shared>>
      %dma_start3A_118 = arith.constant 0 : i32
      %dma_start3A_119 = arith.constant 0 : i32
      %dma_start3A_120 = tpu.memref_slice %arg17[%dma_start3A_118, %dma_start3A_119] : memref<80x136xf32, #tpu.memory_space<vmem>> -> memref<80x136xf32, #tpu.memory_space<vmem>>
      tpu.enqueue_dma source(%dma_start3A_120 : memref<80x136xf32, #tpu.memory_space<vmem>>) target(%dma_start3A_117 : memref<80x136xf32, #tpu.memory_space<vmem_shared>>) target_semaphore(%run_scoped3A : memref<!tpu.dma_semaphore, #tpu.memory_space<semaphore_mem>>)
      %dma_wait3A_121 = arith.constant 0 : i32
      %dma_wait3A_122 = arith.constant 0 : i32
      %dma_wait3A_123 = tpu.memref_slice %arg17[%dma_wait3A_121, %dma_wait3A_122] : memref<80x136xf32, #tpu.memory_space<vmem>> -> memref<80x136xf32, #tpu.memory_space<vmem>>
      %dma_wait3A_124 = arith.constant 0 : i32
      %dma_wait3A_125 = tpu.memref_slice %arg25[%add3A_18, %dma_wait3A_124] : memref<10000x136xf32, #tpu.memory_space<vmem_shared>> -> memref<80x136xf32, #tpu.memory_space<vmem_shared>>
      %dma_wait3A_126 = arith.constant 0 : i32
      %dma_wait3A_127 = tpu.memref_slice %arg25[%add3A_18, %dma_wait3A_126] : memref<10000x136xf32, #tpu.memory_space<vmem_shared>> -> memref<80x136xf32, #tpu.memory_space<vmem_shared>>
      %dma_wait3A_128 = arith.constant 0 : i32
      %dma_wait3A_129 = arith.constant 0 : i32
      %dma_wait3A_130 = tpu.memref_slice %arg17[%dma_wait3A_128, %dma_wait3A_129] : memref<80x136xf32, #tpu.memory_space<vmem>> -> memref<80x136xf32, #tpu.memory_space<vmem>>
      tpu.wait_dma2 semaphore(%run_scoped3A : memref<!tpu.dma_semaphore, #tpu.memory_space<semaphore_mem>>) src(%dma_wait3A_130 : memref<80x136xf32, #tpu.memory_space<vmem>>) dst(%dma_wait3A_127 : memref<80x136xf32, #tpu.memory_space<vmem_shared>>)
      tpu.yield
    }) : () -> ()
    %add3A_19 = arith.constant 480 : i32
    %add3A_20 = arith.addi %mul3A_7, %add3A_19 : i32
    "tpu.region"() ({
      %run_scoped3A = tpu.sem_alloc : memref<!tpu.dma_semaphore, #tpu.memory_space<semaphore_mem>>
      %dma_start3A_111 = arith.constant 0 : i32
      %dma_start3A_112 = arith.constant 0 : i32
      %dma_start3A_113 = tpu.memref_slice %arg17[%dma_start3A_111, %dma_start3A_112] : memref<80x136xf32, #tpu.memory_space<vmem>> -> memref<80x136xf32, #tpu.memory_space<vmem>>
      %dma_start3A_114 = arith.constant 0 : i32
      %dma_start3A_115 = tpu.memref_slice %arg25[%add3A_20, %dma_start3A_114] : memref<10000x136xf32, #tpu.memory_space<vmem_shared>> -> memref<80x136xf32, #tpu.memory_space<vmem_shared>>
      %dma_start3A_116 = arith.constant 0 : i32
      %dma_start3A_117 = tpu.memref_slice %arg25[%add3A_20, %dma_start3A_116] : memref<10000x136xf32, #tpu.memory_space<vmem_shared>> -> memref<80x136xf32, #tpu.memory_space<vmem_shared>>
      %dma_start3A_118 = arith.constant 0 : i32
      %dma_start3A_119 = arith.constant 0 : i32
      %dma_start3A_120 = tpu.memref_slice %arg17[%dma_start3A_118, %dma_start3A_119] : memref<80x136xf32, #tpu.memory_space<vmem>> -> memref<80x136xf32, #tpu.memory_space<vmem>>
      tpu.enqueue_dma source(%dma_start3A_120 : memref<80x136xf32, #tpu.memory_space<vmem>>) target(%dma_start3A_117 : memref<80x136xf32, #tpu.memory_space<vmem_shared>>) target_semaphore(%run_scoped3A : memref<!tpu.dma_semaphore, #tpu.memory_space<semaphore_mem>>)
      %dma_wait3A_121 = arith.constant 0 : i32
      %dma_wait3A_122 = arith.constant 0 : i32
      %dma_wait3A_123 = tpu.memref_slice %arg17[%dma_wait3A_121, %dma_wait3A_122] : memref<80x136xf32, #tpu.memory_space<vmem>> -> memref<80x136xf32, #tpu.memory_space<vmem>>
      %dma_wait3A_124 = arith.constant 0 : i32
      %dma_wait3A_125 = tpu.memref_slice %arg25[%add3A_20, %dma_wait3A_124] : memref<10000x136xf32, #tpu.memory_space<vmem_shared>> -> memref<80x136xf32, #tpu.memory_space<vmem_shared>>
      %dma_wait3A_126 = arith.constant 0 : i32
      %dma_wait3A_127 = tpu.memref_slice %arg25[%add3A_20, %dma_wait3A_126] : memref<10000x136xf32, #tpu.memory_space<vmem_shared>> -> memref<80x136xf32, #tpu.memory_space<vmem_shared>>
      %dma_wait3A_128 = arith.constant 0 : i32
      %dma_wait3A_129 = arith.constant 0 : i32
      %dma_wait3A_130 = tpu.memref_slice %arg17[%dma_wait3A_128, %dma_wait3A_129] : memref<80x136xf32, #tpu.memory_space<vmem>> -> memref<80x136xf32, #tpu.memory_space<vmem>>
      tpu.wait_dma2 semaphore(%run_scoped3A : memref<!tpu.dma_semaphore, #tpu.memory_space<semaphore_mem>>) src(%dma_wait3A_130 : memref<80x136xf32, #tpu.memory_space<vmem>>) dst(%dma_wait3A_127 : memref<80x136xf32, #tpu.memory_space<vmem_shared>>)
      tpu.yield
    }) : () -> ()
    %add3A_21 = arith.constant 560 : i32
    %add3A_22 = arith.addi %mul3A_7, %add3A_21 : i32
    "tpu.region"() ({
      %run_scoped3A = tpu.sem_alloc : memref<!tpu.dma_semaphore, #tpu.memory_space<semaphore_mem>>
      %dma_start3A_111 = arith.constant 0 : i32
      %dma_start3A_112 = arith.constant 0 : i32
      %dma_start3A_113 = tpu.memref_slice %arg17[%dma_start3A_111, %dma_start3A_112] : memref<80x136xf32, #tpu.memory_space<vmem>> -> memref<65x136xf32, #tpu.memory_space<vmem>>
      %dma_start3A_114 = arith.constant 0 : i32
      %dma_start3A_115 = tpu.memref_slice %arg25[%add3A_22, %dma_start3A_114] : memref<10000x136xf32, #tpu.memory_space<vmem_shared>> -> memref<65x136xf32, #tpu.memory_space<vmem_shared>>
      %dma_start3A_116 = arith.constant 0 : i32
      %dma_start3A_117 = tpu.memref_slice %arg25[%add3A_22, %dma_start3A_116] : memref<10000x136xf32, #tpu.memory_space<vmem_shared>> -> memref<65x136xf32, #tpu.memory_space<vmem_shared>>
      %dma_start3A_118 = arith.constant 0 : i32
      %dma_start3A_119 = arith.constant 0 : i32
      %dma_start3A_120 = tpu.memref_slice %arg17[%dma_start3A_118, %dma_start3A_119] : memref<80x136xf32, #tpu.memory_space<vmem>> -> memref<65x136xf32, #tpu.memory_space<vmem>>
      tpu.enqueue_dma source(%dma_start3A_120 : memref<65x136xf32, #tpu.memory_space<vmem>>) target(%dma_start3A_117 : memref<65x136xf32, #tpu.memory_space<vmem_shared>>) target_semaphore(%run_scoped3A : memref<!tpu.dma_semaphore, #tpu.memory_space<semaphore_mem>>)
      %dma_wait3A_121 = arith.constant 0 : i32
      %dma_wait3A_122 = arith.constant 0 : i32
      %dma_wait3A_123 = tpu.memref_slice %arg17[%dma_wait3A_121, %dma_wait3A_122] : memref<80x136xf32, #tpu.memory_space<vmem>> -> memref<65x136xf32, #tpu.memory_space<vmem>>
      %dma_wait3A_124 = arith.constant 0 : i32
      %dma_wait3A_125 = tpu.memref_slice %arg25[%add3A_22, %dma_wait3A_124] : memref<10000x136xf32, #tpu.memory_space<vmem_shared>> -> memref<65x136xf32, #tpu.memory_space<vmem_shared>>
      %dma_wait3A_126 = arith.constant 0 : i32
      %dma_wait3A_127 = tpu.memref_slice %arg25[%add3A_22, %dma_wait3A_126] : memref<10000x136xf32, #tpu.memory_space<vmem_shared>> -> memref<65x136xf32, #tpu.memory_space<vmem_shared>>
      %dma_wait3A_128 = arith.constant 0 : i32
      %dma_wait3A_129 = arith.constant 0 : i32
      %dma_wait3A_130 = tpu.memref_slice %arg17[%dma_wait3A_128, %dma_wait3A_129] : memref<80x136xf32, #tpu.memory_space<vmem>> -> memref<65x136xf32, #tpu.memory_space<vmem>>
      tpu.wait_dma2 semaphore(%run_scoped3A : memref<!tpu.dma_semaphore, #tpu.memory_space<semaphore_mem>>) src(%dma_wait3A_130 : memref<65x136xf32, #tpu.memory_space<vmem>>) dst(%dma_wait3A_127 : memref<65x136xf32, #tpu.memory_space<vmem_shared>>)
      tpu.yield
    }) : () -> ()
    %barrier3A = arith.constant 0 : index
    tpu.barrier barrier_id(%barrier3A)
    %add3A_23 = arith.constant 0 : i32
    %add3A_24 = arith.addi %arg1, %add3A_23 : i32
    %mul3A_25 = arith.constant 80 : i32
    %mul3A_26 = arith.muli %add3A_24, %mul3A_25 : i32
    %dma_start3A = tpu.memref_slice %arg3[%mul3A_26] : memref<160000xi32, #tpu.memory_space<hbm>> -> memref<80xi32, #tpu.memory_space<hbm>>
    %dma_start3A_27 = tpu.memref_slice %arg3[%mul3A_26] : memref<160000xi32, #tpu.memory_space<hbm>> -> memref<80xi32, #tpu.memory_space<hbm>>
    tpu.enqueue_dma source(%dma_start3A_27 : memref<80xi32, #tpu.memory_space<hbm>>) target(%arg7 : memref<80xi32, #tpu.memory_space<vmem>>) target_semaphore(%arg19 : memref<!tpu.dma_semaphore, #tpu.memory_space<semaphore_mem>>)
    %dma_start3A_28 = tpu.memref_slice %arg4[%mul3A_26] : memref<160000xi32, #tpu.memory_space<hbm>> -> memref<80xi32, #tpu.memory_space<hbm>>
    %dma_start3A_29 = tpu.memref_slice %arg4[%mul3A_26] : memref<160000xi32, #tpu.memory_space<hbm>> -> memref<80xi32, #tpu.memory_space<hbm>>
    tpu.enqueue_dma source(%dma_start3A_29 : memref<80xi32, #tpu.memory_space<hbm>>) target(%arg9 : memref<80xi32, #tpu.memory_space<vmem>>) target_semaphore(%arg19 : memref<!tpu.dma_semaphore, #tpu.memory_space<semaphore_mem>>)
    %add3A_30 = arith.constant 0 : i32
    %add3A_31 = arith.addi %arg1, %add3A_30 : i32
    %mul3A_32 = arith.constant 80 : i32
    %mul3A_33 = arith.muli %add3A_31, %mul3A_32 : i32
    %dma_wait3A = tpu.memref_slice %arg3[%mul3A_33] : memref<160000xi32, #tpu.memory_space<hbm>> -> memref<80xi32, #tpu.memory_space<hbm>>
    %dma_wait3A_34 = tpu.memref_slice %arg3[%mul3A_33] : memref<160000xi32, #tpu.memory_space<hbm>> -> memref<80xi32, #tpu.memory_space<hbm>>
    tpu.wait_dma2 semaphore(%arg19 : memref<!tpu.dma_semaphore, #tpu.memory_space<semaphore_mem>>) src(%dma_wait3A_34 : memref<80xi32, #tpu.memory_space<hbm>>) dst(%arg7 : memref<80xi32, #tpu.memory_space<vmem>>)
    %dma_wait3A_35 = tpu.memref_slice %arg4[%mul3A_33] : memref<160000xi32, #tpu.memory_space<hbm>> -> memref<80xi32, #tpu.memory_space<hbm>>
    %dma_wait3A_36 = tpu.memref_slice %arg4[%mul3A_33] : memref<160000xi32, #tpu.memory_space<hbm>> -> memref<80xi32, #tpu.memory_space<hbm>>
    tpu.wait_dma2 semaphore(%arg19 : memref<!tpu.dma_semaphore, #tpu.memory_space<semaphore_mem>>) src(%dma_wait3A_36 : memref<80xi32, #tpu.memory_space<hbm>>) dst(%arg9 : memref<80xi32, #tpu.memory_space<vmem>>)
    %add3A_37 = arith.constant 0 : i32
    %add3A_38 = arith.addi %arg1, %add3A_37 : i32
    %mul3A_39 = arith.constant 80 : i32
    %mul3A_40 = arith.muli %add3A_38, %mul3A_39 : i32
    %scan3A_41 = arith.constant 0 : i32
    %scan3A_42 = arith.constant 0 : i32
    %scan3A_43 = arith.constant 5 : i32
    %scan3A_44 = arith.addi %scan3A_42, %scan3A_43 : i32
    %scan3A_45 = arith.constant 1 : i32
    scf.for %scan3A_111 = %scan3A_42 to %scan3A_44 step %scan3A_45  : i32 {
      %mul3A_112 = arith.constant 16 : i32
      %mul3A_113 = arith.muli %scan3A_111, %mul3A_112 : i32
      %get3A = arith.index_cast %mul3A_113 : i32 to index
      %get3A_114 = tpu.vector_load %arg9[%get3A] {strides = array<i32>} : memref<80xi32, #tpu.memory_space<vmem>>, vector<16xi32>,
      %mul3A_115 = arith.constant 10000 : i32
      %mul3A_116 = arith.muli %arg0, %mul3A_115 : i32
      %add3A_117 = vector.broadcast %mul3A_116 : i32 to vector<16xi32>
      %add3A_118 = arith.addi %get3A_114, %add3A_117 : vector<16xi32>
      %mul3A_119 = arith.constant 16 : i32
      %mul3A_120 = arith.muli %scan3A_111, %mul3A_119 : i32
      %swap3A = arith.index_cast %mul3A_120 : i32 to index
      %swap3A_121 = tpu.vector_load %arg9[%swap3A] {strides = array<i32>} : memref<80xi32, #tpu.memory_space<vmem>>, vector<16xi32>,
      tpu.vector_store %arg9[%swap3A], %add3A_118 {strides = array<i32>} : memref<80xi32, #tpu.memory_space<vmem>>, vector<16xi32>,
    }
    %scan3A_46 = arith.constant 5 : i32
    %dma_start3A_47 = arith.constant 0 : i32
    %dma_start3A_48 = arith.constant 0 : i32
    %dma_start3A_49 = tpu.memref_slice %arg5[%dma_start3A_47, %dma_start3A_48] : memref<20000x128xf32, #tpu.memory_space<hbm>> -> memref<20000x128xf32, #tpu.memory_space<hbm>>
    tpu.enqueue_indirect_dma source(%dma_start3A_49 : memref<20000x128xf32, #tpu.memory_space<hbm>>) target(%arg13 : memref<80x128xf32, #tpu.memory_space<vmem>>) offsets(%arg9 : memref<80xi32, #tpu.memory_space<vmem>>) semaphore(%arg21 : memref<!tpu.dma_semaphore, #tpu.memory_space<semaphore_mem>>)
    %mul3A_50 = arith.constant 8 : i32
    %mul3A_51 = arith.muli %mul3A_40, %mul3A_50 : i32
    %dma_start3A_52 = arith.constant 0 : i32
    %dma_start3A_53 = tpu.memref_slice %arg15[%dma_start3A_52] : memref<656xf32, #tpu.memory_space<vmem>> -> memref<640xf32, #tpu.memory_space<vmem>>
    %dma_start3A_54 = tpu.memref_slice %arg2[%mul3A_51] : memref<1280000xf32, #tpu.memory_space<hbm>> -> memref<640xf32, #tpu.memory_space<hbm>>
    %dma_start3A_55 = arith.constant 0 : i32
    %dma_start3A_56 = tpu.memref_slice %arg15[%dma_start3A_55] : memref<656xf32, #tpu.memory_space<vmem>> -> memref<640xf32, #tpu.memory_space<vmem>>
    %dma_start3A_57 = tpu.memref_slice %arg2[%mul3A_51] : memref<1280000xf32, #tpu.memory_space<hbm>> -> memref<640xf32, #tpu.memory_space<hbm>>
    tpu.enqueue_dma source(%dma_start3A_57 : memref<640xf32, #tpu.memory_space<hbm>>) target(%dma_start3A_56 : memref<640xf32, #tpu.memory_space<vmem>>) target_semaphore(%arg21 : memref<!tpu.dma_semaphore, #tpu.memory_space<semaphore_mem>>)
    %add3A_58 = arith.constant 16 : i32
    %add3A_59 = arith.addi %arg1, %add3A_58 : i32
    %mul3A_60 = arith.constant 80 : i32
    %mul3A_61 = arith.muli %add3A_59, %mul3A_60 : i32
    %dma_start3A_62 = tpu.memref_slice %arg3[%mul3A_61] : memref<160000xi32, #tpu.memory_space<hbm>> -> memref<80xi32, #tpu.memory_space<hbm>>
    %dma_start3A_63 = tpu.memref_slice %arg3[%mul3A_61] : memref<160000xi32, #tpu.memory_space<hbm>> -> memref<80xi32, #tpu.memory_space<hbm>>
    tpu.enqueue_dma source(%dma_start3A_63 : memref<80xi32, #tpu.memory_space<hbm>>) target(%arg8 : memref<80xi32, #tpu.memory_space<vmem>>) target_semaphore(%arg20 : memref<!tpu.dma_semaphore, #tpu.memory_space<semaphore_mem>>)
    %dma_start3A_64 = tpu.memref_slice %arg4[%mul3A_61] : memref<160000xi32, #tpu.memory_space<hbm>> -> memref<80xi32, #tpu.memory_space<hbm>>
    %dma_start3A_65 = tpu.memref_slice %arg4[%mul3A_61] : memref<160000xi32, #tpu.memory_space<hbm>> -> memref<80xi32, #tpu.memory_space<hbm>>
    tpu.enqueue_dma source(%dma_start3A_65 : memref<80xi32, #tpu.memory_space<hbm>>) target(%arg10 : memref<80xi32, #tpu.memory_space<vmem>>) target_semaphore(%arg20 : memref<!tpu.dma_semaphore, #tpu.memory_space<semaphore_mem>>)
    %scan3A_66 = arith.constant 0 : i32
    %scan3A_67 = arith.constant 0 : i32
    %scan3A_68 = arith.constant 63 : i32
    %scan3A_69 = arith.addi %scan3A_67, %scan3A_68 : i32
    %scan3A_70 = arith.constant 1 : i32
    scf.for %scan3A_111 = %scan3A_67 to %scan3A_69 step %scan3A_70  : i32 {
      %mul3A_112 = arith.constant 2 : i32
      %mul3A_113 = arith.muli %mul3A_112, %scan3A_111 : i32
      %add3A_114 = arith.constant 0 : i32
      %add3A_115 = arith.addi %mul3A_113, %add3A_114 : i32
      %lt3A_116 = arith.cmpi slt, %add3A_115, %select_n3A : i32
      %convert_element_type3A = arith.extui %lt3A_116 : i1 to i32
      %cond3A = arith.constant 0 : i32
      %cond3A_117 = arith.cmpi ne, %convert_element_type3A, %cond3A : i32
      scf.if %cond3A_117 {
        %mul3A_126 = arith.constant 16 : i32
        %mul3A_127 = arith.muli %mul3A_126, %add3A_115 : i32
        %add3A_128 = arith.addi %arg1, %mul3A_127 : i32
        %mul3A_129 = arith.constant 80 : i32
        %mul3A_130 = arith.muli %add3A_128, %mul3A_129 : i32
        %dma_wait3A_131 = arith.constant 0 : i32
        %dma_wait3A_132 = arith.constant 0 : i32
        %dma_wait3A_133 = tpu.memref_slice %arg5[%dma_wait3A_131, %dma_wait3A_132] : memref<20000x128xf32, #tpu.memory_space<hbm>> -> memref<20000x128xf32, #tpu.memory_space<hbm>>
        tpu.wait_indirect_dma semaphore(%arg21 : memref<!tpu.dma_semaphore, #tpu.memory_space<semaphore_mem>>) src(%dma_wait3A_133 : memref<20000x128xf32, #tpu.memory_space<hbm>>) dst(%arg13 : memref<80x128xf32, #tpu.memory_space<vmem>>)
        %mul3A_134 = arith.constant 8 : i32
        %mul3A_135 = arith.muli %mul3A_130, %mul3A_134 : i32
        %dma_wait3A_136 = arith.constant 0 : i32
        %dma_wait3A_137 = tpu.memref_slice %arg15[%dma_wait3A_136] : memref<656xf32, #tpu.memory_space<vmem>> -> memref<640xf32, #tpu.memory_space<vmem>>
        %dma_wait3A_138 = tpu.memref_slice %arg2[%mul3A_135] : memref<1280000xf32, #tpu.memory_space<hbm>> -> memref<640xf32, #tpu.memory_space<hbm>>
        %dma_wait3A_139 = arith.constant 0 : i32
        %dma_wait3A_140 = tpu.memref_slice %arg15[%dma_wait3A_139] : memref<656xf32, #tpu.memory_space<vmem>> -> memref<640xf32, #tpu.memory_space<vmem>>
        %dma_wait3A_141 = tpu.memref_slice %arg2[%mul3A_135] : memref<1280000xf32, #tpu.memory_space<hbm>> -> memref<640xf32, #tpu.memory_space<hbm>>
        tpu.wait_dma2 semaphore(%arg21 : memref<!tpu.dma_semaphore, #tpu.memory_space<semaphore_mem>>) src(%dma_wait3A_141 : memref<640xf32, #tpu.memory_space<hbm>>) dst(%dma_wait3A_140 : memref<640xf32, #tpu.memory_space<vmem>>)
        %ge3A = arith.constant 2 : i32
        %ge3A_142 = arith.cmpi sge, %add3A_115, %ge3A : i32
        %convert_element_type3A_143 = arith.extui %ge3A_142 : i1 to i32
        %cond3A_144 = arith.constant 0 : i32
        %cond3A_145 = arith.cmpi ne, %convert_element_type3A_143, %cond3A_144 : i32
        scf.if %cond3A_145 {
          %dma_wait3A_179 = arith.constant 0 : i32
          %dma_wait3A_180 = arith.constant 0 : i32
          %dma_wait3A_181 = tpu.memref_slice %arg25[%dma_wait3A_179, %dma_wait3A_180] : memref<10000x136xf32, #tpu.memory_space<vmem_shared>> -> memref<10000x136xf32, #tpu.memory_space<vmem_shared>>
          tpu.wait_indirect_dma semaphore(%arg23 : memref<!tpu.dma_semaphore, #tpu.memory_space<semaphore_mem>>) src(%arg17 : memref<80x136xf32, #tpu.memory_space<vmem>>) dst(%dma_wait3A_181 : memref<10000x136xf32, #tpu.memory_space<vmem_shared>>)
        } else {
        }
        %scan3A_146 = arith.constant 0 : i32
        %scan3A_147 = arith.constant 0 : i32
        %scan3A_148 = arith.constant 5 : i32
        %scan3A_149 = arith.addi %scan3A_147, %scan3A_148 : i32
        %scan3A_150 = arith.constant 1 : i32
        scf.for %scan3A_179 = %scan3A_147 to %scan3A_149 step %scan3A_150  : i32 {
          %mul3A_180 = arith.constant 16 : i32
          %mul3A_181 = arith.muli %scan3A_179, %mul3A_180 : i32
          %get3A = arith.index_cast %mul3A_181 : i32 to index
          %get3A_182 = tpu.vector_load %arg7[%get3A] {strides = array<i32>} : memref<80xi32, #tpu.memory_space<vmem>>, vector<16xi32>,
          %mul3A_183 = arith.constant 16 : i32
          %mul3A_184 = arith.muli %scan3A_179, %mul3A_183 : i32
          %swap3A = arith.index_cast %mul3A_184 : i32 to index
          %swap3A_185 = tpu.vector_load %arg11[%swap3A] {strides = array<i32>} : memref<80xi32, #tpu.memory_space<vmem>>, vector<16xi32>,
          tpu.vector_store %arg11[%swap3A], %get3A_182 {strides = array<i32>} : memref<80xi32, #tpu.memory_space<vmem>>, vector<16xi32>,
        }
        %scan3A_151 = arith.constant 5 : i32
        %add3A_152 = arith.constant 1 : i32
        %add3A_153 = arith.addi %add3A_115, %add3A_152 : i32
        %lt3A_154 = arith.cmpi slt, %add3A_153, %select_n3A : i32
        %convert_element_type3A_155 = arith.extui %lt3A_154 : i1 to i32
        %cond3A_156 = arith.constant 0 : i32
        %cond3A_157 = arith.cmpi ne, %convert_element_type3A_155, %cond3A_156 : i32
        scf.if %cond3A_157 {
          %add3A_179 = arith.constant 1 : i32
          %add3A_180 = arith.addi %add3A_115, %add3A_179 : i32
          %mul3A_181 = arith.constant 16 : i32
          %mul3A_182 = arith.muli %mul3A_181, %add3A_180 : i32
          %add3A_183 = arith.addi %arg1, %mul3A_182 : i32
          %mul3A_184 = arith.constant 80 : i32
          %mul3A_185 = arith.muli %add3A_183, %mul3A_184 : i32
          %dma_wait3A_186 = tpu.memref_slice %arg3[%mul3A_185] : memref<160000xi32, #tpu.memory_space<hbm>> -> memref<80xi32, #tpu.memory_space<hbm>>
          %dma_wait3A_187 = tpu.memref_slice %arg3[%mul3A_185] : memref<160000xi32, #tpu.memory_space<hbm>> -> memref<80xi32, #tpu.memory_space<hbm>>
          tpu.wait_dma2 semaphore(%arg20 : memref<!tpu.dma_semaphore, #tpu.memory_space<semaphore_mem>>) src(%dma_wait3A_187 : memref<80xi32, #tpu.memory_space<hbm>>) dst(%arg8 : memref<80xi32, #tpu.memory_space<vmem>>)
          %dma_wait3A_188 = tpu.memref_slice %arg4[%mul3A_185] : memref<160000xi32, #tpu.memory_space<hbm>> -> memref<80xi32, #tpu.memory_space<hbm>>
          %dma_wait3A_189 = tpu.memref_slice %arg4[%mul3A_185] : memref<160000xi32, #tpu.memory_space<hbm>> -> memref<80xi32, #tpu.memory_space<hbm>>
          tpu.wait_dma2 semaphore(%arg20 : memref<!tpu.dma_semaphore, #tpu.memory_space<semaphore_mem>>) src(%dma_wait3A_189 : memref<80xi32, #tpu.memory_space<hbm>>) dst(%arg10 : memref<80xi32, #tpu.memory_space<vmem>>)
          %add3A_190 = arith.constant 1 : i32
          %add3A_191 = arith.addi %add3A_115, %add3A_190 : i32
          %mul3A_192 = arith.constant 16 : i32
          %mul3A_193 = arith.muli %mul3A_192, %add3A_191 : i32
          %add3A_194 = arith.addi %arg1, %mul3A_193 : i32
          %mul3A_195 = arith.constant 80 : i32
          %mul3A_196 = arith.muli %add3A_194, %mul3A_195 : i32
          %scan3A_197 = arith.constant 0 : i32
          %scan3A_198 = arith.constant 0 : i32
          %scan3A_199 = arith.constant 5 : i32
          %scan3A_200 = arith.addi %scan3A_198, %scan3A_199 : i32
          %scan3A_201 = arith.constant 1 : i32
          scf.for %scan3A_214 = %scan3A_198 to %scan3A_200 step %scan3A_201  : i32 {
            %mul3A_215 = arith.constant 16 : i32
            %mul3A_216 = arith.muli %scan3A_214, %mul3A_215 : i32
            %get3A = arith.index_cast %mul3A_216 : i32 to index
            %get3A_217 = tpu.vector_load %arg10[%get3A] {strides = array<i32>} : memref<80xi32, #tpu.memory_space<vmem>>, vector<16xi32>,
            %mul3A_218 = arith.constant 10000 : i32
            %mul3A_219 = arith.muli %arg0, %mul3A_218 : i32
            %add3A_220 = vector.broadcast %mul3A_219 : i32 to vector<16xi32>
            %add3A_221 = arith.addi %get3A_217, %add3A_220 : vector<16xi32>
            %mul3A_222 = arith.constant 16 : i32
            %mul3A_223 = arith.muli %scan3A_214, %mul3A_222 : i32
            %swap3A = arith.index_cast %mul3A_223 : i32 to index
            %swap3A_224 = tpu.vector_load %arg10[%swap3A] {strides = array<i32>} : memref<80xi32, #tpu.memory_space<vmem>>, vector<16xi32>,
            tpu.vector_store %arg10[%swap3A], %add3A_221 {strides = array<i32>} : memref<80xi32, #tpu.memory_space<vmem>>, vector<16xi32>,
          }
          %scan3A_202 = arith.constant 5 : i32
          %dma_start3A_203 = arith.constant 0 : i32
          %dma_start3A_204 = arith.constant 0 : i32
          %dma_start3A_205 = tpu.memref_slice %arg5[%dma_start3A_203, %dma_start3A_204] : memref<20000x128xf32, #tpu.memory_space<hbm>> -> memref<20000x128xf32, #tpu.memory_space<hbm>>
          tpu.enqueue_indirect_dma source(%dma_start3A_205 : memref<20000x128xf32, #tpu.memory_space<hbm>>) target(%arg14 : memref<80x128xf32, #tpu.memory_space<vmem>>) offsets(%arg10 : memref<80xi32, #tpu.memory_space<vmem>>) semaphore(%arg22 : memref<!tpu.dma_semaphore, #tpu.memory_space<semaphore_mem>>)
          %mul3A_206 = arith.constant 8 : i32
          %mul3A_207 = arith.muli %mul3A_196, %mul3A_206 : i32
          %dma_start3A_208 = arith.constant 0 : i32
          %dma_start3A_209 = tpu.memref_slice %arg16[%dma_start3A_208] : memref<656xf32, #tpu.memory_space<vmem>> -> memref<640xf32, #tpu.memory_space<vmem>>
          %dma_start3A_210 = tpu.memref_slice %arg2[%mul3A_207] : memref<1280000xf32, #tpu.memory_space<hbm>> -> memref<640xf32, #tpu.memory_space<hbm>>
          %dma_start3A_211 = arith.constant 0 : i32
          %dma_start3A_212 = tpu.memref_slice %arg16[%dma_start3A_211] : memref<656xf32, #tpu.memory_space<vmem>> -> memref<640xf32, #tpu.memory_space<vmem>>
          %dma_start3A_213 = tpu.memref_slice %arg2[%mul3A_207] : memref<1280000xf32, #tpu.memory_space<hbm>> -> memref<640xf32, #tpu.memory_space<hbm>>
          tpu.enqueue_dma source(%dma_start3A_213 : memref<640xf32, #tpu.memory_space<hbm>>) target(%dma_start3A_212 : memref<640xf32, #tpu.memory_space<vmem>>) target_semaphore(%arg22 : memref<!tpu.dma_semaphore, #tpu.memory_space<semaphore_mem>>)
        } else {
        }
        %add3A_158 = arith.constant 2 : i32
        %add3A_159 = arith.addi %add3A_115, %add3A_158 : i32
        %lt3A_160 = arith.cmpi slt, %add3A_159, %select_n3A : i32
        %convert_element_type3A_161 = arith.extui %lt3A_160 : i1 to i32
        %cond3A_162 = arith.constant 0 : i32
        %cond3A_163 = arith.cmpi ne, %convert_element_type3A_161, %cond3A_162 : i32
        scf.if %cond3A_163 {
          %add3A_179 = arith.constant 2 : i32
          %add3A_180 = arith.addi %add3A_115, %add3A_179 : i32
          %mul3A_181 = arith.constant 16 : i32
          %mul3A_182 = arith.muli %mul3A_181, %add3A_180 : i32
          %add3A_183 = arith.addi %arg1, %mul3A_182 : i32
          %mul3A_184 = arith.constant 80 : i32
          %mul3A_185 = arith.muli %add3A_183, %mul3A_184 : i32
          %dma_start3A_186 = tpu.memref_slice %arg3[%mul3A_185] : memref<160000xi32, #tpu.memory_space<hbm>> -> memref<80xi32, #tpu.memory_space<hbm>>
          %dma_start3A_187 = tpu.memref_slice %arg3[%mul3A_185] : memref<160000xi32, #tpu.memory_space<hbm>> -> memref<80xi32, #tpu.memory_space<hbm>>
          tpu.enqueue_dma source(%dma_start3A_187 : memref<80xi32, #tpu.memory_space<hbm>>) target(%arg7 : memref<80xi32, #tpu.memory_space<vmem>>) target_semaphore(%arg19 : memref<!tpu.dma_semaphore, #tpu.memory_space<semaphore_mem>>)
          %dma_start3A_188 = tpu.memref_slice %arg4[%mul3A_185] : memref<160000xi32, #tpu.memory_space<hbm>> -> memref<80xi32, #tpu.memory_space<hbm>>
          %dma_start3A_189 = tpu.memref_slice %arg4[%mul3A_185] : memref<160000xi32, #tpu.memory_space<hbm>> -> memref<80xi32, #tpu.memory_space<hbm>>
          tpu.enqueue_dma source(%dma_start3A_189 : memref<80xi32, #tpu.memory_space<hbm>>) target(%arg9 : memref<80xi32, #tpu.memory_space<vmem>>) target_semaphore(%arg19 : memref<!tpu.dma_semaphore, #tpu.memory_space<semaphore_mem>>)
        } else {
        }
        %parallel_loop3A = arith.constant 0 : i32
        %parallel_loop3A_164 = arith.constant 40 : i32
        %parallel_loop3A_165 = arith.constant 1 : i32
        scf.for %parallel_loop3A_179 = %parallel_loop3A to %parallel_loop3A_164 step %parallel_loop3A_165  : i32 {
          %parallel_loop3A_180 = arith.constant 16 : i32
          %parallel_loop3A_181 = arith.muli %parallel_loop3A_179, %parallel_loop3A_180 : i32
          %parallel_loop3A_182 = arith.index_cast %parallel_loop3A_181 : i32 to index
          %parallel_loop3A_183 = tpu.vector_load %arg15[%parallel_loop3A_182] {strides = array<i32>} : memref<656xf32, #tpu.memory_space<vmem>>, vector<16xf32>,
          %parallel_loop3A_184 = arith.constant 0.176776692 : f32
          %parallel_loop3A_185 = vector.broadcast %parallel_loop3A_184 : f32 to vector<16xf32>
          %parallel_loop3A_186 = arith.mulf %parallel_loop3A_183, %parallel_loop3A_185 : vector<16xf32>
          %parallel_loop3A_187 = math.exp %parallel_loop3A_186 : vector<16xf32>
          %parallel_loop3A_188 = arith.constant 16 : i32
          %parallel_loop3A_189 = arith.muli %parallel_loop3A_179, %parallel_loop3A_188 : i32
          %parallel_loop3A_190 = arith.index_cast %parallel_loop3A_189 : i32 to index
          %parallel_loop3A_191 = tpu.vector_load %arg15[%parallel_loop3A_190] {strides = array<i32>} : memref<656xf32, #tpu.memory_space<vmem>>, vector<16xf32>,
          tpu.vector_store %arg15[%parallel_loop3A_190], %parallel_loop3A_187 {strides = array<i32>} : memref<656xf32, #tpu.memory_space<vmem>>, vector<16xf32>,
        } {sc.loop_unroll_factor = 4 : i64, sc.parallel_access}
        %broadcast_in_dim3A = arith.constant 0 : i32
        %broadcast_in_dim3A_166 = vector.broadcast %broadcast_in_dim3A : i32 to vector<16xi32>
        %broadcast_in_dim3A_167 = arith.constant 1 : i32
        %broadcast_in_dim3A_168 = vector.broadcast %broadcast_in_dim3A_167 : i32 to vector<16xi32>
        %broadcast_in_dim3A_169 = arith.constant 2 : i32
        %broadcast_in_dim3A_170 = vector.broadcast %broadcast_in_dim3A_169 : i32 to vector<16xi32>
        %broadcast_in_dim3A_171 = arith.constant 3 : i32
        %broadcast_in_dim3A_172 = vector.broadcast %broadcast_in_dim3A_171 : i32 to vector<16xi32>
        %parallel_loop3A_173 = arith.constant 0 : i32
        %parallel_loop3A_174 = arith.constant 80 : i32
        %parallel_loop3A_175 = arith.constant 1 : i32
        scf.for %parallel_loop3A_179 = %parallel_loop3A_173 to %parallel_loop3A_174 step %parallel_loop3A_175  : i32 {
          %parallel_loop3A_180 = arith.constant 8 : i32
          %parallel_loop3A_181 = arith.muli %parallel_loop3A_179, %parallel_loop3A_180 : i32
          %parallel_loop3A_182 = arith.index_cast %parallel_loop3A_181 : i32 to index
          %parallel_loop3A_183 = tpu.vector_load %arg15[%parallel_loop3A_182] {strides = array<i32>} : memref<656xf32, #tpu.memory_space<vmem>>, vector<16xf32>,
          %parallel_loop3A_184 = arith.index_cast %parallel_loop3A_179 : i32 to index
          %parallel_loop3A_185 = arith.constant 0 : index
          %parallel_loop3A_186 = tpu.vector_load %arg17[%parallel_loop3A_184, %parallel_loop3A_185] {strides = array<i32>} : memref<80x136xf32, #tpu.memory_space<vmem>>, vector<16xf32>,
          tpu.vector_store %arg17[%parallel_loop3A_184, %parallel_loop3A_185], %parallel_loop3A_183 {strides = array<i32>} : memref<80x136xf32, #tpu.memory_space<vmem>>, vector<16xf32>,
          %parallel_loop3A_187 = arith.constant 8 : i32
          %parallel_loop3A_188 = arith.muli %parallel_loop3A_179, %parallel_loop3A_187 : i32
          %parallel_loop3A_189 = arith.constant 4 : i32
          %parallel_loop3A_190 = arith.muli %parallel_loop3A_189, %arg0 : i32
          %parallel_loop3A_191 = arith.addi %parallel_loop3A_188, %parallel_loop3A_190 : i32
          %parallel_loop3A_192 = arith.index_cast %parallel_loop3A_191 : i32 to index
          %parallel_loop3A_193 = tpu.vector_load %arg15[%parallel_loop3A_192] {strides = array<i32>} : memref<656xf32, #tpu.memory_space<vmem>>, vector<16xf32>,
          %parallel_loop3A_194 = arith.constant 0 : i32
          %parallel_loop3A_195 = vector.broadcast %parallel_loop3A_194 : i32 to vector<16xi32>
          %parallel_loop3A_196 = arith.cmpi slt, %broadcast_in_dim3A_166, %parallel_loop3A_195 : vector<16xi32>
          %parallel_loop3A_197 = arith.constant 16 : i32
          %parallel_loop3A_198 = vector.broadcast %parallel_loop3A_197 : i32 to vector<16xi32>
          %parallel_loop3A_199 = arith.addi %broadcast_in_dim3A_166, %parallel_loop3A_198 : vector<16xi32>
          %parallel_loop3A_200 = arith.select %parallel_loop3A_196, %parallel_loop3A_199, %broadcast_in_dim3A_166 : vector<16xi1>, vector<16xi32>
          %parallel_loop3A_201 = vector.shape_cast %parallel_loop3A_200 : vector<16xi32> to vector<16x1xi32>
          %parallel_loop3A_202 = vector.shape_cast %parallel_loop3A_201 : vector<16x1xi32> to vector<16xi32>
          %parallel_loop3A_203 = tpu.dynamic_gather %parallel_loop3A_193[%parallel_loop3A_202] in [0] : vector<16xf32>, vector<16xi32> -> vector<16xf32>
          %parallel_loop3A_204 = arith.constant 0 : i32
          %parallel_loop3A_205 = vector.broadcast %parallel_loop3A_204 : i32 to vector<16xi32>
          %parallel_loop3A_206 = arith.cmpi slt, %broadcast_in_dim3A_168, %parallel_loop3A_205 : vector<16xi32>
          %parallel_loop3A_207 = arith.constant 16 : i32
          %parallel_loop3A_208 = vector.broadcast %parallel_loop3A_207 : i32 to vector<16xi32>
          %parallel_loop3A_209 = arith.addi %broadcast_in_dim3A_168, %parallel_loop3A_208 : vector<16xi32>
          %parallel_loop3A_210 = arith.select %parallel_loop3A_206, %parallel_loop3A_209, %broadcast_in_dim3A_168 : vector<16xi1>, vector<16xi32>
          %parallel_loop3A_211 = vector.shape_cast %parallel_loop3A_210 : vector<16xi32> to vector<16x1xi32>
          %parallel_loop3A_212 = vector.shape_cast %parallel_loop3A_211 : vector<16x1xi32> to vector<16xi32>
          %parallel_loop3A_213 = tpu.dynamic_gather %parallel_loop3A_193[%parallel_loop3A_212] in [0] : vector<16xf32>, vector<16xi32> -> vector<16xf32>
          %parallel_loop3A_214 = arith.constant 0 : i32
          %parallel_loop3A_215 = vector.broadcast %parallel_loop3A_214 : i32 to vector<16xi32>
          %parallel_loop3A_216 = arith.cmpi slt, %broadcast_in_dim3A_170, %parallel_loop3A_215 : vector<16xi32>
          %parallel_loop3A_217 = arith.constant 16 : i32
          %parallel_loop3A_218 = vector.broadcast %parallel_loop3A_217 : i32 to vector<16xi32>
          %parallel_loop3A_219 = arith.addi %broadcast_in_dim3A_170, %parallel_loop3A_218 : vector<16xi32>
          %parallel_loop3A_220 = arith.select %parallel_loop3A_216, %parallel_loop3A_219, %broadcast_in_dim3A_170 : vector<16xi1>, vector<16xi32>
          %parallel_loop3A_221 = vector.shape_cast %parallel_loop3A_220 : vector<16xi32> to vector<16x1xi32>
          %parallel_loop3A_222 = vector.shape_cast %parallel_loop3A_221 : vector<16x1xi32> to vector<16xi32>
          %parallel_loop3A_223 = tpu.dynamic_gather %parallel_loop3A_193[%parallel_loop3A_222] in [0] : vector<16xf32>, vector<16xi32> -> vector<16xf32>
          %parallel_loop3A_224 = arith.constant 0 : i32
          %parallel_loop3A_225 = vector.broadcast %parallel_loop3A_224 : i32 to vector<16xi32>
          %parallel_loop3A_226 = arith.cmpi slt, %broadcast_in_dim3A_172, %parallel_loop3A_225 : vector<16xi32>
          %parallel_loop3A_227 = arith.constant 16 : i32
          %parallel_loop3A_228 = vector.broadcast %parallel_loop3A_227 : i32 to vector<16xi32>
          %parallel_loop3A_229 = arith.addi %broadcast_in_dim3A_172, %parallel_loop3A_228 : vector<16xi32>
          %parallel_loop3A_230 = arith.select %parallel_loop3A_226, %parallel_loop3A_229, %broadcast_in_dim3A_172 : vector<16xi1>, vector<16xi32>
          %parallel_loop3A_231 = vector.shape_cast %parallel_loop3A_230 : vector<16xi32> to vector<16x1xi32>
          %parallel_loop3A_232 = vector.shape_cast %parallel_loop3A_231 : vector<16x1xi32> to vector<16xi32>
          %parallel_loop3A_233 = tpu.dynamic_gather %parallel_loop3A_193[%parallel_loop3A_232] in [0] : vector<16xf32>, vector<16xi32> -> vector<16xf32>
          %parallel_loop3A_234 = arith.index_cast %parallel_loop3A_179 : i32 to index
          %parallel_loop3A_235 = arith.constant 0 : index
          %parallel_loop3A_236 = tpu.vector_load %arg13[%parallel_loop3A_234, %parallel_loop3A_235] {strides = array<i32>} : memref<80x128xf32, #tpu.memory_space<vmem>>, vector<16xf32>,
          %parallel_loop3A_237 = arith.mulf %parallel_loop3A_236, %parallel_loop3A_203 : vector<16xf32>
          %parallel_loop3A_238 = arith.index_cast %parallel_loop3A_179 : i32 to index
          %parallel_loop3A_239 = arith.constant 8 : index
          %parallel_loop3A_240 = tpu.vector_load %arg17[%parallel_loop3A_238, %parallel_loop3A_239] {strides = array<i32>} : memref<80x136xf32, #tpu.memory_space<vmem>>, vector<16xf32>,
          tpu.vector_store %arg17[%parallel_loop3A_238, %parallel_loop3A_239], %parallel_loop3A_237 {strides = array<i32>} : memref<80x136xf32, #tpu.memory_space<vmem>>, vector<16xf32>,
          %parallel_loop3A_241 = arith.index_cast %parallel_loop3A_179 : i32 to index
          %parallel_loop3A_242 = arith.constant 16 : index
          %parallel_loop3A_243 = tpu.vector_load %arg13[%parallel_loop3A_241, %parallel_loop3A_242] {strides = array<i32>} : memref<80x128xf32, #tpu.memory_space<vmem>>, vector<16xf32>,
          %parallel_loop3A_244 = arith.mulf %parallel_loop3A_243, %parallel_loop3A_203 : vector<16xf32>
          %parallel_loop3A_245 = arith.index_cast %parallel_loop3A_179 : i32 to index
          %parallel_loop3A_246 = arith.constant 24 : index
          %parallel_loop3A_247 = tpu.vector_load %arg17[%parallel_loop3A_245, %parallel_loop3A_246] {strides = array<i32>} : memref<80x136xf32, #tpu.memory_space<vmem>>, vector<16xf32>,
          tpu.vector_store %arg17[%parallel_loop3A_245, %parallel_loop3A_246], %parallel_loop3A_244 {strides = array<i32>} : memref<80x136xf32, #tpu.memory_space<vmem>>, vector<16xf32>,
          %parallel_loop3A_248 = arith.index_cast %parallel_loop3A_179 : i32 to index
          %parallel_loop3A_249 = arith.constant 32 : index
          %parallel_loop3A_250 = tpu.vector_load %arg13[%parallel_loop3A_248, %parallel_loop3A_249] {strides = array<i32>} : memref<80x128xf32, #tpu.memory_space<vmem>>, vector<16xf32>,
          %parallel_loop3A_251 = arith.mulf %parallel_loop3A_250, %parallel_loop3A_213 : vector<16xf32>
          %parallel_loop3A_252 = arith.index_cast %parallel_loop3A_179 : i32 to index
          %parallel_loop3A_253 = arith.constant 40 : index
          %parallel_loop3A_254 = tpu.vector_load %arg17[%parallel_loop3A_252, %parallel_loop3A_253] {strides = array<i32>} : memref<80x136xf32, #tpu.memory_space<vmem>>, vector<16xf32>,
          tpu.vector_store %arg17[%parallel_loop3A_252, %parallel_loop3A_253], %parallel_loop3A_251 {strides = array<i32>} : memref<80x136xf32, #tpu.memory_space<vmem>>, vector<16xf32>,
          %parallel_loop3A_255 = arith.index_cast %parallel_loop3A_179 : i32 to index
          %parallel_loop3A_256 = arith.constant 48 : index
          %parallel_loop3A_257 = tpu.vector_load %arg13[%parallel_loop3A_255, %parallel_loop3A_256] {strides = array<i32>} : memref<80x128xf32, #tpu.memory_space<vmem>>, vector<16xf32>,
          %parallel_loop3A_258 = arith.mulf %parallel_loop3A_257, %parallel_loop3A_213 : vector<16xf32>
          %parallel_loop3A_259 = arith.index_cast %parallel_loop3A_179 : i32 to index
          %parallel_loop3A_260 = arith.constant 56 : index
          %parallel_loop3A_261 = tpu.vector_load %arg17[%parallel_loop3A_259, %parallel_loop3A_260] {strides = array<i32>} : memref<80x136xf32, #tpu.memory_space<vmem>>, vector<16xf32>,
          tpu.vector_store %arg17[%parallel_loop3A_259, %parallel_loop3A_260], %parallel_loop3A_258 {strides = array<i32>} : memref<80x136xf32, #tpu.memory_space<vmem>>, vector<16xf32>,
          %parallel_loop3A_262 = arith.index_cast %parallel_loop3A_179 : i32 to index
          %parallel_loop3A_263 = arith.constant 64 : index
          %parallel_loop3A_264 = tpu.vector_load %arg13[%parallel_loop3A_262, %parallel_loop3A_263] {strides = array<i32>} : memref<80x128xf32, #tpu.memory_space<vmem>>, vector<16xf32>,
          %parallel_loop3A_265 = arith.mulf %parallel_loop3A_264, %parallel_loop3A_223 : vector<16xf32>
          %parallel_loop3A_266 = arith.index_cast %parallel_loop3A_179 : i32 to index
          %parallel_loop3A_267 = arith.constant 72 : index
          %parallel_loop3A_268 = tpu.vector_load %arg17[%parallel_loop3A_266, %parallel_loop3A_267] {strides = array<i32>} : memref<80x136xf32, #tpu.memory_space<vmem>>, vector<16xf32>,
          tpu.vector_store %arg17[%parallel_loop3A_266, %parallel_loop3A_267], %parallel_loop3A_265 {strides = array<i32>} : memref<80x136xf32, #tpu.memory_space<vmem>>, vector<16xf32>,
          %parallel_loop3A_269 = arith.index_cast %parallel_loop3A_179 : i32 to index
          %parallel_loop3A_270 = arith.constant 80 : index
          %parallel_loop3A_271 = tpu.vector_load %arg13[%parallel_loop3A_269, %parallel_loop3A_270] {strides = array<i32>} : memref<80x128xf32, #tpu.memory_space<vmem>>, vector<16xf32>,
          %parallel_loop3A_272 = arith.mulf %parallel_loop3A_271, %parallel_loop3A_223 : vector<16xf32>
          %parallel_loop3A_273 = arith.index_cast %parallel_loop3A_179 : i32 to index
          %parallel_loop3A_274 = arith.constant 88 : index
          %parallel_loop3A_275 = tpu.vector_load %arg17[%parallel_loop3A_273, %parallel_loop3A_274] {strides = array<i32>} : memref<80x136xf32, #tpu.memory_space<vmem>>, vector<16xf32>,
          tpu.vector_store %arg17[%parallel_loop3A_273, %parallel_loop3A_274], %parallel_loop3A_272 {strides = array<i32>} : memref<80x136xf32, #tpu.memory_space<vmem>>, vector<16xf32>,
          %parallel_loop3A_276 = arith.index_cast %parallel_loop3A_179 : i32 to index
          %parallel_loop3A_277 = arith.constant 96 : index
          %parallel_loop3A_278 = tpu.vector_load %arg13[%parallel_loop3A_276, %parallel_loop3A_277] {strides = array<i32>} : memref<80x128xf32, #tpu.memory_space<vmem>>, vector<16xf32>,
          %parallel_loop3A_279 = arith.mulf %parallel_loop3A_278, %parallel_loop3A_233 : vector<16xf32>
          %parallel_loop3A_280 = arith.index_cast %parallel_loop3A_179 : i32 to index
          %parallel_loop3A_281 = arith.constant 104 : index
          %parallel_loop3A_282 = tpu.vector_load %arg17[%parallel_loop3A_280, %parallel_loop3A_281] {strides = array<i32>} : memref<80x136xf32, #tpu.memory_space<vmem>>, vector<16xf32>,
          tpu.vector_store %arg17[%parallel_loop3A_280, %parallel_loop3A_281], %parallel_loop3A_279 {strides = array<i32>} : memref<80x136xf32, #tpu.memory_space<vmem>>, vector<16xf32>,
          %parallel_loop3A_283 = arith.index_cast %parallel_loop3A_179 : i32 to index
          %parallel_loop3A_284 = arith.constant 112 : index
          %parallel_loop3A_285 = tpu.vector_load %arg13[%parallel_loop3A_283, %parallel_loop3A_284] {strides = array<i32>} : memref<80x128xf32, #tpu.memory_space<vmem>>, vector<16xf32>,
          %parallel_loop3A_286 = arith.mulf %parallel_loop3A_285, %parallel_loop3A_233 : vector<16xf32>
          %parallel_loop3A_287 = arith.index_cast %parallel_loop3A_179 : i32 to index
          %parallel_loop3A_288 = arith.constant 120 : index
          %parallel_loop3A_289 = tpu.vector_load %arg17[%parallel_loop3A_287, %parallel_loop3A_288] {strides = array<i32>} : memref<80x136xf32, #tpu.memory_space<vmem>>, vector<16xf32>,
          tpu.vector_store %arg17[%parallel_loop3A_287, %parallel_loop3A_288], %parallel_loop3A_286 {strides = array<i32>} : memref<80x136xf32, #tpu.memory_space<vmem>>, vector<16xf32>,
        } {sc.loop_unroll_factor = 2 : i64, sc.parallel_access}
        %dma_start3A_176 = arith.constant 0 : i32
        %dma_start3A_177 = arith.constant 0 : i32
        %dma_start3A_178 = tpu.memref_slice %arg25[%dma_start3A_176, %dma_start3A_177] : memref<10000x136xf32, #tpu.memory_space<vmem_shared>> -> memref<10000x136xf32, #tpu.memory_space<vmem_shared>>
        tpu.enqueue_indirect_dma source(%arg17 : memref<80x136xf32, #tpu.memory_space<vmem>>) target(%dma_start3A_178 : memref<10000x136xf32, #tpu.memory_space<vmem_shared>>) offsets(%arg11 : memref<80xi32, #tpu.memory_space<vmem>>) semaphore(%arg23 : memref<!tpu.dma_semaphore, #tpu.memory_space<semaphore_mem>>) {add = true}
      } else {
      }
      %mul3A_118 = arith.constant 2 : i32
      %mul3A_119 = arith.muli %mul3A_118, %scan3A_111 : i32
      %add3A_120 = arith.constant 1 : i32
      %add3A_121 = arith.addi %mul3A_119, %add3A_120 : i32
      %lt3A_122 = arith.cmpi slt, %add3A_121, %select_n3A : i32
      %convert_element_type3A_123 = arith.extui %lt3A_122 : i1 to i32
      %cond3A_124 = arith.constant 0 : i32
      %cond3A_125 = arith.cmpi ne, %convert_element_type3A_123, %cond3A_124 : i32
      scf.if %cond3A_125 {
        %mul3A_126 = arith.constant 16 : i32
        %mul3A_127 = arith.muli %mul3A_126, %add3A_121 : i32
        %add3A_128 = arith.addi %arg1, %mul3A_127 : i32
        %mul3A_129 = arith.constant 80 : i32
        %mul3A_130 = arith.muli %add3A_128, %mul3A_129 : i32
        %dma_wait3A_131 = arith.constant 0 : i32
        %dma_wait3A_132 = arith.constant 0 : i32
        %dma_wait3A_133 = tpu.memref_slice %arg5[%dma_wait3A_131, %dma_wait3A_132] : memref<20000x128xf32, #tpu.memory_space<hbm>> -> memref<20000x128xf32, #tpu.memory_space<hbm>>
        tpu.wait_indirect_dma semaphore(%arg22 : memref<!tpu.dma_semaphore, #tpu.memory_space<semaphore_mem>>) src(%dma_wait3A_133 : memref<20000x128xf32, #tpu.memory_space<hbm>>) dst(%arg14 : memref<80x128xf32, #tpu.memory_space<vmem>>)
        %mul3A_134 = arith.constant 8 : i32
        %mul3A_135 = arith.muli %mul3A_130, %mul3A_134 : i32
        %dma_wait3A_136 = arith.constant 0 : i32
        %dma_wait3A_137 = tpu.memref_slice %arg16[%dma_wait3A_136] : memref<656xf32, #tpu.memory_space<vmem>> -> memref<640xf32, #tpu.memory_space<vmem>>
        %dma_wait3A_138 = tpu.memref_slice %arg2[%mul3A_135] : memref<1280000xf32, #tpu.memory_space<hbm>> -> memref<640xf32, #tpu.memory_space<hbm>>
        %dma_wait3A_139 = arith.constant 0 : i32
        %dma_wait3A_140 = tpu.memref_slice %arg16[%dma_wait3A_139] : memref<656xf32, #tpu.memory_space<vmem>> -> memref<640xf32, #tpu.memory_space<vmem>>
        %dma_wait3A_141 = tpu.memref_slice %arg2[%mul3A_135] : memref<1280000xf32, #tpu.memory_space<hbm>> -> memref<640xf32, #tpu.memory_space<hbm>>
        tpu.wait_dma2 semaphore(%arg22 : memref<!tpu.dma_semaphore, #tpu.memory_space<semaphore_mem>>) src(%dma_wait3A_141 : memref<640xf32, #tpu.memory_space<hbm>>) dst(%dma_wait3A_140 : memref<640xf32, #tpu.memory_space<vmem>>)
        %ge3A = arith.constant 2 : i32
        %ge3A_142 = arith.cmpi sge, %add3A_121, %ge3A : i32
        %convert_element_type3A_143 = arith.extui %ge3A_142 : i1 to i32
        %cond3A_144 = arith.constant 0 : i32
        %cond3A_145 = arith.cmpi ne, %convert_element_type3A_143, %cond3A_144 : i32
        scf.if %cond3A_145 {
          %dma_wait3A_179 = arith.constant 0 : i32
          %dma_wait3A_180 = arith.constant 0 : i32
          %dma_wait3A_181 = tpu.memref_slice %arg25[%dma_wait3A_179, %dma_wait3A_180] : memref<10000x136xf32, #tpu.memory_space<vmem_shared>> -> memref<10000x136xf32, #tpu.memory_space<vmem_shared>>
          tpu.wait_indirect_dma semaphore(%arg24 : memref<!tpu.dma_semaphore, #tpu.memory_space<semaphore_mem>>) src(%arg18 : memref<80x136xf32, #tpu.memory_space<vmem>>) dst(%dma_wait3A_181 : memref<10000x136xf32, #tpu.memory_space<vmem_shared>>)
        } else {
        }
        %scan3A_146 = arith.constant 0 : i32
        %scan3A_147 = arith.constant 0 : i32
        %scan3A_148 = arith.constant 5 : i32
        %scan3A_149 = arith.addi %scan3A_147, %scan3A_148 : i32
        %scan3A_150 = arith.constant 1 : i32
        scf.for %scan3A_179 = %scan3A_147 to %scan3A_149 step %scan3A_150  : i32 {
          %mul3A_180 = arith.constant 16 : i32
          %mul3A_181 = arith.muli %scan3A_179, %mul3A_180 : i32
          %get3A = arith.index_cast %mul3A_181 : i32 to index
          %get3A_182 = tpu.vector_load %arg8[%get3A] {strides = array<i32>} : memref<80xi32, #tpu.memory_space<vmem>>, vector<16xi32>,
          %mul3A_183 = arith.constant 16 : i32
          %mul3A_184 = arith.muli %scan3A_179, %mul3A_183 : i32
          %swap3A = arith.index_cast %mul3A_184 : i32 to index
          %swap3A_185 = tpu.vector_load %arg12[%swap3A] {strides = array<i32>} : memref<80xi32, #tpu.memory_space<vmem>>, vector<16xi32>,
          tpu.vector_store %arg12[%swap3A], %get3A_182 {strides = array<i32>} : memref<80xi32, #tpu.memory_space<vmem>>, vector<16xi32>,
        }
        %scan3A_151 = arith.constant 5 : i32
        %add3A_152 = arith.constant 1 : i32
        %add3A_153 = arith.addi %add3A_121, %add3A_152 : i32
        %lt3A_154 = arith.cmpi slt, %add3A_153, %select_n3A : i32
        %convert_element_type3A_155 = arith.extui %lt3A_154 : i1 to i32
        %cond3A_156 = arith.constant 0 : i32
        %cond3A_157 = arith.cmpi ne, %convert_element_type3A_155, %cond3A_156 : i32
        scf.if %cond3A_157 {
          %add3A_179 = arith.constant 1 : i32
          %add3A_180 = arith.addi %add3A_121, %add3A_179 : i32
          %mul3A_181 = arith.constant 16 : i32
          %mul3A_182 = arith.muli %mul3A_181, %add3A_180 : i32
          %add3A_183 = arith.addi %arg1, %mul3A_182 : i32
          %mul3A_184 = arith.constant 80 : i32
          %mul3A_185 = arith.muli %add3A_183, %mul3A_184 : i32
          %dma_wait3A_186 = tpu.memref_slice %arg3[%mul3A_185] : memref<160000xi32, #tpu.memory_space<hbm>> -> memref<80xi32, #tpu.memory_space<hbm>>
          %dma_wait3A_187 = tpu.memref_slice %arg3[%mul3A_185] : memref<160000xi32, #tpu.memory_space<hbm>> -> memref<80xi32, #tpu.memory_space<hbm>>
          tpu.wait_dma2 semaphore(%arg19 : memref<!tpu.dma_semaphore, #tpu.memory_space<semaphore_mem>>) src(%dma_wait3A_187 : memref<80xi32, #tpu.memory_space<hbm>>) dst(%arg7 : memref<80xi32, #tpu.memory_space<vmem>>)
          %dma_wait3A_188 = tpu.memref_slice %arg4[%mul3A_185] : memref<160000xi32, #tpu.memory_space<hbm>> -> memref<80xi32, #tpu.memory_space<hbm>>
          %dma_wait3A_189 = tpu.memref_slice %arg4[%mul3A_185] : memref<160000xi32, #tpu.memory_space<hbm>> -> memref<80xi32, #tpu.memory_space<hbm>>
          tpu.wait_dma2 semaphore(%arg19 : memref<!tpu.dma_semaphore, #tpu.memory_space<semaphore_mem>>) src(%dma_wait3A_189 : memref<80xi32, #tpu.memory_space<hbm>>) dst(%arg9 : memref<80xi32, #tpu.memory_space<vmem>>)
          %add3A_190 = arith.constant 1 : i32
          %add3A_191 = arith.addi %add3A_121, %add3A_190 : i32
          %mul3A_192 = arith.constant 16 : i32
          %mul3A_193 = arith.muli %mul3A_192, %add3A_191 : i32
          %add3A_194 = arith.addi %arg1, %mul3A_193 : i32
          %mul3A_195 = arith.constant 80 : i32
          %mul3A_196 = arith.muli %add3A_194, %mul3A_195 : i32
          %scan3A_197 = arith.constant 0 : i32
          %scan3A_198 = arith.constant 0 : i32
          %scan3A_199 = arith.constant 5 : i32
          %scan3A_200 = arith.addi %scan3A_198, %scan3A_199 : i32
          %scan3A_201 = arith.constant 1 : i32
          scf.for %scan3A_214 = %scan3A_198 to %scan3A_200 step %scan3A_201  : i32 {
            %mul3A_215 = arith.constant 16 : i32
            %mul3A_216 = arith.muli %scan3A_214, %mul3A_215 : i32
            %get3A = arith.index_cast %mul3A_216 : i32 to index
            %get3A_217 = tpu.vector_load %arg9[%get3A] {strides = array<i32>} : memref<80xi32, #tpu.memory_space<vmem>>, vector<16xi32>,
            %mul3A_218 = arith.constant 10000 : i32
            %mul3A_219 = arith.muli %arg0, %mul3A_218 : i32
            %add3A_220 = vector.broadcast %mul3A_219 : i32 to vector<16xi32>
            %add3A_221 = arith.addi %get3A_217, %add3A_220 : vector<16xi32>
            %mul3A_222 = arith.constant 16 : i32
            %mul3A_223 = arith.muli %scan3A_214, %mul3A_222 : i32
            %swap3A = arith.index_cast %mul3A_223 : i32 to index
            %swap3A_224 = tpu.vector_load %arg9[%swap3A] {strides = array<i32>} : memref<80xi32, #tpu.memory_space<vmem>>, vector<16xi32>,
            tpu.vector_store %arg9[%swap3A], %add3A_221 {strides = array<i32>} : memref<80xi32, #tpu.memory_space<vmem>>, vector<16xi32>,
          }
          %scan3A_202 = arith.constant 5 : i32
          %dma_start3A_203 = arith.constant 0 : i32
          %dma_start3A_204 = arith.constant 0 : i32
          %dma_start3A_205 = tpu.memref_slice %arg5[%dma_start3A_203, %dma_start3A_204] : memref<20000x128xf32, #tpu.memory_space<hbm>> -> memref<20000x128xf32, #tpu.memory_space<hbm>>
          tpu.enqueue_indirect_dma source(%dma_start3A_205 : memref<20000x128xf32, #tpu.memory_space<hbm>>) target(%arg13 : memref<80x128xf32, #tpu.memory_space<vmem>>) offsets(%arg9 : memref<80xi32, #tpu.memory_space<vmem>>) semaphore(%arg21 : memref<!tpu.dma_semaphore, #tpu.memory_space<semaphore_mem>>)
          %mul3A_206 = arith.constant 8 : i32
          %mul3A_207 = arith.muli %mul3A_196, %mul3A_206 : i32
          %dma_start3A_208 = arith.constant 0 : i32
          %dma_start3A_209 = tpu.memref_slice %arg15[%dma_start3A_208] : memref<656xf32, #tpu.memory_space<vmem>> -> memref<640xf32, #tpu.memory_space<vmem>>
          %dma_start3A_210 = tpu.memref_slice %arg2[%mul3A_207] : memref<1280000xf32, #tpu.memory_space<hbm>> -> memref<640xf32, #tpu.memory_space<hbm>>
          %dma_start3A_211 = arith.constant 0 : i32
          %dma_start3A_212 = tpu.memref_slice %arg15[%dma_start3A_211] : memref<656xf32, #tpu.memory_space<vmem>> -> memref<640xf32, #tpu.memory_space<vmem>>
          %dma_start3A_213 = tpu.memref_slice %arg2[%mul3A_207] : memref<1280000xf32, #tpu.memory_space<hbm>> -> memref<640xf32, #tpu.memory_space<hbm>>
          tpu.enqueue_dma source(%dma_start3A_213 : memref<640xf32, #tpu.memory_space<hbm>>) target(%dma_start3A_212 : memref<640xf32, #tpu.memory_space<vmem>>) target_semaphore(%arg21 : memref<!tpu.dma_semaphore, #tpu.memory_space<semaphore_mem>>)
        } else {
        }
        %add3A_158 = arith.constant 2 : i32
        %add3A_159 = arith.addi %add3A_121, %add3A_158 : i32
        %lt3A_160 = arith.cmpi slt, %add3A_159, %select_n3A : i32
        %convert_element_type3A_161 = arith.extui %lt3A_160 : i1 to i32
        %cond3A_162 = arith.constant 0 : i32
        %cond3A_163 = arith.cmpi ne, %convert_element_type3A_161, %cond3A_162 : i32
        scf.if %cond3A_163 {
          %add3A_179 = arith.constant 2 : i32
          %add3A_180 = arith.addi %add3A_121, %add3A_179 : i32
          %mul3A_181 = arith.constant 16 : i32
          %mul3A_182 = arith.muli %mul3A_181, %add3A_180 : i32
          %add3A_183 = arith.addi %arg1, %mul3A_182 : i32
          %mul3A_184 = arith.constant 80 : i32
          %mul3A_185 = arith.muli %add3A_183, %mul3A_184 : i32
          %dma_start3A_186 = tpu.memref_slice %arg3[%mul3A_185] : memref<160000xi32, #tpu.memory_space<hbm>> -> memref<80xi32, #tpu.memory_space<hbm>>
          %dma_start3A_187 = tpu.memref_slice %arg3[%mul3A_185] : memref<160000xi32, #tpu.memory_space<hbm>> -> memref<80xi32, #tpu.memory_space<hbm>>
          tpu.enqueue_dma source(%dma_start3A_187 : memref<80xi32, #tpu.memory_space<hbm>>) target(%arg8 : memref<80xi32, #tpu.memory_space<vmem>>) target_semaphore(%arg20 : memref<!tpu.dma_semaphore, #tpu.memory_space<semaphore_mem>>)
          %dma_start3A_188 = tpu.memref_slice %arg4[%mul3A_185] : memref<160000xi32, #tpu.memory_space<hbm>> -> memref<80xi32, #tpu.memory_space<hbm>>
          %dma_start3A_189 = tpu.memref_slice %arg4[%mul3A_185] : memref<160000xi32, #tpu.memory_space<hbm>> -> memref<80xi32, #tpu.memory_space<hbm>>
          tpu.enqueue_dma source(%dma_start3A_189 : memref<80xi32, #tpu.memory_space<hbm>>) target(%arg10 : memref<80xi32, #tpu.memory_space<vmem>>) target_semaphore(%arg20 : memref<!tpu.dma_semaphore, #tpu.memory_space<semaphore_mem>>)
        } else {
        }
        %parallel_loop3A = arith.constant 0 : i32
        %parallel_loop3A_164 = arith.constant 40 : i32
        %parallel_loop3A_165 = arith.constant 1 : i32
        scf.for %parallel_loop3A_179 = %parallel_loop3A to %parallel_loop3A_164 step %parallel_loop3A_165  : i32 {
          %parallel_loop3A_180 = arith.constant 16 : i32
          %parallel_loop3A_181 = arith.muli %parallel_loop3A_179, %parallel_loop3A_180 : i32
          %parallel_loop3A_182 = arith.index_cast %parallel_loop3A_181 : i32 to index
          %parallel_loop3A_183 = tpu.vector_load %arg16[%parallel_loop3A_182] {strides = array<i32>} : memref<656xf32, #tpu.memory_space<vmem>>, vector<16xf32>,
          %parallel_loop3A_184 = arith.constant 0.176776692 : f32
          %parallel_loop3A_185 = vector.broadcast %parallel_loop3A_184 : f32 to vector<16xf32>
          %parallel_loop3A_186 = arith.mulf %parallel_loop3A_183, %parallel_loop3A_185 : vector<16xf32>
          %parallel_loop3A_187 = math.exp %parallel_loop3A_186 : vector<16xf32>
          %parallel_loop3A_188 = arith.constant 16 : i32
          %parallel_loop3A_189 = arith.muli %parallel_loop3A_179, %parallel_loop3A_188 : i32
          %parallel_loop3A_190 = arith.index_cast %parallel_loop3A_189 : i32 to index
          %parallel_loop3A_191 = tpu.vector_load %arg16[%parallel_loop3A_190] {strides = array<i32>} : memref<656xf32, #tpu.memory_space<vmem>>, vector<16xf32>,
          tpu.vector_store %arg16[%parallel_loop3A_190], %parallel_loop3A_187 {strides = array<i32>} : memref<656xf32, #tpu.memory_space<vmem>>, vector<16xf32>,
        } {sc.loop_unroll_factor = 4 : i64, sc.parallel_access}
        %broadcast_in_dim3A = arith.constant 0 : i32
        %broadcast_in_dim3A_166 = vector.broadcast %broadcast_in_dim3A : i32 to vector<16xi32>
        %broadcast_in_dim3A_167 = arith.constant 1 : i32
        %broadcast_in_dim3A_168 = vector.broadcast %broadcast_in_dim3A_167 : i32 to vector<16xi32>
        %broadcast_in_dim3A_169 = arith.constant 2 : i32
        %broadcast_in_dim3A_170 = vector.broadcast %broadcast_in_dim3A_169 : i32 to vector<16xi32>
        %broadcast_in_dim3A_171 = arith.constant 3 : i32
        %broadcast_in_dim3A_172 = vector.broadcast %broadcast_in_dim3A_171 : i32 to vector<16xi32>
        %parallel_loop3A_173 = arith.constant 0 : i32
        %parallel_loop3A_174 = arith.constant 80 : i32
        %parallel_loop3A_175 = arith.constant 1 : i32
        scf.for %parallel_loop3A_179 = %parallel_loop3A_173 to %parallel_loop3A_174 step %parallel_loop3A_175  : i32 {
          %parallel_loop3A_180 = arith.constant 8 : i32
          %parallel_loop3A_181 = arith.muli %parallel_loop3A_179, %parallel_loop3A_180 : i32
          %parallel_loop3A_182 = arith.index_cast %parallel_loop3A_181 : i32 to index
          %parallel_loop3A_183 = tpu.vector_load %arg16[%parallel_loop3A_182] {strides = array<i32>} : memref<656xf32, #tpu.memory_space<vmem>>, vector<16xf32>,
          %parallel_loop3A_184 = arith.index_cast %parallel_loop3A_179 : i32 to index
          %parallel_loop3A_185 = arith.constant 0 : index
          %parallel_loop3A_186 = tpu.vector_load %arg18[%parallel_loop3A_184, %parallel_loop3A_185] {strides = array<i32>} : memref<80x136xf32, #tpu.memory_space<vmem>>, vector<16xf32>,
          tpu.vector_store %arg18[%parallel_loop3A_184, %parallel_loop3A_185], %parallel_loop3A_183 {strides = array<i32>} : memref<80x136xf32, #tpu.memory_space<vmem>>, vector<16xf32>,
          %parallel_loop3A_187 = arith.constant 8 : i32
          %parallel_loop3A_188 = arith.muli %parallel_loop3A_179, %parallel_loop3A_187 : i32
          %parallel_loop3A_189 = arith.constant 4 : i32
          %parallel_loop3A_190 = arith.muli %parallel_loop3A_189, %arg0 : i32
          %parallel_loop3A_191 = arith.addi %parallel_loop3A_188, %parallel_loop3A_190 : i32
          %parallel_loop3A_192 = arith.index_cast %parallel_loop3A_191 : i32 to index
          %parallel_loop3A_193 = tpu.vector_load %arg16[%parallel_loop3A_192] {strides = array<i32>} : memref<656xf32, #tpu.memory_space<vmem>>, vector<16xf32>,
          %parallel_loop3A_194 = arith.constant 0 : i32
          %parallel_loop3A_195 = vector.broadcast %parallel_loop3A_194 : i32 to vector<16xi32>
          %parallel_loop3A_196 = arith.cmpi slt, %broadcast_in_dim3A_166, %parallel_loop3A_195 : vector<16xi32>
          %parallel_loop3A_197 = arith.constant 16 : i32
          %parallel_loop3A_198 = vector.broadcast %parallel_loop3A_197 : i32 to vector<16xi32>
          %parallel_loop3A_199 = arith.addi %broadcast_in_dim3A_166, %parallel_loop3A_198 : vector<16xi32>
          %parallel_loop3A_200 = arith.select %parallel_loop3A_196, %parallel_loop3A_199, %broadcast_in_dim3A_166 : vector<16xi1>, vector<16xi32>
          %parallel_loop3A_201 = vector.shape_cast %parallel_loop3A_200 : vector<16xi32> to vector<16x1xi32>
          %parallel_loop3A_202 = vector.shape_cast %parallel_loop3A_201 : vector<16x1xi32> to vector<16xi32>
          %parallel_loop3A_203 = tpu.dynamic_gather %parallel_loop3A_193[%parallel_loop3A_202] in [0] : vector<16xf32>, vector<16xi32> -> vector<16xf32>
          %parallel_loop3A_204 = arith.constant 0 : i32
          %parallel_loop3A_205 = vector.broadcast %parallel_loop3A_204 : i32 to vector<16xi32>
          %parallel_loop3A_206 = arith.cmpi slt, %broadcast_in_dim3A_168, %parallel_loop3A_205 : vector<16xi32>
          %parallel_loop3A_207 = arith.constant 16 : i32
          %parallel_loop3A_208 = vector.broadcast %parallel_loop3A_207 : i32 to vector<16xi32>
          %parallel_loop3A_209 = arith.addi %broadcast_in_dim3A_168, %parallel_loop3A_208 : vector<16xi32>
          %parallel_loop3A_210 = arith.select %parallel_loop3A_206, %parallel_loop3A_209, %broadcast_in_dim3A_168 : vector<16xi1>, vector<16xi32>
          %parallel_loop3A_211 = vector.shape_cast %parallel_loop3A_210 : vector<16xi32> to vector<16x1xi32>
          %parallel_loop3A_212 = vector.shape_cast %parallel_loop3A_211 : vector<16x1xi32> to vector<16xi32>
          %parallel_loop3A_213 = tpu.dynamic_gather %parallel_loop3A_193[%parallel_loop3A_212] in [0] : vector<16xf32>, vector<16xi32> -> vector<16xf32>
          %parallel_loop3A_214 = arith.constant 0 : i32
          %parallel_loop3A_215 = vector.broadcast %parallel_loop3A_214 : i32 to vector<16xi32>
          %parallel_loop3A_216 = arith.cmpi slt, %broadcast_in_dim3A_170, %parallel_loop3A_215 : vector<16xi32>
          %parallel_loop3A_217 = arith.constant 16 : i32
          %parallel_loop3A_218 = vector.broadcast %parallel_loop3A_217 : i32 to vector<16xi32>
          %parallel_loop3A_219 = arith.addi %broadcast_in_dim3A_170, %parallel_loop3A_218 : vector<16xi32>
          %parallel_loop3A_220 = arith.select %parallel_loop3A_216, %parallel_loop3A_219, %broadcast_in_dim3A_170 : vector<16xi1>, vector<16xi32>
          %parallel_loop3A_221 = vector.shape_cast %parallel_loop3A_220 : vector<16xi32> to vector<16x1xi32>
          %parallel_loop3A_222 = vector.shape_cast %parallel_loop3A_221 : vector<16x1xi32> to vector<16xi32>
          %parallel_loop3A_223 = tpu.dynamic_gather %parallel_loop3A_193[%parallel_loop3A_222] in [0] : vector<16xf32>, vector<16xi32> -> vector<16xf32>
          %parallel_loop3A_224 = arith.constant 0 : i32
          %parallel_loop3A_225 = vector.broadcast %parallel_loop3A_224 : i32 to vector<16xi32>
          %parallel_loop3A_226 = arith.cmpi slt, %broadcast_in_dim3A_172, %parallel_loop3A_225 : vector<16xi32>
          %parallel_loop3A_227 = arith.constant 16 : i32
          %parallel_loop3A_228 = vector.broadcast %parallel_loop3A_227 : i32 to vector<16xi32>
          %parallel_loop3A_229 = arith.addi %broadcast_in_dim3A_172, %parallel_loop3A_228 : vector<16xi32>
          %parallel_loop3A_230 = arith.select %parallel_loop3A_226, %parallel_loop3A_229, %broadcast_in_dim3A_172 : vector<16xi1>, vector<16xi32>
          %parallel_loop3A_231 = vector.shape_cast %parallel_loop3A_230 : vector<16xi32> to vector<16x1xi32>
          %parallel_loop3A_232 = vector.shape_cast %parallel_loop3A_231 : vector<16x1xi32> to vector<16xi32>
          %parallel_loop3A_233 = tpu.dynamic_gather %parallel_loop3A_193[%parallel_loop3A_232] in [0] : vector<16xf32>, vector<16xi32> -> vector<16xf32>
          %parallel_loop3A_234 = arith.index_cast %parallel_loop3A_179 : i32 to index
          %parallel_loop3A_235 = arith.constant 0 : index
          %parallel_loop3A_236 = tpu.vector_load %arg14[%parallel_loop3A_234, %parallel_loop3A_235] {strides = array<i32>} : memref<80x128xf32, #tpu.memory_space<vmem>>, vector<16xf32>,
          %parallel_loop3A_237 = arith.mulf %parallel_loop3A_236, %parallel_loop3A_203 : vector<16xf32>
          %parallel_loop3A_238 = arith.index_cast %parallel_loop3A_179 : i32 to index
          %parallel_loop3A_239 = arith.constant 8 : index
          %parallel_loop3A_240 = tpu.vector_load %arg18[%parallel_loop3A_238, %parallel_loop3A_239] {strides = array<i32>} : memref<80x136xf32, #tpu.memory_space<vmem>>, vector<16xf32>,
          tpu.vector_store %arg18[%parallel_loop3A_238, %parallel_loop3A_239], %parallel_loop3A_237 {strides = array<i32>} : memref<80x136xf32, #tpu.memory_space<vmem>>, vector<16xf32>,
          %parallel_loop3A_241 = arith.index_cast %parallel_loop3A_179 : i32 to index
          %parallel_loop3A_242 = arith.constant 16 : index
          %parallel_loop3A_243 = tpu.vector_load %arg14[%parallel_loop3A_241, %parallel_loop3A_242] {strides = array<i32>} : memref<80x128xf32, #tpu.memory_space<vmem>>, vector<16xf32>,
          %parallel_loop3A_244 = arith.mulf %parallel_loop3A_243, %parallel_loop3A_203 : vector<16xf32>
          %parallel_loop3A_245 = arith.index_cast %parallel_loop3A_179 : i32 to index
          %parallel_loop3A_246 = arith.constant 24 : index
          %parallel_loop3A_247 = tpu.vector_load %arg18[%parallel_loop3A_245, %parallel_loop3A_246] {strides = array<i32>} : memref<80x136xf32, #tpu.memory_space<vmem>>, vector<16xf32>,
          tpu.vector_store %arg18[%parallel_loop3A_245, %parallel_loop3A_246], %parallel_loop3A_244 {strides = array<i32>} : memref<80x136xf32, #tpu.memory_space<vmem>>, vector<16xf32>,
          %parallel_loop3A_248 = arith.index_cast %parallel_loop3A_179 : i32 to index
          %parallel_loop3A_249 = arith.constant 32 : index
          %parallel_loop3A_250 = tpu.vector_load %arg14[%parallel_loop3A_248, %parallel_loop3A_249] {strides = array<i32>} : memref<80x128xf32, #tpu.memory_space<vmem>>, vector<16xf32>,
          %parallel_loop3A_251 = arith.mulf %parallel_loop3A_250, %parallel_loop3A_213 : vector<16xf32>
          %parallel_loop3A_252 = arith.index_cast %parallel_loop3A_179 : i32 to index
          %parallel_loop3A_253 = arith.constant 40 : index
          %parallel_loop3A_254 = tpu.vector_load %arg18[%parallel_loop3A_252, %parallel_loop3A_253] {strides = array<i32>} : memref<80x136xf32, #tpu.memory_space<vmem>>, vector<16xf32>,
          tpu.vector_store %arg18[%parallel_loop3A_252, %parallel_loop3A_253], %parallel_loop3A_251 {strides = array<i32>} : memref<80x136xf32, #tpu.memory_space<vmem>>, vector<16xf32>,
          %parallel_loop3A_255 = arith.index_cast %parallel_loop3A_179 : i32 to index
          %parallel_loop3A_256 = arith.constant 48 : index
          %parallel_loop3A_257 = tpu.vector_load %arg14[%parallel_loop3A_255, %parallel_loop3A_256] {strides = array<i32>} : memref<80x128xf32, #tpu.memory_space<vmem>>, vector<16xf32>,
          %parallel_loop3A_258 = arith.mulf %parallel_loop3A_257, %parallel_loop3A_213 : vector<16xf32>
          %parallel_loop3A_259 = arith.index_cast %parallel_loop3A_179 : i32 to index
          %parallel_loop3A_260 = arith.constant 56 : index
          %parallel_loop3A_261 = tpu.vector_load %arg18[%parallel_loop3A_259, %parallel_loop3A_260] {strides = array<i32>} : memref<80x136xf32, #tpu.memory_space<vmem>>, vector<16xf32>,
          tpu.vector_store %arg18[%parallel_loop3A_259, %parallel_loop3A_260], %parallel_loop3A_258 {strides = array<i32>} : memref<80x136xf32, #tpu.memory_space<vmem>>, vector<16xf32>,
          %parallel_loop3A_262 = arith.index_cast %parallel_loop3A_179 : i32 to index
          %parallel_loop3A_263 = arith.constant 64 : index
          %parallel_loop3A_264 = tpu.vector_load %arg14[%parallel_loop3A_262, %parallel_loop3A_263] {strides = array<i32>} : memref<80x128xf32, #tpu.memory_space<vmem>>, vector<16xf32>,
          %parallel_loop3A_265 = arith.mulf %parallel_loop3A_264, %parallel_loop3A_223 : vector<16xf32>
          %parallel_loop3A_266 = arith.index_cast %parallel_loop3A_179 : i32 to index
          %parallel_loop3A_267 = arith.constant 72 : index
          %parallel_loop3A_268 = tpu.vector_load %arg18[%parallel_loop3A_266, %parallel_loop3A_267] {strides = array<i32>} : memref<80x136xf32, #tpu.memory_space<vmem>>, vector<16xf32>,
          tpu.vector_store %arg18[%parallel_loop3A_266, %parallel_loop3A_267], %parallel_loop3A_265 {strides = array<i32>} : memref<80x136xf32, #tpu.memory_space<vmem>>, vector<16xf32>,
          %parallel_loop3A_269 = arith.index_cast %parallel_loop3A_179 : i32 to index
          %parallel_loop3A_270 = arith.constant 80 : index
          %parallel_loop3A_271 = tpu.vector_load %arg14[%parallel_loop3A_269, %parallel_loop3A_270] {strides = array<i32>} : memref<80x128xf32, #tpu.memory_space<vmem>>, vector<16xf32>,
          %parallel_loop3A_272 = arith.mulf %parallel_loop3A_271, %parallel_loop3A_223 : vector<16xf32>
          %parallel_loop3A_273 = arith.index_cast %parallel_loop3A_179 : i32 to index
          %parallel_loop3A_274 = arith.constant 88 : index
          %parallel_loop3A_275 = tpu.vector_load %arg18[%parallel_loop3A_273, %parallel_loop3A_274] {strides = array<i32>} : memref<80x136xf32, #tpu.memory_space<vmem>>, vector<16xf32>,
          tpu.vector_store %arg18[%parallel_loop3A_273, %parallel_loop3A_274], %parallel_loop3A_272 {strides = array<i32>} : memref<80x136xf32, #tpu.memory_space<vmem>>, vector<16xf32>,
          %parallel_loop3A_276 = arith.index_cast %parallel_loop3A_179 : i32 to index
          %parallel_loop3A_277 = arith.constant 96 : index
          %parallel_loop3A_278 = tpu.vector_load %arg14[%parallel_loop3A_276, %parallel_loop3A_277] {strides = array<i32>} : memref<80x128xf32, #tpu.memory_space<vmem>>, vector<16xf32>,
          %parallel_loop3A_279 = arith.mulf %parallel_loop3A_278, %parallel_loop3A_233 : vector<16xf32>
          %parallel_loop3A_280 = arith.index_cast %parallel_loop3A_179 : i32 to index
          %parallel_loop3A_281 = arith.constant 104 : index
          %parallel_loop3A_282 = tpu.vector_load %arg18[%parallel_loop3A_280, %parallel_loop3A_281] {strides = array<i32>} : memref<80x136xf32, #tpu.memory_space<vmem>>, vector<16xf32>,
          tpu.vector_store %arg18[%parallel_loop3A_280, %parallel_loop3A_281], %parallel_loop3A_279 {strides = array<i32>} : memref<80x136xf32, #tpu.memory_space<vmem>>, vector<16xf32>,
          %parallel_loop3A_283 = arith.index_cast %parallel_loop3A_179 : i32 to index
          %parallel_loop3A_284 = arith.constant 112 : index
          %parallel_loop3A_285 = tpu.vector_load %arg14[%parallel_loop3A_283, %parallel_loop3A_284] {strides = array<i32>} : memref<80x128xf32, #tpu.memory_space<vmem>>, vector<16xf32>,
          %parallel_loop3A_286 = arith.mulf %parallel_loop3A_285, %parallel_loop3A_233 : vector<16xf32>
          %parallel_loop3A_287 = arith.index_cast %parallel_loop3A_179 : i32 to index
          %parallel_loop3A_288 = arith.constant 120 : index
          %parallel_loop3A_289 = tpu.vector_load %arg18[%parallel_loop3A_287, %parallel_loop3A_288] {strides = array<i32>} : memref<80x136xf32, #tpu.memory_space<vmem>>, vector<16xf32>,
          tpu.vector_store %arg18[%parallel_loop3A_287, %parallel_loop3A_288], %parallel_loop3A_286 {strides = array<i32>} : memref<80x136xf32, #tpu.memory_space<vmem>>, vector<16xf32>,
        } {sc.loop_unroll_factor = 2 : i64, sc.parallel_access}
        %dma_start3A_176 = arith.constant 0 : i32
        %dma_start3A_177 = arith.constant 0 : i32
        %dma_start3A_178 = tpu.memref_slice %arg25[%dma_start3A_176, %dma_start3A_177] : memref<10000x136xf32, #tpu.memory_space<vmem_shared>> -> memref<10000x136xf32, #tpu.memory_space<vmem_shared>>
        tpu.enqueue_indirect_dma source(%arg18 : memref<80x136xf32, #tpu.memory_space<vmem>>) target(%dma_start3A_178 : memref<10000x136xf32, #tpu.memory_space<vmem_shared>>) offsets(%arg12 : memref<80xi32, #tpu.memory_space<vmem>>) semaphore(%arg24 : memref<!tpu.dma_semaphore, #tpu.memory_space<semaphore_mem>>) {add = true}
      } else {
      }
    }
    %scan3A_71 = arith.constant 63 : i32
    %dma_wait3A_72 = arith.constant 0 : i32
    %dma_wait3A_73 = arith.constant 0 : i32
    %dma_wait3A_74 = tpu.memref_slice %arg25[%dma_wait3A_72, %dma_wait3A_73] : memref<10000x136xf32, #tpu.memory_space<vmem_shared>> -> memref<10000x136xf32, #tpu.memory_space<vmem_shared>>
    tpu.wait_indirect_dma semaphore(%arg23 : memref<!tpu.dma_semaphore, #tpu.memory_space<semaphore_mem>>) src(%arg17 : memref<80x136xf32, #tpu.memory_space<vmem>>) dst(%dma_wait3A_74 : memref<10000x136xf32, #tpu.memory_space<vmem_shared>>)
    %dma_wait3A_75 = arith.constant 0 : i32
    %dma_wait3A_76 = arith.constant 0 : i32
    %dma_wait3A_77 = tpu.memref_slice %arg25[%dma_wait3A_75, %dma_wait3A_76] : memref<10000x136xf32, #tpu.memory_space<vmem_shared>> -> memref<10000x136xf32, #tpu.memory_space<vmem_shared>>
    tpu.wait_indirect_dma semaphore(%arg24 : memref<!tpu.dma_semaphore, #tpu.memory_space<semaphore_mem>>) src(%arg18 : memref<80x136xf32, #tpu.memory_space<vmem>>) dst(%dma_wait3A_77 : memref<10000x136xf32, #tpu.memory_space<vmem_shared>>)
    %barrier3A_78 = arith.constant 0 : index
    tpu.barrier barrier_id(%barrier3A_78)
    %add3A_79 = arith.constant 0 : i32
    %add3A_80 = arith.addi %mul3A_7, %add3A_79 : i32
    "tpu.region"() ({
      %run_scoped3A = tpu.sem_alloc : memref<!tpu.dma_semaphore, #tpu.memory_space<semaphore_mem>>
      %dma_start3A_111 = arith.constant 0 : i32
      %dma_start3A_112 = arith.constant 0 : i32
      %dma_start3A_113 = tpu.memref_slice %arg17[%dma_start3A_111, %dma_start3A_112] : memref<80x136xf32, #tpu.memory_space<vmem>> -> memref<80x136xf32, #tpu.memory_space<vmem>>
      %dma_start3A_114 = arith.constant 0 : i32
      %dma_start3A_115 = tpu.memref_slice %arg25[%add3A_80, %dma_start3A_114] : memref<10000x136xf32, #tpu.memory_space<vmem_shared>> -> memref<80x136xf32, #tpu.memory_space<vmem_shared>>
      %dma_start3A_116 = arith.constant 0 : i32
      %dma_start3A_117 = arith.constant 0 : i32
      %dma_start3A_118 = tpu.memref_slice %arg17[%dma_start3A_116, %dma_start3A_117] : memref<80x136xf32, #tpu.memory_space<vmem>> -> memref<80x136xf32, #tpu.memory_space<vmem>>
      %dma_start3A_119 = arith.constant 0 : i32
      %dma_start3A_120 = tpu.memref_slice %arg25[%add3A_80, %dma_start3A_119] : memref<10000x136xf32, #tpu.memory_space<vmem_shared>> -> memref<80x136xf32, #tpu.memory_space<vmem_shared>>
      tpu.enqueue_dma source(%dma_start3A_120 : memref<80x136xf32, #tpu.memory_space<vmem_shared>>) target(%dma_start3A_118 : memref<80x136xf32, #tpu.memory_space<vmem>>) target_semaphore(%run_scoped3A : memref<!tpu.dma_semaphore, #tpu.memory_space<semaphore_mem>>)
      %dma_wait3A_121 = arith.constant 0 : i32
      %dma_wait3A_122 = arith.constant 0 : i32
      %dma_wait3A_123 = tpu.memref_slice %arg17[%dma_wait3A_121, %dma_wait3A_122] : memref<80x136xf32, #tpu.memory_space<vmem>> -> memref<80x136xf32, #tpu.memory_space<vmem>>
      %dma_wait3A_124 = arith.constant 0 : i32
      %dma_wait3A_125 = tpu.memref_slice %arg25[%add3A_80, %dma_wait3A_124] : memref<10000x136xf32, #tpu.memory_space<vmem_shared>> -> memref<80x136xf32, #tpu.memory_space<vmem_shared>>
      %dma_wait3A_126 = arith.constant 0 : i32
      %dma_wait3A_127 = arith.constant 0 : i32
      %dma_wait3A_128 = tpu.memref_slice %arg17[%dma_wait3A_126, %dma_wait3A_127] : memref<80x136xf32, #tpu.memory_space<vmem>> -> memref<80x136xf32, #tpu.memory_space<vmem>>
      %dma_wait3A_129 = arith.constant 0 : i32
      %dma_wait3A_130 = tpu.memref_slice %arg25[%add3A_80, %dma_wait3A_129] : memref<10000x136xf32, #tpu.memory_space<vmem_shared>> -> memref<80x136xf32, #tpu.memory_space<vmem_shared>>
      tpu.wait_dma2 semaphore(%run_scoped3A : memref<!tpu.dma_semaphore, #tpu.memory_space<semaphore_mem>>) src(%dma_wait3A_130 : memref<80x136xf32, #tpu.memory_space<vmem_shared>>) dst(%dma_wait3A_128 : memref<80x136xf32, #tpu.memory_space<vmem>>)
      tpu.yield
    }) : () -> ()
    %add3A_81 = arith.constant 0 : i32
    %add3A_82 = arith.addi %mul3A_7, %add3A_81 : i32
    "tpu.region"() ({
      %run_scoped3A = tpu.sem_alloc : memref<!tpu.dma_semaphore, #tpu.memory_space<semaphore_mem>>
      %dma_start3A_111 = arith.constant 0 : i32
      %dma_start3A_112 = arith.constant 0 : i32
      %dma_start3A_113 = tpu.memref_slice %arg17[%dma_start3A_111, %dma_start3A_112] : memref<80x136xf32, #tpu.memory_space<vmem>> -> memref<80x136xf32, #tpu.memory_space<vmem>>
      %dma_start3A_114 = arith.constant 0 : i32
      %dma_start3A_115 = tpu.memref_slice %arg6[%arg0, %add3A_82, %dma_start3A_114] : memref<2x10000x136xf32, #tpu.memory_space<hbm>> -> memref<1x80x136xf32, #tpu.memory_space<hbm>>
      %dma_start3A_116 = tpu.memref_squeeze %dma_start3A_115 : memref<1x80x136xf32, #tpu.memory_space<hbm>> -> memref<80x136xf32, #tpu.memory_space<hbm>>
      %dma_start3A_117 = arith.constant 0 : i32
      %dma_start3A_118 = tpu.memref_slice %arg6[%arg0, %add3A_82, %dma_start3A_117] : memref<2x10000x136xf32, #tpu.memory_space<hbm>> -> memref<1x80x136xf32, #tpu.memory_space<hbm>>
      %dma_start3A_119 = tpu.memref_squeeze %dma_start3A_118 : memref<1x80x136xf32, #tpu.memory_space<hbm>> -> memref<80x136xf32, #tpu.memory_space<hbm>>
      %dma_start3A_120 = arith.constant 0 : i32
      %dma_start3A_121 = arith.constant 0 : i32
      %dma_start3A_122 = tpu.memref_slice %arg17[%dma_start3A_120, %dma_start3A_121] : memref<80x136xf32, #tpu.memory_space<vmem>> -> memref<80x136xf32, #tpu.memory_space<vmem>>
      tpu.enqueue_dma source(%dma_start3A_122 : memref<80x136xf32, #tpu.memory_space<vmem>>) target(%dma_start3A_119 : memref<80x136xf32, #tpu.memory_space<hbm>>) target_semaphore(%run_scoped3A : memref<!tpu.dma_semaphore, #tpu.memory_space<semaphore_mem>>)
      %dma_wait3A_123 = arith.constant 0 : i32
      %dma_wait3A_124 = arith.constant 0 : i32
      %dma_wait3A_125 = tpu.memref_slice %arg17[%dma_wait3A_123, %dma_wait3A_124] : memref<80x136xf32, #tpu.memory_space<vmem>> -> memref<80x136xf32, #tpu.memory_space<vmem>>
      %dma_wait3A_126 = arith.constant 0 : i32
      %dma_wait3A_127 = tpu.memref_slice %arg6[%arg0, %add3A_82, %dma_wait3A_126] : memref<2x10000x136xf32, #tpu.memory_space<hbm>> -> memref<1x80x136xf32, #tpu.memory_space<hbm>>
      %dma_wait3A_128 = tpu.memref_squeeze %dma_wait3A_127 : memref<1x80x136xf32, #tpu.memory_space<hbm>> -> memref<80x136xf32, #tpu.memory_space<hbm>>
      %dma_wait3A_129 = arith.constant 0 : i32
      %dma_wait3A_130 = tpu.memref_slice %arg6[%arg0, %add3A_82, %dma_wait3A_129] : memref<2x10000x136xf32, #tpu.memory_space<hbm>> -> memref<1x80x136xf32, #tpu.memory_space<hbm>>
      %dma_wait3A_131 = tpu.memref_squeeze %dma_wait3A_130 : memref<1x80x136xf32, #tpu.memory_space<hbm>> -> memref<80x136xf32, #tpu.memory_space<hbm>>
      %dma_wait3A_132 = arith.constant 0 : i32
      %dma_wait3A_133 = arith.constant 0 : i32
      %dma_wait3A_134 = tpu.memref_slice %arg17[%dma_wait3A_132, %dma_wait3A_133] : memref<80x136xf32, #tpu.memory_space<vmem>> -> memref<80x136xf32, #tpu.memory_space<vmem>>
      tpu.wait_dma2 semaphore(%run_scoped3A : memref<!tpu.dma_semaphore, #tpu.memory_space<semaphore_mem>>) src(%dma_wait3A_134 : memref<80x136xf32, #tpu.memory_space<vmem>>) dst(%dma_wait3A_131 : memref<80x136xf32, #tpu.memory_space<hbm>>)
      tpu.yield
    }) : () -> ()
    %add3A_83 = arith.constant 80 : i32
    %add3A_84 = arith.addi %mul3A_7, %add3A_83 : i32
    "tpu.region"() ({
      %run_scoped3A = tpu.sem_alloc : memref<!tpu.dma_semaphore, #tpu.memory_space<semaphore_mem>>
      %dma_start3A_111 = arith.constant 0 : i32
      %dma_start3A_112 = arith.constant 0 : i32
      %dma_start3A_113 = tpu.memref_slice %arg17[%dma_start3A_111, %dma_start3A_112] : memref<80x136xf32, #tpu.memory_space<vmem>> -> memref<80x136xf32, #tpu.memory_space<vmem>>
      %dma_start3A_114 = arith.constant 0 : i32
      %dma_start3A_115 = tpu.memref_slice %arg25[%add3A_84, %dma_start3A_114] : memref<10000x136xf32, #tpu.memory_space<vmem_shared>> -> memref<80x136xf32, #tpu.memory_space<vmem_shared>>
      %dma_start3A_116 = arith.constant 0 : i32
      %dma_start3A_117 = arith.constant 0 : i32
      %dma_start3A_118 = tpu.memref_slice %arg17[%dma_start3A_116, %dma_start3A_117] : memref<80x136xf32, #tpu.memory_space<vmem>> -> memref<80x136xf32, #tpu.memory_space<vmem>>
      %dma_start3A_119 = arith.constant 0 : i32
      %dma_start3A_120 = tpu.memref_slice %arg25[%add3A_84, %dma_start3A_119] : memref<10000x136xf32, #tpu.memory_space<vmem_shared>> -> memref<80x136xf32, #tpu.memory_space<vmem_shared>>
      tpu.enqueue_dma source(%dma_start3A_120 : memref<80x136xf32, #tpu.memory_space<vmem_shared>>) target(%dma_start3A_118 : memref<80x136xf32, #tpu.memory_space<vmem>>) target_semaphore(%run_scoped3A : memref<!tpu.dma_semaphore, #tpu.memory_space<semaphore_mem>>)
      %dma_wait3A_121 = arith.constant 0 : i32
      %dma_wait3A_122 = arith.constant 0 : i32
      %dma_wait3A_123 = tpu.memref_slice %arg17[%dma_wait3A_121, %dma_wait3A_122] : memref<80x136xf32, #tpu.memory_space<vmem>> -> memref<80x136xf32, #tpu.memory_space<vmem>>
      %dma_wait3A_124 = arith.constant 0 : i32
      %dma_wait3A_125 = tpu.memref_slice %arg25[%add3A_84, %dma_wait3A_124] : memref<10000x136xf32, #tpu.memory_space<vmem_shared>> -> memref<80x136xf32, #tpu.memory_space<vmem_shared>>
      %dma_wait3A_126 = arith.constant 0 : i32
      %dma_wait3A_127 = arith.constant 0 : i32
      %dma_wait3A_128 = tpu.memref_slice %arg17[%dma_wait3A_126, %dma_wait3A_127] : memref<80x136xf32, #tpu.memory_space<vmem>> -> memref<80x136xf32, #tpu.memory_space<vmem>>
      %dma_wait3A_129 = arith.constant 0 : i32
      %dma_wait3A_130 = tpu.memref_slice %arg25[%add3A_84, %dma_wait3A_129] : memref<10000x136xf32, #tpu.memory_space<vmem_shared>> -> memref<80x136xf32, #tpu.memory_space<vmem_shared>>
      tpu.wait_dma2 semaphore(%run_scoped3A : memref<!tpu.dma_semaphore, #tpu.memory_space<semaphore_mem>>) src(%dma_wait3A_130 : memref<80x136xf32, #tpu.memory_space<vmem_shared>>) dst(%dma_wait3A_128 : memref<80x136xf32, #tpu.memory_space<vmem>>)
      tpu.yield
    }) : () -> ()
    %add3A_85 = arith.constant 80 : i32
    %add3A_86 = arith.addi %mul3A_7, %add3A_85 : i32
    "tpu.region"() ({
      %run_scoped3A = tpu.sem_alloc : memref<!tpu.dma_semaphore, #tpu.memory_space<semaphore_mem>>
      %dma_start3A_111 = arith.constant 0 : i32
      %dma_start3A_112 = arith.constant 0 : i32
      %dma_start3A_113 = tpu.memref_slice %arg17[%dma_start3A_111, %dma_start3A_112] : memref<80x136xf32, #tpu.memory_space<vmem>> -> memref<80x136xf32, #tpu.memory_space<vmem>>
      %dma_start3A_114 = arith.constant 0 : i32
      %dma_start3A_115 = tpu.memref_slice %arg6[%arg0, %add3A_86, %dma_start3A_114] : memref<2x10000x136xf32, #tpu.memory_space<hbm>> -> memref<1x80x136xf32, #tpu.memory_space<hbm>>
      %dma_start3A_116 = tpu.memref_squeeze %dma_start3A_115 : memref<1x80x136xf32, #tpu.memory_space<hbm>> -> memref<80x136xf32, #tpu.memory_space<hbm>>
      %dma_start3A_117 = arith.constant 0 : i32
      %dma_start3A_118 = tpu.memref_slice %arg6[%arg0, %add3A_86, %dma_start3A_117] : memref<2x10000x136xf32, #tpu.memory_space<hbm>> -> memref<1x80x136xf32, #tpu.memory_space<hbm>>
      %dma_start3A_119 = tpu.memref_squeeze %dma_start3A_118 : memref<1x80x136xf32, #tpu.memory_space<hbm>> -> memref<80x136xf32, #tpu.memory_space<hbm>>
      %dma_start3A_120 = arith.constant 0 : i32
      %dma_start3A_121 = arith.constant 0 : i32
      %dma_start3A_122 = tpu.memref_slice %arg17[%dma_start3A_120, %dma_start3A_121] : memref<80x136xf32, #tpu.memory_space<vmem>> -> memref<80x136xf32, #tpu.memory_space<vmem>>
      tpu.enqueue_dma source(%dma_start3A_122 : memref<80x136xf32, #tpu.memory_space<vmem>>) target(%dma_start3A_119 : memref<80x136xf32, #tpu.memory_space<hbm>>) target_semaphore(%run_scoped3A : memref<!tpu.dma_semaphore, #tpu.memory_space<semaphore_mem>>)
      %dma_wait3A_123 = arith.constant 0 : i32
      %dma_wait3A_124 = arith.constant 0 : i32
      %dma_wait3A_125 = tpu.memref_slice %arg17[%dma_wait3A_123, %dma_wait3A_124] : memref<80x136xf32, #tpu.memory_space<vmem>> -> memref<80x136xf32, #tpu.memory_space<vmem>>
      %dma_wait3A_126 = arith.constant 0 : i32
      %dma_wait3A_127 = tpu.memref_slice %arg6[%arg0, %add3A_86, %dma_wait3A_126] : memref<2x10000x136xf32, #tpu.memory_space<hbm>> -> memref<1x80x136xf32, #tpu.memory_space<hbm>>
      %dma_wait3A_128 = tpu.memref_squeeze %dma_wait3A_127 : memref<1x80x136xf32, #tpu.memory_space<hbm>> -> memref<80x136xf32, #tpu.memory_space<hbm>>
      %dma_wait3A_129 = arith.constant 0 : i32
      %dma_wait3A_130 = tpu.memref_slice %arg6[%arg0, %add3A_86, %dma_wait3A_129] : memref<2x10000x136xf32, #tpu.memory_space<hbm>> -> memref<1x80x136xf32, #tpu.memory_space<hbm>>
      %dma_wait3A_131 = tpu.memref_squeeze %dma_wait3A_130 : memref<1x80x136xf32, #tpu.memory_space<hbm>> -> memref<80x136xf32, #tpu.memory_space<hbm>>
      %dma_wait3A_132 = arith.constant 0 : i32
      %dma_wait3A_133 = arith.constant 0 : i32
      %dma_wait3A_134 = tpu.memref_slice %arg17[%dma_wait3A_132, %dma_wait3A_133] : memref<80x136xf32, #tpu.memory_space<vmem>> -> memref<80x136xf32, #tpu.memory_space<vmem>>
      tpu.wait_dma2 semaphore(%run_scoped3A : memref<!tpu.dma_semaphore, #tpu.memory_space<semaphore_mem>>) src(%dma_wait3A_134 : memref<80x136xf32, #tpu.memory_space<vmem>>) dst(%dma_wait3A_131 : memref<80x136xf32, #tpu.memory_space<hbm>>)
      tpu.yield
    }) : () -> ()
    %add3A_87 = arith.constant 160 : i32
    %add3A_88 = arith.addi %mul3A_7, %add3A_87 : i32
    "tpu.region"() ({
      %run_scoped3A = tpu.sem_alloc : memref<!tpu.dma_semaphore, #tpu.memory_space<semaphore_mem>>
      %dma_start3A_111 = arith.constant 0 : i32
      %dma_start3A_112 = arith.constant 0 : i32
      %dma_start3A_113 = tpu.memref_slice %arg17[%dma_start3A_111, %dma_start3A_112] : memref<80x136xf32, #tpu.memory_space<vmem>> -> memref<80x136xf32, #tpu.memory_space<vmem>>
      %dma_start3A_114 = arith.constant 0 : i32
      %dma_start3A_115 = tpu.memref_slice %arg25[%add3A_88, %dma_start3A_114] : memref<10000x136xf32, #tpu.memory_space<vmem_shared>> -> memref<80x136xf32, #tpu.memory_space<vmem_shared>>
      %dma_start3A_116 = arith.constant 0 : i32
      %dma_start3A_117 = arith.constant 0 : i32
      %dma_start3A_118 = tpu.memref_slice %arg17[%dma_start3A_116, %dma_start3A_117] : memref<80x136xf32, #tpu.memory_space<vmem>> -> memref<80x136xf32, #tpu.memory_space<vmem>>
      %dma_start3A_119 = arith.constant 0 : i32
      %dma_start3A_120 = tpu.memref_slice %arg25[%add3A_88, %dma_start3A_119] : memref<10000x136xf32, #tpu.memory_space<vmem_shared>> -> memref<80x136xf32, #tpu.memory_space<vmem_shared>>
      tpu.enqueue_dma source(%dma_start3A_120 : memref<80x136xf32, #tpu.memory_space<vmem_shared>>) target(%dma_start3A_118 : memref<80x136xf32, #tpu.memory_space<vmem>>) target_semaphore(%run_scoped3A : memref<!tpu.dma_semaphore, #tpu.memory_space<semaphore_mem>>)
      %dma_wait3A_121 = arith.constant 0 : i32
      %dma_wait3A_122 = arith.constant 0 : i32
      %dma_wait3A_123 = tpu.memref_slice %arg17[%dma_wait3A_121, %dma_wait3A_122] : memref<80x136xf32, #tpu.memory_space<vmem>> -> memref<80x136xf32, #tpu.memory_space<vmem>>
      %dma_wait3A_124 = arith.constant 0 : i32
      %dma_wait3A_125 = tpu.memref_slice %arg25[%add3A_88, %dma_wait3A_124] : memref<10000x136xf32, #tpu.memory_space<vmem_shared>> -> memref<80x136xf32, #tpu.memory_space<vmem_shared>>
      %dma_wait3A_126 = arith.constant 0 : i32
      %dma_wait3A_127 = arith.constant 0 : i32
      %dma_wait3A_128 = tpu.memref_slice %arg17[%dma_wait3A_126, %dma_wait3A_127] : memref<80x136xf32, #tpu.memory_space<vmem>> -> memref<80x136xf32, #tpu.memory_space<vmem>>
      %dma_wait3A_129 = arith.constant 0 : i32
      %dma_wait3A_130 = tpu.memref_slice %arg25[%add3A_88, %dma_wait3A_129] : memref<10000x136xf32, #tpu.memory_space<vmem_shared>> -> memref<80x136xf32, #tpu.memory_space<vmem_shared>>
      tpu.wait_dma2 semaphore(%run_scoped3A : memref<!tpu.dma_semaphore, #tpu.memory_space<semaphore_mem>>) src(%dma_wait3A_130 : memref<80x136xf32, #tpu.memory_space<vmem_shared>>) dst(%dma_wait3A_128 : memref<80x136xf32, #tpu.memory_space<vmem>>)
      tpu.yield
    }) : () -> ()
    %add3A_89 = arith.constant 160 : i32
    %add3A_90 = arith.addi %mul3A_7, %add3A_89 : i32
    "tpu.region"() ({
      %run_scoped3A = tpu.sem_alloc : memref<!tpu.dma_semaphore, #tpu.memory_space<semaphore_mem>>
      %dma_start3A_111 = arith.constant 0 : i32
      %dma_start3A_112 = arith.constant 0 : i32
      %dma_start3A_113 = tpu.memref_slice %arg17[%dma_start3A_111, %dma_start3A_112] : memref<80x136xf32, #tpu.memory_space<vmem>> -> memref<80x136xf32, #tpu.memory_space<vmem>>
      %dma_start3A_114 = arith.constant 0 : i32
      %dma_start3A_115 = tpu.memref_slice %arg6[%arg0, %add3A_90, %dma_start3A_114] : memref<2x10000x136xf32, #tpu.memory_space<hbm>> -> memref<1x80x136xf32, #tpu.memory_space<hbm>>
      %dma_start3A_116 = tpu.memref_squeeze %dma_start3A_115 : memref<1x80x136xf32, #tpu.memory_space<hbm>> -> memref<80x136xf32, #tpu.memory_space<hbm>>
      %dma_start3A_117 = arith.constant 0 : i32
      %dma_start3A_118 = tpu.memref_slice %arg6[%arg0, %add3A_90, %dma_start3A_117] : memref<2x10000x136xf32, #tpu.memory_space<hbm>> -> memref<1x80x136xf32, #tpu.memory_space<hbm>>
      %dma_start3A_119 = tpu.memref_squeeze %dma_start3A_118 : memref<1x80x136xf32, #tpu.memory_space<hbm>> -> memref<80x136xf32, #tpu.memory_space<hbm>>
      %dma_start3A_120 = arith.constant 0 : i32
      %dma_start3A_121 = arith.constant 0 : i32
      %dma_start3A_122 = tpu.memref_slice %arg17[%dma_start3A_120, %dma_start3A_121] : memref<80x136xf32, #tpu.memory_space<vmem>> -> memref<80x136xf32, #tpu.memory_space<vmem>>
      tpu.enqueue_dma source(%dma_start3A_122 : memref<80x136xf32, #tpu.memory_space<vmem>>) target(%dma_start3A_119 : memref<80x136xf32, #tpu.memory_space<hbm>>) target_semaphore(%run_scoped3A : memref<!tpu.dma_semaphore, #tpu.memory_space<semaphore_mem>>)
      %dma_wait3A_123 = arith.constant 0 : i32
      %dma_wait3A_124 = arith.constant 0 : i32
      %dma_wait3A_125 = tpu.memref_slice %arg17[%dma_wait3A_123, %dma_wait3A_124] : memref<80x136xf32, #tpu.memory_space<vmem>> -> memref<80x136xf32, #tpu.memory_space<vmem>>
      %dma_wait3A_126 = arith.constant 0 : i32
      %dma_wait3A_127 = tpu.memref_slice %arg6[%arg0, %add3A_90, %dma_wait3A_126] : memref<2x10000x136xf32, #tpu.memory_space<hbm>> -> memref<1x80x136xf32, #tpu.memory_space<hbm>>
      %dma_wait3A_128 = tpu.memref_squeeze %dma_wait3A_127 : memref<1x80x136xf32, #tpu.memory_space<hbm>> -> memref<80x136xf32, #tpu.memory_space<hbm>>
      %dma_wait3A_129 = arith.constant 0 : i32
      %dma_wait3A_130 = tpu.memref_slice %arg6[%arg0, %add3A_90, %dma_wait3A_129] : memref<2x10000x136xf32, #tpu.memory_space<hbm>> -> memref<1x80x136xf32, #tpu.memory_space<hbm>>
      %dma_wait3A_131 = tpu.memref_squeeze %dma_wait3A_130 : memref<1x80x136xf32, #tpu.memory_space<hbm>> -> memref<80x136xf32, #tpu.memory_space<hbm>>
      %dma_wait3A_132 = arith.constant 0 : i32
      %dma_wait3A_133 = arith.constant 0 : i32
      %dma_wait3A_134 = tpu.memref_slice %arg17[%dma_wait3A_132, %dma_wait3A_133] : memref<80x136xf32, #tpu.memory_space<vmem>> -> memref<80x136xf32, #tpu.memory_space<vmem>>
      tpu.wait_dma2 semaphore(%run_scoped3A : memref<!tpu.dma_semaphore, #tpu.memory_space<semaphore_mem>>) src(%dma_wait3A_134 : memref<80x136xf32, #tpu.memory_space<vmem>>) dst(%dma_wait3A_131 : memref<80x136xf32, #tpu.memory_space<hbm>>)
      tpu.yield
    }) : () -> ()
    %add3A_91 = arith.constant 240 : i32
    %add3A_92 = arith.addi %mul3A_7, %add3A_91 : i32
    "tpu.region"() ({
      %run_scoped3A = tpu.sem_alloc : memref<!tpu.dma_semaphore, #tpu.memory_space<semaphore_mem>>
      %dma_start3A_111 = arith.constant 0 : i32
      %dma_start3A_112 = arith.constant 0 : i32
      %dma_start3A_113 = tpu.memref_slice %arg17[%dma_start3A_111, %dma_start3A_112] : memref<80x136xf32, #tpu.memory_space<vmem>> -> memref<80x136xf32, #tpu.memory_space<vmem>>
      %dma_start3A_114 = arith.constant 0 : i32
      %dma_start3A_115 = tpu.memref_slice %arg25[%add3A_92, %dma_start3A_114] : memref<10000x136xf32, #tpu.memory_space<vmem_shared>> -> memref<80x136xf32, #tpu.memory_space<vmem_shared>>
      %dma_start3A_116 = arith.constant 0 : i32
      %dma_start3A_117 = arith.constant 0 : i32
      %dma_start3A_118 = tpu.memref_slice %arg17[%dma_start3A_116, %dma_start3A_117] : memref<80x136xf32, #tpu.memory_space<vmem>> -> memref<80x136xf32, #tpu.memory_space<vmem>>
      %dma_start3A_119 = arith.constant 0 : i32
      %dma_start3A_120 = tpu.memref_slice %arg25[%add3A_92, %dma_start3A_119] : memref<10000x136xf32, #tpu.memory_space<vmem_shared>> -> memref<80x136xf32, #tpu.memory_space<vmem_shared>>
      tpu.enqueue_dma source(%dma_start3A_120 : memref<80x136xf32, #tpu.memory_space<vmem_shared>>) target(%dma_start3A_118 : memref<80x136xf32, #tpu.memory_space<vmem>>) target_semaphore(%run_scoped3A : memref<!tpu.dma_semaphore, #tpu.memory_space<semaphore_mem>>)
      %dma_wait3A_121 = arith.constant 0 : i32
      %dma_wait3A_122 = arith.constant 0 : i32
      %dma_wait3A_123 = tpu.memref_slice %arg17[%dma_wait3A_121, %dma_wait3A_122] : memref<80x136xf32, #tpu.memory_space<vmem>> -> memref<80x136xf32, #tpu.memory_space<vmem>>
      %dma_wait3A_124 = arith.constant 0 : i32
      %dma_wait3A_125 = tpu.memref_slice %arg25[%add3A_92, %dma_wait3A_124] : memref<10000x136xf32, #tpu.memory_space<vmem_shared>> -> memref<80x136xf32, #tpu.memory_space<vmem_shared>>
      %dma_wait3A_126 = arith.constant 0 : i32
      %dma_wait3A_127 = arith.constant 0 : i32
      %dma_wait3A_128 = tpu.memref_slice %arg17[%dma_wait3A_126, %dma_wait3A_127] : memref<80x136xf32, #tpu.memory_space<vmem>> -> memref<80x136xf32, #tpu.memory_space<vmem>>
      %dma_wait3A_129 = arith.constant 0 : i32
      %dma_wait3A_130 = tpu.memref_slice %arg25[%add3A_92, %dma_wait3A_129] : memref<10000x136xf32, #tpu.memory_space<vmem_shared>> -> memref<80x136xf32, #tpu.memory_space<vmem_shared>>
      tpu.wait_dma2 semaphore(%run_scoped3A : memref<!tpu.dma_semaphore, #tpu.memory_space<semaphore_mem>>) src(%dma_wait3A_130 : memref<80x136xf32, #tpu.memory_space<vmem_shared>>) dst(%dma_wait3A_128 : memref<80x136xf32, #tpu.memory_space<vmem>>)
      tpu.yield
    }) : () -> ()
    %add3A_93 = arith.constant 240 : i32
    %add3A_94 = arith.addi %mul3A_7, %add3A_93 : i32
    "tpu.region"() ({
      %run_scoped3A = tpu.sem_alloc : memref<!tpu.dma_semaphore, #tpu.memory_space<semaphore_mem>>
      %dma_start3A_111 = arith.constant 0 : i32
      %dma_start3A_112 = arith.constant 0 : i32
      %dma_start3A_113 = tpu.memref_slice %arg17[%dma_start3A_111, %dma_start3A_112] : memref<80x136xf32, #tpu.memory_space<vmem>> -> memref<80x136xf32, #tpu.memory_space<vmem>>
      %dma_start3A_114 = arith.constant 0 : i32
      %dma_start3A_115 = tpu.memref_slice %arg6[%arg0, %add3A_94, %dma_start3A_114] : memref<2x10000x136xf32, #tpu.memory_space<hbm>> -> memref<1x80x136xf32, #tpu.memory_space<hbm>>
      %dma_start3A_116 = tpu.memref_squeeze %dma_start3A_115 : memref<1x80x136xf32, #tpu.memory_space<hbm>> -> memref<80x136xf32, #tpu.memory_space<hbm>>
      %dma_start3A_117 = arith.constant 0 : i32
      %dma_start3A_118 = tpu.memref_slice %arg6[%arg0, %add3A_94, %dma_start3A_117] : memref<2x10000x136xf32, #tpu.memory_space<hbm>> -> memref<1x80x136xf32, #tpu.memory_space<hbm>>
      %dma_start3A_119 = tpu.memref_squeeze %dma_start3A_118 : memref<1x80x136xf32, #tpu.memory_space<hbm>> -> memref<80x136xf32, #tpu.memory_space<hbm>>
      %dma_start3A_120 = arith.constant 0 : i32
      %dma_start3A_121 = arith.constant 0 : i32
      %dma_start3A_122 = tpu.memref_slice %arg17[%dma_start3A_120, %dma_start3A_121] : memref<80x136xf32, #tpu.memory_space<vmem>> -> memref<80x136xf32, #tpu.memory_space<vmem>>
      tpu.enqueue_dma source(%dma_start3A_122 : memref<80x136xf32, #tpu.memory_space<vmem>>) target(%dma_start3A_119 : memref<80x136xf32, #tpu.memory_space<hbm>>) target_semaphore(%run_scoped3A : memref<!tpu.dma_semaphore, #tpu.memory_space<semaphore_mem>>)
      %dma_wait3A_123 = arith.constant 0 : i32
      %dma_wait3A_124 = arith.constant 0 : i32
      %dma_wait3A_125 = tpu.memref_slice %arg17[%dma_wait3A_123, %dma_wait3A_124] : memref<80x136xf32, #tpu.memory_space<vmem>> -> memref<80x136xf32, #tpu.memory_space<vmem>>
      %dma_wait3A_126 = arith.constant 0 : i32
      %dma_wait3A_127 = tpu.memref_slice %arg6[%arg0, %add3A_94, %dma_wait3A_126] : memref<2x10000x136xf32, #tpu.memory_space<hbm>> -> memref<1x80x136xf32, #tpu.memory_space<hbm>>
      %dma_wait3A_128 = tpu.memref_squeeze %dma_wait3A_127 : memref<1x80x136xf32, #tpu.memory_space<hbm>> -> memref<80x136xf32, #tpu.memory_space<hbm>>
      %dma_wait3A_129 = arith.constant 0 : i32
      %dma_wait3A_130 = tpu.memref_slice %arg6[%arg0, %add3A_94, %dma_wait3A_129] : memref<2x10000x136xf32, #tpu.memory_space<hbm>> -> memref<1x80x136xf32, #tpu.memory_space<hbm>>
      %dma_wait3A_131 = tpu.memref_squeeze %dma_wait3A_130 : memref<1x80x136xf32, #tpu.memory_space<hbm>> -> memref<80x136xf32, #tpu.memory_space<hbm>>
      %dma_wait3A_132 = arith.constant 0 : i32
      %dma_wait3A_133 = arith.constant 0 : i32
      %dma_wait3A_134 = tpu.memref_slice %arg17[%dma_wait3A_132, %dma_wait3A_133] : memref<80x136xf32, #tpu.memory_space<vmem>> -> memref<80x136xf32, #tpu.memory_space<vmem>>
      tpu.wait_dma2 semaphore(%run_scoped3A : memref<!tpu.dma_semaphore, #tpu.memory_space<semaphore_mem>>) src(%dma_wait3A_134 : memref<80x136xf32, #tpu.memory_space<vmem>>) dst(%dma_wait3A_131 : memref<80x136xf32, #tpu.memory_space<hbm>>)
      tpu.yield
    }) : () -> ()
    %add3A_95 = arith.constant 320 : i32
    %add3A_96 = arith.addi %mul3A_7, %add3A_95 : i32
    "tpu.region"() ({
      %run_scoped3A = tpu.sem_alloc : memref<!tpu.dma_semaphore, #tpu.memory_space<semaphore_mem>>
      %dma_start3A_111 = arith.constant 0 : i32
      %dma_start3A_112 = arith.constant 0 : i32
      %dma_start3A_113 = tpu.memref_slice %arg17[%dma_start3A_111, %dma_start3A_112] : memref<80x136xf32, #tpu.memory_space<vmem>> -> memref<80x136xf32, #tpu.memory_space<vmem>>
      %dma_start3A_114 = arith.constant 0 : i32
      %dma_start3A_115 = tpu.memref_slice %arg25[%add3A_96, %dma_start3A_114] : memref<10000x136xf32, #tpu.memory_space<vmem_shared>> -> memref<80x136xf32, #tpu.memory_space<vmem_shared>>
      %dma_start3A_116 = arith.constant 0 : i32
      %dma_start3A_117 = arith.constant 0 : i32
      %dma_start3A_118 = tpu.memref_slice %arg17[%dma_start3A_116, %dma_start3A_117] : memref<80x136xf32, #tpu.memory_space<vmem>> -> memref<80x136xf32, #tpu.memory_space<vmem>>
      %dma_start3A_119 = arith.constant 0 : i32
      %dma_start3A_120 = tpu.memref_slice %arg25[%add3A_96, %dma_start3A_119] : memref<10000x136xf32, #tpu.memory_space<vmem_shared>> -> memref<80x136xf32, #tpu.memory_space<vmem_shared>>
      tpu.enqueue_dma source(%dma_start3A_120 : memref<80x136xf32, #tpu.memory_space<vmem_shared>>) target(%dma_start3A_118 : memref<80x136xf32, #tpu.memory_space<vmem>>) target_semaphore(%run_scoped3A : memref<!tpu.dma_semaphore, #tpu.memory_space<semaphore_mem>>)
      %dma_wait3A_121 = arith.constant 0 : i32
      %dma_wait3A_122 = arith.constant 0 : i32
      %dma_wait3A_123 = tpu.memref_slice %arg17[%dma_wait3A_121, %dma_wait3A_122] : memref<80x136xf32, #tpu.memory_space<vmem>> -> memref<80x136xf32, #tpu.memory_space<vmem>>
      %dma_wait3A_124 = arith.constant 0 : i32
      %dma_wait3A_125 = tpu.memref_slice %arg25[%add3A_96, %dma_wait3A_124] : memref<10000x136xf32, #tpu.memory_space<vmem_shared>> -> memref<80x136xf32, #tpu.memory_space<vmem_shared>>
      %dma_wait3A_126 = arith.constant 0 : i32
      %dma_wait3A_127 = arith.constant 0 : i32
      %dma_wait3A_128 = tpu.memref_slice %arg17[%dma_wait3A_126, %dma_wait3A_127] : memref<80x136xf32, #tpu.memory_space<vmem>> -> memref<80x136xf32, #tpu.memory_space<vmem>>
      %dma_wait3A_129 = arith.constant 0 : i32
      %dma_wait3A_130 = tpu.memref_slice %arg25[%add3A_96, %dma_wait3A_129] : memref<10000x136xf32, #tpu.memory_space<vmem_shared>> -> memref<80x136xf32, #tpu.memory_space<vmem_shared>>
      tpu.wait_dma2 semaphore(%run_scoped3A : memref<!tpu.dma_semaphore, #tpu.memory_space<semaphore_mem>>) src(%dma_wait3A_130 : memref<80x136xf32, #tpu.memory_space<vmem_shared>>) dst(%dma_wait3A_128 : memref<80x136xf32, #tpu.memory_space<vmem>>)
      tpu.yield
    }) : () -> ()
    %add3A_97 = arith.constant 320 : i32
    %add3A_98 = arith.addi %mul3A_7, %add3A_97 : i32
    "tpu.region"() ({
      %run_scoped3A = tpu.sem_alloc : memref<!tpu.dma_semaphore, #tpu.memory_space<semaphore_mem>>
      %dma_start3A_111 = arith.constant 0 : i32
      %dma_start3A_112 = arith.constant 0 : i32
      %dma_start3A_113 = tpu.memref_slice %arg17[%dma_start3A_111, %dma_start3A_112] : memref<80x136xf32, #tpu.memory_space<vmem>> -> memref<80x136xf32, #tpu.memory_space<vmem>>
      %dma_start3A_114 = arith.constant 0 : i32
      %dma_start3A_115 = tpu.memref_slice %arg6[%arg0, %add3A_98, %dma_start3A_114] : memref<2x10000x136xf32, #tpu.memory_space<hbm>> -> memref<1x80x136xf32, #tpu.memory_space<hbm>>
      %dma_start3A_116 = tpu.memref_squeeze %dma_start3A_115 : memref<1x80x136xf32, #tpu.memory_space<hbm>> -> memref<80x136xf32, #tpu.memory_space<hbm>>
      %dma_start3A_117 = arith.constant 0 : i32
      %dma_start3A_118 = tpu.memref_slice %arg6[%arg0, %add3A_98, %dma_start3A_117] : memref<2x10000x136xf32, #tpu.memory_space<hbm>> -> memref<1x80x136xf32, #tpu.memory_space<hbm>>
      %dma_start3A_119 = tpu.memref_squeeze %dma_start3A_118 : memref<1x80x136xf32, #tpu.memory_space<hbm>> -> memref<80x136xf32, #tpu.memory_space<hbm>>
      %dma_start3A_120 = arith.constant 0 : i32
      %dma_start3A_121 = arith.constant 0 : i32
      %dma_start3A_122 = tpu.memref_slice %arg17[%dma_start3A_120, %dma_start3A_121] : memref<80x136xf32, #tpu.memory_space<vmem>> -> memref<80x136xf32, #tpu.memory_space<vmem>>
      tpu.enqueue_dma source(%dma_start3A_122 : memref<80x136xf32, #tpu.memory_space<vmem>>) target(%dma_start3A_119 : memref<80x136xf32, #tpu.memory_space<hbm>>) target_semaphore(%run_scoped3A : memref<!tpu.dma_semaphore, #tpu.memory_space<semaphore_mem>>)
      %dma_wait3A_123 = arith.constant 0 : i32
      %dma_wait3A_124 = arith.constant 0 : i32
      %dma_wait3A_125 = tpu.memref_slice %arg17[%dma_wait3A_123, %dma_wait3A_124] : memref<80x136xf32, #tpu.memory_space<vmem>> -> memref<80x136xf32, #tpu.memory_space<vmem>>
      %dma_wait3A_126 = arith.constant 0 : i32
      %dma_wait3A_127 = tpu.memref_slice %arg6[%arg0, %add3A_98, %dma_wait3A_126] : memref<2x10000x136xf32, #tpu.memory_space<hbm>> -> memref<1x80x136xf32, #tpu.memory_space<hbm>>
      %dma_wait3A_128 = tpu.memref_squeeze %dma_wait3A_127 : memref<1x80x136xf32, #tpu.memory_space<hbm>> -> memref<80x136xf32, #tpu.memory_space<hbm>>
      %dma_wait3A_129 = arith.constant 0 : i32
      %dma_wait3A_130 = tpu.memref_slice %arg6[%arg0, %add3A_98, %dma_wait3A_129] : memref<2x10000x136xf32, #tpu.memory_space<hbm>> -> memref<1x80x136xf32, #tpu.memory_space<hbm>>
      %dma_wait3A_131 = tpu.memref_squeeze %dma_wait3A_130 : memref<1x80x136xf32, #tpu.memory_space<hbm>> -> memref<80x136xf32, #tpu.memory_space<hbm>>
      %dma_wait3A_132 = arith.constant 0 : i32
      %dma_wait3A_133 = arith.constant 0 : i32
      %dma_wait3A_134 = tpu.memref_slice %arg17[%dma_wait3A_132, %dma_wait3A_133] : memref<80x136xf32, #tpu.memory_space<vmem>> -> memref<80x136xf32, #tpu.memory_space<vmem>>
      tpu.wait_dma2 semaphore(%run_scoped3A : memref<!tpu.dma_semaphore, #tpu.memory_space<semaphore_mem>>) src(%dma_wait3A_134 : memref<80x136xf32, #tpu.memory_space<vmem>>) dst(%dma_wait3A_131 : memref<80x136xf32, #tpu.memory_space<hbm>>)
      tpu.yield
    }) : () -> ()
    %add3A_99 = arith.constant 400 : i32
    %add3A_100 = arith.addi %mul3A_7, %add3A_99 : i32
    "tpu.region"() ({
      %run_scoped3A = tpu.sem_alloc : memref<!tpu.dma_semaphore, #tpu.memory_space<semaphore_mem>>
      %dma_start3A_111 = arith.constant 0 : i32
      %dma_start3A_112 = arith.constant 0 : i32
      %dma_start3A_113 = tpu.memref_slice %arg17[%dma_start3A_111, %dma_start3A_112] : memref<80x136xf32, #tpu.memory_space<vmem>> -> memref<80x136xf32, #tpu.memory_space<vmem>>
      %dma_start3A_114 = arith.constant 0 : i32
      %dma_start3A_115 = tpu.memref_slice %arg25[%add3A_100, %dma_start3A_114] : memref<10000x136xf32, #tpu.memory_space<vmem_shared>> -> memref<80x136xf32, #tpu.memory_space<vmem_shared>>
      %dma_start3A_116 = arith.constant 0 : i32
      %dma_start3A_117 = arith.constant 0 : i32
      %dma_start3A_118 = tpu.memref_slice %arg17[%dma_start3A_116, %dma_start3A_117] : memref<80x136xf32, #tpu.memory_space<vmem>> -> memref<80x136xf32, #tpu.memory_space<vmem>>
      %dma_start3A_119 = arith.constant 0 : i32
      %dma_start3A_120 = tpu.memref_slice %arg25[%add3A_100, %dma_start3A_119] : memref<10000x136xf32, #tpu.memory_space<vmem_shared>> -> memref<80x136xf32, #tpu.memory_space<vmem_shared>>
      tpu.enqueue_dma source(%dma_start3A_120 : memref<80x136xf32, #tpu.memory_space<vmem_shared>>) target(%dma_start3A_118 : memref<80x136xf32, #tpu.memory_space<vmem>>) target_semaphore(%run_scoped3A : memref<!tpu.dma_semaphore, #tpu.memory_space<semaphore_mem>>)
      %dma_wait3A_121 = arith.constant 0 : i32
      %dma_wait3A_122 = arith.constant 0 : i32
      %dma_wait3A_123 = tpu.memref_slice %arg17[%dma_wait3A_121, %dma_wait3A_122] : memref<80x136xf32, #tpu.memory_space<vmem>> -> memref<80x136xf32, #tpu.memory_space<vmem>>
      %dma_wait3A_124 = arith.constant 0 : i32
      %dma_wait3A_125 = tpu.memref_slice %arg25[%add3A_100, %dma_wait3A_124] : memref<10000x136xf32, #tpu.memory_space<vmem_shared>> -> memref<80x136xf32, #tpu.memory_space<vmem_shared>>
      %dma_wait3A_126 = arith.constant 0 : i32
      %dma_wait3A_127 = arith.constant 0 : i32
      %dma_wait3A_128 = tpu.memref_slice %arg17[%dma_wait3A_126, %dma_wait3A_127] : memref<80x136xf32, #tpu.memory_space<vmem>> -> memref<80x136xf32, #tpu.memory_space<vmem>>
      %dma_wait3A_129 = arith.constant 0 : i32
      %dma_wait3A_130 = tpu.memref_slice %arg25[%add3A_100, %dma_wait3A_129] : memref<10000x136xf32, #tpu.memory_space<vmem_shared>> -> memref<80x136xf32, #tpu.memory_space<vmem_shared>>
      tpu.wait_dma2 semaphore(%run_scoped3A : memref<!tpu.dma_semaphore, #tpu.memory_space<semaphore_mem>>) src(%dma_wait3A_130 : memref<80x136xf32, #tpu.memory_space<vmem_shared>>) dst(%dma_wait3A_128 : memref<80x136xf32, #tpu.memory_space<vmem>>)
      tpu.yield
    }) : () -> ()
    %add3A_101 = arith.constant 400 : i32
    %add3A_102 = arith.addi %mul3A_7, %add3A_101 : i32
    "tpu.region"() ({
      %run_scoped3A = tpu.sem_alloc : memref<!tpu.dma_semaphore, #tpu.memory_space<semaphore_mem>>
      %dma_start3A_111 = arith.constant 0 : i32
      %dma_start3A_112 = arith.constant 0 : i32
      %dma_start3A_113 = tpu.memref_slice %arg17[%dma_start3A_111, %dma_start3A_112] : memref<80x136xf32, #tpu.memory_space<vmem>> -> memref<80x136xf32, #tpu.memory_space<vmem>>
      %dma_start3A_114 = arith.constant 0 : i32
      %dma_start3A_115 = tpu.memref_slice %arg6[%arg0, %add3A_102, %dma_start3A_114] : memref<2x10000x136xf32, #tpu.memory_space<hbm>> -> memref<1x80x136xf32, #tpu.memory_space<hbm>>
      %dma_start3A_116 = tpu.memref_squeeze %dma_start3A_115 : memref<1x80x136xf32, #tpu.memory_space<hbm>> -> memref<80x136xf32, #tpu.memory_space<hbm>>
      %dma_start3A_117 = arith.constant 0 : i32
      %dma_start3A_118 = tpu.memref_slice %arg6[%arg0, %add3A_102, %dma_start3A_117] : memref<2x10000x136xf32, #tpu.memory_space<hbm>> -> memref<1x80x136xf32, #tpu.memory_space<hbm>>
      %dma_start3A_119 = tpu.memref_squeeze %dma_start3A_118 : memref<1x80x136xf32, #tpu.memory_space<hbm>> -> memref<80x136xf32, #tpu.memory_space<hbm>>
      %dma_start3A_120 = arith.constant 0 : i32
      %dma_start3A_121 = arith.constant 0 : i32
      %dma_start3A_122 = tpu.memref_slice %arg17[%dma_start3A_120, %dma_start3A_121] : memref<80x136xf32, #tpu.memory_space<vmem>> -> memref<80x136xf32, #tpu.memory_space<vmem>>
      tpu.enqueue_dma source(%dma_start3A_122 : memref<80x136xf32, #tpu.memory_space<vmem>>) target(%dma_start3A_119 : memref<80x136xf32, #tpu.memory_space<hbm>>) target_semaphore(%run_scoped3A : memref<!tpu.dma_semaphore, #tpu.memory_space<semaphore_mem>>)
      %dma_wait3A_123 = arith.constant 0 : i32
      %dma_wait3A_124 = arith.constant 0 : i32
      %dma_wait3A_125 = tpu.memref_slice %arg17[%dma_wait3A_123, %dma_wait3A_124] : memref<80x136xf32, #tpu.memory_space<vmem>> -> memref<80x136xf32, #tpu.memory_space<vmem>>
      %dma_wait3A_126 = arith.constant 0 : i32
      %dma_wait3A_127 = tpu.memref_slice %arg6[%arg0, %add3A_102, %dma_wait3A_126] : memref<2x10000x136xf32, #tpu.memory_space<hbm>> -> memref<1x80x136xf32, #tpu.memory_space<hbm>>
      %dma_wait3A_128 = tpu.memref_squeeze %dma_wait3A_127 : memref<1x80x136xf32, #tpu.memory_space<hbm>> -> memref<80x136xf32, #tpu.memory_space<hbm>>
      %dma_wait3A_129 = arith.constant 0 : i32
      %dma_wait3A_130 = tpu.memref_slice %arg6[%arg0, %add3A_102, %dma_wait3A_129] : memref<2x10000x136xf32, #tpu.memory_space<hbm>> -> memref<1x80x136xf32, #tpu.memory_space<hbm>>
      %dma_wait3A_131 = tpu.memref_squeeze %dma_wait3A_130 : memref<1x80x136xf32, #tpu.memory_space<hbm>> -> memref<80x136xf32, #tpu.memory_space<hbm>>
      %dma_wait3A_132 = arith.constant 0 : i32
      %dma_wait3A_133 = arith.constant 0 : i32
      %dma_wait3A_134 = tpu.memref_slice %arg17[%dma_wait3A_132, %dma_wait3A_133] : memref<80x136xf32, #tpu.memory_space<vmem>> -> memref<80x136xf32, #tpu.memory_space<vmem>>
      tpu.wait_dma2 semaphore(%run_scoped3A : memref<!tpu.dma_semaphore, #tpu.memory_space<semaphore_mem>>) src(%dma_wait3A_134 : memref<80x136xf32, #tpu.memory_space<vmem>>) dst(%dma_wait3A_131 : memref<80x136xf32, #tpu.memory_space<hbm>>)
      tpu.yield
    }) : () -> ()
    %add3A_103 = arith.constant 480 : i32
    %add3A_104 = arith.addi %mul3A_7, %add3A_103 : i32
    "tpu.region"() ({
      %run_scoped3A = tpu.sem_alloc : memref<!tpu.dma_semaphore, #tpu.memory_space<semaphore_mem>>
      %dma_start3A_111 = arith.constant 0 : i32
      %dma_start3A_112 = arith.constant 0 : i32
      %dma_start3A_113 = tpu.memref_slice %arg17[%dma_start3A_111, %dma_start3A_112] : memref<80x136xf32, #tpu.memory_space<vmem>> -> memref<80x136xf32, #tpu.memory_space<vmem>>
      %dma_start3A_114 = arith.constant 0 : i32
      %dma_start3A_115 = tpu.memref_slice %arg25[%add3A_104, %dma_start3A_114] : memref<10000x136xf32, #tpu.memory_space<vmem_shared>> -> memref<80x136xf32, #tpu.memory_space<vmem_shared>>
      %dma_start3A_116 = arith.constant 0 : i32
      %dma_start3A_117 = arith.constant 0 : i32
      %dma_start3A_118 = tpu.memref_slice %arg17[%dma_start3A_116, %dma_start3A_117] : memref<80x136xf32, #tpu.memory_space<vmem>> -> memref<80x136xf32, #tpu.memory_space<vmem>>
      %dma_start3A_119 = arith.constant 0 : i32
      %dma_start3A_120 = tpu.memref_slice %arg25[%add3A_104, %dma_start3A_119] : memref<10000x136xf32, #tpu.memory_space<vmem_shared>> -> memref<80x136xf32, #tpu.memory_space<vmem_shared>>
      tpu.enqueue_dma source(%dma_start3A_120 : memref<80x136xf32, #tpu.memory_space<vmem_shared>>) target(%dma_start3A_118 : memref<80x136xf32, #tpu.memory_space<vmem>>) target_semaphore(%run_scoped3A : memref<!tpu.dma_semaphore, #tpu.memory_space<semaphore_mem>>)
      %dma_wait3A_121 = arith.constant 0 : i32
      %dma_wait3A_122 = arith.constant 0 : i32
      %dma_wait3A_123 = tpu.memref_slice %arg17[%dma_wait3A_121, %dma_wait3A_122] : memref<80x136xf32, #tpu.memory_space<vmem>> -> memref<80x136xf32, #tpu.memory_space<vmem>>
      %dma_wait3A_124 = arith.constant 0 : i32
      %dma_wait3A_125 = tpu.memref_slice %arg25[%add3A_104, %dma_wait3A_124] : memref<10000x136xf32, #tpu.memory_space<vmem_shared>> -> memref<80x136xf32, #tpu.memory_space<vmem_shared>>
      %dma_wait3A_126 = arith.constant 0 : i32
      %dma_wait3A_127 = arith.constant 0 : i32
      %dma_wait3A_128 = tpu.memref_slice %arg17[%dma_wait3A_126, %dma_wait3A_127] : memref<80x136xf32, #tpu.memory_space<vmem>> -> memref<80x136xf32, #tpu.memory_space<vmem>>
      %dma_wait3A_129 = arith.constant 0 : i32
      %dma_wait3A_130 = tpu.memref_slice %arg25[%add3A_104, %dma_wait3A_129] : memref<10000x136xf32, #tpu.memory_space<vmem_shared>> -> memref<80x136xf32, #tpu.memory_space<vmem_shared>>
      tpu.wait_dma2 semaphore(%run_scoped3A : memref<!tpu.dma_semaphore, #tpu.memory_space<semaphore_mem>>) src(%dma_wait3A_130 : memref<80x136xf32, #tpu.memory_space<vmem_shared>>) dst(%dma_wait3A_128 : memref<80x136xf32, #tpu.memory_space<vmem>>)
      tpu.yield
    }) : () -> ()
    %add3A_105 = arith.constant 480 : i32
    %add3A_106 = arith.addi %mul3A_7, %add3A_105 : i32
    "tpu.region"() ({
      %run_scoped3A = tpu.sem_alloc : memref<!tpu.dma_semaphore, #tpu.memory_space<semaphore_mem>>
      %dma_start3A_111 = arith.constant 0 : i32
      %dma_start3A_112 = arith.constant 0 : i32
      %dma_start3A_113 = tpu.memref_slice %arg17[%dma_start3A_111, %dma_start3A_112] : memref<80x136xf32, #tpu.memory_space<vmem>> -> memref<80x136xf32, #tpu.memory_space<vmem>>
      %dma_start3A_114 = arith.constant 0 : i32
      %dma_start3A_115 = tpu.memref_slice %arg6[%arg0, %add3A_106, %dma_start3A_114] : memref<2x10000x136xf32, #tpu.memory_space<hbm>> -> memref<1x80x136xf32, #tpu.memory_space<hbm>>
      %dma_start3A_116 = tpu.memref_squeeze %dma_start3A_115 : memref<1x80x136xf32, #tpu.memory_space<hbm>> -> memref<80x136xf32, #tpu.memory_space<hbm>>
      %dma_start3A_117 = arith.constant 0 : i32
      %dma_start3A_118 = tpu.memref_slice %arg6[%arg0, %add3A_106, %dma_start3A_117] : memref<2x10000x136xf32, #tpu.memory_space<hbm>> -> memref<1x80x136xf32, #tpu.memory_space<hbm>>
      %dma_start3A_119 = tpu.memref_squeeze %dma_start3A_118 : memref<1x80x136xf32, #tpu.memory_space<hbm>> -> memref<80x136xf32, #tpu.memory_space<hbm>>
      %dma_start3A_120 = arith.constant 0 : i32
      %dma_start3A_121 = arith.constant 0 : i32
      %dma_start3A_122 = tpu.memref_slice %arg17[%dma_start3A_120, %dma_start3A_121] : memref<80x136xf32, #tpu.memory_space<vmem>> -> memref<80x136xf32, #tpu.memory_space<vmem>>
      tpu.enqueue_dma source(%dma_start3A_122 : memref<80x136xf32, #tpu.memory_space<vmem>>) target(%dma_start3A_119 : memref<80x136xf32, #tpu.memory_space<hbm>>) target_semaphore(%run_scoped3A : memref<!tpu.dma_semaphore, #tpu.memory_space<semaphore_mem>>)
      %dma_wait3A_123 = arith.constant 0 : i32
      %dma_wait3A_124 = arith.constant 0 : i32
      %dma_wait3A_125 = tpu.memref_slice %arg17[%dma_wait3A_123, %dma_wait3A_124] : memref<80x136xf32, #tpu.memory_space<vmem>> -> memref<80x136xf32, #tpu.memory_space<vmem>>
      %dma_wait3A_126 = arith.constant 0 : i32
      %dma_wait3A_127 = tpu.memref_slice %arg6[%arg0, %add3A_106, %dma_wait3A_126] : memref<2x10000x136xf32, #tpu.memory_space<hbm>> -> memref<1x80x136xf32, #tpu.memory_space<hbm>>
      %dma_wait3A_128 = tpu.memref_squeeze %dma_wait3A_127 : memref<1x80x136xf32, #tpu.memory_space<hbm>> -> memref<80x136xf32, #tpu.memory_space<hbm>>
      %dma_wait3A_129 = arith.constant 0 : i32
      %dma_wait3A_130 = tpu.memref_slice %arg6[%arg0, %add3A_106, %dma_wait3A_129] : memref<2x10000x136xf32, #tpu.memory_space<hbm>> -> memref<1x80x136xf32, #tpu.memory_space<hbm>>
      %dma_wait3A_131 = tpu.memref_squeeze %dma_wait3A_130 : memref<1x80x136xf32, #tpu.memory_space<hbm>> -> memref<80x136xf32, #tpu.memory_space<hbm>>
      %dma_wait3A_132 = arith.constant 0 : i32
      %dma_wait3A_133 = arith.constant 0 : i32
      %dma_wait3A_134 = tpu.memref_slice %arg17[%dma_wait3A_132, %dma_wait3A_133] : memref<80x136xf32, #tpu.memory_space<vmem>> -> memref<80x136xf32, #tpu.memory_space<vmem>>
      tpu.wait_dma2 semaphore(%run_scoped3A : memref<!tpu.dma_semaphore, #tpu.memory_space<semaphore_mem>>) src(%dma_wait3A_134 : memref<80x136xf32, #tpu.memory_space<vmem>>) dst(%dma_wait3A_131 : memref<80x136xf32, #tpu.memory_space<hbm>>)
      tpu.yield
    }) : () -> ()
    %add3A_107 = arith.constant 560 : i32
    %add3A_108 = arith.addi %mul3A_7, %add3A_107 : i32
    "tpu.region"() ({
      %run_scoped3A = tpu.sem_alloc : memref<!tpu.dma_semaphore, #tpu.memory_space<semaphore_mem>>
      %dma_start3A_111 = arith.constant 0 : i32
      %dma_start3A_112 = arith.constant 0 : i32
      %dma_start3A_113 = tpu.memref_slice %arg17[%dma_start3A_111, %dma_start3A_112] : memref<80x136xf32, #tpu.memory_space<vmem>> -> memref<65x136xf32, #tpu.memory_space<vmem>>
      %dma_start3A_114 = arith.constant 0 : i32
      %dma_start3A_115 = tpu.memref_slice %arg25[%add3A_108, %dma_start3A_114] : memref<10000x136xf32, #tpu.memory_space<vmem_shared>> -> memref<65x136xf32, #tpu.memory_space<vmem_shared>>
      %dma_start3A_116 = arith.constant 0 : i32
      %dma_start3A_117 = arith.constant 0 : i32
      %dma_start3A_118 = tpu.memref_slice %arg17[%dma_start3A_116, %dma_start3A_117] : memref<80x136xf32, #tpu.memory_space<vmem>> -> memref<65x136xf32, #tpu.memory_space<vmem>>
      %dma_start3A_119 = arith.constant 0 : i32
      %dma_start3A_120 = tpu.memref_slice %arg25[%add3A_108, %dma_start3A_119] : memref<10000x136xf32, #tpu.memory_space<vmem_shared>> -> memref<65x136xf32, #tpu.memory_space<vmem_shared>>
      tpu.enqueue_dma source(%dma_start3A_120 : memref<65x136xf32, #tpu.memory_space<vmem_shared>>) target(%dma_start3A_118 : memref<65x136xf32, #tpu.memory_space<vmem>>) target_semaphore(%run_scoped3A : memref<!tpu.dma_semaphore, #tpu.memory_space<semaphore_mem>>)
      %dma_wait3A_121 = arith.constant 0 : i32
      %dma_wait3A_122 = arith.constant 0 : i32
      %dma_wait3A_123 = tpu.memref_slice %arg17[%dma_wait3A_121, %dma_wait3A_122] : memref<80x136xf32, #tpu.memory_space<vmem>> -> memref<65x136xf32, #tpu.memory_space<vmem>>
      %dma_wait3A_124 = arith.constant 0 : i32
      %dma_wait3A_125 = tpu.memref_slice %arg25[%add3A_108, %dma_wait3A_124] : memref<10000x136xf32, #tpu.memory_space<vmem_shared>> -> memref<65x136xf32, #tpu.memory_space<vmem_shared>>
      %dma_wait3A_126 = arith.constant 0 : i32
      %dma_wait3A_127 = arith.constant 0 : i32
      %dma_wait3A_128 = tpu.memref_slice %arg17[%dma_wait3A_126, %dma_wait3A_127] : memref<80x136xf32, #tpu.memory_space<vmem>> -> memref<65x136xf32, #tpu.memory_space<vmem>>
      %dma_wait3A_129 = arith.constant 0 : i32
      %dma_wait3A_130 = tpu.memref_slice %arg25[%add3A_108, %dma_wait3A_129] : memref<10000x136xf32, #tpu.memory_space<vmem_shared>> -> memref<65x136xf32, #tpu.memory_space<vmem_shared>>
      tpu.wait_dma2 semaphore(%run_scoped3A : memref<!tpu.dma_semaphore, #tpu.memory_space<semaphore_mem>>) src(%dma_wait3A_130 : memref<65x136xf32, #tpu.memory_space<vmem_shared>>) dst(%dma_wait3A_128 : memref<65x136xf32, #tpu.memory_space<vmem>>)
      tpu.yield
    }) : () -> ()
    %add3A_109 = arith.constant 560 : i32
    %add3A_110 = arith.addi %mul3A_7, %add3A_109 : i32
    "tpu.region"() ({
      %run_scoped3A = tpu.sem_alloc : memref<!tpu.dma_semaphore, #tpu.memory_space<semaphore_mem>>
      %dma_start3A_111 = arith.constant 0 : i32
      %dma_start3A_112 = arith.constant 0 : i32
      %dma_start3A_113 = tpu.memref_slice %arg17[%dma_start3A_111, %dma_start3A_112] : memref<80x136xf32, #tpu.memory_space<vmem>> -> memref<65x136xf32, #tpu.memory_space<vmem>>
      %dma_start3A_114 = arith.constant 0 : i32
      %dma_start3A_115 = tpu.memref_slice %arg6[%arg0, %add3A_110, %dma_start3A_114] : memref<2x10000x136xf32, #tpu.memory_space<hbm>> -> memref<1x65x136xf32, #tpu.memory_space<hbm>>
      %dma_start3A_116 = tpu.memref_squeeze %dma_start3A_115 : memref<1x65x136xf32, #tpu.memory_space<hbm>> -> memref<65x136xf32, #tpu.memory_space<hbm>>
      %dma_start3A_117 = arith.constant 0 : i32
      %dma_start3A_118 = tpu.memref_slice %arg6[%arg0, %add3A_110, %dma_start3A_117] : memref<2x10000x136xf32, #tpu.memory_space<hbm>> -> memref<1x65x136xf32, #tpu.memory_space<hbm>>
      %dma_start3A_119 = tpu.memref_squeeze %dma_start3A_118 : memref<1x65x136xf32, #tpu.memory_space<hbm>> -> memref<65x136xf32, #tpu.memory_space<hbm>>
      %dma_start3A_120 = arith.constant 0 : i32
      %dma_start3A_121 = arith.constant 0 : i32
      %dma_start3A_122 = tpu.memref_slice %arg17[%dma_start3A_120, %dma_start3A_121] : memref<80x136xf32, #tpu.memory_space<vmem>> -> memref<65x136xf32, #tpu.memory_space<vmem>>
      tpu.enqueue_dma source(%dma_start3A_122 : memref<65x136xf32, #tpu.memory_space<vmem>>) target(%dma_start3A_119 : memref<65x136xf32, #tpu.memory_space<hbm>>) target_semaphore(%run_scoped3A : memref<!tpu.dma_semaphore, #tpu.memory_space<semaphore_mem>>)
      %dma_wait3A_123 = arith.constant 0 : i32
      %dma_wait3A_124 = arith.constant 0 : i32
      %dma_wait3A_125 = tpu.memref_slice %arg17[%dma_wait3A_123, %dma_wait3A_124] : memref<80x136xf32, #tpu.memory_space<vmem>> -> memref<65x136xf32, #tpu.memory_space<vmem>>
      %dma_wait3A_126 = arith.constant 0 : i32
      %dma_wait3A_127 = tpu.memref_slice %arg6[%arg0, %add3A_110, %dma_wait3A_126] : memref<2x10000x136xf32, #tpu.memory_space<hbm>> -> memref<1x65x136xf32, #tpu.memory_space<hbm>>
      %dma_wait3A_128 = tpu.memref_squeeze %dma_wait3A_127 : memref<1x65x136xf32, #tpu.memory_space<hbm>> -> memref<65x136xf32, #tpu.memory_space<hbm>>
      %dma_wait3A_129 = arith.constant 0 : i32
      %dma_wait3A_130 = tpu.memref_slice %arg6[%arg0, %add3A_110, %dma_wait3A_129] : memref<2x10000x136xf32, #tpu.memory_space<hbm>> -> memref<1x65x136xf32, #tpu.memory_space<hbm>>
      %dma_wait3A_131 = tpu.memref_squeeze %dma_wait3A_130 : memref<1x65x136xf32, #tpu.memory_space<hbm>> -> memref<65x136xf32, #tpu.memory_space<hbm>>
      %dma_wait3A_132 = arith.constant 0 : i32
      %dma_wait3A_133 = arith.constant 0 : i32
      %dma_wait3A_134 = tpu.memref_slice %arg17[%dma_wait3A_132, %dma_wait3A_133] : memref<80x136xf32, #tpu.memory_space<vmem>> -> memref<65x136xf32, #tpu.memory_space<vmem>>
      tpu.wait_dma2 semaphore(%run_scoped3A : memref<!tpu.dma_semaphore, #tpu.memory_space<semaphore_mem>>) src(%dma_wait3A_134 : memref<65x136xf32, #tpu.memory_space<vmem>>) dst(%dma_wait3A_131 : memref<65x136xf32, #tpu.memory_space<hbm>>)
      tpu.yield
    }) : () -> ()
    return
  }
}

#map = affine_map<(d0, d1) -> (0, 0)>
#map1 = affine_map<(d0, d1) -> (0)>
module attributes {stable_mosaic.version = 14 : i64} {
  func.func @_k1_body(%arg0: i32, %arg1: i32, %arg2: memref<10000x256xf32, #tpu.memory_space<hbm>>, %arg3: memref<10000x256xf32, #tpu.memory_space<hbm>>, %arg4: memref<160000xi32, #tpu.memory_space<hbm>>, %arg5: memref<160000xi32, #tpu.memory_space<hbm>>, %arg6: memref<1280000xf32, #tpu.memory_space<hbm>>, %arg7: memref<80xi32, #tpu.memory_space<vmem>>, %arg8: memref<80xi32, #tpu.memory_space<vmem>>, %arg9: memref<80xi32, #tpu.memory_space<vmem>>, %arg10: memref<80xi32, #tpu.memory_space<vmem>>, %arg11: memref<80x256xf32, #tpu.memory_space<vmem>>, %arg12: memref<80x256xf32, #tpu.memory_space<vmem>>, %arg13: memref<80x256xf32, #tpu.memory_space<vmem>>, %arg14: memref<80x256xf32, #tpu.memory_space<vmem>>, %arg15: memref<640xf32, #tpu.memory_space<vmem>>, %arg16: memref<640xf32, #tpu.memory_space<vmem>>, %arg17: memref<!tpu.dma_semaphore, #tpu.memory_space<semaphore_mem>>, %arg18: memref<!tpu.dma_semaphore, #tpu.memory_space<semaphore_mem>>, %arg19: memref<!tpu.dma_semaphore, #tpu.memory_space<semaphore_mem>>, %arg20: memref<!tpu.dma_semaphore, #tpu.memory_space<semaphore_mem>>, %arg21: memref<!tpu.dma_semaphore, #tpu.memory_space<semaphore_mem>>, %arg22: memref<!tpu.dma_semaphore, #tpu.memory_space<semaphore_mem>>) attributes {dimension_semantics = [#tpu.dimension_semantics<core_parallel>, #tpu.dimension_semantics<subcore_parallel>], iteration_bounds = array<i64: 2, 16>, scalar_prefetch = 0 : i64, scratch_operands = 16 : i64, tpu.core_type = #tpu.core_type<sc_vector_subcore>, window_params = [{transform_indices = #map}, {transform_indices = #map}, {transform_indices = #map1}, {transform_indices = #map1}, {transform_indices = #map1}]} {
    %mul3A = arith.constant 16 : i32
    %mul3A_0 = arith.muli %arg0, %mul3A : i32
    %add3A = arith.addi %mul3A_0, %arg1 : i32
    %lt3A = arith.constant 16 : i32
    %lt3A_1 = arith.cmpi slt, %add3A, %lt3A : i32
    %jit3A = arith.constant 63 : i32
    %jit3A_2 = arith.constant 62 : i32
    %select_n3A = arith.select %lt3A_1, %jit3A, %jit3A_2 : i32
    %iota3A = tpu.iota {dimensions = array<i32: 0>} : vector<16xi32>
    %eq3A = arith.constant 0 : i32
    %eq3A_3 = vector.broadcast %eq3A : i32 to vector<16xi32>
    %eq3A_4 = arith.cmpi eq, %iota3A, %eq3A_3 : vector<16xi32>
    %eq3A_5 = arith.constant 1 : i32
    %eq3A_6 = vector.broadcast %eq3A_5 : i32 to vector<16xi32>
    %eq3A_7 = arith.cmpi eq, %iota3A, %eq3A_6 : vector<16xi32>
    %eq3A_8 = arith.constant 2 : i32
    %eq3A_9 = vector.broadcast %eq3A_8 : i32 to vector<16xi32>
    %eq3A_10 = arith.cmpi eq, %iota3A, %eq3A_9 : vector<16xi32>
    %eq3A_11 = arith.constant 3 : i32
    %eq3A_12 = vector.broadcast %eq3A_11 : i32 to vector<16xi32>
    %eq3A_13 = arith.cmpi eq, %iota3A, %eq3A_12 : vector<16xi32>
    %eq3A_14 = arith.constant 4 : i32
    %eq3A_15 = vector.broadcast %eq3A_14 : i32 to vector<16xi32>
    %eq3A_16 = arith.cmpi eq, %iota3A, %eq3A_15 : vector<16xi32>
    %eq3A_17 = arith.constant 5 : i32
    %eq3A_18 = vector.broadcast %eq3A_17 : i32 to vector<16xi32>
    %eq3A_19 = arith.cmpi eq, %iota3A, %eq3A_18 : vector<16xi32>
    %eq3A_20 = arith.constant 6 : i32
    %eq3A_21 = vector.broadcast %eq3A_20 : i32 to vector<16xi32>
    %eq3A_22 = arith.cmpi eq, %iota3A, %eq3A_21 : vector<16xi32>
    %eq3A_23 = arith.constant 7 : i32
    %eq3A_24 = vector.broadcast %eq3A_23 : i32 to vector<16xi32>
    %eq3A_25 = arith.cmpi eq, %iota3A, %eq3A_24 : vector<16xi32>
    %eq3A_26 = arith.constant 8 : i32
    %eq3A_27 = vector.broadcast %eq3A_26 : i32 to vector<16xi32>
    %eq3A_28 = arith.cmpi eq, %iota3A, %eq3A_27 : vector<16xi32>
    %eq3A_29 = arith.constant 9 : i32
    %eq3A_30 = vector.broadcast %eq3A_29 : i32 to vector<16xi32>
    %eq3A_31 = arith.cmpi eq, %iota3A, %eq3A_30 : vector<16xi32>
    %eq3A_32 = arith.constant 10 : i32
    %eq3A_33 = vector.broadcast %eq3A_32 : i32 to vector<16xi32>
    %eq3A_34 = arith.cmpi eq, %iota3A, %eq3A_33 : vector<16xi32>
    %eq3A_35 = arith.constant 11 : i32
    %eq3A_36 = vector.broadcast %eq3A_35 : i32 to vector<16xi32>
    %eq3A_37 = arith.cmpi eq, %iota3A, %eq3A_36 : vector<16xi32>
    %eq3A_38 = arith.constant 12 : i32
    %eq3A_39 = vector.broadcast %eq3A_38 : i32 to vector<16xi32>
    %eq3A_40 = arith.cmpi eq, %iota3A, %eq3A_39 : vector<16xi32>
    %eq3A_41 = arith.constant 13 : i32
    %eq3A_42 = vector.broadcast %eq3A_41 : i32 to vector<16xi32>
    %eq3A_43 = arith.cmpi eq, %iota3A, %eq3A_42 : vector<16xi32>
    %eq3A_44 = arith.constant 14 : i32
    %eq3A_45 = vector.broadcast %eq3A_44 : i32 to vector<16xi32>
    %eq3A_46 = arith.cmpi eq, %iota3A, %eq3A_45 : vector<16xi32>
    %eq3A_47 = arith.constant 15 : i32
    %eq3A_48 = vector.broadcast %eq3A_47 : i32 to vector<16xi32>
    %eq3A_49 = arith.cmpi eq, %iota3A, %eq3A_48 : vector<16xi32>
    %broadcast_in_dim3A = arith.constant 15 : i32
    %broadcast_in_dim3A_50 = vector.broadcast %broadcast_in_dim3A : i32 to vector<16xi32>
    %add3A_51 = arith.constant 0 : i32
    %add3A_52 = arith.addi %add3A, %add3A_51 : i32
    %mul3A_53 = arith.constant 80 : i32
    %mul3A_54 = arith.muli %add3A_52, %mul3A_53 : i32
    %dma_start3A = tpu.memref_slice %arg4[%mul3A_54] : memref<160000xi32, #tpu.memory_space<hbm>> -> memref<80xi32, #tpu.memory_space<hbm>>
    %dma_start3A_55 = tpu.memref_slice %arg4[%mul3A_54] : memref<160000xi32, #tpu.memory_space<hbm>> -> memref<80xi32, #tpu.memory_space<hbm>>
    tpu.enqueue_dma source(%dma_start3A_55 : memref<80xi32, #tpu.memory_space<hbm>>) target(%arg7 : memref<80xi32, #tpu.memory_space<vmem>>) target_semaphore(%arg17 : memref<!tpu.dma_semaphore, #tpu.memory_space<semaphore_mem>>)
    %dma_start3A_56 = tpu.memref_slice %arg5[%mul3A_54] : memref<160000xi32, #tpu.memory_space<hbm>> -> memref<80xi32, #tpu.memory_space<hbm>>
    %dma_start3A_57 = tpu.memref_slice %arg5[%mul3A_54] : memref<160000xi32, #tpu.memory_space<hbm>> -> memref<80xi32, #tpu.memory_space<hbm>>
    tpu.enqueue_dma source(%dma_start3A_57 : memref<80xi32, #tpu.memory_space<hbm>>) target(%arg9 : memref<80xi32, #tpu.memory_space<vmem>>) target_semaphore(%arg17 : memref<!tpu.dma_semaphore, #tpu.memory_space<semaphore_mem>>)
    %add3A_58 = arith.constant 0 : i32
    %add3A_59 = arith.addi %add3A, %add3A_58 : i32
    %mul3A_60 = arith.constant 80 : i32
    %mul3A_61 = arith.muli %add3A_59, %mul3A_60 : i32
    %dma_wait3A = tpu.memref_slice %arg4[%mul3A_61] : memref<160000xi32, #tpu.memory_space<hbm>> -> memref<80xi32, #tpu.memory_space<hbm>>
    %dma_wait3A_62 = tpu.memref_slice %arg4[%mul3A_61] : memref<160000xi32, #tpu.memory_space<hbm>> -> memref<80xi32, #tpu.memory_space<hbm>>
    tpu.wait_dma2 semaphore(%arg17 : memref<!tpu.dma_semaphore, #tpu.memory_space<semaphore_mem>>) src(%dma_wait3A_62 : memref<80xi32, #tpu.memory_space<hbm>>) dst(%arg7 : memref<80xi32, #tpu.memory_space<vmem>>)
    %dma_wait3A_63 = tpu.memref_slice %arg5[%mul3A_61] : memref<160000xi32, #tpu.memory_space<hbm>> -> memref<80xi32, #tpu.memory_space<hbm>>
    %dma_wait3A_64 = tpu.memref_slice %arg5[%mul3A_61] : memref<160000xi32, #tpu.memory_space<hbm>> -> memref<80xi32, #tpu.memory_space<hbm>>
    tpu.wait_dma2 semaphore(%arg17 : memref<!tpu.dma_semaphore, #tpu.memory_space<semaphore_mem>>) src(%dma_wait3A_64 : memref<80xi32, #tpu.memory_space<hbm>>) dst(%arg9 : memref<80xi32, #tpu.memory_space<vmem>>)
    %dma_start3A_65 = arith.constant 0 : i32
    %dma_start3A_66 = arith.constant 0 : i32
    %dma_start3A_67 = tpu.memref_slice %arg2[%dma_start3A_65, %dma_start3A_66] : memref<10000x256xf32, #tpu.memory_space<hbm>> -> memref<10000x256xf32, #tpu.memory_space<hbm>>
    tpu.enqueue_indirect_dma source(%dma_start3A_67 : memref<10000x256xf32, #tpu.memory_space<hbm>>) target(%arg11 : memref<80x256xf32, #tpu.memory_space<vmem>>) offsets(%arg7 : memref<80xi32, #tpu.memory_space<vmem>>) semaphore(%arg19 : memref<!tpu.dma_semaphore, #tpu.memory_space<semaphore_mem>>)
    %dma_start3A_68 = arith.constant 0 : i32
    %dma_start3A_69 = arith.constant 0 : i32
    %dma_start3A_70 = tpu.memref_slice %arg3[%dma_start3A_68, %dma_start3A_69] : memref<10000x256xf32, #tpu.memory_space<hbm>> -> memref<10000x256xf32, #tpu.memory_space<hbm>>
    tpu.enqueue_indirect_dma source(%dma_start3A_70 : memref<10000x256xf32, #tpu.memory_space<hbm>>) target(%arg13 : memref<80x256xf32, #tpu.memory_space<vmem>>) offsets(%arg9 : memref<80xi32, #tpu.memory_space<vmem>>) semaphore(%arg19 : memref<!tpu.dma_semaphore, #tpu.memory_space<semaphore_mem>>)
    %add3A_71 = arith.constant 32 : i32
    %add3A_72 = arith.addi %add3A, %add3A_71 : i32
    %mul3A_73 = arith.constant 80 : i32
    %mul3A_74 = arith.muli %add3A_72, %mul3A_73 : i32
    %dma_start3A_75 = tpu.memref_slice %arg4[%mul3A_74] : memref<160000xi32, #tpu.memory_space<hbm>> -> memref<80xi32, #tpu.memory_space<hbm>>
    %dma_start3A_76 = tpu.memref_slice %arg4[%mul3A_74] : memref<160000xi32, #tpu.memory_space<hbm>> -> memref<80xi32, #tpu.memory_space<hbm>>
    tpu.enqueue_dma source(%dma_start3A_76 : memref<80xi32, #tpu.memory_space<hbm>>) target(%arg8 : memref<80xi32, #tpu.memory_space<vmem>>) target_semaphore(%arg18 : memref<!tpu.dma_semaphore, #tpu.memory_space<semaphore_mem>>)
    %dma_start3A_77 = tpu.memref_slice %arg5[%mul3A_74] : memref<160000xi32, #tpu.memory_space<hbm>> -> memref<80xi32, #tpu.memory_space<hbm>>
    %dma_start3A_78 = tpu.memref_slice %arg5[%mul3A_74] : memref<160000xi32, #tpu.memory_space<hbm>> -> memref<80xi32, #tpu.memory_space<hbm>>
    tpu.enqueue_dma source(%dma_start3A_78 : memref<80xi32, #tpu.memory_space<hbm>>) target(%arg10 : memref<80xi32, #tpu.memory_space<vmem>>) target_semaphore(%arg18 : memref<!tpu.dma_semaphore, #tpu.memory_space<semaphore_mem>>)
    %scan3A = arith.constant 0 : i32
    %scan3A_79 = arith.constant 0 : i32
    %scan3A_80 = arith.constant 32 : i32
    %scan3A_81 = arith.addi %scan3A_79, %scan3A_80 : i32
    %scan3A_82 = arith.constant 1 : i32
    scf.for %scan3A_100 = %scan3A_79 to %scan3A_81 step %scan3A_82  : i32 {
      %mul3A_101 = arith.constant 2 : i32
      %mul3A_102 = arith.muli %mul3A_101, %scan3A_100 : i32
      %add3A_103 = arith.constant 0 : i32
      %add3A_104 = arith.addi %mul3A_102, %add3A_103 : i32
      %lt3A_105 = arith.cmpi slt, %add3A_104, %select_n3A : i32
      %convert_element_type3A = arith.extui %lt3A_105 : i1 to i32
      %cond3A = arith.constant 0 : i32
      %cond3A_106 = arith.cmpi ne, %convert_element_type3A, %cond3A : i32
      scf.if %cond3A_106 {
        %dma_wait3A_115 = arith.constant 0 : i32
        %dma_wait3A_116 = arith.constant 0 : i32
        %dma_wait3A_117 = tpu.memref_slice %arg2[%dma_wait3A_115, %dma_wait3A_116] : memref<10000x256xf32, #tpu.memory_space<hbm>> -> memref<10000x256xf32, #tpu.memory_space<hbm>>
        tpu.wait_indirect_dma semaphore(%arg19 : memref<!tpu.dma_semaphore, #tpu.memory_space<semaphore_mem>>) src(%dma_wait3A_117 : memref<10000x256xf32, #tpu.memory_space<hbm>>) dst(%arg11 : memref<80x256xf32, #tpu.memory_space<vmem>>)
        %dma_wait3A_118 = arith.constant 0 : i32
        %dma_wait3A_119 = arith.constant 0 : i32
        %dma_wait3A_120 = tpu.memref_slice %arg3[%dma_wait3A_118, %dma_wait3A_119] : memref<10000x256xf32, #tpu.memory_space<hbm>> -> memref<10000x256xf32, #tpu.memory_space<hbm>>
        tpu.wait_indirect_dma semaphore(%arg19 : memref<!tpu.dma_semaphore, #tpu.memory_space<semaphore_mem>>) src(%dma_wait3A_120 : memref<10000x256xf32, #tpu.memory_space<hbm>>) dst(%arg13 : memref<80x256xf32, #tpu.memory_space<vmem>>)
        %ge3A = arith.constant 2 : i32
        %ge3A_121 = arith.cmpi sge, %add3A_104, %ge3A : i32
        %convert_element_type3A_122 = arith.extui %ge3A_121 : i1 to i32
        %cond3A_123 = arith.constant 0 : i32
        %cond3A_124 = arith.cmpi ne, %convert_element_type3A_122, %cond3A_123 : i32
        scf.if %cond3A_124 {
          %sub3A = arith.constant 2 : i32
          %sub3A_148 = arith.subi %add3A_104, %sub3A : i32
          %mul3A_149 = arith.constant 32 : i32
          %mul3A_150 = arith.muli %mul3A_149, %sub3A_148 : i32
          %add3A_151 = arith.addi %add3A, %mul3A_150 : i32
          %mul3A_152 = arith.constant 80 : i32
          %mul3A_153 = arith.muli %add3A_151, %mul3A_152 : i32
          %mul3A_154 = arith.constant 8 : i32
          %mul3A_155 = arith.muli %mul3A_153, %mul3A_154 : i32
          %dma_wait3A_156 = tpu.memref_slice %arg6[%mul3A_155] : memref<1280000xf32, #tpu.memory_space<hbm>> -> memref<640xf32, #tpu.memory_space<hbm>>
          %dma_wait3A_157 = tpu.memref_slice %arg6[%mul3A_155] : memref<1280000xf32, #tpu.memory_space<hbm>> -> memref<640xf32, #tpu.memory_space<hbm>>
          tpu.wait_dma2 semaphore(%arg21 : memref<!tpu.dma_semaphore, #tpu.memory_space<semaphore_mem>>) src(%arg15 : memref<640xf32, #tpu.memory_space<vmem>>) dst(%dma_wait3A_157 : memref<640xf32, #tpu.memory_space<hbm>>)
        } else {
        }
        %add3A_125 = arith.constant 1 : i32
        %add3A_126 = arith.addi %add3A_104, %add3A_125 : i32
        %lt3A_127 = arith.cmpi slt, %add3A_126, %select_n3A : i32
        %convert_element_type3A_128 = arith.extui %lt3A_127 : i1 to i32
        %cond3A_129 = arith.constant 0 : i32
        %cond3A_130 = arith.cmpi ne, %convert_element_type3A_128, %cond3A_129 : i32
        scf.if %cond3A_130 {
          %add3A_148 = arith.constant 1 : i32
          %add3A_149 = arith.addi %add3A_104, %add3A_148 : i32
          %mul3A_150 = arith.constant 32 : i32
          %mul3A_151 = arith.muli %mul3A_150, %add3A_149 : i32
          %add3A_152 = arith.addi %add3A, %mul3A_151 : i32
          %mul3A_153 = arith.constant 80 : i32
          %mul3A_154 = arith.muli %add3A_152, %mul3A_153 : i32
          %dma_wait3A_155 = tpu.memref_slice %arg4[%mul3A_154] : memref<160000xi32, #tpu.memory_space<hbm>> -> memref<80xi32, #tpu.memory_space<hbm>>
          %dma_wait3A_156 = tpu.memref_slice %arg4[%mul3A_154] : memref<160000xi32, #tpu.memory_space<hbm>> -> memref<80xi32, #tpu.memory_space<hbm>>
          tpu.wait_dma2 semaphore(%arg18 : memref<!tpu.dma_semaphore, #tpu.memory_space<semaphore_mem>>) src(%dma_wait3A_156 : memref<80xi32, #tpu.memory_space<hbm>>) dst(%arg8 : memref<80xi32, #tpu.memory_space<vmem>>)
          %dma_wait3A_157 = tpu.memref_slice %arg5[%mul3A_154] : memref<160000xi32, #tpu.memory_space<hbm>> -> memref<80xi32, #tpu.memory_space<hbm>>
          %dma_wait3A_158 = tpu.memref_slice %arg5[%mul3A_154] : memref<160000xi32, #tpu.memory_space<hbm>> -> memref<80xi32, #tpu.memory_space<hbm>>
          tpu.wait_dma2 semaphore(%arg18 : memref<!tpu.dma_semaphore, #tpu.memory_space<semaphore_mem>>) src(%dma_wait3A_158 : memref<80xi32, #tpu.memory_space<hbm>>) dst(%arg10 : memref<80xi32, #tpu.memory_space<vmem>>)
          %dma_start3A_159 = arith.constant 0 : i32
          %dma_start3A_160 = arith.constant 0 : i32
          %dma_start3A_161 = tpu.memref_slice %arg2[%dma_start3A_159, %dma_start3A_160] : memref<10000x256xf32, #tpu.memory_space<hbm>> -> memref<10000x256xf32, #tpu.memory_space<hbm>>
          tpu.enqueue_indirect_dma source(%dma_start3A_161 : memref<10000x256xf32, #tpu.memory_space<hbm>>) target(%arg12 : memref<80x256xf32, #tpu.memory_space<vmem>>) offsets(%arg8 : memref<80xi32, #tpu.memory_space<vmem>>) semaphore(%arg20 : memref<!tpu.dma_semaphore, #tpu.memory_space<semaphore_mem>>)
          %dma_start3A_162 = arith.constant 0 : i32
          %dma_start3A_163 = arith.constant 0 : i32
          %dma_start3A_164 = tpu.memref_slice %arg3[%dma_start3A_162, %dma_start3A_163] : memref<10000x256xf32, #tpu.memory_space<hbm>> -> memref<10000x256xf32, #tpu.memory_space<hbm>>
          tpu.enqueue_indirect_dma source(%dma_start3A_164 : memref<10000x256xf32, #tpu.memory_space<hbm>>) target(%arg14 : memref<80x256xf32, #tpu.memory_space<vmem>>) offsets(%arg10 : memref<80xi32, #tpu.memory_space<vmem>>) semaphore(%arg20 : memref<!tpu.dma_semaphore, #tpu.memory_space<semaphore_mem>>)
        } else {
        }
        %add3A_131 = arith.constant 2 : i32
        %add3A_132 = arith.addi %add3A_104, %add3A_131 : i32
        %lt3A_133 = arith.cmpi slt, %add3A_132, %select_n3A : i32
        %convert_element_type3A_134 = arith.extui %lt3A_133 : i1 to i32
        %cond3A_135 = arith.constant 0 : i32
        %cond3A_136 = arith.cmpi ne, %convert_element_type3A_134, %cond3A_135 : i32
        scf.if %cond3A_136 {
          %add3A_148 = arith.constant 2 : i32
          %add3A_149 = arith.addi %add3A_104, %add3A_148 : i32
          %mul3A_150 = arith.constant 32 : i32
          %mul3A_151 = arith.muli %mul3A_150, %add3A_149 : i32
          %add3A_152 = arith.addi %add3A, %mul3A_151 : i32
          %mul3A_153 = arith.constant 80 : i32
          %mul3A_154 = arith.muli %add3A_152, %mul3A_153 : i32
          %dma_start3A_155 = tpu.memref_slice %arg4[%mul3A_154] : memref<160000xi32, #tpu.memory_space<hbm>> -> memref<80xi32, #tpu.memory_space<hbm>>
          %dma_start3A_156 = tpu.memref_slice %arg4[%mul3A_154] : memref<160000xi32, #tpu.memory_space<hbm>> -> memref<80xi32, #tpu.memory_space<hbm>>
          tpu.enqueue_dma source(%dma_start3A_156 : memref<80xi32, #tpu.memory_space<hbm>>) target(%arg7 : memref<80xi32, #tpu.memory_space<vmem>>) target_semaphore(%arg17 : memref<!tpu.dma_semaphore, #tpu.memory_space<semaphore_mem>>)
          %dma_start3A_157 = tpu.memref_slice %arg5[%mul3A_154] : memref<160000xi32, #tpu.memory_space<hbm>> -> memref<80xi32, #tpu.memory_space<hbm>>
          %dma_start3A_158 = tpu.memref_slice %arg5[%mul3A_154] : memref<160000xi32, #tpu.memory_space<hbm>> -> memref<80xi32, #tpu.memory_space<hbm>>
          tpu.enqueue_dma source(%dma_start3A_158 : memref<80xi32, #tpu.memory_space<hbm>>) target(%arg9 : memref<80xi32, #tpu.memory_space<vmem>>) target_semaphore(%arg17 : memref<!tpu.dma_semaphore, #tpu.memory_space<semaphore_mem>>)
        } else {
        }
        %parallel_loop3A = arith.constant 0 : i32
        %parallel_loop3A_137 = arith.constant 40 : i32
        %parallel_loop3A_138 = arith.constant 1 : i32
        scf.for %parallel_loop3A_148 = %parallel_loop3A to %parallel_loop3A_137 step %parallel_loop3A_138  : i32 {
          %parallel_loop3A_149 = arith.constant 0.000000e+00 : f32
          %parallel_loop3A_150 = vector.broadcast %parallel_loop3A_149 : f32 to vector<16xf32>
          %parallel_loop3A_151 = arith.constant 2 : i32
          %parallel_loop3A_152 = arith.muli %parallel_loop3A_151, %parallel_loop3A_148 : i32
          %parallel_loop3A_153 = arith.constant 0 : i32
          %parallel_loop3A_154 = arith.addi %parallel_loop3A_152, %parallel_loop3A_153 : i32
          %parallel_loop3A_155 = arith.index_cast %parallel_loop3A_154 : i32 to index
          %parallel_loop3A_156 = arith.constant 0 : index
          %parallel_loop3A_157 = tpu.vector_load %arg11[%parallel_loop3A_155, %parallel_loop3A_156] {strides = array<i32>} : memref<80x256xf32, #tpu.memory_space<vmem>>, vector<16xf32>,
          %parallel_loop3A_158 = arith.index_cast %parallel_loop3A_154 : i32 to index
          %parallel_loop3A_159 = arith.constant 16 : index
          %parallel_loop3A_160 = tpu.vector_load %arg11[%parallel_loop3A_158, %parallel_loop3A_159] {strides = array<i32>} : memref<80x256xf32, #tpu.memory_space<vmem>>, vector<16xf32>,
          %parallel_loop3A_161 = arith.index_cast %parallel_loop3A_154 : i32 to index
          %parallel_loop3A_162 = arith.constant 0 : index
          %parallel_loop3A_163 = tpu.vector_load %arg13[%parallel_loop3A_161, %parallel_loop3A_162] {strides = array<i32>} : memref<80x256xf32, #tpu.memory_space<vmem>>, vector<16xf32>,
          %parallel_loop3A_164 = arith.index_cast %parallel_loop3A_154 : i32 to index
          %parallel_loop3A_165 = arith.constant 16 : index
          %parallel_loop3A_166 = tpu.vector_load %arg13[%parallel_loop3A_164, %parallel_loop3A_165] {strides = array<i32>} : memref<80x256xf32, #tpu.memory_space<vmem>>, vector<16xf32>,
          %parallel_loop3A_167 = arith.mulf %parallel_loop3A_157, %parallel_loop3A_163 : vector<16xf32>
          %parallel_loop3A_168 = arith.mulf %parallel_loop3A_160, %parallel_loop3A_166 : vector<16xf32>
          %parallel_loop3A_169 = arith.addf %parallel_loop3A_167, %parallel_loop3A_168 : vector<16xf32>
          %parallel_loop3A_170 = arith.constant true
          %parallel_loop3A_171 = vector.broadcast %parallel_loop3A_170 : i1 to vector<16xi1>
          %parallel_loop3A_172 = tpu.scan <sum>, %parallel_loop3A_169 masked %parallel_loop3A_171 : vector<16xf32>, vector<16xi1> -> vector<16xf32>
          %parallel_loop3A_173 = arith.constant 0 : i32
          %parallel_loop3A_174 = vector.broadcast %parallel_loop3A_173 : i32 to vector<16xi32>
          %parallel_loop3A_175 = arith.cmpi slt, %broadcast_in_dim3A_50, %parallel_loop3A_174 : vector<16xi32>
          %parallel_loop3A_176 = arith.constant 16 : i32
          %parallel_loop3A_177 = vector.broadcast %parallel_loop3A_176 : i32 to vector<16xi32>
          %parallel_loop3A_178 = arith.addi %broadcast_in_dim3A_50, %parallel_loop3A_177 : vector<16xi32>
          %parallel_loop3A_179 = arith.select %parallel_loop3A_175, %parallel_loop3A_178, %broadcast_in_dim3A_50 : vector<16xi1>, vector<16xi32>
          %parallel_loop3A_180 = vector.shape_cast %parallel_loop3A_179 : vector<16xi32> to vector<16x1xi32>
          %parallel_loop3A_181 = vector.shape_cast %parallel_loop3A_180 : vector<16x1xi32> to vector<16xi32>
          %parallel_loop3A_182 = tpu.dynamic_gather %parallel_loop3A_172[%parallel_loop3A_181] in [0] : vector<16xf32>, vector<16xi32> -> vector<16xf32>
          %parallel_loop3A_183 = arith.select %eq3A_4, %parallel_loop3A_182, %parallel_loop3A_150 : vector<16xi1>, vector<16xf32>
          %parallel_loop3A_184 = arith.index_cast %parallel_loop3A_154 : i32 to index
          %parallel_loop3A_185 = arith.constant 32 : index
          %parallel_loop3A_186 = tpu.vector_load %arg11[%parallel_loop3A_184, %parallel_loop3A_185] {strides = array<i32>} : memref<80x256xf32, #tpu.memory_space<vmem>>, vector<16xf32>,
          %parallel_loop3A_187 = arith.index_cast %parallel_loop3A_154 : i32 to index
          %parallel_loop3A_188 = arith.constant 48 : index
          %parallel_loop3A_189 = tpu.vector_load %arg11[%parallel_loop3A_187, %parallel_loop3A_188] {strides = array<i32>} : memref<80x256xf32, #tpu.memory_space<vmem>>, vector<16xf32>,
          %parallel_loop3A_190 = arith.index_cast %parallel_loop3A_154 : i32 to index
          %parallel_loop3A_191 = arith.constant 32 : index
          %parallel_loop3A_192 = tpu.vector_load %arg13[%parallel_loop3A_190, %parallel_loop3A_191] {strides = array<i32>} : memref<80x256xf32, #tpu.memory_space<vmem>>, vector<16xf32>,
          %parallel_loop3A_193 = arith.index_cast %parallel_loop3A_154 : i32 to index
          %parallel_loop3A_194 = arith.constant 48 : index
          %parallel_loop3A_195 = tpu.vector_load %arg13[%parallel_loop3A_193, %parallel_loop3A_194] {strides = array<i32>} : memref<80x256xf32, #tpu.memory_space<vmem>>, vector<16xf32>,
          %parallel_loop3A_196 = arith.mulf %parallel_loop3A_186, %parallel_loop3A_192 : vector<16xf32>
          %parallel_loop3A_197 = arith.mulf %parallel_loop3A_189, %parallel_loop3A_195 : vector<16xf32>
          %parallel_loop3A_198 = arith.addf %parallel_loop3A_196, %parallel_loop3A_197 : vector<16xf32>
          %parallel_loop3A_199 = arith.constant true
          %parallel_loop3A_200 = vector.broadcast %parallel_loop3A_199 : i1 to vector<16xi1>
          %parallel_loop3A_201 = tpu.scan <sum>, %parallel_loop3A_198 masked %parallel_loop3A_200 : vector<16xf32>, vector<16xi1> -> vector<16xf32>
          %parallel_loop3A_202 = arith.constant 0 : i32
          %parallel_loop3A_203 = vector.broadcast %parallel_loop3A_202 : i32 to vector<16xi32>
          %parallel_loop3A_204 = arith.cmpi slt, %broadcast_in_dim3A_50, %parallel_loop3A_203 : vector<16xi32>
          %parallel_loop3A_205 = arith.constant 16 : i32
          %parallel_loop3A_206 = vector.broadcast %parallel_loop3A_205 : i32 to vector<16xi32>
          %parallel_loop3A_207 = arith.addi %broadcast_in_dim3A_50, %parallel_loop3A_206 : vector<16xi32>
          %parallel_loop3A_208 = arith.select %parallel_loop3A_204, %parallel_loop3A_207, %broadcast_in_dim3A_50 : vector<16xi1>, vector<16xi32>
          %parallel_loop3A_209 = vector.shape_cast %parallel_loop3A_208 : vector<16xi32> to vector<16x1xi32>
          %parallel_loop3A_210 = vector.shape_cast %parallel_loop3A_209 : vector<16x1xi32> to vector<16xi32>
          %parallel_loop3A_211 = tpu.dynamic_gather %parallel_loop3A_201[%parallel_loop3A_210] in [0] : vector<16xf32>, vector<16xi32> -> vector<16xf32>
          %parallel_loop3A_212 = arith.select %eq3A_7, %parallel_loop3A_211, %parallel_loop3A_183 : vector<16xi1>, vector<16xf32>
          %parallel_loop3A_213 = arith.index_cast %parallel_loop3A_154 : i32 to index
          %parallel_loop3A_214 = arith.constant 64 : index
          %parallel_loop3A_215 = tpu.vector_load %arg11[%parallel_loop3A_213, %parallel_loop3A_214] {strides = array<i32>} : memref<80x256xf32, #tpu.memory_space<vmem>>, vector<16xf32>,
          %parallel_loop3A_216 = arith.index_cast %parallel_loop3A_154 : i32 to index
          %parallel_loop3A_217 = arith.constant 80 : index
          %parallel_loop3A_218 = tpu.vector_load %arg11[%parallel_loop3A_216, %parallel_loop3A_217] {strides = array<i32>} : memref<80x256xf32, #tpu.memory_space<vmem>>, vector<16xf32>,
          %parallel_loop3A_219 = arith.index_cast %parallel_loop3A_154 : i32 to index
          %parallel_loop3A_220 = arith.constant 64 : index
          %parallel_loop3A_221 = tpu.vector_load %arg13[%parallel_loop3A_219, %parallel_loop3A_220] {strides = array<i32>} : memref<80x256xf32, #tpu.memory_space<vmem>>, vector<16xf32>,
          %parallel_loop3A_222 = arith.index_cast %parallel_loop3A_154 : i32 to index
          %parallel_loop3A_223 = arith.constant 80 : index
          %parallel_loop3A_224 = tpu.vector_load %arg13[%parallel_loop3A_222, %parallel_loop3A_223] {strides = array<i32>} : memref<80x256xf32, #tpu.memory_space<vmem>>, vector<16xf32>,
          %parallel_loop3A_225 = arith.mulf %parallel_loop3A_215, %parallel_loop3A_221 : vector<16xf32>
          %parallel_loop3A_226 = arith.mulf %parallel_loop3A_218, %parallel_loop3A_224 : vector<16xf32>
          %parallel_loop3A_227 = arith.addf %parallel_loop3A_225, %parallel_loop3A_226 : vector<16xf32>
          %parallel_loop3A_228 = arith.constant true
          %parallel_loop3A_229 = vector.broadcast %parallel_loop3A_228 : i1 to vector<16xi1>
          %parallel_loop3A_230 = tpu.scan <sum>, %parallel_loop3A_227 masked %parallel_loop3A_229 : vector<16xf32>, vector<16xi1> -> vector<16xf32>
          %parallel_loop3A_231 = arith.constant 0 : i32
          %parallel_loop3A_232 = vector.broadcast %parallel_loop3A_231 : i32 to vector<16xi32>
          %parallel_loop3A_233 = arith.cmpi slt, %broadcast_in_dim3A_50, %parallel_loop3A_232 : vector<16xi32>
          %parallel_loop3A_234 = arith.constant 16 : i32
          %parallel_loop3A_235 = vector.broadcast %parallel_loop3A_234 : i32 to vector<16xi32>
          %parallel_loop3A_236 = arith.addi %broadcast_in_dim3A_50, %parallel_loop3A_235 : vector<16xi32>
          %parallel_loop3A_237 = arith.select %parallel_loop3A_233, %parallel_loop3A_236, %broadcast_in_dim3A_50 : vector<16xi1>, vector<16xi32>
          %parallel_loop3A_238 = vector.shape_cast %parallel_loop3A_237 : vector<16xi32> to vector<16x1xi32>
          %parallel_loop3A_239 = vector.shape_cast %parallel_loop3A_238 : vector<16x1xi32> to vector<16xi32>
          %parallel_loop3A_240 = tpu.dynamic_gather %parallel_loop3A_230[%parallel_loop3A_239] in [0] : vector<16xf32>, vector<16xi32> -> vector<16xf32>
          %parallel_loop3A_241 = arith.select %eq3A_10, %parallel_loop3A_240, %parallel_loop3A_212 : vector<16xi1>, vector<16xf32>
          %parallel_loop3A_242 = arith.index_cast %parallel_loop3A_154 : i32 to index
          %parallel_loop3A_243 = arith.constant 96 : index
          %parallel_loop3A_244 = tpu.vector_load %arg11[%parallel_loop3A_242, %parallel_loop3A_243] {strides = array<i32>} : memref<80x256xf32, #tpu.memory_space<vmem>>, vector<16xf32>,
          %parallel_loop3A_245 = arith.index_cast %parallel_loop3A_154 : i32 to index
          %parallel_loop3A_246 = arith.constant 112 : index
          %parallel_loop3A_247 = tpu.vector_load %arg11[%parallel_loop3A_245, %parallel_loop3A_246] {strides = array<i32>} : memref<80x256xf32, #tpu.memory_space<vmem>>, vector<16xf32>,
          %parallel_loop3A_248 = arith.index_cast %parallel_loop3A_154 : i32 to index
          %parallel_loop3A_249 = arith.constant 96 : index
          %parallel_loop3A_250 = tpu.vector_load %arg13[%parallel_loop3A_248, %parallel_loop3A_249] {strides = array<i32>} : memref<80x256xf32, #tpu.memory_space<vmem>>, vector<16xf32>,
          %parallel_loop3A_251 = arith.index_cast %parallel_loop3A_154 : i32 to index
          %parallel_loop3A_252 = arith.constant 112 : index
          %parallel_loop3A_253 = tpu.vector_load %arg13[%parallel_loop3A_251, %parallel_loop3A_252] {strides = array<i32>} : memref<80x256xf32, #tpu.memory_space<vmem>>, vector<16xf32>,
          %parallel_loop3A_254 = arith.mulf %parallel_loop3A_244, %parallel_loop3A_250 : vector<16xf32>
          %parallel_loop3A_255 = arith.mulf %parallel_loop3A_247, %parallel_loop3A_253 : vector<16xf32>
          %parallel_loop3A_256 = arith.addf %parallel_loop3A_254, %parallel_loop3A_255 : vector<16xf32>
          %parallel_loop3A_257 = arith.constant true
          %parallel_loop3A_258 = vector.broadcast %parallel_loop3A_257 : i1 to vector<16xi1>
          %parallel_loop3A_259 = tpu.scan <sum>, %parallel_loop3A_256 masked %parallel_loop3A_258 : vector<16xf32>, vector<16xi1> -> vector<16xf32>
          %parallel_loop3A_260 = arith.constant 0 : i32
          %parallel_loop3A_261 = vector.broadcast %parallel_loop3A_260 : i32 to vector<16xi32>
          %parallel_loop3A_262 = arith.cmpi slt, %broadcast_in_dim3A_50, %parallel_loop3A_261 : vector<16xi32>
          %parallel_loop3A_263 = arith.constant 16 : i32
          %parallel_loop3A_264 = vector.broadcast %parallel_loop3A_263 : i32 to vector<16xi32>
          %parallel_loop3A_265 = arith.addi %broadcast_in_dim3A_50, %parallel_loop3A_264 : vector<16xi32>
          %parallel_loop3A_266 = arith.select %parallel_loop3A_262, %parallel_loop3A_265, %broadcast_in_dim3A_50 : vector<16xi1>, vector<16xi32>
          %parallel_loop3A_267 = vector.shape_cast %parallel_loop3A_266 : vector<16xi32> to vector<16x1xi32>
          %parallel_loop3A_268 = vector.shape_cast %parallel_loop3A_267 : vector<16x1xi32> to vector<16xi32>
          %parallel_loop3A_269 = tpu.dynamic_gather %parallel_loop3A_259[%parallel_loop3A_268] in [0] : vector<16xf32>, vector<16xi32> -> vector<16xf32>
          %parallel_loop3A_270 = arith.select %eq3A_13, %parallel_loop3A_269, %parallel_loop3A_241 : vector<16xi1>, vector<16xf32>
          %parallel_loop3A_271 = arith.index_cast %parallel_loop3A_154 : i32 to index
          %parallel_loop3A_272 = arith.constant 128 : index
          %parallel_loop3A_273 = tpu.vector_load %arg11[%parallel_loop3A_271, %parallel_loop3A_272] {strides = array<i32>} : memref<80x256xf32, #tpu.memory_space<vmem>>, vector<16xf32>,
          %parallel_loop3A_274 = arith.index_cast %parallel_loop3A_154 : i32 to index
          %parallel_loop3A_275 = arith.constant 144 : index
          %parallel_loop3A_276 = tpu.vector_load %arg11[%parallel_loop3A_274, %parallel_loop3A_275] {strides = array<i32>} : memref<80x256xf32, #tpu.memory_space<vmem>>, vector<16xf32>,
          %parallel_loop3A_277 = arith.index_cast %parallel_loop3A_154 : i32 to index
          %parallel_loop3A_278 = arith.constant 128 : index
          %parallel_loop3A_279 = tpu.vector_load %arg13[%parallel_loop3A_277, %parallel_loop3A_278] {strides = array<i32>} : memref<80x256xf32, #tpu.memory_space<vmem>>, vector<16xf32>,
          %parallel_loop3A_280 = arith.index_cast %parallel_loop3A_154 : i32 to index
          %parallel_loop3A_281 = arith.constant 144 : index
          %parallel_loop3A_282 = tpu.vector_load %arg13[%parallel_loop3A_280, %parallel_loop3A_281] {strides = array<i32>} : memref<80x256xf32, #tpu.memory_space<vmem>>, vector<16xf32>,
          %parallel_loop3A_283 = arith.mulf %parallel_loop3A_273, %parallel_loop3A_279 : vector<16xf32>
          %parallel_loop3A_284 = arith.mulf %parallel_loop3A_276, %parallel_loop3A_282 : vector<16xf32>
          %parallel_loop3A_285 = arith.addf %parallel_loop3A_283, %parallel_loop3A_284 : vector<16xf32>
          %parallel_loop3A_286 = arith.constant true
          %parallel_loop3A_287 = vector.broadcast %parallel_loop3A_286 : i1 to vector<16xi1>
          %parallel_loop3A_288 = tpu.scan <sum>, %parallel_loop3A_285 masked %parallel_loop3A_287 : vector<16xf32>, vector<16xi1> -> vector<16xf32>
          %parallel_loop3A_289 = arith.constant 0 : i32
          %parallel_loop3A_290 = vector.broadcast %parallel_loop3A_289 : i32 to vector<16xi32>
          %parallel_loop3A_291 = arith.cmpi slt, %broadcast_in_dim3A_50, %parallel_loop3A_290 : vector<16xi32>
          %parallel_loop3A_292 = arith.constant 16 : i32
          %parallel_loop3A_293 = vector.broadcast %parallel_loop3A_292 : i32 to vector<16xi32>
          %parallel_loop3A_294 = arith.addi %broadcast_in_dim3A_50, %parallel_loop3A_293 : vector<16xi32>
          %parallel_loop3A_295 = arith.select %parallel_loop3A_291, %parallel_loop3A_294, %broadcast_in_dim3A_50 : vector<16xi1>, vector<16xi32>
          %parallel_loop3A_296 = vector.shape_cast %parallel_loop3A_295 : vector<16xi32> to vector<16x1xi32>
          %parallel_loop3A_297 = vector.shape_cast %parallel_loop3A_296 : vector<16x1xi32> to vector<16xi32>
          %parallel_loop3A_298 = tpu.dynamic_gather %parallel_loop3A_288[%parallel_loop3A_297] in [0] : vector<16xf32>, vector<16xi32> -> vector<16xf32>
          %parallel_loop3A_299 = arith.select %eq3A_16, %parallel_loop3A_298, %parallel_loop3A_270 : vector<16xi1>, vector<16xf32>
          %parallel_loop3A_300 = arith.index_cast %parallel_loop3A_154 : i32 to index
          %parallel_loop3A_301 = arith.constant 160 : index
          %parallel_loop3A_302 = tpu.vector_load %arg11[%parallel_loop3A_300, %parallel_loop3A_301] {strides = array<i32>} : memref<80x256xf32, #tpu.memory_space<vmem>>, vector<16xf32>,
          %parallel_loop3A_303 = arith.index_cast %parallel_loop3A_154 : i32 to index
          %parallel_loop3A_304 = arith.constant 176 : index
          %parallel_loop3A_305 = tpu.vector_load %arg11[%parallel_loop3A_303, %parallel_loop3A_304] {strides = array<i32>} : memref<80x256xf32, #tpu.memory_space<vmem>>, vector<16xf32>,
          %parallel_loop3A_306 = arith.index_cast %parallel_loop3A_154 : i32 to index
          %parallel_loop3A_307 = arith.constant 160 : index
          %parallel_loop3A_308 = tpu.vector_load %arg13[%parallel_loop3A_306, %parallel_loop3A_307] {strides = array<i32>} : memref<80x256xf32, #tpu.memory_space<vmem>>, vector<16xf32>,
          %parallel_loop3A_309 = arith.index_cast %parallel_loop3A_154 : i32 to index
          %parallel_loop3A_310 = arith.constant 176 : index
          %parallel_loop3A_311 = tpu.vector_load %arg13[%parallel_loop3A_309, %parallel_loop3A_310] {strides = array<i32>} : memref<80x256xf32, #tpu.memory_space<vmem>>, vector<16xf32>,
          %parallel_loop3A_312 = arith.mulf %parallel_loop3A_302, %parallel_loop3A_308 : vector<16xf32>
          %parallel_loop3A_313 = arith.mulf %parallel_loop3A_305, %parallel_loop3A_311 : vector<16xf32>
          %parallel_loop3A_314 = arith.addf %parallel_loop3A_312, %parallel_loop3A_313 : vector<16xf32>
          %parallel_loop3A_315 = arith.constant true
          %parallel_loop3A_316 = vector.broadcast %parallel_loop3A_315 : i1 to vector<16xi1>
          %parallel_loop3A_317 = tpu.scan <sum>, %parallel_loop3A_314 masked %parallel_loop3A_316 : vector<16xf32>, vector<16xi1> -> vector<16xf32>
          %parallel_loop3A_318 = arith.constant 0 : i32
          %parallel_loop3A_319 = vector.broadcast %parallel_loop3A_318 : i32 to vector<16xi32>
          %parallel_loop3A_320 = arith.cmpi slt, %broadcast_in_dim3A_50, %parallel_loop3A_319 : vector<16xi32>
          %parallel_loop3A_321 = arith.constant 16 : i32
          %parallel_loop3A_322 = vector.broadcast %parallel_loop3A_321 : i32 to vector<16xi32>
          %parallel_loop3A_323 = arith.addi %broadcast_in_dim3A_50, %parallel_loop3A_322 : vector<16xi32>
          %parallel_loop3A_324 = arith.select %parallel_loop3A_320, %parallel_loop3A_323, %broadcast_in_dim3A_50 : vector<16xi1>, vector<16xi32>
          %parallel_loop3A_325 = vector.shape_cast %parallel_loop3A_324 : vector<16xi32> to vector<16x1xi32>
          %parallel_loop3A_326 = vector.shape_cast %parallel_loop3A_325 : vector<16x1xi32> to vector<16xi32>
          %parallel_loop3A_327 = tpu.dynamic_gather %parallel_loop3A_317[%parallel_loop3A_326] in [0] : vector<16xf32>, vector<16xi32> -> vector<16xf32>
          %parallel_loop3A_328 = arith.select %eq3A_19, %parallel_loop3A_327, %parallel_loop3A_299 : vector<16xi1>, vector<16xf32>
          %parallel_loop3A_329 = arith.index_cast %parallel_loop3A_154 : i32 to index
          %parallel_loop3A_330 = arith.constant 192 : index
          %parallel_loop3A_331 = tpu.vector_load %arg11[%parallel_loop3A_329, %parallel_loop3A_330] {strides = array<i32>} : memref<80x256xf32, #tpu.memory_space<vmem>>, vector<16xf32>,
          %parallel_loop3A_332 = arith.index_cast %parallel_loop3A_154 : i32 to index
          %parallel_loop3A_333 = arith.constant 208 : index
          %parallel_loop3A_334 = tpu.vector_load %arg11[%parallel_loop3A_332, %parallel_loop3A_333] {strides = array<i32>} : memref<80x256xf32, #tpu.memory_space<vmem>>, vector<16xf32>,
          %parallel_loop3A_335 = arith.index_cast %parallel_loop3A_154 : i32 to index
          %parallel_loop3A_336 = arith.constant 192 : index
          %parallel_loop3A_337 = tpu.vector_load %arg13[%parallel_loop3A_335, %parallel_loop3A_336] {strides = array<i32>} : memref<80x256xf32, #tpu.memory_space<vmem>>, vector<16xf32>,
          %parallel_loop3A_338 = arith.index_cast %parallel_loop3A_154 : i32 to index
          %parallel_loop3A_339 = arith.constant 208 : index
          %parallel_loop3A_340 = tpu.vector_load %arg13[%parallel_loop3A_338, %parallel_loop3A_339] {strides = array<i32>} : memref<80x256xf32, #tpu.memory_space<vmem>>, vector<16xf32>,
          %parallel_loop3A_341 = arith.mulf %parallel_loop3A_331, %parallel_loop3A_337 : vector<16xf32>
          %parallel_loop3A_342 = arith.mulf %parallel_loop3A_334, %parallel_loop3A_340 : vector<16xf32>
          %parallel_loop3A_343 = arith.addf %parallel_loop3A_341, %parallel_loop3A_342 : vector<16xf32>
          %parallel_loop3A_344 = arith.constant true
          %parallel_loop3A_345 = vector.broadcast %parallel_loop3A_344 : i1 to vector<16xi1>
          %parallel_loop3A_346 = tpu.scan <sum>, %parallel_loop3A_343 masked %parallel_loop3A_345 : vector<16xf32>, vector<16xi1> -> vector<16xf32>
          %parallel_loop3A_347 = arith.constant 0 : i32
          %parallel_loop3A_348 = vector.broadcast %parallel_loop3A_347 : i32 to vector<16xi32>
          %parallel_loop3A_349 = arith.cmpi slt, %broadcast_in_dim3A_50, %parallel_loop3A_348 : vector<16xi32>
          %parallel_loop3A_350 = arith.constant 16 : i32
          %parallel_loop3A_351 = vector.broadcast %parallel_loop3A_350 : i32 to vector<16xi32>
          %parallel_loop3A_352 = arith.addi %broadcast_in_dim3A_50, %parallel_loop3A_351 : vector<16xi32>
          %parallel_loop3A_353 = arith.select %parallel_loop3A_349, %parallel_loop3A_352, %broadcast_in_dim3A_50 : vector<16xi1>, vector<16xi32>
          %parallel_loop3A_354 = vector.shape_cast %parallel_loop3A_353 : vector<16xi32> to vector<16x1xi32>
          %parallel_loop3A_355 = vector.shape_cast %parallel_loop3A_354 : vector<16x1xi32> to vector<16xi32>
          %parallel_loop3A_356 = tpu.dynamic_gather %parallel_loop3A_346[%parallel_loop3A_355] in [0] : vector<16xf32>, vector<16xi32> -> vector<16xf32>
          %parallel_loop3A_357 = arith.select %eq3A_22, %parallel_loop3A_356, %parallel_loop3A_328 : vector<16xi1>, vector<16xf32>
          %parallel_loop3A_358 = arith.index_cast %parallel_loop3A_154 : i32 to index
          %parallel_loop3A_359 = arith.constant 224 : index
          %parallel_loop3A_360 = tpu.vector_load %arg11[%parallel_loop3A_358, %parallel_loop3A_359] {strides = array<i32>} : memref<80x256xf32, #tpu.memory_space<vmem>>, vector<16xf32>,
          %parallel_loop3A_361 = arith.index_cast %parallel_loop3A_154 : i32 to index
          %parallel_loop3A_362 = arith.constant 240 : index
          %parallel_loop3A_363 = tpu.vector_load %arg11[%parallel_loop3A_361, %parallel_loop3A_362] {strides = array<i32>} : memref<80x256xf32, #tpu.memory_space<vmem>>, vector<16xf32>,
          %parallel_loop3A_364 = arith.index_cast %parallel_loop3A_154 : i32 to index
          %parallel_loop3A_365 = arith.constant 224 : index
          %parallel_loop3A_366 = tpu.vector_load %arg13[%parallel_loop3A_364, %parallel_loop3A_365] {strides = array<i32>} : memref<80x256xf32, #tpu.memory_space<vmem>>, vector<16xf32>,
          %parallel_loop3A_367 = arith.index_cast %parallel_loop3A_154 : i32 to index
          %parallel_loop3A_368 = arith.constant 240 : index
          %parallel_loop3A_369 = tpu.vector_load %arg13[%parallel_loop3A_367, %parallel_loop3A_368] {strides = array<i32>} : memref<80x256xf32, #tpu.memory_space<vmem>>, vector<16xf32>,
          %parallel_loop3A_370 = arith.mulf %parallel_loop3A_360, %parallel_loop3A_366 : vector<16xf32>
          %parallel_loop3A_371 = arith.mulf %parallel_loop3A_363, %parallel_loop3A_369 : vector<16xf32>
          %parallel_loop3A_372 = arith.addf %parallel_loop3A_370, %parallel_loop3A_371 : vector<16xf32>
          %parallel_loop3A_373 = arith.constant true
          %parallel_loop3A_374 = vector.broadcast %parallel_loop3A_373 : i1 to vector<16xi1>
          %parallel_loop3A_375 = tpu.scan <sum>, %parallel_loop3A_372 masked %parallel_loop3A_374 : vector<16xf32>, vector<16xi1> -> vector<16xf32>
          %parallel_loop3A_376 = arith.constant 0 : i32
          %parallel_loop3A_377 = vector.broadcast %parallel_loop3A_376 : i32 to vector<16xi32>
          %parallel_loop3A_378 = arith.cmpi slt, %broadcast_in_dim3A_50, %parallel_loop3A_377 : vector<16xi32>
          %parallel_loop3A_379 = arith.constant 16 : i32
          %parallel_loop3A_380 = vector.broadcast %parallel_loop3A_379 : i32 to vector<16xi32>
          %parallel_loop3A_381 = arith.addi %broadcast_in_dim3A_50, %parallel_loop3A_380 : vector<16xi32>
          %parallel_loop3A_382 = arith.select %parallel_loop3A_378, %parallel_loop3A_381, %broadcast_in_dim3A_50 : vector<16xi1>, vector<16xi32>
          %parallel_loop3A_383 = vector.shape_cast %parallel_loop3A_382 : vector<16xi32> to vector<16x1xi32>
          %parallel_loop3A_384 = vector.shape_cast %parallel_loop3A_383 : vector<16x1xi32> to vector<16xi32>
          %parallel_loop3A_385 = tpu.dynamic_gather %parallel_loop3A_375[%parallel_loop3A_384] in [0] : vector<16xf32>, vector<16xi32> -> vector<16xf32>
          %parallel_loop3A_386 = arith.select %eq3A_25, %parallel_loop3A_385, %parallel_loop3A_357 : vector<16xi1>, vector<16xf32>
          %parallel_loop3A_387 = arith.constant 2 : i32
          %parallel_loop3A_388 = arith.muli %parallel_loop3A_387, %parallel_loop3A_148 : i32
          %parallel_loop3A_389 = arith.constant 1 : i32
          %parallel_loop3A_390 = arith.addi %parallel_loop3A_388, %parallel_loop3A_389 : i32
          %parallel_loop3A_391 = arith.index_cast %parallel_loop3A_390 : i32 to index
          %parallel_loop3A_392 = arith.constant 0 : index
          %parallel_loop3A_393 = tpu.vector_load %arg11[%parallel_loop3A_391, %parallel_loop3A_392] {strides = array<i32>} : memref<80x256xf32, #tpu.memory_space<vmem>>, vector<16xf32>,
          %parallel_loop3A_394 = arith.index_cast %parallel_loop3A_390 : i32 to index
          %parallel_loop3A_395 = arith.constant 16 : index
          %parallel_loop3A_396 = tpu.vector_load %arg11[%parallel_loop3A_394, %parallel_loop3A_395] {strides = array<i32>} : memref<80x256xf32, #tpu.memory_space<vmem>>, vector<16xf32>,
          %parallel_loop3A_397 = arith.index_cast %parallel_loop3A_390 : i32 to index
          %parallel_loop3A_398 = arith.constant 0 : index
          %parallel_loop3A_399 = tpu.vector_load %arg13[%parallel_loop3A_397, %parallel_loop3A_398] {strides = array<i32>} : memref<80x256xf32, #tpu.memory_space<vmem>>, vector<16xf32>,
          %parallel_loop3A_400 = arith.index_cast %parallel_loop3A_390 : i32 to index
          %parallel_loop3A_401 = arith.constant 16 : index
          %parallel_loop3A_402 = tpu.vector_load %arg13[%parallel_loop3A_400, %parallel_loop3A_401] {strides = array<i32>} : memref<80x256xf32, #tpu.memory_space<vmem>>, vector<16xf32>,
          %parallel_loop3A_403 = arith.mulf %parallel_loop3A_393, %parallel_loop3A_399 : vector<16xf32>
          %parallel_loop3A_404 = arith.mulf %parallel_loop3A_396, %parallel_loop3A_402 : vector<16xf32>
          %parallel_loop3A_405 = arith.addf %parallel_loop3A_403, %parallel_loop3A_404 : vector<16xf32>
          %parallel_loop3A_406 = arith.constant true
          %parallel_loop3A_407 = vector.broadcast %parallel_loop3A_406 : i1 to vector<16xi1>
          %parallel_loop3A_408 = tpu.scan <sum>, %parallel_loop3A_405 masked %parallel_loop3A_407 : vector<16xf32>, vector<16xi1> -> vector<16xf32>
          %parallel_loop3A_409 = arith.constant 0 : i32
          %parallel_loop3A_410 = vector.broadcast %parallel_loop3A_409 : i32 to vector<16xi32>
          %parallel_loop3A_411 = arith.cmpi slt, %broadcast_in_dim3A_50, %parallel_loop3A_410 : vector<16xi32>
          %parallel_loop3A_412 = arith.constant 16 : i32
          %parallel_loop3A_413 = vector.broadcast %parallel_loop3A_412 : i32 to vector<16xi32>
          %parallel_loop3A_414 = arith.addi %broadcast_in_dim3A_50, %parallel_loop3A_413 : vector<16xi32>
          %parallel_loop3A_415 = arith.select %parallel_loop3A_411, %parallel_loop3A_414, %broadcast_in_dim3A_50 : vector<16xi1>, vector<16xi32>
          %parallel_loop3A_416 = vector.shape_cast %parallel_loop3A_415 : vector<16xi32> to vector<16x1xi32>
          %parallel_loop3A_417 = vector.shape_cast %parallel_loop3A_416 : vector<16x1xi32> to vector<16xi32>
          %parallel_loop3A_418 = tpu.dynamic_gather %parallel_loop3A_408[%parallel_loop3A_417] in [0] : vector<16xf32>, vector<16xi32> -> vector<16xf32>
          %parallel_loop3A_419 = arith.select %eq3A_28, %parallel_loop3A_418, %parallel_loop3A_386 : vector<16xi1>, vector<16xf32>
          %parallel_loop3A_420 = arith.index_cast %parallel_loop3A_390 : i32 to index
          %parallel_loop3A_421 = arith.constant 32 : index
          %parallel_loop3A_422 = tpu.vector_load %arg11[%parallel_loop3A_420, %parallel_loop3A_421] {strides = array<i32>} : memref<80x256xf32, #tpu.memory_space<vmem>>, vector<16xf32>,
          %parallel_loop3A_423 = arith.index_cast %parallel_loop3A_390 : i32 to index
          %parallel_loop3A_424 = arith.constant 48 : index
          %parallel_loop3A_425 = tpu.vector_load %arg11[%parallel_loop3A_423, %parallel_loop3A_424] {strides = array<i32>} : memref<80x256xf32, #tpu.memory_space<vmem>>, vector<16xf32>,
          %parallel_loop3A_426 = arith.index_cast %parallel_loop3A_390 : i32 to index
          %parallel_loop3A_427 = arith.constant 32 : index
          %parallel_loop3A_428 = tpu.vector_load %arg13[%parallel_loop3A_426, %parallel_loop3A_427] {strides = array<i32>} : memref<80x256xf32, #tpu.memory_space<vmem>>, vector<16xf32>,
          %parallel_loop3A_429 = arith.index_cast %parallel_loop3A_390 : i32 to index
          %parallel_loop3A_430 = arith.constant 48 : index
          %parallel_loop3A_431 = tpu.vector_load %arg13[%parallel_loop3A_429, %parallel_loop3A_430] {strides = array<i32>} : memref<80x256xf32, #tpu.memory_space<vmem>>, vector<16xf32>,
          %parallel_loop3A_432 = arith.mulf %parallel_loop3A_422, %parallel_loop3A_428 : vector<16xf32>
          %parallel_loop3A_433 = arith.mulf %parallel_loop3A_425, %parallel_loop3A_431 : vector<16xf32>
          %parallel_loop3A_434 = arith.addf %parallel_loop3A_432, %parallel_loop3A_433 : vector<16xf32>
          %parallel_loop3A_435 = arith.constant true
          %parallel_loop3A_436 = vector.broadcast %parallel_loop3A_435 : i1 to vector<16xi1>
          %parallel_loop3A_437 = tpu.scan <sum>, %parallel_loop3A_434 masked %parallel_loop3A_436 : vector<16xf32>, vector<16xi1> -> vector<16xf32>
          %parallel_loop3A_438 = arith.constant 0 : i32
          %parallel_loop3A_439 = vector.broadcast %parallel_loop3A_438 : i32 to vector<16xi32>
          %parallel_loop3A_440 = arith.cmpi slt, %broadcast_in_dim3A_50, %parallel_loop3A_439 : vector<16xi32>
          %parallel_loop3A_441 = arith.constant 16 : i32
          %parallel_loop3A_442 = vector.broadcast %parallel_loop3A_441 : i32 to vector<16xi32>
          %parallel_loop3A_443 = arith.addi %broadcast_in_dim3A_50, %parallel_loop3A_442 : vector<16xi32>
          %parallel_loop3A_444 = arith.select %parallel_loop3A_440, %parallel_loop3A_443, %broadcast_in_dim3A_50 : vector<16xi1>, vector<16xi32>
          %parallel_loop3A_445 = vector.shape_cast %parallel_loop3A_444 : vector<16xi32> to vector<16x1xi32>
          %parallel_loop3A_446 = vector.shape_cast %parallel_loop3A_445 : vector<16x1xi32> to vector<16xi32>
          %parallel_loop3A_447 = tpu.dynamic_gather %parallel_loop3A_437[%parallel_loop3A_446] in [0] : vector<16xf32>, vector<16xi32> -> vector<16xf32>
          %parallel_loop3A_448 = arith.select %eq3A_31, %parallel_loop3A_447, %parallel_loop3A_419 : vector<16xi1>, vector<16xf32>
          %parallel_loop3A_449 = arith.index_cast %parallel_loop3A_390 : i32 to index
          %parallel_loop3A_450 = arith.constant 64 : index
          %parallel_loop3A_451 = tpu.vector_load %arg11[%parallel_loop3A_449, %parallel_loop3A_450] {strides = array<i32>} : memref<80x256xf32, #tpu.memory_space<vmem>>, vector<16xf32>,
          %parallel_loop3A_452 = arith.index_cast %parallel_loop3A_390 : i32 to index
          %parallel_loop3A_453 = arith.constant 80 : index
          %parallel_loop3A_454 = tpu.vector_load %arg11[%parallel_loop3A_452, %parallel_loop3A_453] {strides = array<i32>} : memref<80x256xf32, #tpu.memory_space<vmem>>, vector<16xf32>,
          %parallel_loop3A_455 = arith.index_cast %parallel_loop3A_390 : i32 to index
          %parallel_loop3A_456 = arith.constant 64 : index
          %parallel_loop3A_457 = tpu.vector_load %arg13[%parallel_loop3A_455, %parallel_loop3A_456] {strides = array<i32>} : memref<80x256xf32, #tpu.memory_space<vmem>>, vector<16xf32>,
          %parallel_loop3A_458 = arith.index_cast %parallel_loop3A_390 : i32 to index
          %parallel_loop3A_459 = arith.constant 80 : index
          %parallel_loop3A_460 = tpu.vector_load %arg13[%parallel_loop3A_458, %parallel_loop3A_459] {strides = array<i32>} : memref<80x256xf32, #tpu.memory_space<vmem>>, vector<16xf32>,
          %parallel_loop3A_461 = arith.mulf %parallel_loop3A_451, %parallel_loop3A_457 : vector<16xf32>
          %parallel_loop3A_462 = arith.mulf %parallel_loop3A_454, %parallel_loop3A_460 : vector<16xf32>
          %parallel_loop3A_463 = arith.addf %parallel_loop3A_461, %parallel_loop3A_462 : vector<16xf32>
          %parallel_loop3A_464 = arith.constant true
          %parallel_loop3A_465 = vector.broadcast %parallel_loop3A_464 : i1 to vector<16xi1>
          %parallel_loop3A_466 = tpu.scan <sum>, %parallel_loop3A_463 masked %parallel_loop3A_465 : vector<16xf32>, vector<16xi1> -> vector<16xf32>
          %parallel_loop3A_467 = arith.constant 0 : i32
          %parallel_loop3A_468 = vector.broadcast %parallel_loop3A_467 : i32 to vector<16xi32>
          %parallel_loop3A_469 = arith.cmpi slt, %broadcast_in_dim3A_50, %parallel_loop3A_468 : vector<16xi32>
          %parallel_loop3A_470 = arith.constant 16 : i32
          %parallel_loop3A_471 = vector.broadcast %parallel_loop3A_470 : i32 to vector<16xi32>
          %parallel_loop3A_472 = arith.addi %broadcast_in_dim3A_50, %parallel_loop3A_471 : vector<16xi32>
          %parallel_loop3A_473 = arith.select %parallel_loop3A_469, %parallel_loop3A_472, %broadcast_in_dim3A_50 : vector<16xi1>, vector<16xi32>
          %parallel_loop3A_474 = vector.shape_cast %parallel_loop3A_473 : vector<16xi32> to vector<16x1xi32>
          %parallel_loop3A_475 = vector.shape_cast %parallel_loop3A_474 : vector<16x1xi32> to vector<16xi32>
          %parallel_loop3A_476 = tpu.dynamic_gather %parallel_loop3A_466[%parallel_loop3A_475] in [0] : vector<16xf32>, vector<16xi32> -> vector<16xf32>
          %parallel_loop3A_477 = arith.select %eq3A_34, %parallel_loop3A_476, %parallel_loop3A_448 : vector<16xi1>, vector<16xf32>
          %parallel_loop3A_478 = arith.index_cast %parallel_loop3A_390 : i32 to index
          %parallel_loop3A_479 = arith.constant 96 : index
          %parallel_loop3A_480 = tpu.vector_load %arg11[%parallel_loop3A_478, %parallel_loop3A_479] {strides = array<i32>} : memref<80x256xf32, #tpu.memory_space<vmem>>, vector<16xf32>,
          %parallel_loop3A_481 = arith.index_cast %parallel_loop3A_390 : i32 to index
          %parallel_loop3A_482 = arith.constant 112 : index
          %parallel_loop3A_483 = tpu.vector_load %arg11[%parallel_loop3A_481, %parallel_loop3A_482] {strides = array<i32>} : memref<80x256xf32, #tpu.memory_space<vmem>>, vector<16xf32>,
          %parallel_loop3A_484 = arith.index_cast %parallel_loop3A_390 : i32 to index
          %parallel_loop3A_485 = arith.constant 96 : index
          %parallel_loop3A_486 = tpu.vector_load %arg13[%parallel_loop3A_484, %parallel_loop3A_485] {strides = array<i32>} : memref<80x256xf32, #tpu.memory_space<vmem>>, vector<16xf32>,
          %parallel_loop3A_487 = arith.index_cast %parallel_loop3A_390 : i32 to index
          %parallel_loop3A_488 = arith.constant 112 : index
          %parallel_loop3A_489 = tpu.vector_load %arg13[%parallel_loop3A_487, %parallel_loop3A_488] {strides = array<i32>} : memref<80x256xf32, #tpu.memory_space<vmem>>, vector<16xf32>,
          %parallel_loop3A_490 = arith.mulf %parallel_loop3A_480, %parallel_loop3A_486 : vector<16xf32>
          %parallel_loop3A_491 = arith.mulf %parallel_loop3A_483, %parallel_loop3A_489 : vector<16xf32>
          %parallel_loop3A_492 = arith.addf %parallel_loop3A_490, %parallel_loop3A_491 : vector<16xf32>
          %parallel_loop3A_493 = arith.constant true
          %parallel_loop3A_494 = vector.broadcast %parallel_loop3A_493 : i1 to vector<16xi1>
          %parallel_loop3A_495 = tpu.scan <sum>, %parallel_loop3A_492 masked %parallel_loop3A_494 : vector<16xf32>, vector<16xi1> -> vector<16xf32>
          %parallel_loop3A_496 = arith.constant 0 : i32
          %parallel_loop3A_497 = vector.broadcast %parallel_loop3A_496 : i32 to vector<16xi32>
          %parallel_loop3A_498 = arith.cmpi slt, %broadcast_in_dim3A_50, %parallel_loop3A_497 : vector<16xi32>
          %parallel_loop3A_499 = arith.constant 16 : i32
          %parallel_loop3A_500 = vector.broadcast %parallel_loop3A_499 : i32 to vector<16xi32>
          %parallel_loop3A_501 = arith.addi %broadcast_in_dim3A_50, %parallel_loop3A_500 : vector<16xi32>
          %parallel_loop3A_502 = arith.select %parallel_loop3A_498, %parallel_loop3A_501, %broadcast_in_dim3A_50 : vector<16xi1>, vector<16xi32>
          %parallel_loop3A_503 = vector.shape_cast %parallel_loop3A_502 : vector<16xi32> to vector<16x1xi32>
          %parallel_loop3A_504 = vector.shape_cast %parallel_loop3A_503 : vector<16x1xi32> to vector<16xi32>
          %parallel_loop3A_505 = tpu.dynamic_gather %parallel_loop3A_495[%parallel_loop3A_504] in [0] : vector<16xf32>, vector<16xi32> -> vector<16xf32>
          %parallel_loop3A_506 = arith.select %eq3A_37, %parallel_loop3A_505, %parallel_loop3A_477 : vector<16xi1>, vector<16xf32>
          %parallel_loop3A_507 = arith.index_cast %parallel_loop3A_390 : i32 to index
          %parallel_loop3A_508 = arith.constant 128 : index
          %parallel_loop3A_509 = tpu.vector_load %arg11[%parallel_loop3A_507, %parallel_loop3A_508] {strides = array<i32>} : memref<80x256xf32, #tpu.memory_space<vmem>>, vector<16xf32>,
          %parallel_loop3A_510 = arith.index_cast %parallel_loop3A_390 : i32 to index
          %parallel_loop3A_511 = arith.constant 144 : index
          %parallel_loop3A_512 = tpu.vector_load %arg11[%parallel_loop3A_510, %parallel_loop3A_511] {strides = array<i32>} : memref<80x256xf32, #tpu.memory_space<vmem>>, vector<16xf32>,
          %parallel_loop3A_513 = arith.index_cast %parallel_loop3A_390 : i32 to index
          %parallel_loop3A_514 = arith.constant 128 : index
          %parallel_loop3A_515 = tpu.vector_load %arg13[%parallel_loop3A_513, %parallel_loop3A_514] {strides = array<i32>} : memref<80x256xf32, #tpu.memory_space<vmem>>, vector<16xf32>,
          %parallel_loop3A_516 = arith.index_cast %parallel_loop3A_390 : i32 to index
          %parallel_loop3A_517 = arith.constant 144 : index
          %parallel_loop3A_518 = tpu.vector_load %arg13[%parallel_loop3A_516, %parallel_loop3A_517] {strides = array<i32>} : memref<80x256xf32, #tpu.memory_space<vmem>>, vector<16xf32>,
          %parallel_loop3A_519 = arith.mulf %parallel_loop3A_509, %parallel_loop3A_515 : vector<16xf32>
          %parallel_loop3A_520 = arith.mulf %parallel_loop3A_512, %parallel_loop3A_518 : vector<16xf32>
          %parallel_loop3A_521 = arith.addf %parallel_loop3A_519, %parallel_loop3A_520 : vector<16xf32>
          %parallel_loop3A_522 = arith.constant true
          %parallel_loop3A_523 = vector.broadcast %parallel_loop3A_522 : i1 to vector<16xi1>
          %parallel_loop3A_524 = tpu.scan <sum>, %parallel_loop3A_521 masked %parallel_loop3A_523 : vector<16xf32>, vector<16xi1> -> vector<16xf32>
          %parallel_loop3A_525 = arith.constant 0 : i32
          %parallel_loop3A_526 = vector.broadcast %parallel_loop3A_525 : i32 to vector<16xi32>
          %parallel_loop3A_527 = arith.cmpi slt, %broadcast_in_dim3A_50, %parallel_loop3A_526 : vector<16xi32>
          %parallel_loop3A_528 = arith.constant 16 : i32
          %parallel_loop3A_529 = vector.broadcast %parallel_loop3A_528 : i32 to vector<16xi32>
          %parallel_loop3A_530 = arith.addi %broadcast_in_dim3A_50, %parallel_loop3A_529 : vector<16xi32>
          %parallel_loop3A_531 = arith.select %parallel_loop3A_527, %parallel_loop3A_530, %broadcast_in_dim3A_50 : vector<16xi1>, vector<16xi32>
          %parallel_loop3A_532 = vector.shape_cast %parallel_loop3A_531 : vector<16xi32> to vector<16x1xi32>
          %parallel_loop3A_533 = vector.shape_cast %parallel_loop3A_532 : vector<16x1xi32> to vector<16xi32>
          %parallel_loop3A_534 = tpu.dynamic_gather %parallel_loop3A_524[%parallel_loop3A_533] in [0] : vector<16xf32>, vector<16xi32> -> vector<16xf32>
          %parallel_loop3A_535 = arith.select %eq3A_40, %parallel_loop3A_534, %parallel_loop3A_506 : vector<16xi1>, vector<16xf32>
          %parallel_loop3A_536 = arith.index_cast %parallel_loop3A_390 : i32 to index
          %parallel_loop3A_537 = arith.constant 160 : index
          %parallel_loop3A_538 = tpu.vector_load %arg11[%parallel_loop3A_536, %parallel_loop3A_537] {strides = array<i32>} : memref<80x256xf32, #tpu.memory_space<vmem>>, vector<16xf32>,
          %parallel_loop3A_539 = arith.index_cast %parallel_loop3A_390 : i32 to index
          %parallel_loop3A_540 = arith.constant 176 : index
          %parallel_loop3A_541 = tpu.vector_load %arg11[%parallel_loop3A_539, %parallel_loop3A_540] {strides = array<i32>} : memref<80x256xf32, #tpu.memory_space<vmem>>, vector<16xf32>,
          %parallel_loop3A_542 = arith.index_cast %parallel_loop3A_390 : i32 to index
          %parallel_loop3A_543 = arith.constant 160 : index
          %parallel_loop3A_544 = tpu.vector_load %arg13[%parallel_loop3A_542, %parallel_loop3A_543] {strides = array<i32>} : memref<80x256xf32, #tpu.memory_space<vmem>>, vector<16xf32>,
          %parallel_loop3A_545 = arith.index_cast %parallel_loop3A_390 : i32 to index
          %parallel_loop3A_546 = arith.constant 176 : index
          %parallel_loop3A_547 = tpu.vector_load %arg13[%parallel_loop3A_545, %parallel_loop3A_546] {strides = array<i32>} : memref<80x256xf32, #tpu.memory_space<vmem>>, vector<16xf32>,
          %parallel_loop3A_548 = arith.mulf %parallel_loop3A_538, %parallel_loop3A_544 : vector<16xf32>
          %parallel_loop3A_549 = arith.mulf %parallel_loop3A_541, %parallel_loop3A_547 : vector<16xf32>
          %parallel_loop3A_550 = arith.addf %parallel_loop3A_548, %parallel_loop3A_549 : vector<16xf32>
          %parallel_loop3A_551 = arith.constant true
          %parallel_loop3A_552 = vector.broadcast %parallel_loop3A_551 : i1 to vector<16xi1>
          %parallel_loop3A_553 = tpu.scan <sum>, %parallel_loop3A_550 masked %parallel_loop3A_552 : vector<16xf32>, vector<16xi1> -> vector<16xf32>
          %parallel_loop3A_554 = arith.constant 0 : i32
          %parallel_loop3A_555 = vector.broadcast %parallel_loop3A_554 : i32 to vector<16xi32>
          %parallel_loop3A_556 = arith.cmpi slt, %broadcast_in_dim3A_50, %parallel_loop3A_555 : vector<16xi32>
          %parallel_loop3A_557 = arith.constant 16 : i32
          %parallel_loop3A_558 = vector.broadcast %parallel_loop3A_557 : i32 to vector<16xi32>
          %parallel_loop3A_559 = arith.addi %broadcast_in_dim3A_50, %parallel_loop3A_558 : vector<16xi32>
          %parallel_loop3A_560 = arith.select %parallel_loop3A_556, %parallel_loop3A_559, %broadcast_in_dim3A_50 : vector<16xi1>, vector<16xi32>
          %parallel_loop3A_561 = vector.shape_cast %parallel_loop3A_560 : vector<16xi32> to vector<16x1xi32>
          %parallel_loop3A_562 = vector.shape_cast %parallel_loop3A_561 : vector<16x1xi32> to vector<16xi32>
          %parallel_loop3A_563 = tpu.dynamic_gather %parallel_loop3A_553[%parallel_loop3A_562] in [0] : vector<16xf32>, vector<16xi32> -> vector<16xf32>
          %parallel_loop3A_564 = arith.select %eq3A_43, %parallel_loop3A_563, %parallel_loop3A_535 : vector<16xi1>, vector<16xf32>
          %parallel_loop3A_565 = arith.index_cast %parallel_loop3A_390 : i32 to index
          %parallel_loop3A_566 = arith.constant 192 : index
          %parallel_loop3A_567 = tpu.vector_load %arg11[%parallel_loop3A_565, %parallel_loop3A_566] {strides = array<i32>} : memref<80x256xf32, #tpu.memory_space<vmem>>, vector<16xf32>,
          %parallel_loop3A_568 = arith.index_cast %parallel_loop3A_390 : i32 to index
          %parallel_loop3A_569 = arith.constant 208 : index
          %parallel_loop3A_570 = tpu.vector_load %arg11[%parallel_loop3A_568, %parallel_loop3A_569] {strides = array<i32>} : memref<80x256xf32, #tpu.memory_space<vmem>>, vector<16xf32>,
          %parallel_loop3A_571 = arith.index_cast %parallel_loop3A_390 : i32 to index
          %parallel_loop3A_572 = arith.constant 192 : index
          %parallel_loop3A_573 = tpu.vector_load %arg13[%parallel_loop3A_571, %parallel_loop3A_572] {strides = array<i32>} : memref<80x256xf32, #tpu.memory_space<vmem>>, vector<16xf32>,
          %parallel_loop3A_574 = arith.index_cast %parallel_loop3A_390 : i32 to index
          %parallel_loop3A_575 = arith.constant 208 : index
          %parallel_loop3A_576 = tpu.vector_load %arg13[%parallel_loop3A_574, %parallel_loop3A_575] {strides = array<i32>} : memref<80x256xf32, #tpu.memory_space<vmem>>, vector<16xf32>,
          %parallel_loop3A_577 = arith.mulf %parallel_loop3A_567, %parallel_loop3A_573 : vector<16xf32>
          %parallel_loop3A_578 = arith.mulf %parallel_loop3A_570, %parallel_loop3A_576 : vector<16xf32>
          %parallel_loop3A_579 = arith.addf %parallel_loop3A_577, %parallel_loop3A_578 : vector<16xf32>
          %parallel_loop3A_580 = arith.constant true
          %parallel_loop3A_581 = vector.broadcast %parallel_loop3A_580 : i1 to vector<16xi1>
          %parallel_loop3A_582 = tpu.scan <sum>, %parallel_loop3A_579 masked %parallel_loop3A_581 : vector<16xf32>, vector<16xi1> -> vector<16xf32>
          %parallel_loop3A_583 = arith.constant 0 : i32
          %parallel_loop3A_584 = vector.broadcast %parallel_loop3A_583 : i32 to vector<16xi32>
          %parallel_loop3A_585 = arith.cmpi slt, %broadcast_in_dim3A_50, %parallel_loop3A_584 : vector<16xi32>
          %parallel_loop3A_586 = arith.constant 16 : i32
          %parallel_loop3A_587 = vector.broadcast %parallel_loop3A_586 : i32 to vector<16xi32>
          %parallel_loop3A_588 = arith.addi %broadcast_in_dim3A_50, %parallel_loop3A_587 : vector<16xi32>
          %parallel_loop3A_589 = arith.select %parallel_loop3A_585, %parallel_loop3A_588, %broadcast_in_dim3A_50 : vector<16xi1>, vector<16xi32>
          %parallel_loop3A_590 = vector.shape_cast %parallel_loop3A_589 : vector<16xi32> to vector<16x1xi32>
          %parallel_loop3A_591 = vector.shape_cast %parallel_loop3A_590 : vector<16x1xi32> to vector<16xi32>
          %parallel_loop3A_592 = tpu.dynamic_gather %parallel_loop3A_582[%parallel_loop3A_591] in [0] : vector<16xf32>, vector<16xi32> -> vector<16xf32>
          %parallel_loop3A_593 = arith.select %eq3A_46, %parallel_loop3A_592, %parallel_loop3A_564 : vector<16xi1>, vector<16xf32>
          %parallel_loop3A_594 = arith.index_cast %parallel_loop3A_390 : i32 to index
          %parallel_loop3A_595 = arith.constant 224 : index
          %parallel_loop3A_596 = tpu.vector_load %arg11[%parallel_loop3A_594, %parallel_loop3A_595] {strides = array<i32>} : memref<80x256xf32, #tpu.memory_space<vmem>>, vector<16xf32>,
          %parallel_loop3A_597 = arith.index_cast %parallel_loop3A_390 : i32 to index
          %parallel_loop3A_598 = arith.constant 240 : index
          %parallel_loop3A_599 = tpu.vector_load %arg11[%parallel_loop3A_597, %parallel_loop3A_598] {strides = array<i32>} : memref<80x256xf32, #tpu.memory_space<vmem>>, vector<16xf32>,
          %parallel_loop3A_600 = arith.index_cast %parallel_loop3A_390 : i32 to index
          %parallel_loop3A_601 = arith.constant 224 : index
          %parallel_loop3A_602 = tpu.vector_load %arg13[%parallel_loop3A_600, %parallel_loop3A_601] {strides = array<i32>} : memref<80x256xf32, #tpu.memory_space<vmem>>, vector<16xf32>,
          %parallel_loop3A_603 = arith.index_cast %parallel_loop3A_390 : i32 to index
          %parallel_loop3A_604 = arith.constant 240 : index
          %parallel_loop3A_605 = tpu.vector_load %arg13[%parallel_loop3A_603, %parallel_loop3A_604] {strides = array<i32>} : memref<80x256xf32, #tpu.memory_space<vmem>>, vector<16xf32>,
          %parallel_loop3A_606 = arith.mulf %parallel_loop3A_596, %parallel_loop3A_602 : vector<16xf32>
          %parallel_loop3A_607 = arith.mulf %parallel_loop3A_599, %parallel_loop3A_605 : vector<16xf32>
          %parallel_loop3A_608 = arith.addf %parallel_loop3A_606, %parallel_loop3A_607 : vector<16xf32>
          %parallel_loop3A_609 = arith.constant true
          %parallel_loop3A_610 = vector.broadcast %parallel_loop3A_609 : i1 to vector<16xi1>
          %parallel_loop3A_611 = tpu.scan <sum>, %parallel_loop3A_608 masked %parallel_loop3A_610 : vector<16xf32>, vector<16xi1> -> vector<16xf32>
          %parallel_loop3A_612 = arith.constant 0 : i32
          %parallel_loop3A_613 = vector.broadcast %parallel_loop3A_612 : i32 to vector<16xi32>
          %parallel_loop3A_614 = arith.cmpi slt, %broadcast_in_dim3A_50, %parallel_loop3A_613 : vector<16xi32>
          %parallel_loop3A_615 = arith.constant 16 : i32
          %parallel_loop3A_616 = vector.broadcast %parallel_loop3A_615 : i32 to vector<16xi32>
          %parallel_loop3A_617 = arith.addi %broadcast_in_dim3A_50, %parallel_loop3A_616 : vector<16xi32>
          %parallel_loop3A_618 = arith.select %parallel_loop3A_614, %parallel_loop3A_617, %broadcast_in_dim3A_50 : vector<16xi1>, vector<16xi32>
          %parallel_loop3A_619 = vector.shape_cast %parallel_loop3A_618 : vector<16xi32> to vector<16x1xi32>
          %parallel_loop3A_620 = vector.shape_cast %parallel_loop3A_619 : vector<16x1xi32> to vector<16xi32>
          %parallel_loop3A_621 = tpu.dynamic_gather %parallel_loop3A_611[%parallel_loop3A_620] in [0] : vector<16xf32>, vector<16xi32> -> vector<16xf32>
          %parallel_loop3A_622 = arith.select %eq3A_49, %parallel_loop3A_621, %parallel_loop3A_593 : vector<16xi1>, vector<16xf32>
          %parallel_loop3A_623 = arith.constant 16 : i32
          %parallel_loop3A_624 = arith.muli %parallel_loop3A_148, %parallel_loop3A_623 : i32
          %parallel_loop3A_625 = arith.index_cast %parallel_loop3A_624 : i32 to index
          %parallel_loop3A_626 = tpu.vector_load %arg15[%parallel_loop3A_625] {strides = array<i32>} : memref<640xf32, #tpu.memory_space<vmem>>, vector<16xf32>,
          tpu.vector_store %arg15[%parallel_loop3A_625], %parallel_loop3A_622 {strides = array<i32>} : memref<640xf32, #tpu.memory_space<vmem>>, vector<16xf32>,
        } {sc.loop_unroll_factor = 2 : i64, sc.parallel_access}
        %mul3A_139 = arith.constant 32 : i32
        %mul3A_140 = arith.muli %mul3A_139, %add3A_104 : i32
        %add3A_141 = arith.addi %add3A, %mul3A_140 : i32
        %mul3A_142 = arith.constant 80 : i32
        %mul3A_143 = arith.muli %add3A_141, %mul3A_142 : i32
        %mul3A_144 = arith.constant 8 : i32
        %mul3A_145 = arith.muli %mul3A_143, %mul3A_144 : i32
        %dma_start3A_146 = tpu.memref_slice %arg6[%mul3A_145] : memref<1280000xf32, #tpu.memory_space<hbm>> -> memref<640xf32, #tpu.memory_space<hbm>>
        %dma_start3A_147 = tpu.memref_slice %arg6[%mul3A_145] : memref<1280000xf32, #tpu.memory_space<hbm>> -> memref<640xf32, #tpu.memory_space<hbm>>
        tpu.enqueue_dma source(%arg15 : memref<640xf32, #tpu.memory_space<vmem>>) target(%dma_start3A_147 : memref<640xf32, #tpu.memory_space<hbm>>) target_semaphore(%arg21 : memref<!tpu.dma_semaphore, #tpu.memory_space<semaphore_mem>>)
      } else {
      }
      %mul3A_107 = arith.constant 2 : i32
      %mul3A_108 = arith.muli %mul3A_107, %scan3A_100 : i32
      %add3A_109 = arith.constant 1 : i32
      %add3A_110 = arith.addi %mul3A_108, %add3A_109 : i32
      %lt3A_111 = arith.cmpi slt, %add3A_110, %select_n3A : i32
      %convert_element_type3A_112 = arith.extui %lt3A_111 : i1 to i32
      %cond3A_113 = arith.constant 0 : i32
      %cond3A_114 = arith.cmpi ne, %convert_element_type3A_112, %cond3A_113 : i32
      scf.if %cond3A_114 {
        %dma_wait3A_115 = arith.constant 0 : i32
        %dma_wait3A_116 = arith.constant 0 : i32
        %dma_wait3A_117 = tpu.memref_slice %arg2[%dma_wait3A_115, %dma_wait3A_116] : memref<10000x256xf32, #tpu.memory_space<hbm>> -> memref<10000x256xf32, #tpu.memory_space<hbm>>
        tpu.wait_indirect_dma semaphore(%arg20 : memref<!tpu.dma_semaphore, #tpu.memory_space<semaphore_mem>>) src(%dma_wait3A_117 : memref<10000x256xf32, #tpu.memory_space<hbm>>) dst(%arg12 : memref<80x256xf32, #tpu.memory_space<vmem>>)
        %dma_wait3A_118 = arith.constant 0 : i32
        %dma_wait3A_119 = arith.constant 0 : i32
        %dma_wait3A_120 = tpu.memref_slice %arg3[%dma_wait3A_118, %dma_wait3A_119] : memref<10000x256xf32, #tpu.memory_space<hbm>> -> memref<10000x256xf32, #tpu.memory_space<hbm>>
        tpu.wait_indirect_dma semaphore(%arg20 : memref<!tpu.dma_semaphore, #tpu.memory_space<semaphore_mem>>) src(%dma_wait3A_120 : memref<10000x256xf32, #tpu.memory_space<hbm>>) dst(%arg14 : memref<80x256xf32, #tpu.memory_space<vmem>>)
        %ge3A = arith.constant 2 : i32
        %ge3A_121 = arith.cmpi sge, %add3A_110, %ge3A : i32
        %convert_element_type3A_122 = arith.extui %ge3A_121 : i1 to i32
        %cond3A_123 = arith.constant 0 : i32
        %cond3A_124 = arith.cmpi ne, %convert_element_type3A_122, %cond3A_123 : i32
        scf.if %cond3A_124 {
          %sub3A = arith.constant 2 : i32
          %sub3A_148 = arith.subi %add3A_110, %sub3A : i32
          %mul3A_149 = arith.constant 32 : i32
          %mul3A_150 = arith.muli %mul3A_149, %sub3A_148 : i32
          %add3A_151 = arith.addi %add3A, %mul3A_150 : i32
          %mul3A_152 = arith.constant 80 : i32
          %mul3A_153 = arith.muli %add3A_151, %mul3A_152 : i32
          %mul3A_154 = arith.constant 8 : i32
          %mul3A_155 = arith.muli %mul3A_153, %mul3A_154 : i32
          %dma_wait3A_156 = tpu.memref_slice %arg6[%mul3A_155] : memref<1280000xf32, #tpu.memory_space<hbm>> -> memref<640xf32, #tpu.memory_space<hbm>>
          %dma_wait3A_157 = tpu.memref_slice %arg6[%mul3A_155] : memref<1280000xf32, #tpu.memory_space<hbm>> -> memref<640xf32, #tpu.memory_space<hbm>>
          tpu.wait_dma2 semaphore(%arg22 : memref<!tpu.dma_semaphore, #tpu.memory_space<semaphore_mem>>) src(%arg16 : memref<640xf32, #tpu.memory_space<vmem>>) dst(%dma_wait3A_157 : memref<640xf32, #tpu.memory_space<hbm>>)
        } else {
        }
        %add3A_125 = arith.constant 1 : i32
        %add3A_126 = arith.addi %add3A_110, %add3A_125 : i32
        %lt3A_127 = arith.cmpi slt, %add3A_126, %select_n3A : i32
        %convert_element_type3A_128 = arith.extui %lt3A_127 : i1 to i32
        %cond3A_129 = arith.constant 0 : i32
        %cond3A_130 = arith.cmpi ne, %convert_element_type3A_128, %cond3A_129 : i32
        scf.if %cond3A_130 {
          %add3A_148 = arith.constant 1 : i32
          %add3A_149 = arith.addi %add3A_110, %add3A_148 : i32
          %mul3A_150 = arith.constant 32 : i32
          %mul3A_151 = arith.muli %mul3A_150, %add3A_149 : i32
          %add3A_152 = arith.addi %add3A, %mul3A_151 : i32
          %mul3A_153 = arith.constant 80 : i32
          %mul3A_154 = arith.muli %add3A_152, %mul3A_153 : i32
          %dma_wait3A_155 = tpu.memref_slice %arg4[%mul3A_154] : memref<160000xi32, #tpu.memory_space<hbm>> -> memref<80xi32, #tpu.memory_space<hbm>>
          %dma_wait3A_156 = tpu.memref_slice %arg4[%mul3A_154] : memref<160000xi32, #tpu.memory_space<hbm>> -> memref<80xi32, #tpu.memory_space<hbm>>
          tpu.wait_dma2 semaphore(%arg17 : memref<!tpu.dma_semaphore, #tpu.memory_space<semaphore_mem>>) src(%dma_wait3A_156 : memref<80xi32, #tpu.memory_space<hbm>>) dst(%arg7 : memref<80xi32, #tpu.memory_space<vmem>>)
          %dma_wait3A_157 = tpu.memref_slice %arg5[%mul3A_154] : memref<160000xi32, #tpu.memory_space<hbm>> -> memref<80xi32, #tpu.memory_space<hbm>>
          %dma_wait3A_158 = tpu.memref_slice %arg5[%mul3A_154] : memref<160000xi32, #tpu.memory_space<hbm>> -> memref<80xi32, #tpu.memory_space<hbm>>
          tpu.wait_dma2 semaphore(%arg17 : memref<!tpu.dma_semaphore, #tpu.memory_space<semaphore_mem>>) src(%dma_wait3A_158 : memref<80xi32, #tpu.memory_space<hbm>>) dst(%arg9 : memref<80xi32, #tpu.memory_space<vmem>>)
          %dma_start3A_159 = arith.constant 0 : i32
          %dma_start3A_160 = arith.constant 0 : i32
          %dma_start3A_161 = tpu.memref_slice %arg2[%dma_start3A_159, %dma_start3A_160] : memref<10000x256xf32, #tpu.memory_space<hbm>> -> memref<10000x256xf32, #tpu.memory_space<hbm>>
          tpu.enqueue_indirect_dma source(%dma_start3A_161 : memref<10000x256xf32, #tpu.memory_space<hbm>>) target(%arg11 : memref<80x256xf32, #tpu.memory_space<vmem>>) offsets(%arg7 : memref<80xi32, #tpu.memory_space<vmem>>) semaphore(%arg19 : memref<!tpu.dma_semaphore, #tpu.memory_space<semaphore_mem>>)
          %dma_start3A_162 = arith.constant 0 : i32
          %dma_start3A_163 = arith.constant 0 : i32
          %dma_start3A_164 = tpu.memref_slice %arg3[%dma_start3A_162, %dma_start3A_163] : memref<10000x256xf32, #tpu.memory_space<hbm>> -> memref<10000x256xf32, #tpu.memory_space<hbm>>
          tpu.enqueue_indirect_dma source(%dma_start3A_164 : memref<10000x256xf32, #tpu.memory_space<hbm>>) target(%arg13 : memref<80x256xf32, #tpu.memory_space<vmem>>) offsets(%arg9 : memref<80xi32, #tpu.memory_space<vmem>>) semaphore(%arg19 : memref<!tpu.dma_semaphore, #tpu.memory_space<semaphore_mem>>)
        } else {
        }
        %add3A_131 = arith.constant 2 : i32
        %add3A_132 = arith.addi %add3A_110, %add3A_131 : i32
        %lt3A_133 = arith.cmpi slt, %add3A_132, %select_n3A : i32
        %convert_element_type3A_134 = arith.extui %lt3A_133 : i1 to i32
        %cond3A_135 = arith.constant 0 : i32
        %cond3A_136 = arith.cmpi ne, %convert_element_type3A_134, %cond3A_135 : i32
        scf.if %cond3A_136 {
          %add3A_148 = arith.constant 2 : i32
          %add3A_149 = arith.addi %add3A_110, %add3A_148 : i32
          %mul3A_150 = arith.constant 32 : i32
          %mul3A_151 = arith.muli %mul3A_150, %add3A_149 : i32
          %add3A_152 = arith.addi %add3A, %mul3A_151 : i32
          %mul3A_153 = arith.constant 80 : i32
          %mul3A_154 = arith.muli %add3A_152, %mul3A_153 : i32
          %dma_start3A_155 = tpu.memref_slice %arg4[%mul3A_154] : memref<160000xi32, #tpu.memory_space<hbm>> -> memref<80xi32, #tpu.memory_space<hbm>>
          %dma_start3A_156 = tpu.memref_slice %arg4[%mul3A_154] : memref<160000xi32, #tpu.memory_space<hbm>> -> memref<80xi32, #tpu.memory_space<hbm>>
          tpu.enqueue_dma source(%dma_start3A_156 : memref<80xi32, #tpu.memory_space<hbm>>) target(%arg8 : memref<80xi32, #tpu.memory_space<vmem>>) target_semaphore(%arg18 : memref<!tpu.dma_semaphore, #tpu.memory_space<semaphore_mem>>)
          %dma_start3A_157 = tpu.memref_slice %arg5[%mul3A_154] : memref<160000xi32, #tpu.memory_space<hbm>> -> memref<80xi32, #tpu.memory_space<hbm>>
          %dma_start3A_158 = tpu.memref_slice %arg5[%mul3A_154] : memref<160000xi32, #tpu.memory_space<hbm>> -> memref<80xi32, #tpu.memory_space<hbm>>
          tpu.enqueue_dma source(%dma_start3A_158 : memref<80xi32, #tpu.memory_space<hbm>>) target(%arg10 : memref<80xi32, #tpu.memory_space<vmem>>) target_semaphore(%arg18 : memref<!tpu.dma_semaphore, #tpu.memory_space<semaphore_mem>>)
        } else {
        }
        %parallel_loop3A = arith.constant 0 : i32
        %parallel_loop3A_137 = arith.constant 40 : i32
        %parallel_loop3A_138 = arith.constant 1 : i32
        scf.for %parallel_loop3A_148 = %parallel_loop3A to %parallel_loop3A_137 step %parallel_loop3A_138  : i32 {
          %parallel_loop3A_149 = arith.constant 0.000000e+00 : f32
          %parallel_loop3A_150 = vector.broadcast %parallel_loop3A_149 : f32 to vector<16xf32>
          %parallel_loop3A_151 = arith.constant 2 : i32
          %parallel_loop3A_152 = arith.muli %parallel_loop3A_151, %parallel_loop3A_148 : i32
          %parallel_loop3A_153 = arith.constant 0 : i32
          %parallel_loop3A_154 = arith.addi %parallel_loop3A_152, %parallel_loop3A_153 : i32
          %parallel_loop3A_155 = arith.index_cast %parallel_loop3A_154 : i32 to index
          %parallel_loop3A_156 = arith.constant 0 : index
          %parallel_loop3A_157 = tpu.vector_load %arg12[%parallel_loop3A_155, %parallel_loop3A_156] {strides = array<i32>} : memref<80x256xf32, #tpu.memory_space<vmem>>, vector<16xf32>,
          %parallel_loop3A_158 = arith.index_cast %parallel_loop3A_154 : i32 to index
          %parallel_loop3A_159 = arith.constant 16 : index
          %parallel_loop3A_160 = tpu.vector_load %arg12[%parallel_loop3A_158, %parallel_loop3A_159] {strides = array<i32>} : memref<80x256xf32, #tpu.memory_space<vmem>>, vector<16xf32>,
          %parallel_loop3A_161 = arith.index_cast %parallel_loop3A_154 : i32 to index
          %parallel_loop3A_162 = arith.constant 0 : index
          %parallel_loop3A_163 = tpu.vector_load %arg14[%parallel_loop3A_161, %parallel_loop3A_162] {strides = array<i32>} : memref<80x256xf32, #tpu.memory_space<vmem>>, vector<16xf32>,
          %parallel_loop3A_164 = arith.index_cast %parallel_loop3A_154 : i32 to index
          %parallel_loop3A_165 = arith.constant 16 : index
          %parallel_loop3A_166 = tpu.vector_load %arg14[%parallel_loop3A_164, %parallel_loop3A_165] {strides = array<i32>} : memref<80x256xf32, #tpu.memory_space<vmem>>, vector<16xf32>,
          %parallel_loop3A_167 = arith.mulf %parallel_loop3A_157, %parallel_loop3A_163 : vector<16xf32>
          %parallel_loop3A_168 = arith.mulf %parallel_loop3A_160, %parallel_loop3A_166 : vector<16xf32>
          %parallel_loop3A_169 = arith.addf %parallel_loop3A_167, %parallel_loop3A_168 : vector<16xf32>
          %parallel_loop3A_170 = arith.constant true
          %parallel_loop3A_171 = vector.broadcast %parallel_loop3A_170 : i1 to vector<16xi1>
          %parallel_loop3A_172 = tpu.scan <sum>, %parallel_loop3A_169 masked %parallel_loop3A_171 : vector<16xf32>, vector<16xi1> -> vector<16xf32>
          %parallel_loop3A_173 = arith.constant 0 : i32
          %parallel_loop3A_174 = vector.broadcast %parallel_loop3A_173 : i32 to vector<16xi32>
          %parallel_loop3A_175 = arith.cmpi slt, %broadcast_in_dim3A_50, %parallel_loop3A_174 : vector<16xi32>
          %parallel_loop3A_176 = arith.constant 16 : i32
          %parallel_loop3A_177 = vector.broadcast %parallel_loop3A_176 : i32 to vector<16xi32>
          %parallel_loop3A_178 = arith.addi %broadcast_in_dim3A_50, %parallel_loop3A_177 : vector<16xi32>
          %parallel_loop3A_179 = arith.select %parallel_loop3A_175, %parallel_loop3A_178, %broadcast_in_dim3A_50 : vector<16xi1>, vector<16xi32>
          %parallel_loop3A_180 = vector.shape_cast %parallel_loop3A_179 : vector<16xi32> to vector<16x1xi32>
          %parallel_loop3A_181 = vector.shape_cast %parallel_loop3A_180 : vector<16x1xi32> to vector<16xi32>
          %parallel_loop3A_182 = tpu.dynamic_gather %parallel_loop3A_172[%parallel_loop3A_181] in [0] : vector<16xf32>, vector<16xi32> -> vector<16xf32>
          %parallel_loop3A_183 = arith.select %eq3A_4, %parallel_loop3A_182, %parallel_loop3A_150 : vector<16xi1>, vector<16xf32>
          %parallel_loop3A_184 = arith.index_cast %parallel_loop3A_154 : i32 to index
          %parallel_loop3A_185 = arith.constant 32 : index
          %parallel_loop3A_186 = tpu.vector_load %arg12[%parallel_loop3A_184, %parallel_loop3A_185] {strides = array<i32>} : memref<80x256xf32, #tpu.memory_space<vmem>>, vector<16xf32>,
          %parallel_loop3A_187 = arith.index_cast %parallel_loop3A_154 : i32 to index
          %parallel_loop3A_188 = arith.constant 48 : index
          %parallel_loop3A_189 = tpu.vector_load %arg12[%parallel_loop3A_187, %parallel_loop3A_188] {strides = array<i32>} : memref<80x256xf32, #tpu.memory_space<vmem>>, vector<16xf32>,
          %parallel_loop3A_190 = arith.index_cast %parallel_loop3A_154 : i32 to index
          %parallel_loop3A_191 = arith.constant 32 : index
          %parallel_loop3A_192 = tpu.vector_load %arg14[%parallel_loop3A_190, %parallel_loop3A_191] {strides = array<i32>} : memref<80x256xf32, #tpu.memory_space<vmem>>, vector<16xf32>,
          %parallel_loop3A_193 = arith.index_cast %parallel_loop3A_154 : i32 to index
          %parallel_loop3A_194 = arith.constant 48 : index
          %parallel_loop3A_195 = tpu.vector_load %arg14[%parallel_loop3A_193, %parallel_loop3A_194] {strides = array<i32>} : memref<80x256xf32, #tpu.memory_space<vmem>>, vector<16xf32>,
          %parallel_loop3A_196 = arith.mulf %parallel_loop3A_186, %parallel_loop3A_192 : vector<16xf32>
          %parallel_loop3A_197 = arith.mulf %parallel_loop3A_189, %parallel_loop3A_195 : vector<16xf32>
          %parallel_loop3A_198 = arith.addf %parallel_loop3A_196, %parallel_loop3A_197 : vector<16xf32>
          %parallel_loop3A_199 = arith.constant true
          %parallel_loop3A_200 = vector.broadcast %parallel_loop3A_199 : i1 to vector<16xi1>
          %parallel_loop3A_201 = tpu.scan <sum>, %parallel_loop3A_198 masked %parallel_loop3A_200 : vector<16xf32>, vector<16xi1> -> vector<16xf32>
          %parallel_loop3A_202 = arith.constant 0 : i32
          %parallel_loop3A_203 = vector.broadcast %parallel_loop3A_202 : i32 to vector<16xi32>
          %parallel_loop3A_204 = arith.cmpi slt, %broadcast_in_dim3A_50, %parallel_loop3A_203 : vector<16xi32>
          %parallel_loop3A_205 = arith.constant 16 : i32
          %parallel_loop3A_206 = vector.broadcast %parallel_loop3A_205 : i32 to vector<16xi32>
          %parallel_loop3A_207 = arith.addi %broadcast_in_dim3A_50, %parallel_loop3A_206 : vector<16xi32>
          %parallel_loop3A_208 = arith.select %parallel_loop3A_204, %parallel_loop3A_207, %broadcast_in_dim3A_50 : vector<16xi1>, vector<16xi32>
          %parallel_loop3A_209 = vector.shape_cast %parallel_loop3A_208 : vector<16xi32> to vector<16x1xi32>
          %parallel_loop3A_210 = vector.shape_cast %parallel_loop3A_209 : vector<16x1xi32> to vector<16xi32>
          %parallel_loop3A_211 = tpu.dynamic_gather %parallel_loop3A_201[%parallel_loop3A_210] in [0] : vector<16xf32>, vector<16xi32> -> vector<16xf32>
          %parallel_loop3A_212 = arith.select %eq3A_7, %parallel_loop3A_211, %parallel_loop3A_183 : vector<16xi1>, vector<16xf32>
          %parallel_loop3A_213 = arith.index_cast %parallel_loop3A_154 : i32 to index
          %parallel_loop3A_214 = arith.constant 64 : index
          %parallel_loop3A_215 = tpu.vector_load %arg12[%parallel_loop3A_213, %parallel_loop3A_214] {strides = array<i32>} : memref<80x256xf32, #tpu.memory_space<vmem>>, vector<16xf32>,
          %parallel_loop3A_216 = arith.index_cast %parallel_loop3A_154 : i32 to index
          %parallel_loop3A_217 = arith.constant 80 : index
          %parallel_loop3A_218 = tpu.vector_load %arg12[%parallel_loop3A_216, %parallel_loop3A_217] {strides = array<i32>} : memref<80x256xf32, #tpu.memory_space<vmem>>, vector<16xf32>,
          %parallel_loop3A_219 = arith.index_cast %parallel_loop3A_154 : i32 to index
          %parallel_loop3A_220 = arith.constant 64 : index
          %parallel_loop3A_221 = tpu.vector_load %arg14[%parallel_loop3A_219, %parallel_loop3A_220] {strides = array<i32>} : memref<80x256xf32, #tpu.memory_space<vmem>>, vector<16xf32>,
          %parallel_loop3A_222 = arith.index_cast %parallel_loop3A_154 : i32 to index
          %parallel_loop3A_223 = arith.constant 80 : index
          %parallel_loop3A_224 = tpu.vector_load %arg14[%parallel_loop3A_222, %parallel_loop3A_223] {strides = array<i32>} : memref<80x256xf32, #tpu.memory_space<vmem>>, vector<16xf32>,
          %parallel_loop3A_225 = arith.mulf %parallel_loop3A_215, %parallel_loop3A_221 : vector<16xf32>
          %parallel_loop3A_226 = arith.mulf %parallel_loop3A_218, %parallel_loop3A_224 : vector<16xf32>
          %parallel_loop3A_227 = arith.addf %parallel_loop3A_225, %parallel_loop3A_226 : vector<16xf32>
          %parallel_loop3A_228 = arith.constant true
          %parallel_loop3A_229 = vector.broadcast %parallel_loop3A_228 : i1 to vector<16xi1>
          %parallel_loop3A_230 = tpu.scan <sum>, %parallel_loop3A_227 masked %parallel_loop3A_229 : vector<16xf32>, vector<16xi1> -> vector<16xf32>
          %parallel_loop3A_231 = arith.constant 0 : i32
          %parallel_loop3A_232 = vector.broadcast %parallel_loop3A_231 : i32 to vector<16xi32>
          %parallel_loop3A_233 = arith.cmpi slt, %broadcast_in_dim3A_50, %parallel_loop3A_232 : vector<16xi32>
          %parallel_loop3A_234 = arith.constant 16 : i32
          %parallel_loop3A_235 = vector.broadcast %parallel_loop3A_234 : i32 to vector<16xi32>
          %parallel_loop3A_236 = arith.addi %broadcast_in_dim3A_50, %parallel_loop3A_235 : vector<16xi32>
          %parallel_loop3A_237 = arith.select %parallel_loop3A_233, %parallel_loop3A_236, %broadcast_in_dim3A_50 : vector<16xi1>, vector<16xi32>
          %parallel_loop3A_238 = vector.shape_cast %parallel_loop3A_237 : vector<16xi32> to vector<16x1xi32>
          %parallel_loop3A_239 = vector.shape_cast %parallel_loop3A_238 : vector<16x1xi32> to vector<16xi32>
          %parallel_loop3A_240 = tpu.dynamic_gather %parallel_loop3A_230[%parallel_loop3A_239] in [0] : vector<16xf32>, vector<16xi32> -> vector<16xf32>
          %parallel_loop3A_241 = arith.select %eq3A_10, %parallel_loop3A_240, %parallel_loop3A_212 : vector<16xi1>, vector<16xf32>
          %parallel_loop3A_242 = arith.index_cast %parallel_loop3A_154 : i32 to index
          %parallel_loop3A_243 = arith.constant 96 : index
          %parallel_loop3A_244 = tpu.vector_load %arg12[%parallel_loop3A_242, %parallel_loop3A_243] {strides = array<i32>} : memref<80x256xf32, #tpu.memory_space<vmem>>, vector<16xf32>,
          %parallel_loop3A_245 = arith.index_cast %parallel_loop3A_154 : i32 to index
          %parallel_loop3A_246 = arith.constant 112 : index
          %parallel_loop3A_247 = tpu.vector_load %arg12[%parallel_loop3A_245, %parallel_loop3A_246] {strides = array<i32>} : memref<80x256xf32, #tpu.memory_space<vmem>>, vector<16xf32>,
          %parallel_loop3A_248 = arith.index_cast %parallel_loop3A_154 : i32 to index
          %parallel_loop3A_249 = arith.constant 96 : index
          %parallel_loop3A_250 = tpu.vector_load %arg14[%parallel_loop3A_248, %parallel_loop3A_249] {strides = array<i32>} : memref<80x256xf32, #tpu.memory_space<vmem>>, vector<16xf32>,
          %parallel_loop3A_251 = arith.index_cast %parallel_loop3A_154 : i32 to index
          %parallel_loop3A_252 = arith.constant 112 : index
          %parallel_loop3A_253 = tpu.vector_load %arg14[%parallel_loop3A_251, %parallel_loop3A_252] {strides = array<i32>} : memref<80x256xf32, #tpu.memory_space<vmem>>, vector<16xf32>,
          %parallel_loop3A_254 = arith.mulf %parallel_loop3A_244, %parallel_loop3A_250 : vector<16xf32>
          %parallel_loop3A_255 = arith.mulf %parallel_loop3A_247, %parallel_loop3A_253 : vector<16xf32>
          %parallel_loop3A_256 = arith.addf %parallel_loop3A_254, %parallel_loop3A_255 : vector<16xf32>
          %parallel_loop3A_257 = arith.constant true
          %parallel_loop3A_258 = vector.broadcast %parallel_loop3A_257 : i1 to vector<16xi1>
          %parallel_loop3A_259 = tpu.scan <sum>, %parallel_loop3A_256 masked %parallel_loop3A_258 : vector<16xf32>, vector<16xi1> -> vector<16xf32>
          %parallel_loop3A_260 = arith.constant 0 : i32
          %parallel_loop3A_261 = vector.broadcast %parallel_loop3A_260 : i32 to vector<16xi32>
          %parallel_loop3A_262 = arith.cmpi slt, %broadcast_in_dim3A_50, %parallel_loop3A_261 : vector<16xi32>
          %parallel_loop3A_263 = arith.constant 16 : i32
          %parallel_loop3A_264 = vector.broadcast %parallel_loop3A_263 : i32 to vector<16xi32>
          %parallel_loop3A_265 = arith.addi %broadcast_in_dim3A_50, %parallel_loop3A_264 : vector<16xi32>
          %parallel_loop3A_266 = arith.select %parallel_loop3A_262, %parallel_loop3A_265, %broadcast_in_dim3A_50 : vector<16xi1>, vector<16xi32>
          %parallel_loop3A_267 = vector.shape_cast %parallel_loop3A_266 : vector<16xi32> to vector<16x1xi32>
          %parallel_loop3A_268 = vector.shape_cast %parallel_loop3A_267 : vector<16x1xi32> to vector<16xi32>
          %parallel_loop3A_269 = tpu.dynamic_gather %parallel_loop3A_259[%parallel_loop3A_268] in [0] : vector<16xf32>, vector<16xi32> -> vector<16xf32>
          %parallel_loop3A_270 = arith.select %eq3A_13, %parallel_loop3A_269, %parallel_loop3A_241 : vector<16xi1>, vector<16xf32>
          %parallel_loop3A_271 = arith.index_cast %parallel_loop3A_154 : i32 to index
          %parallel_loop3A_272 = arith.constant 128 : index
          %parallel_loop3A_273 = tpu.vector_load %arg12[%parallel_loop3A_271, %parallel_loop3A_272] {strides = array<i32>} : memref<80x256xf32, #tpu.memory_space<vmem>>, vector<16xf32>,
          %parallel_loop3A_274 = arith.index_cast %parallel_loop3A_154 : i32 to index
          %parallel_loop3A_275 = arith.constant 144 : index
          %parallel_loop3A_276 = tpu.vector_load %arg12[%parallel_loop3A_274, %parallel_loop3A_275] {strides = array<i32>} : memref<80x256xf32, #tpu.memory_space<vmem>>, vector<16xf32>,
          %parallel_loop3A_277 = arith.index_cast %parallel_loop3A_154 : i32 to index
          %parallel_loop3A_278 = arith.constant 128 : index
          %parallel_loop3A_279 = tpu.vector_load %arg14[%parallel_loop3A_277, %parallel_loop3A_278] {strides = array<i32>} : memref<80x256xf32, #tpu.memory_space<vmem>>, vector<16xf32>,
          %parallel_loop3A_280 = arith.index_cast %parallel_loop3A_154 : i32 to index
          %parallel_loop3A_281 = arith.constant 144 : index
          %parallel_loop3A_282 = tpu.vector_load %arg14[%parallel_loop3A_280, %parallel_loop3A_281] {strides = array<i32>} : memref<80x256xf32, #tpu.memory_space<vmem>>, vector<16xf32>,
          %parallel_loop3A_283 = arith.mulf %parallel_loop3A_273, %parallel_loop3A_279 : vector<16xf32>
          %parallel_loop3A_284 = arith.mulf %parallel_loop3A_276, %parallel_loop3A_282 : vector<16xf32>
          %parallel_loop3A_285 = arith.addf %parallel_loop3A_283, %parallel_loop3A_284 : vector<16xf32>
          %parallel_loop3A_286 = arith.constant true
          %parallel_loop3A_287 = vector.broadcast %parallel_loop3A_286 : i1 to vector<16xi1>
          %parallel_loop3A_288 = tpu.scan <sum>, %parallel_loop3A_285 masked %parallel_loop3A_287 : vector<16xf32>, vector<16xi1> -> vector<16xf32>
          %parallel_loop3A_289 = arith.constant 0 : i32
          %parallel_loop3A_290 = vector.broadcast %parallel_loop3A_289 : i32 to vector<16xi32>
          %parallel_loop3A_291 = arith.cmpi slt, %broadcast_in_dim3A_50, %parallel_loop3A_290 : vector<16xi32>
          %parallel_loop3A_292 = arith.constant 16 : i32
          %parallel_loop3A_293 = vector.broadcast %parallel_loop3A_292 : i32 to vector<16xi32>
          %parallel_loop3A_294 = arith.addi %broadcast_in_dim3A_50, %parallel_loop3A_293 : vector<16xi32>
          %parallel_loop3A_295 = arith.select %parallel_loop3A_291, %parallel_loop3A_294, %broadcast_in_dim3A_50 : vector<16xi1>, vector<16xi32>
          %parallel_loop3A_296 = vector.shape_cast %parallel_loop3A_295 : vector<16xi32> to vector<16x1xi32>
          %parallel_loop3A_297 = vector.shape_cast %parallel_loop3A_296 : vector<16x1xi32> to vector<16xi32>
          %parallel_loop3A_298 = tpu.dynamic_gather %parallel_loop3A_288[%parallel_loop3A_297] in [0] : vector<16xf32>, vector<16xi32> -> vector<16xf32>
          %parallel_loop3A_299 = arith.select %eq3A_16, %parallel_loop3A_298, %parallel_loop3A_270 : vector<16xi1>, vector<16xf32>
          %parallel_loop3A_300 = arith.index_cast %parallel_loop3A_154 : i32 to index
          %parallel_loop3A_301 = arith.constant 160 : index
          %parallel_loop3A_302 = tpu.vector_load %arg12[%parallel_loop3A_300, %parallel_loop3A_301] {strides = array<i32>} : memref<80x256xf32, #tpu.memory_space<vmem>>, vector<16xf32>,
          %parallel_loop3A_303 = arith.index_cast %parallel_loop3A_154 : i32 to index
          %parallel_loop3A_304 = arith.constant 176 : index
          %parallel_loop3A_305 = tpu.vector_load %arg12[%parallel_loop3A_303, %parallel_loop3A_304] {strides = array<i32>} : memref<80x256xf32, #tpu.memory_space<vmem>>, vector<16xf32>,
          %parallel_loop3A_306 = arith.index_cast %parallel_loop3A_154 : i32 to index
          %parallel_loop3A_307 = arith.constant 160 : index
          %parallel_loop3A_308 = tpu.vector_load %arg14[%parallel_loop3A_306, %parallel_loop3A_307] {strides = array<i32>} : memref<80x256xf32, #tpu.memory_space<vmem>>, vector<16xf32>,
          %parallel_loop3A_309 = arith.index_cast %parallel_loop3A_154 : i32 to index
          %parallel_loop3A_310 = arith.constant 176 : index
          %parallel_loop3A_311 = tpu.vector_load %arg14[%parallel_loop3A_309, %parallel_loop3A_310] {strides = array<i32>} : memref<80x256xf32, #tpu.memory_space<vmem>>, vector<16xf32>,
          %parallel_loop3A_312 = arith.mulf %parallel_loop3A_302, %parallel_loop3A_308 : vector<16xf32>
          %parallel_loop3A_313 = arith.mulf %parallel_loop3A_305, %parallel_loop3A_311 : vector<16xf32>
          %parallel_loop3A_314 = arith.addf %parallel_loop3A_312, %parallel_loop3A_313 : vector<16xf32>
          %parallel_loop3A_315 = arith.constant true
          %parallel_loop3A_316 = vector.broadcast %parallel_loop3A_315 : i1 to vector<16xi1>
          %parallel_loop3A_317 = tpu.scan <sum>, %parallel_loop3A_314 masked %parallel_loop3A_316 : vector<16xf32>, vector<16xi1> -> vector<16xf32>
          %parallel_loop3A_318 = arith.constant 0 : i32
          %parallel_loop3A_319 = vector.broadcast %parallel_loop3A_318 : i32 to vector<16xi32>
          %parallel_loop3A_320 = arith.cmpi slt, %broadcast_in_dim3A_50, %parallel_loop3A_319 : vector<16xi32>
          %parallel_loop3A_321 = arith.constant 16 : i32
          %parallel_loop3A_322 = vector.broadcast %parallel_loop3A_321 : i32 to vector<16xi32>
          %parallel_loop3A_323 = arith.addi %broadcast_in_dim3A_50, %parallel_loop3A_322 : vector<16xi32>
          %parallel_loop3A_324 = arith.select %parallel_loop3A_320, %parallel_loop3A_323, %broadcast_in_dim3A_50 : vector<16xi1>, vector<16xi32>
          %parallel_loop3A_325 = vector.shape_cast %parallel_loop3A_324 : vector<16xi32> to vector<16x1xi32>
          %parallel_loop3A_326 = vector.shape_cast %parallel_loop3A_325 : vector<16x1xi32> to vector<16xi32>
          %parallel_loop3A_327 = tpu.dynamic_gather %parallel_loop3A_317[%parallel_loop3A_326] in [0] : vector<16xf32>, vector<16xi32> -> vector<16xf32>
          %parallel_loop3A_328 = arith.select %eq3A_19, %parallel_loop3A_327, %parallel_loop3A_299 : vector<16xi1>, vector<16xf32>
          %parallel_loop3A_329 = arith.index_cast %parallel_loop3A_154 : i32 to index
          %parallel_loop3A_330 = arith.constant 192 : index
          %parallel_loop3A_331 = tpu.vector_load %arg12[%parallel_loop3A_329, %parallel_loop3A_330] {strides = array<i32>} : memref<80x256xf32, #tpu.memory_space<vmem>>, vector<16xf32>,
          %parallel_loop3A_332 = arith.index_cast %parallel_loop3A_154 : i32 to index
          %parallel_loop3A_333 = arith.constant 208 : index
          %parallel_loop3A_334 = tpu.vector_load %arg12[%parallel_loop3A_332, %parallel_loop3A_333] {strides = array<i32>} : memref<80x256xf32, #tpu.memory_space<vmem>>, vector<16xf32>,
          %parallel_loop3A_335 = arith.index_cast %parallel_loop3A_154 : i32 to index
          %parallel_loop3A_336 = arith.constant 192 : index
          %parallel_loop3A_337 = tpu.vector_load %arg14[%parallel_loop3A_335, %parallel_loop3A_336] {strides = array<i32>} : memref<80x256xf32, #tpu.memory_space<vmem>>, vector<16xf32>,
          %parallel_loop3A_338 = arith.index_cast %parallel_loop3A_154 : i32 to index
          %parallel_loop3A_339 = arith.constant 208 : index
          %parallel_loop3A_340 = tpu.vector_load %arg14[%parallel_loop3A_338, %parallel_loop3A_339] {strides = array<i32>} : memref<80x256xf32, #tpu.memory_space<vmem>>, vector<16xf32>,
          %parallel_loop3A_341 = arith.mulf %parallel_loop3A_331, %parallel_loop3A_337 : vector<16xf32>
          %parallel_loop3A_342 = arith.mulf %parallel_loop3A_334, %parallel_loop3A_340 : vector<16xf32>
          %parallel_loop3A_343 = arith.addf %parallel_loop3A_341, %parallel_loop3A_342 : vector<16xf32>
          %parallel_loop3A_344 = arith.constant true
          %parallel_loop3A_345 = vector.broadcast %parallel_loop3A_344 : i1 to vector<16xi1>
          %parallel_loop3A_346 = tpu.scan <sum>, %parallel_loop3A_343 masked %parallel_loop3A_345 : vector<16xf32>, vector<16xi1> -> vector<16xf32>
          %parallel_loop3A_347 = arith.constant 0 : i32
          %parallel_loop3A_348 = vector.broadcast %parallel_loop3A_347 : i32 to vector<16xi32>
          %parallel_loop3A_349 = arith.cmpi slt, %broadcast_in_dim3A_50, %parallel_loop3A_348 : vector<16xi32>
          %parallel_loop3A_350 = arith.constant 16 : i32
          %parallel_loop3A_351 = vector.broadcast %parallel_loop3A_350 : i32 to vector<16xi32>
          %parallel_loop3A_352 = arith.addi %broadcast_in_dim3A_50, %parallel_loop3A_351 : vector<16xi32>
          %parallel_loop3A_353 = arith.select %parallel_loop3A_349, %parallel_loop3A_352, %broadcast_in_dim3A_50 : vector<16xi1>, vector<16xi32>
          %parallel_loop3A_354 = vector.shape_cast %parallel_loop3A_353 : vector<16xi32> to vector<16x1xi32>
          %parallel_loop3A_355 = vector.shape_cast %parallel_loop3A_354 : vector<16x1xi32> to vector<16xi32>
          %parallel_loop3A_356 = tpu.dynamic_gather %parallel_loop3A_346[%parallel_loop3A_355] in [0] : vector<16xf32>, vector<16xi32> -> vector<16xf32>
          %parallel_loop3A_357 = arith.select %eq3A_22, %parallel_loop3A_356, %parallel_loop3A_328 : vector<16xi1>, vector<16xf32>
          %parallel_loop3A_358 = arith.index_cast %parallel_loop3A_154 : i32 to index
          %parallel_loop3A_359 = arith.constant 224 : index
          %parallel_loop3A_360 = tpu.vector_load %arg12[%parallel_loop3A_358, %parallel_loop3A_359] {strides = array<i32>} : memref<80x256xf32, #tpu.memory_space<vmem>>, vector<16xf32>,
          %parallel_loop3A_361 = arith.index_cast %parallel_loop3A_154 : i32 to index
          %parallel_loop3A_362 = arith.constant 240 : index
          %parallel_loop3A_363 = tpu.vector_load %arg12[%parallel_loop3A_361, %parallel_loop3A_362] {strides = array<i32>} : memref<80x256xf32, #tpu.memory_space<vmem>>, vector<16xf32>,
          %parallel_loop3A_364 = arith.index_cast %parallel_loop3A_154 : i32 to index
          %parallel_loop3A_365 = arith.constant 224 : index
          %parallel_loop3A_366 = tpu.vector_load %arg14[%parallel_loop3A_364, %parallel_loop3A_365] {strides = array<i32>} : memref<80x256xf32, #tpu.memory_space<vmem>>, vector<16xf32>,
          %parallel_loop3A_367 = arith.index_cast %parallel_loop3A_154 : i32 to index
          %parallel_loop3A_368 = arith.constant 240 : index
          %parallel_loop3A_369 = tpu.vector_load %arg14[%parallel_loop3A_367, %parallel_loop3A_368] {strides = array<i32>} : memref<80x256xf32, #tpu.memory_space<vmem>>, vector<16xf32>,
          %parallel_loop3A_370 = arith.mulf %parallel_loop3A_360, %parallel_loop3A_366 : vector<16xf32>
          %parallel_loop3A_371 = arith.mulf %parallel_loop3A_363, %parallel_loop3A_369 : vector<16xf32>
          %parallel_loop3A_372 = arith.addf %parallel_loop3A_370, %parallel_loop3A_371 : vector<16xf32>
          %parallel_loop3A_373 = arith.constant true
          %parallel_loop3A_374 = vector.broadcast %parallel_loop3A_373 : i1 to vector<16xi1>
          %parallel_loop3A_375 = tpu.scan <sum>, %parallel_loop3A_372 masked %parallel_loop3A_374 : vector<16xf32>, vector<16xi1> -> vector<16xf32>
          %parallel_loop3A_376 = arith.constant 0 : i32
          %parallel_loop3A_377 = vector.broadcast %parallel_loop3A_376 : i32 to vector<16xi32>
          %parallel_loop3A_378 = arith.cmpi slt, %broadcast_in_dim3A_50, %parallel_loop3A_377 : vector<16xi32>
          %parallel_loop3A_379 = arith.constant 16 : i32
          %parallel_loop3A_380 = vector.broadcast %parallel_loop3A_379 : i32 to vector<16xi32>
          %parallel_loop3A_381 = arith.addi %broadcast_in_dim3A_50, %parallel_loop3A_380 : vector<16xi32>
          %parallel_loop3A_382 = arith.select %parallel_loop3A_378, %parallel_loop3A_381, %broadcast_in_dim3A_50 : vector<16xi1>, vector<16xi32>
          %parallel_loop3A_383 = vector.shape_cast %parallel_loop3A_382 : vector<16xi32> to vector<16x1xi32>
          %parallel_loop3A_384 = vector.shape_cast %parallel_loop3A_383 : vector<16x1xi32> to vector<16xi32>
          %parallel_loop3A_385 = tpu.dynamic_gather %parallel_loop3A_375[%parallel_loop3A_384] in [0] : vector<16xf32>, vector<16xi32> -> vector<16xf32>
          %parallel_loop3A_386 = arith.select %eq3A_25, %parallel_loop3A_385, %parallel_loop3A_357 : vector<16xi1>, vector<16xf32>
          %parallel_loop3A_387 = arith.constant 2 : i32
          %parallel_loop3A_388 = arith.muli %parallel_loop3A_387, %parallel_loop3A_148 : i32
          %parallel_loop3A_389 = arith.constant 1 : i32
          %parallel_loop3A_390 = arith.addi %parallel_loop3A_388, %parallel_loop3A_389 : i32
          %parallel_loop3A_391 = arith.index_cast %parallel_loop3A_390 : i32 to index
          %parallel_loop3A_392 = arith.constant 0 : index
          %parallel_loop3A_393 = tpu.vector_load %arg12[%parallel_loop3A_391, %parallel_loop3A_392] {strides = array<i32>} : memref<80x256xf32, #tpu.memory_space<vmem>>, vector<16xf32>,
          %parallel_loop3A_394 = arith.index_cast %parallel_loop3A_390 : i32 to index
          %parallel_loop3A_395 = arith.constant 16 : index
          %parallel_loop3A_396 = tpu.vector_load %arg12[%parallel_loop3A_394, %parallel_loop3A_395] {strides = array<i32>} : memref<80x256xf32, #tpu.memory_space<vmem>>, vector<16xf32>,
          %parallel_loop3A_397 = arith.index_cast %parallel_loop3A_390 : i32 to index
          %parallel_loop3A_398 = arith.constant 0 : index
          %parallel_loop3A_399 = tpu.vector_load %arg14[%parallel_loop3A_397, %parallel_loop3A_398] {strides = array<i32>} : memref<80x256xf32, #tpu.memory_space<vmem>>, vector<16xf32>,
          %parallel_loop3A_400 = arith.index_cast %parallel_loop3A_390 : i32 to index
          %parallel_loop3A_401 = arith.constant 16 : index
          %parallel_loop3A_402 = tpu.vector_load %arg14[%parallel_loop3A_400, %parallel_loop3A_401] {strides = array<i32>} : memref<80x256xf32, #tpu.memory_space<vmem>>, vector<16xf32>,
          %parallel_loop3A_403 = arith.mulf %parallel_loop3A_393, %parallel_loop3A_399 : vector<16xf32>
          %parallel_loop3A_404 = arith.mulf %parallel_loop3A_396, %parallel_loop3A_402 : vector<16xf32>
          %parallel_loop3A_405 = arith.addf %parallel_loop3A_403, %parallel_loop3A_404 : vector<16xf32>
          %parallel_loop3A_406 = arith.constant true
          %parallel_loop3A_407 = vector.broadcast %parallel_loop3A_406 : i1 to vector<16xi1>
          %parallel_loop3A_408 = tpu.scan <sum>, %parallel_loop3A_405 masked %parallel_loop3A_407 : vector<16xf32>, vector<16xi1> -> vector<16xf32>
          %parallel_loop3A_409 = arith.constant 0 : i32
          %parallel_loop3A_410 = vector.broadcast %parallel_loop3A_409 : i32 to vector<16xi32>
          %parallel_loop3A_411 = arith.cmpi slt, %broadcast_in_dim3A_50, %parallel_loop3A_410 : vector<16xi32>
          %parallel_loop3A_412 = arith.constant 16 : i32
          %parallel_loop3A_413 = vector.broadcast %parallel_loop3A_412 : i32 to vector<16xi32>
          %parallel_loop3A_414 = arith.addi %broadcast_in_dim3A_50, %parallel_loop3A_413 : vector<16xi32>
          %parallel_loop3A_415 = arith.select %parallel_loop3A_411, %parallel_loop3A_414, %broadcast_in_dim3A_50 : vector<16xi1>, vector<16xi32>
          %parallel_loop3A_416 = vector.shape_cast %parallel_loop3A_415 : vector<16xi32> to vector<16x1xi32>
          %parallel_loop3A_417 = vector.shape_cast %parallel_loop3A_416 : vector<16x1xi32> to vector<16xi32>
          %parallel_loop3A_418 = tpu.dynamic_gather %parallel_loop3A_408[%parallel_loop3A_417] in [0] : vector<16xf32>, vector<16xi32> -> vector<16xf32>
          %parallel_loop3A_419 = arith.select %eq3A_28, %parallel_loop3A_418, %parallel_loop3A_386 : vector<16xi1>, vector<16xf32>
          %parallel_loop3A_420 = arith.index_cast %parallel_loop3A_390 : i32 to index
          %parallel_loop3A_421 = arith.constant 32 : index
          %parallel_loop3A_422 = tpu.vector_load %arg12[%parallel_loop3A_420, %parallel_loop3A_421] {strides = array<i32>} : memref<80x256xf32, #tpu.memory_space<vmem>>, vector<16xf32>,
          %parallel_loop3A_423 = arith.index_cast %parallel_loop3A_390 : i32 to index
          %parallel_loop3A_424 = arith.constant 48 : index
          %parallel_loop3A_425 = tpu.vector_load %arg12[%parallel_loop3A_423, %parallel_loop3A_424] {strides = array<i32>} : memref<80x256xf32, #tpu.memory_space<vmem>>, vector<16xf32>,
          %parallel_loop3A_426 = arith.index_cast %parallel_loop3A_390 : i32 to index
          %parallel_loop3A_427 = arith.constant 32 : index
          %parallel_loop3A_428 = tpu.vector_load %arg14[%parallel_loop3A_426, %parallel_loop3A_427] {strides = array<i32>} : memref<80x256xf32, #tpu.memory_space<vmem>>, vector<16xf32>,
          %parallel_loop3A_429 = arith.index_cast %parallel_loop3A_390 : i32 to index
          %parallel_loop3A_430 = arith.constant 48 : index
          %parallel_loop3A_431 = tpu.vector_load %arg14[%parallel_loop3A_429, %parallel_loop3A_430] {strides = array<i32>} : memref<80x256xf32, #tpu.memory_space<vmem>>, vector<16xf32>,
          %parallel_loop3A_432 = arith.mulf %parallel_loop3A_422, %parallel_loop3A_428 : vector<16xf32>
          %parallel_loop3A_433 = arith.mulf %parallel_loop3A_425, %parallel_loop3A_431 : vector<16xf32>
          %parallel_loop3A_434 = arith.addf %parallel_loop3A_432, %parallel_loop3A_433 : vector<16xf32>
          %parallel_loop3A_435 = arith.constant true
          %parallel_loop3A_436 = vector.broadcast %parallel_loop3A_435 : i1 to vector<16xi1>
          %parallel_loop3A_437 = tpu.scan <sum>, %parallel_loop3A_434 masked %parallel_loop3A_436 : vector<16xf32>, vector<16xi1> -> vector<16xf32>
          %parallel_loop3A_438 = arith.constant 0 : i32
          %parallel_loop3A_439 = vector.broadcast %parallel_loop3A_438 : i32 to vector<16xi32>
          %parallel_loop3A_440 = arith.cmpi slt, %broadcast_in_dim3A_50, %parallel_loop3A_439 : vector<16xi32>
          %parallel_loop3A_441 = arith.constant 16 : i32
          %parallel_loop3A_442 = vector.broadcast %parallel_loop3A_441 : i32 to vector<16xi32>
          %parallel_loop3A_443 = arith.addi %broadcast_in_dim3A_50, %parallel_loop3A_442 : vector<16xi32>
          %parallel_loop3A_444 = arith.select %parallel_loop3A_440, %parallel_loop3A_443, %broadcast_in_dim3A_50 : vector<16xi1>, vector<16xi32>
          %parallel_loop3A_445 = vector.shape_cast %parallel_loop3A_444 : vector<16xi32> to vector<16x1xi32>
          %parallel_loop3A_446 = vector.shape_cast %parallel_loop3A_445 : vector<16x1xi32> to vector<16xi32>
          %parallel_loop3A_447 = tpu.dynamic_gather %parallel_loop3A_437[%parallel_loop3A_446] in [0] : vector<16xf32>, vector<16xi32> -> vector<16xf32>
          %parallel_loop3A_448 = arith.select %eq3A_31, %parallel_loop3A_447, %parallel_loop3A_419 : vector<16xi1>, vector<16xf32>
          %parallel_loop3A_449 = arith.index_cast %parallel_loop3A_390 : i32 to index
          %parallel_loop3A_450 = arith.constant 64 : index
          %parallel_loop3A_451 = tpu.vector_load %arg12[%parallel_loop3A_449, %parallel_loop3A_450] {strides = array<i32>} : memref<80x256xf32, #tpu.memory_space<vmem>>, vector<16xf32>,
          %parallel_loop3A_452 = arith.index_cast %parallel_loop3A_390 : i32 to index
          %parallel_loop3A_453 = arith.constant 80 : index
          %parallel_loop3A_454 = tpu.vector_load %arg12[%parallel_loop3A_452, %parallel_loop3A_453] {strides = array<i32>} : memref<80x256xf32, #tpu.memory_space<vmem>>, vector<16xf32>,
          %parallel_loop3A_455 = arith.index_cast %parallel_loop3A_390 : i32 to index
          %parallel_loop3A_456 = arith.constant 64 : index
          %parallel_loop3A_457 = tpu.vector_load %arg14[%parallel_loop3A_455, %parallel_loop3A_456] {strides = array<i32>} : memref<80x256xf32, #tpu.memory_space<vmem>>, vector<16xf32>,
          %parallel_loop3A_458 = arith.index_cast %parallel_loop3A_390 : i32 to index
          %parallel_loop3A_459 = arith.constant 80 : index
          %parallel_loop3A_460 = tpu.vector_load %arg14[%parallel_loop3A_458, %parallel_loop3A_459] {strides = array<i32>} : memref<80x256xf32, #tpu.memory_space<vmem>>, vector<16xf32>,
          %parallel_loop3A_461 = arith.mulf %parallel_loop3A_451, %parallel_loop3A_457 : vector<16xf32>
          %parallel_loop3A_462 = arith.mulf %parallel_loop3A_454, %parallel_loop3A_460 : vector<16xf32>
          %parallel_loop3A_463 = arith.addf %parallel_loop3A_461, %parallel_loop3A_462 : vector<16xf32>
          %parallel_loop3A_464 = arith.constant true
          %parallel_loop3A_465 = vector.broadcast %parallel_loop3A_464 : i1 to vector<16xi1>
          %parallel_loop3A_466 = tpu.scan <sum>, %parallel_loop3A_463 masked %parallel_loop3A_465 : vector<16xf32>, vector<16xi1> -> vector<16xf32>
          %parallel_loop3A_467 = arith.constant 0 : i32
          %parallel_loop3A_468 = vector.broadcast %parallel_loop3A_467 : i32 to vector<16xi32>
          %parallel_loop3A_469 = arith.cmpi slt, %broadcast_in_dim3A_50, %parallel_loop3A_468 : vector<16xi32>
          %parallel_loop3A_470 = arith.constant 16 : i32
          %parallel_loop3A_471 = vector.broadcast %parallel_loop3A_470 : i32 to vector<16xi32>
          %parallel_loop3A_472 = arith.addi %broadcast_in_dim3A_50, %parallel_loop3A_471 : vector<16xi32>
          %parallel_loop3A_473 = arith.select %parallel_loop3A_469, %parallel_loop3A_472, %broadcast_in_dim3A_50 : vector<16xi1>, vector<16xi32>
          %parallel_loop3A_474 = vector.shape_cast %parallel_loop3A_473 : vector<16xi32> to vector<16x1xi32>
          %parallel_loop3A_475 = vector.shape_cast %parallel_loop3A_474 : vector<16x1xi32> to vector<16xi32>
          %parallel_loop3A_476 = tpu.dynamic_gather %parallel_loop3A_466[%parallel_loop3A_475] in [0] : vector<16xf32>, vector<16xi32> -> vector<16xf32>
          %parallel_loop3A_477 = arith.select %eq3A_34, %parallel_loop3A_476, %parallel_loop3A_448 : vector<16xi1>, vector<16xf32>
          %parallel_loop3A_478 = arith.index_cast %parallel_loop3A_390 : i32 to index
          %parallel_loop3A_479 = arith.constant 96 : index
          %parallel_loop3A_480 = tpu.vector_load %arg12[%parallel_loop3A_478, %parallel_loop3A_479] {strides = array<i32>} : memref<80x256xf32, #tpu.memory_space<vmem>>, vector<16xf32>,
          %parallel_loop3A_481 = arith.index_cast %parallel_loop3A_390 : i32 to index
          %parallel_loop3A_482 = arith.constant 112 : index
          %parallel_loop3A_483 = tpu.vector_load %arg12[%parallel_loop3A_481, %parallel_loop3A_482] {strides = array<i32>} : memref<80x256xf32, #tpu.memory_space<vmem>>, vector<16xf32>,
          %parallel_loop3A_484 = arith.index_cast %parallel_loop3A_390 : i32 to index
          %parallel_loop3A_485 = arith.constant 96 : index
          %parallel_loop3A_486 = tpu.vector_load %arg14[%parallel_loop3A_484, %parallel_loop3A_485] {strides = array<i32>} : memref<80x256xf32, #tpu.memory_space<vmem>>, vector<16xf32>,
          %parallel_loop3A_487 = arith.index_cast %parallel_loop3A_390 : i32 to index
          %parallel_loop3A_488 = arith.constant 112 : index
          %parallel_loop3A_489 = tpu.vector_load %arg14[%parallel_loop3A_487, %parallel_loop3A_488] {strides = array<i32>} : memref<80x256xf32, #tpu.memory_space<vmem>>, vector<16xf32>,
          %parallel_loop3A_490 = arith.mulf %parallel_loop3A_480, %parallel_loop3A_486 : vector<16xf32>
          %parallel_loop3A_491 = arith.mulf %parallel_loop3A_483, %parallel_loop3A_489 : vector<16xf32>
          %parallel_loop3A_492 = arith.addf %parallel_loop3A_490, %parallel_loop3A_491 : vector<16xf32>
          %parallel_loop3A_493 = arith.constant true
          %parallel_loop3A_494 = vector.broadcast %parallel_loop3A_493 : i1 to vector<16xi1>
          %parallel_loop3A_495 = tpu.scan <sum>, %parallel_loop3A_492 masked %parallel_loop3A_494 : vector<16xf32>, vector<16xi1> -> vector<16xf32>
          %parallel_loop3A_496 = arith.constant 0 : i32
          %parallel_loop3A_497 = vector.broadcast %parallel_loop3A_496 : i32 to vector<16xi32>
          %parallel_loop3A_498 = arith.cmpi slt, %broadcast_in_dim3A_50, %parallel_loop3A_497 : vector<16xi32>
          %parallel_loop3A_499 = arith.constant 16 : i32
          %parallel_loop3A_500 = vector.broadcast %parallel_loop3A_499 : i32 to vector<16xi32>
          %parallel_loop3A_501 = arith.addi %broadcast_in_dim3A_50, %parallel_loop3A_500 : vector<16xi32>
          %parallel_loop3A_502 = arith.select %parallel_loop3A_498, %parallel_loop3A_501, %broadcast_in_dim3A_50 : vector<16xi1>, vector<16xi32>
          %parallel_loop3A_503 = vector.shape_cast %parallel_loop3A_502 : vector<16xi32> to vector<16x1xi32>
          %parallel_loop3A_504 = vector.shape_cast %parallel_loop3A_503 : vector<16x1xi32> to vector<16xi32>
          %parallel_loop3A_505 = tpu.dynamic_gather %parallel_loop3A_495[%parallel_loop3A_504] in [0] : vector<16xf32>, vector<16xi32> -> vector<16xf32>
          %parallel_loop3A_506 = arith.select %eq3A_37, %parallel_loop3A_505, %parallel_loop3A_477 : vector<16xi1>, vector<16xf32>
          %parallel_loop3A_507 = arith.index_cast %parallel_loop3A_390 : i32 to index
          %parallel_loop3A_508 = arith.constant 128 : index
          %parallel_loop3A_509 = tpu.vector_load %arg12[%parallel_loop3A_507, %parallel_loop3A_508] {strides = array<i32>} : memref<80x256xf32, #tpu.memory_space<vmem>>, vector<16xf32>,
          %parallel_loop3A_510 = arith.index_cast %parallel_loop3A_390 : i32 to index
          %parallel_loop3A_511 = arith.constant 144 : index
          %parallel_loop3A_512 = tpu.vector_load %arg12[%parallel_loop3A_510, %parallel_loop3A_511] {strides = array<i32>} : memref<80x256xf32, #tpu.memory_space<vmem>>, vector<16xf32>,
          %parallel_loop3A_513 = arith.index_cast %parallel_loop3A_390 : i32 to index
          %parallel_loop3A_514 = arith.constant 128 : index
          %parallel_loop3A_515 = tpu.vector_load %arg14[%parallel_loop3A_513, %parallel_loop3A_514] {strides = array<i32>} : memref<80x256xf32, #tpu.memory_space<vmem>>, vector<16xf32>,
          %parallel_loop3A_516 = arith.index_cast %parallel_loop3A_390 : i32 to index
          %parallel_loop3A_517 = arith.constant 144 : index
          %parallel_loop3A_518 = tpu.vector_load %arg14[%parallel_loop3A_516, %parallel_loop3A_517] {strides = array<i32>} : memref<80x256xf32, #tpu.memory_space<vmem>>, vector<16xf32>,
          %parallel_loop3A_519 = arith.mulf %parallel_loop3A_509, %parallel_loop3A_515 : vector<16xf32>
          %parallel_loop3A_520 = arith.mulf %parallel_loop3A_512, %parallel_loop3A_518 : vector<16xf32>
          %parallel_loop3A_521 = arith.addf %parallel_loop3A_519, %parallel_loop3A_520 : vector<16xf32>
          %parallel_loop3A_522 = arith.constant true
          %parallel_loop3A_523 = vector.broadcast %parallel_loop3A_522 : i1 to vector<16xi1>
          %parallel_loop3A_524 = tpu.scan <sum>, %parallel_loop3A_521 masked %parallel_loop3A_523 : vector<16xf32>, vector<16xi1> -> vector<16xf32>
          %parallel_loop3A_525 = arith.constant 0 : i32
          %parallel_loop3A_526 = vector.broadcast %parallel_loop3A_525 : i32 to vector<16xi32>
          %parallel_loop3A_527 = arith.cmpi slt, %broadcast_in_dim3A_50, %parallel_loop3A_526 : vector<16xi32>
          %parallel_loop3A_528 = arith.constant 16 : i32
          %parallel_loop3A_529 = vector.broadcast %parallel_loop3A_528 : i32 to vector<16xi32>
          %parallel_loop3A_530 = arith.addi %broadcast_in_dim3A_50, %parallel_loop3A_529 : vector<16xi32>
          %parallel_loop3A_531 = arith.select %parallel_loop3A_527, %parallel_loop3A_530, %broadcast_in_dim3A_50 : vector<16xi1>, vector<16xi32>
          %parallel_loop3A_532 = vector.shape_cast %parallel_loop3A_531 : vector<16xi32> to vector<16x1xi32>
          %parallel_loop3A_533 = vector.shape_cast %parallel_loop3A_532 : vector<16x1xi32> to vector<16xi32>
          %parallel_loop3A_534 = tpu.dynamic_gather %parallel_loop3A_524[%parallel_loop3A_533] in [0] : vector<16xf32>, vector<16xi32> -> vector<16xf32>
          %parallel_loop3A_535 = arith.select %eq3A_40, %parallel_loop3A_534, %parallel_loop3A_506 : vector<16xi1>, vector<16xf32>
          %parallel_loop3A_536 = arith.index_cast %parallel_loop3A_390 : i32 to index
          %parallel_loop3A_537 = arith.constant 160 : index
          %parallel_loop3A_538 = tpu.vector_load %arg12[%parallel_loop3A_536, %parallel_loop3A_537] {strides = array<i32>} : memref<80x256xf32, #tpu.memory_space<vmem>>, vector<16xf32>,
          %parallel_loop3A_539 = arith.index_cast %parallel_loop3A_390 : i32 to index
          %parallel_loop3A_540 = arith.constant 176 : index
          %parallel_loop3A_541 = tpu.vector_load %arg12[%parallel_loop3A_539, %parallel_loop3A_540] {strides = array<i32>} : memref<80x256xf32, #tpu.memory_space<vmem>>, vector<16xf32>,
          %parallel_loop3A_542 = arith.index_cast %parallel_loop3A_390 : i32 to index
          %parallel_loop3A_543 = arith.constant 160 : index
          %parallel_loop3A_544 = tpu.vector_load %arg14[%parallel_loop3A_542, %parallel_loop3A_543] {strides = array<i32>} : memref<80x256xf32, #tpu.memory_space<vmem>>, vector<16xf32>,
          %parallel_loop3A_545 = arith.index_cast %parallel_loop3A_390 : i32 to index
          %parallel_loop3A_546 = arith.constant 176 : index
          %parallel_loop3A_547 = tpu.vector_load %arg14[%parallel_loop3A_545, %parallel_loop3A_546] {strides = array<i32>} : memref<80x256xf32, #tpu.memory_space<vmem>>, vector<16xf32>,
          %parallel_loop3A_548 = arith.mulf %parallel_loop3A_538, %parallel_loop3A_544 : vector<16xf32>
          %parallel_loop3A_549 = arith.mulf %parallel_loop3A_541, %parallel_loop3A_547 : vector<16xf32>
          %parallel_loop3A_550 = arith.addf %parallel_loop3A_548, %parallel_loop3A_549 : vector<16xf32>
          %parallel_loop3A_551 = arith.constant true
          %parallel_loop3A_552 = vector.broadcast %parallel_loop3A_551 : i1 to vector<16xi1>
          %parallel_loop3A_553 = tpu.scan <sum>, %parallel_loop3A_550 masked %parallel_loop3A_552 : vector<16xf32>, vector<16xi1> -> vector<16xf32>
          %parallel_loop3A_554 = arith.constant 0 : i32
          %parallel_loop3A_555 = vector.broadcast %parallel_loop3A_554 : i32 to vector<16xi32>
          %parallel_loop3A_556 = arith.cmpi slt, %broadcast_in_dim3A_50, %parallel_loop3A_555 : vector<16xi32>
          %parallel_loop3A_557 = arith.constant 16 : i32
          %parallel_loop3A_558 = vector.broadcast %parallel_loop3A_557 : i32 to vector<16xi32>
          %parallel_loop3A_559 = arith.addi %broadcast_in_dim3A_50, %parallel_loop3A_558 : vector<16xi32>
          %parallel_loop3A_560 = arith.select %parallel_loop3A_556, %parallel_loop3A_559, %broadcast_in_dim3A_50 : vector<16xi1>, vector<16xi32>
          %parallel_loop3A_561 = vector.shape_cast %parallel_loop3A_560 : vector<16xi32> to vector<16x1xi32>
          %parallel_loop3A_562 = vector.shape_cast %parallel_loop3A_561 : vector<16x1xi32> to vector<16xi32>
          %parallel_loop3A_563 = tpu.dynamic_gather %parallel_loop3A_553[%parallel_loop3A_562] in [0] : vector<16xf32>, vector<16xi32> -> vector<16xf32>
          %parallel_loop3A_564 = arith.select %eq3A_43, %parallel_loop3A_563, %parallel_loop3A_535 : vector<16xi1>, vector<16xf32>
          %parallel_loop3A_565 = arith.index_cast %parallel_loop3A_390 : i32 to index
          %parallel_loop3A_566 = arith.constant 192 : index
          %parallel_loop3A_567 = tpu.vector_load %arg12[%parallel_loop3A_565, %parallel_loop3A_566] {strides = array<i32>} : memref<80x256xf32, #tpu.memory_space<vmem>>, vector<16xf32>,
          %parallel_loop3A_568 = arith.index_cast %parallel_loop3A_390 : i32 to index
          %parallel_loop3A_569 = arith.constant 208 : index
          %parallel_loop3A_570 = tpu.vector_load %arg12[%parallel_loop3A_568, %parallel_loop3A_569] {strides = array<i32>} : memref<80x256xf32, #tpu.memory_space<vmem>>, vector<16xf32>,
          %parallel_loop3A_571 = arith.index_cast %parallel_loop3A_390 : i32 to index
          %parallel_loop3A_572 = arith.constant 192 : index
          %parallel_loop3A_573 = tpu.vector_load %arg14[%parallel_loop3A_571, %parallel_loop3A_572] {strides = array<i32>} : memref<80x256xf32, #tpu.memory_space<vmem>>, vector<16xf32>,
          %parallel_loop3A_574 = arith.index_cast %parallel_loop3A_390 : i32 to index
          %parallel_loop3A_575 = arith.constant 208 : index
          %parallel_loop3A_576 = tpu.vector_load %arg14[%parallel_loop3A_574, %parallel_loop3A_575] {strides = array<i32>} : memref<80x256xf32, #tpu.memory_space<vmem>>, vector<16xf32>,
          %parallel_loop3A_577 = arith.mulf %parallel_loop3A_567, %parallel_loop3A_573 : vector<16xf32>
          %parallel_loop3A_578 = arith.mulf %parallel_loop3A_570, %parallel_loop3A_576 : vector<16xf32>
          %parallel_loop3A_579 = arith.addf %parallel_loop3A_577, %parallel_loop3A_578 : vector<16xf32>
          %parallel_loop3A_580 = arith.constant true
          %parallel_loop3A_581 = vector.broadcast %parallel_loop3A_580 : i1 to vector<16xi1>
          %parallel_loop3A_582 = tpu.scan <sum>, %parallel_loop3A_579 masked %parallel_loop3A_581 : vector<16xf32>, vector<16xi1> -> vector<16xf32>
          %parallel_loop3A_583 = arith.constant 0 : i32
          %parallel_loop3A_584 = vector.broadcast %parallel_loop3A_583 : i32 to vector<16xi32>
          %parallel_loop3A_585 = arith.cmpi slt, %broadcast_in_dim3A_50, %parallel_loop3A_584 : vector<16xi32>
          %parallel_loop3A_586 = arith.constant 16 : i32
          %parallel_loop3A_587 = vector.broadcast %parallel_loop3A_586 : i32 to vector<16xi32>
          %parallel_loop3A_588 = arith.addi %broadcast_in_dim3A_50, %parallel_loop3A_587 : vector<16xi32>
          %parallel_loop3A_589 = arith.select %parallel_loop3A_585, %parallel_loop3A_588, %broadcast_in_dim3A_50 : vector<16xi1>, vector<16xi32>
          %parallel_loop3A_590 = vector.shape_cast %parallel_loop3A_589 : vector<16xi32> to vector<16x1xi32>
          %parallel_loop3A_591 = vector.shape_cast %parallel_loop3A_590 : vector<16x1xi32> to vector<16xi32>
          %parallel_loop3A_592 = tpu.dynamic_gather %parallel_loop3A_582[%parallel_loop3A_591] in [0] : vector<16xf32>, vector<16xi32> -> vector<16xf32>
          %parallel_loop3A_593 = arith.select %eq3A_46, %parallel_loop3A_592, %parallel_loop3A_564 : vector<16xi1>, vector<16xf32>
          %parallel_loop3A_594 = arith.index_cast %parallel_loop3A_390 : i32 to index
          %parallel_loop3A_595 = arith.constant 224 : index
          %parallel_loop3A_596 = tpu.vector_load %arg12[%parallel_loop3A_594, %parallel_loop3A_595] {strides = array<i32>} : memref<80x256xf32, #tpu.memory_space<vmem>>, vector<16xf32>,
          %parallel_loop3A_597 = arith.index_cast %parallel_loop3A_390 : i32 to index
          %parallel_loop3A_598 = arith.constant 240 : index
          %parallel_loop3A_599 = tpu.vector_load %arg12[%parallel_loop3A_597, %parallel_loop3A_598] {strides = array<i32>} : memref<80x256xf32, #tpu.memory_space<vmem>>, vector<16xf32>,
          %parallel_loop3A_600 = arith.index_cast %parallel_loop3A_390 : i32 to index
          %parallel_loop3A_601 = arith.constant 224 : index
          %parallel_loop3A_602 = tpu.vector_load %arg14[%parallel_loop3A_600, %parallel_loop3A_601] {strides = array<i32>} : memref<80x256xf32, #tpu.memory_space<vmem>>, vector<16xf32>,
          %parallel_loop3A_603 = arith.index_cast %parallel_loop3A_390 : i32 to index
          %parallel_loop3A_604 = arith.constant 240 : index
          %parallel_loop3A_605 = tpu.vector_load %arg14[%parallel_loop3A_603, %parallel_loop3A_604] {strides = array<i32>} : memref<80x256xf32, #tpu.memory_space<vmem>>, vector<16xf32>,
          %parallel_loop3A_606 = arith.mulf %parallel_loop3A_596, %parallel_loop3A_602 : vector<16xf32>
          %parallel_loop3A_607 = arith.mulf %parallel_loop3A_599, %parallel_loop3A_605 : vector<16xf32>
          %parallel_loop3A_608 = arith.addf %parallel_loop3A_606, %parallel_loop3A_607 : vector<16xf32>
          %parallel_loop3A_609 = arith.constant true
          %parallel_loop3A_610 = vector.broadcast %parallel_loop3A_609 : i1 to vector<16xi1>
          %parallel_loop3A_611 = tpu.scan <sum>, %parallel_loop3A_608 masked %parallel_loop3A_610 : vector<16xf32>, vector<16xi1> -> vector<16xf32>
          %parallel_loop3A_612 = arith.constant 0 : i32
          %parallel_loop3A_613 = vector.broadcast %parallel_loop3A_612 : i32 to vector<16xi32>
          %parallel_loop3A_614 = arith.cmpi slt, %broadcast_in_dim3A_50, %parallel_loop3A_613 : vector<16xi32>
          %parallel_loop3A_615 = arith.constant 16 : i32
          %parallel_loop3A_616 = vector.broadcast %parallel_loop3A_615 : i32 to vector<16xi32>
          %parallel_loop3A_617 = arith.addi %broadcast_in_dim3A_50, %parallel_loop3A_616 : vector<16xi32>
          %parallel_loop3A_618 = arith.select %parallel_loop3A_614, %parallel_loop3A_617, %broadcast_in_dim3A_50 : vector<16xi1>, vector<16xi32>
          %parallel_loop3A_619 = vector.shape_cast %parallel_loop3A_618 : vector<16xi32> to vector<16x1xi32>
          %parallel_loop3A_620 = vector.shape_cast %parallel_loop3A_619 : vector<16x1xi32> to vector<16xi32>
          %parallel_loop3A_621 = tpu.dynamic_gather %parallel_loop3A_611[%parallel_loop3A_620] in [0] : vector<16xf32>, vector<16xi32> -> vector<16xf32>
          %parallel_loop3A_622 = arith.select %eq3A_49, %parallel_loop3A_621, %parallel_loop3A_593 : vector<16xi1>, vector<16xf32>
          %parallel_loop3A_623 = arith.constant 16 : i32
          %parallel_loop3A_624 = arith.muli %parallel_loop3A_148, %parallel_loop3A_623 : i32
          %parallel_loop3A_625 = arith.index_cast %parallel_loop3A_624 : i32 to index
          %parallel_loop3A_626 = tpu.vector_load %arg16[%parallel_loop3A_625] {strides = array<i32>} : memref<640xf32, #tpu.memory_space<vmem>>, vector<16xf32>,
          tpu.vector_store %arg16[%parallel_loop3A_625], %parallel_loop3A_622 {strides = array<i32>} : memref<640xf32, #tpu.memory_space<vmem>>, vector<16xf32>,
        } {sc.loop_unroll_factor = 2 : i64, sc.parallel_access}
        %mul3A_139 = arith.constant 32 : i32
        %mul3A_140 = arith.muli %mul3A_139, %add3A_110 : i32
        %add3A_141 = arith.addi %add3A, %mul3A_140 : i32
        %mul3A_142 = arith.constant 80 : i32
        %mul3A_143 = arith.muli %add3A_141, %mul3A_142 : i32
        %mul3A_144 = arith.constant 8 : i32
        %mul3A_145 = arith.muli %mul3A_143, %mul3A_144 : i32
        %dma_start3A_146 = tpu.memref_slice %arg6[%mul3A_145] : memref<1280000xf32, #tpu.memory_space<hbm>> -> memref<640xf32, #tpu.memory_space<hbm>>
        %dma_start3A_147 = tpu.memref_slice %arg6[%mul3A_145] : memref<1280000xf32, #tpu.memory_space<hbm>> -> memref<640xf32, #tpu.memory_space<hbm>>
        tpu.enqueue_dma source(%arg16 : memref<640xf32, #tpu.memory_space<vmem>>) target(%dma_start3A_147 : memref<640xf32, #tpu.memory_space<hbm>>) target_semaphore(%arg22 : memref<!tpu.dma_semaphore, #tpu.memory_space<semaphore_mem>>)
      } else {
      }
    }
    %scan3A_83 = arith.constant 32 : i32
    %add3A_84 = arith.constant 0 : i32
    %add3A_85 = arith.addi %add3A, %add3A_84 : i32
    %mul3A_86 = arith.constant 80 : i32
    %mul3A_87 = arith.muli %add3A_85, %mul3A_86 : i32
    %mul3A_88 = arith.constant 8 : i32
    %mul3A_89 = arith.muli %mul3A_87, %mul3A_88 : i32
    %dma_wait3A_90 = tpu.memref_slice %arg6[%mul3A_89] : memref<1280000xf32, #tpu.memory_space<hbm>> -> memref<640xf32, #tpu.memory_space<hbm>>
    %dma_wait3A_91 = tpu.memref_slice %arg6[%mul3A_89] : memref<1280000xf32, #tpu.memory_space<hbm>> -> memref<640xf32, #tpu.memory_space<hbm>>
    tpu.wait_dma2 semaphore(%arg21 : memref<!tpu.dma_semaphore, #tpu.memory_space<semaphore_mem>>) src(%arg15 : memref<640xf32, #tpu.memory_space<vmem>>) dst(%dma_wait3A_91 : memref<640xf32, #tpu.memory_space<hbm>>)
    %add3A_92 = arith.constant 32 : i32
    %add3A_93 = arith.addi %add3A, %add3A_92 : i32
    %mul3A_94 = arith.constant 80 : i32
    %mul3A_95 = arith.muli %add3A_93, %mul3A_94 : i32
    %mul3A_96 = arith.constant 8 : i32
    %mul3A_97 = arith.muli %mul3A_95, %mul3A_96 : i32
    %dma_wait3A_98 = tpu.memref_slice %arg6[%mul3A_97] : memref<1280000xf32, #tpu.memory_space<hbm>> -> memref<640xf32, #tpu.memory_space<hbm>>
    %dma_wait3A_99 = tpu.memref_slice %arg6[%mul3A_97] : memref<1280000xf32, #tpu.memory_space<hbm>> -> memref<640xf32, #tpu.memory_space<hbm>>
    tpu.wait_dma2 semaphore(%arg22 : memref<!tpu.dma_semaphore, #tpu.memory_space<semaphore_mem>>) src(%arg16 : memref<640xf32, #tpu.memory_space<vmem>>) dst(%dma_wait3A_99 : memref<640xf32, #tpu.memory_space<hbm>>)
    return
  }
}

module attributes {stable_mosaic.version = 14 : i64} {
  func.func @_qkv_body(%arg0: i32, %arg1: i32, %arg2: memref<1000x256xf32, #tpu.memory_space<vmem>>, %arg3: memref<1000x256xf32, #tpu.memory_space<vmem>>, %arg4: memref<256x256xf32, #tpu.memory_space<vmem>>, %arg5: memref<256x256xf32, #tpu.memory_space<vmem>>, %arg6: memref<256x128xf32, #tpu.memory_space<vmem>>, %arg7: memref<1000x256xf32, #tpu.memory_space<vmem>>, %arg8: memref<1000x256xf32, #tpu.memory_space<vmem>>, %arg9: memref<1000x128xf32, #tpu.memory_space<vmem>>) attributes {dimension_semantics = [#tpu.dimension_semantics<arbitrary>, #tpu.dimension_semantics<arbitrary>], iteration_bounds = array<i64: 10, 2>, scalar_prefetch = 0 : i64, scratch_operands = 0 : i64, tpu.core_type = #tpu.core_type<tc>, window_params = [{transform_indices = @transform_0, window_bounds = array<i64: 1000, 256>}, {transform_indices = @transform_1, window_bounds = array<i64: 1000, 256>}, {pipeline_mode = #tpu.pipeline_mode<synchronous>, transform_indices = @transform_2, window_bounds = array<i64: 256, 256>}, {pipeline_mode = #tpu.pipeline_mode<synchronous>, transform_indices = @transform_3, window_bounds = array<i64: 256, 256>}, {transform_indices = @transform_4, window_bounds = array<i64: 256, 128>}, {transform_indices = @transform_5, window_bounds = array<i64: 1000, 256>}, {transform_indices = @transform_6, window_bounds = array<i64: 1000, 256>}, {transform_indices = @transform_7, window_bounds = array<i64: 1000, 128>}]} {
    %eq3A = arith.constant 0 : i32
    %eq3A_0 = arith.cmpi eq, %arg1, %eq3A : i32
    %convert_element_type3A = arith.extui %eq3A_0 : i1 to i32
    %cond3A = arith.constant 0 : i32
    %cond3A_1 = arith.cmpi ne, %convert_element_type3A, %cond3A : i32
    scf.if %cond3A_1 {
      %get3A_10 = arith.constant 0 : index
      %get3A_11 = arith.constant 0 : index
      %get3A_12 = vector.load %arg2[%get3A_10, %get3A_11] : memref<1000x256xf32, #tpu.memory_space<vmem>>, vector<1000x256xf32>
      %get3A_13 = arith.constant 0 : index
      %get3A_14 = arith.constant 0 : index
      %get3A_15 = vector.load %arg4[%get3A_13, %get3A_14] : memref<256x256xf32, #tpu.memory_space<vmem>>, vector<256x256xf32>
      %dot_general3A_16 = arith.constant dense<0.000000e+00> : vector<1000x256xf32>
      %dot_general3A_17 = tpu.matmul %get3A_12, %get3A_15, %dot_general3A_16 {dimension_numbers = #tpu.dot_dimension_numbers<[1], [0], [0], [1], [0, 0, 1, 1], [], []>, transpose_lhs_hint = false} : vector<1000x256xf32>, vector<256x256xf32>, vector<1000x256xf32> -> vector<1000x256xf32>
      %swap3A_18 = arith.constant 0 : index
      %swap3A_19 = arith.constant 0 : index
      %swap3A_20 = vector.load %arg7[%swap3A_18, %swap3A_19] : memref<1000x256xf32, #tpu.memory_space<vmem>>, vector<1000x256xf32>
      tpu.vector_store %arg7[%swap3A_18, %swap3A_19], %dot_general3A_17 {strides = array<i32>} : memref<1000x256xf32, #tpu.memory_space<vmem>>, vector<1000x256xf32>,
      %get3A_21 = arith.constant 0 : index
      %get3A_22 = arith.constant 0 : index
      %get3A_23 = vector.load %arg3[%get3A_21, %get3A_22] : memref<1000x256xf32, #tpu.memory_space<vmem>>, vector<1000x256xf32>
      %get3A_24 = arith.constant 0 : index
      %get3A_25 = arith.constant 0 : index
      %get3A_26 = vector.load %arg5[%get3A_24, %get3A_25] : memref<256x256xf32, #tpu.memory_space<vmem>>, vector<256x256xf32>
      %dot_general3A_27 = arith.constant dense<0.000000e+00> : vector<1000x256xf32>
      %dot_general3A_28 = tpu.matmul %get3A_23, %get3A_26, %dot_general3A_27 {dimension_numbers = #tpu.dot_dimension_numbers<[1], [0], [0], [1], [0, 0, 1, 1], [], []>, transpose_lhs_hint = false} : vector<1000x256xf32>, vector<256x256xf32>, vector<1000x256xf32> -> vector<1000x256xf32>
      %swap3A_29 = arith.constant 0 : index
      %swap3A_30 = arith.constant 0 : index
      %swap3A_31 = vector.load %arg8[%swap3A_29, %swap3A_30] : memref<1000x256xf32, #tpu.memory_space<vmem>>, vector<1000x256xf32>
      tpu.vector_store %arg8[%swap3A_29, %swap3A_30], %dot_general3A_28 {strides = array<i32>} : memref<1000x256xf32, #tpu.memory_space<vmem>>, vector<1000x256xf32>,
    } else {
    }
    %get3A = arith.constant 0 : index
    %get3A_2 = arith.constant 0 : index
    %get3A_3 = vector.load %arg3[%get3A, %get3A_2] : memref<1000x256xf32, #tpu.memory_space<vmem>>, vector<1000x256xf32>
    %get3A_4 = arith.constant 0 : index
    %get3A_5 = arith.constant 0 : index
    %get3A_6 = vector.load %arg6[%get3A_4, %get3A_5] : memref<256x128xf32, #tpu.memory_space<vmem>>, vector<256x128xf32>
    %dot_general3A = arith.constant dense<0.000000e+00> : vector<1000x128xf32>
    %dot_general3A_7 = tpu.matmul %get3A_3, %get3A_6, %dot_general3A {dimension_numbers = #tpu.dot_dimension_numbers<[1], [0], [0], [1], [0, 0, 1, 1], [], []>, transpose_lhs_hint = false} : vector<1000x256xf32>, vector<256x128xf32>, vector<1000x128xf32> -> vector<1000x128xf32>
    %swap3A = arith.constant 0 : index
    %swap3A_8 = arith.constant 0 : index
    %swap3A_9 = vector.load %arg9[%swap3A, %swap3A_8] : memref<1000x128xf32, #tpu.memory_space<vmem>>, vector<1000x128xf32>
    tpu.vector_store %arg9[%swap3A, %swap3A_8], %dot_general3A_7 {strides = array<i32>} : memref<1000x128xf32, #tpu.memory_space<vmem>>, vector<1000x128xf32>,
    return
  }
  func.func @transform_0(%arg0: i32, %arg1: i32) -> (i32, i32) {
    %c0_i32 = arith.constant 0 : i32
    %c0_i32_0 = arith.constant 0 : i32
    return %arg0, %c0_i32 : i32, i32
  }
  func.func @transform_1(%arg0: i32, %arg1: i32) -> (i32, i32) {
    %c0_i32 = arith.constant 0 : i32
    %c0_i32_0 = arith.constant 0 : i32
    return %arg0, %c0_i32 : i32, i32
  }
  func.func @transform_2(%arg0: i32, %arg1: i32) -> (i32, i32) {
    %c0_i32 = arith.constant 0 : i32
    %c0_i32_0 = arith.constant 0 : i32
    %c0_i32_1 = arith.constant 0 : i32
    return %c0_i32, %c0_i32_0 : i32, i32
  }
  func.func @transform_3(%arg0: i32, %arg1: i32) -> (i32, i32) {
    %c0_i32 = arith.constant 0 : i32
    %c0_i32_0 = arith.constant 0 : i32
    %c0_i32_1 = arith.constant 0 : i32
    return %c0_i32, %c0_i32_0 : i32, i32
  }
  func.func @transform_4(%arg0: i32, %arg1: i32) -> (i32, i32) {
    %c0_i32 = arith.constant 0 : i32
    %c0_i32_0 = arith.constant 0 : i32
    return %c0_i32, %arg1 : i32, i32
  }
  func.func @transform_5(%arg0: i32, %arg1: i32) -> (i32, i32) {
    %c0_i32 = arith.constant 0 : i32
    %c0_i32_0 = arith.constant 0 : i32
    return %arg0, %c0_i32 : i32, i32
  }
  func.func @transform_6(%arg0: i32, %arg1: i32) -> (i32, i32) {
    %c0_i32 = arith.constant 0 : i32
    %c0_i32_0 = arith.constant 0 : i32
    return %arg0, %c0_i32 : i32, i32
  }
  func.func @transform_7(%arg0: i32, %arg1: i32) -> (i32, i32) {
    %mul3A = arith.constant 10 : i32
    %mul3A_0 = arith.muli %arg1, %mul3A : i32
    %add3A = arith.addi %mul3A_0, %arg0 : i32
    %c0_i32 = arith.constant 0 : i32
    %c0_i32_1 = arith.constant 0 : i32
    return %add3A, %c0_i32 : i32, i32
  }
}

module attributes {stable_mosaic.version = 14 : i64} {
  func.func @_final_body(%arg0: i32, %arg1: memref<1000x256xf32, #tpu.memory_space<vmem>>, %arg2: memref<1x1000x136xf32, #tpu.memory_space<vmem>>, %arg3: memref<1x1000x136xf32, #tpu.memory_space<vmem>>, %arg4: memref<256x256xf32, #tpu.memory_space<vmem>>, %arg5: memref<1000x256xf32, #tpu.memory_space<vmem>>) attributes {dimension_semantics = [#tpu.dimension_semantics<arbitrary>], iteration_bounds = array<i64: 10>, scalar_prefetch = 0 : i64, scratch_operands = 0 : i64, tpu.core_type = #tpu.core_type<tc>, window_params = [{transform_indices = @transform_0, window_bounds = array<i64: 1000, 256>}, {transform_indices = @transform_1, window_bounds = array<i64: 1, 1000, 136>}, {transform_indices = @transform_2, window_bounds = array<i64: 1, 1000, 136>}, {pipeline_mode = #tpu.pipeline_mode<synchronous>, transform_indices = @transform_3, window_bounds = array<i64: 256, 256>}, {transform_indices = @transform_4, window_bounds = array<i64: 1000, 256>}]} {
    %get3A = arith.constant 0 : index
    %get3A_0 = arith.constant 0 : index
    %get3A_1 = arith.constant 0 : index
    %get3A_2 = vector.load %arg2[%get3A, %get3A_0, %get3A_1] : memref<1x1000x136xf32, #tpu.memory_space<vmem>>, vector<1x1000x136xf32>
    %get3A_3 = vector.shape_cast %get3A_2 : vector<1x1000x136xf32> to vector<1000x136xf32>
    %get3A_4 = arith.constant 0 : index
    %get3A_5 = arith.constant 0 : index
    %get3A_6 = arith.constant 0 : index
    %get3A_7 = vector.load %arg3[%get3A_4, %get3A_5, %get3A_6] : memref<1x1000x136xf32, #tpu.memory_space<vmem>>, vector<1x1000x136xf32>
    %get3A_8 = vector.shape_cast %get3A_7 : vector<1x1000x136xf32> to vector<1000x136xf32>
    %slice3A = vector.extract_strided_slice %get3A_3 {offsets = [0, 0], sizes = [1000, 8], strides = [1, 1]} : vector<1000x136xf32> to vector<1000x8xf32>
    %gt3A = arith.constant 0.000000e+00 : f32
    %gt3A_9 = vector.broadcast %gt3A : f32 to vector<1000x8xf32>
    %gt3A_10 = arith.cmpf ogt, %slice3A, %gt3A_9 : vector<1000x8xf32>
    %jit3A = arith.constant 1.000000e+00 : f32
    %broadcast_in_dim3A = vector.broadcast %jit3A : f32 to vector<1000x8xf32>
    %select_n3A = arith.select %gt3A_10, %slice3A, %broadcast_in_dim3A : vector<1000x8xi1>, vector<1000x8xf32>
    %slice3A_11 = vector.extract_strided_slice %get3A_3 {offsets = [0, 8], sizes = [1000, 128], strides = [1, 1]} : vector<1000x136xf32> to vector<1000x128xf32>
    %slice3A_12 = vector.extract_strided_slice %get3A_8 {offsets = [0, 8], sizes = [1000, 128], strides = [1, 1]} : vector<1000x136xf32> to vector<1000x128xf32>
    %concatenate3A = tpu.concatenate %slice3A_11, %slice3A_12 in 1 : vector<1000x128xf32>, vector<1000x128xf32> -> vector<1000x256xf32>
    %reshape3A = vector.shape_cast %concatenate3A : vector<1000x256xf32> to vector<1000x8x32xf32>
    %broadcast_in_dim3A_13 = vector.shape_cast %select_n3A : vector<1000x8xf32> to vector<1000x8x1xf32>
    %div3A = vector.broadcast %broadcast_in_dim3A_13 : vector<1000x8x1xf32> to vector<1000x8x32xf32>
    %div3A_14 = arith.divf %reshape3A, %div3A : vector<1000x8x32xf32>
    %reshape3A_15 = vector.shape_cast %div3A_14 : vector<1000x8x32xf32> to vector<1000x256xf32>
    %get3A_16 = arith.constant 0 : index
    %get3A_17 = arith.constant 0 : index
    %get3A_18 = vector.load %arg1[%get3A_16, %get3A_17] : memref<1000x256xf32, #tpu.memory_space<vmem>>, vector<1000x256xf32>
    %get3A_19 = arith.constant 0 : index
    %get3A_20 = arith.constant 0 : index
    %get3A_21 = vector.load %arg4[%get3A_19, %get3A_20] : memref<256x256xf32, #tpu.memory_space<vmem>>, vector<256x256xf32>
    %dot_general3A = arith.constant dense<0.000000e+00> : vector<1000x256xf32>
    %dot_general3A_22 = tpu.matmul %reshape3A_15, %get3A_21, %dot_general3A {dimension_numbers = #tpu.dot_dimension_numbers<[1], [0], [0], [1], [0, 0, 1, 1], [], []>, transpose_lhs_hint = false} : vector<1000x256xf32>, vector<256x256xf32>, vector<1000x256xf32> -> vector<1000x256xf32>
    %add3A = arith.addf %get3A_18, %dot_general3A_22 : vector<1000x256xf32>
    %swap3A = arith.constant 0 : index
    %swap3A_23 = arith.constant 0 : index
    %swap3A_24 = vector.load %arg5[%swap3A, %swap3A_23] : memref<1000x256xf32, #tpu.memory_space<vmem>>, vector<1000x256xf32>
    tpu.vector_store %arg5[%swap3A, %swap3A_23], %add3A {strides = array<i32>} : memref<1000x256xf32, #tpu.memory_space<vmem>>, vector<1000x256xf32>,
    return
  }
  func.func @transform_0(%arg0: i32) -> (i32, i32) {
    %c0_i32 = arith.constant 0 : i32
    %c0_i32_0 = arith.constant 0 : i32
    return %arg0, %c0_i32 : i32, i32
  }
  func.func @transform_1(%arg0: i32) -> (i32, i32, i32) {
    %c0_i32 = arith.constant 0 : i32
    %c0_i32_0 = arith.constant 0 : i32
    %c0_i32_1 = arith.constant 0 : i32
    return %c0_i32, %arg0, %c0_i32_0 : i32, i32, i32
  }
  func.func @transform_2(%arg0: i32) -> (i32, i32, i32) {
    %c1_i32 = arith.constant 1 : i32
    %c0_i32 = arith.constant 0 : i32
    %c0_i32_0 = arith.constant 0 : i32
    return %c1_i32, %arg0, %c0_i32 : i32, i32, i32
  }
  func.func @transform_3(%arg0: i32) -> (i32, i32) {
    %c0_i32 = arith.constant 0 : i32
    %c0_i32_0 = arith.constant 0 : i32
    %c0_i32_1 = arith.constant 0 : i32
    return %c0_i32, %c0_i32_0 : i32, i32
  }
  func.func @transform_4(%arg0: i32) -> (i32, i32) {
    %c0_i32 = arith.constant 0 : i32
    %c0_i32_0 = arith.constant 0 : i32
    return %arg0, %c0_i32 : i32, i32
  }
}

</mosaic_0001>

<sc_bundles>
// kernel: kernel.6.cloned.1.call-start
scs
__scs_entry_jumppad:
0x0: {  	(pc) =	sbr.rel $0x88, $3  }
0x1: {  	(tag) =	ssettag $0x0;
	lr =	simm.s32 $0x1  }
0x2: {  	[smem:$0x3F99] =	sst lr;
	_ =	strace $0xD0000000  }
0x3: {  	_ = 	snop  }
0x4: {  	_ = 	snop  }
0x5: {  	_ = 	snop  }
0x6: {  	_ = 	snop  }
0x7: {  	_ = 	snop  }
__scs_overlays_trampoline_lowered:
0x8: {  	[smem:$0x3FA8] =	sst s0  }
0x9: {  	[smem:$0x3FA9] =	sst s1  }
0xa: {  	[smem:$0x3FAA] =	sst s2  }
0xb: {  	[smem:$0x3FAB] =	sst s3  }
0xc: {  	[smem:$0x3FAC] =	sst s4  }
0xd: {  	[smem:$0x3FAD] =	sst s5  }
0xe: {  	[smem:$0x3FAE] =	sst s6  }
0xf: {  	[smem:$0x3FAF] =	sst s7  }
0x10: {  	[smem:$0x3FB0] =	sst s8  }
0x11: {  	[smem:$0x3FB1] =	sst s9;
	s0 =	simm.s32 @!p0 $0x0  }
0x12: {  	s1 =	sld [smem:$0x3F97];
	s0 =	simm.s32 @p0 $0x1  }
0x13: {  	[smem:$0x3FB2] =	sst s0;
	s0 =	simm.s32 @!p1 $0x0  }
0x14: {  	s2 =	sld [smem:$0x3F96];
	s0 =	simm.s32 @p1 $0x1  }
0x15: {  	[smem:$0x3FB3] =	sst s0;
	s0 =	simm.s32 @!p2 $0x0  }
0x16: {  	s3 =	sld [smem:$0x3FDB];
	s0 =	simm.s32 @p2 $0x1  }
0x17: {  	s4 =	simm.s32 $0x1BF5;
	[smem:$0x3FB5] =	sst s0  }
0x18: {  	s0 =	sld [smem:$0x3F98];
	_ =	swait.ge [sflag:s4], $0x0  }
0x19: {  	s7 =	sld [smem:$0x3F99]  }
0x1a: {  	s8 =	sadd.s32 $0xFFFFE003, lr  }
0x1b: {  	s9 =	sadd.s32 $0xFFFFFEF7, lr;
	s5 =	simm.s32 $0xFFFFFFFF;
	p2 =	slt.u32 s8, $0xFFFFF086  }
0x1c: {  	p1 =	slt.u32 s9, $0xF7A;
	s5 =	simm.s32 @!p2 $0x0  }
0x1d: {  	s5 =	simm.s32 @p1 $0x1;
	p0 =	seq.s32 s7, s2  }
0x1e: {  	s7 =	smul.u32 @!p0 $0xF7A, s2;
	p2 =	seq.s32 @!p0 s5, $0x0  }
0x1f: {  	s9 =	smul.u32 $0xF7A, s1;
	s8 =	simm.s32 @!p0 $0x1BF5;
	p2 =	por !p2, p0  }
0x20: {  	[sflag:s8] =	ssyncset.s32 @!p0 $0xFFFFF086;
	s6 =	sadd.s32 @!p0 s3, s7;
	s7 =	simm.s32 @!p0 $0x108  }
0x21: {  	s3 =	sadd.s32 s3, s9;
	s6 =	sadd.s32 @!p0 $0x88, s6;
	s7 =	simm.s32 @p2 $0x1082  }
0x22: {  	[simem:s7], [sflag:s8] =	dma.local @!p0 [hbm:s6], $0xF7A  }
0x23: {  	s9 =	sor.u32 $0xD0000000, s2;
	s6 =	simm.s32 $0x108;
	_ =	swait.ge @!p0 [sflag:s8], $0x0  }
0x24: {  	s3 =	sadd.s32 $0x88, s3;
	s6 =	simm.s32 @!p1 $0x1082;
	[sflag:s4] =	ssyncset.s32 $0xFFFFF086  }
0x25: {  	[simem:s6], [sflag:s4] =	dma.local [hbm:s3], $0xF7A  }
0x26: {  	[smem:$0x3F99] =	sst s1;
	(tag) =	ssettag s2;
	_ =	strace s9  }
0x27: {  	s1 =	sld [smem:$0x3FA9]  }
0x28: {  	s2 =	sld [smem:$0x3FAA]  }
0x29: {  	s4 =	sld [smem:$0x3FAC]  }
0x2a: {  	p0 =	seq.s32 s5, $0x0;
	s5 =	sld [smem:$0x3FAD]  }
0x2b: {  	s6 =	sld [smem:$0x3FAE]  }
0x2c: {  	s7 =	sld [smem:$0x3FAF]  }
0x2d: {  	s3 =	simm.s32 $0x108;
	s8 =	sld [smem:$0x3FB0]  }
0x2e: {  	s3 =	simm.s32 @!p0 $0x1082;
	s9 =	sld [smem:$0x3FB1]  }
0x2f: {  	lr =	sadd.s32 s0, s3;
	s0 =	sld [smem:$0x3FA8]  }
0x30: {  	s3 =	sld [smem:$0x3FAB]  }
0x31: {  	[smem:$0x3FB4] =	sst s10  }
0x32: {  	s10 =	sld [smem:$0x3FB2];
	_ =	sdelay $0x3  }
0x33: {  	p0 =	seq.s32 s10, $0x1;
	s10 =	sld [smem:$0x3FB4];
	_ =	sdelay $0x3  }
0x34: {  	[smem:$0x3FB4] =	sst s10  }
0x35: {  	s10 =	sld [smem:$0x3FB3];
	_ =	sdelay $0x3  }
0x36: {  	p1 =	seq.s32 s10, $0x1;
	s10 =	sld [smem:$0x3FB4];
	_ =	sdelay $0x3  }
0x37: {  	[smem:$0x3FB4] =	sst s10  }
0x38: {  	s10 =	sld [smem:$0x3FB5]  }
0x39: {  	_ = 	snop;
	(pc) =	sbr.ind lr, $3  }
0x3a: {  	_ = 	snop  }
0x3b: {  	_ = 	snop  }
0x3c: {  	p2 =	seq.s32 s10, $0x1;
	s10 =	sld [smem:$0x3FB4]  }
0x3d: {  	_ =	shalt  }
0x3e: {  	_ =	shalt  }
0x3f: {  	_ =	shalt  }
0x40: {  	_ =	shalt  }
0x41: {  	_ =	shalt  }
0x42: {  	_ =	shalt  }
0x43: {  	_ =	shalt  }
0x44: {  	_ =	shalt  }
0x45: {  	_ =	shalt  }
0x46: {  	_ =	shalt  }
0x47: {  	_ =	shalt  }
0x48: {  	_ =	shalt  }
0x49: {  	_ =	shalt  }
0x4a: {  	_ =	shalt  }
0x4b: {  	_ =	shalt  }
0x4c: {  	_ =	shalt  }
0x4d: {  	_ =	shalt  }
0x4e: {  	_ =	shalt  }
0x4f: {  	_ =	shalt  }
0x50: {  	_ =	shalt  }
0x51: {  	_ =	shalt  }
0x52: {  	_ =	shalt  }
0x53: {  	_ =	shalt  }
0x54: {  	_ =	shalt  }
0x55: {  	_ =	shalt  }
0x56: {  	_ =	shalt  }
0x57: {  	_ =	shalt  }
0x58: {  	_ =	shalt  }
0x59: {  	_ =	shalt  }
0x5a: {  	_ =	shalt  }
0x5b: {  	_ =	shalt  }
0x5c: {  	_ =	shalt  }
0x5d: {  	_ =	shalt  }
0x5e: {  	_ =	shalt  }
0x5f: {  	_ =	shalt  }
0x60: {  	_ =	shalt  }
0x61: {  	_ =	shalt  }
0x62: {  	_ =	shalt  }
0x63: {  	_ =	shalt  }
0x64: {  	_ =	shalt  }
0x65: {  	_ =	shalt  }
0x66: {  	_ =	shalt  }
0x67: {  	_ =	shalt  }
0x68: {  	_ =	shalt  }
0x69: {  	_ =	shalt  }
0x6a: {  	_ =	shalt  }
0x6b: {  	_ =	shalt  }
0x6c: {  	_ =	shalt  }
0x6d: {  	_ =	shalt  }
0x6e: {  	_ =	shalt  }
0x6f: {  	_ =	shalt  }
0x70: {  	_ =	shalt  }
0x71: {  	_ =	shalt  }
0x72: {  	_ =	shalt  }
0x73: {  	_ =	shalt  }
0x74: {  	_ =	shalt  }
0x75: {  	_ =	shalt  }
0x76: {  	_ =	shalt  }
0x77: {  	_ =	shalt  }
0x78: {  	_ =	shalt  }
0x79: {  	_ =	shalt  }
0x7a: {  	_ =	shalt  }
0x7b: {  	_ =	shalt  }
0x7c: {  	_ =	shalt  }
0x7d: {  	_ =	shalt  }
0x7e: {  	_ =	shalt  }
0x7f: {  	_ =	shalt  }
0x80: {  	_ =	shalt  }
0x81: {  	_ =	shalt  }
0x82: {  	_ =	shalt  }
0x83: {  	_ =	shalt  }
0x84: {  	_ =	shalt  }
0x85: {  	_ =	shalt  }
0x86: {  	_ =	shalt  }
0x87: {  	_ =	shalt  }
.Lfunc_end0:
.L_simem_size_0:
called_computation_lowered:
.L_overlay_start_0:
0x88: {  	s2 =	sld [smem:$0x3FD9]  }
0x89: {  	s3 =	sld [smem:$0x3FFE];
	_ =	sdelay $0x1  }
0x8a: {  	s1 =	srdreg.scid  }
0x8b: {  	s0 =	sand.u32 $0x1, s1  }
0x8c: {  	s17 =	sshll.u32 s0, $0xA;
	s2 =	sadd.s32 s3, s2  }
0x8d: {  	s2 =	sadd.s32 s2, s17  }
0x8e: {  	[smem:$0x3FC0] =	sst s2  }
0x8f: {  	_ = 	snop  }
0x90: {  	s2 =	sld [smem:$0x3FC7]  }
0x91: {  	s18 =	sld [smem:$0x3FC6];
	(tm) =	ssettm $0x1  }
0x92: {  	s4 =	sld [smem:$0x3FFB];
	_ =	sdelay $0x3  }
0x93: {  	_ =	strace s4  }
0x94: {  	s4 =	sld [smem:$0x3FFC];
	_ =	sdelay $0x3  }
0x95: {  	_ =	strace s4  }
0x96: {  	s4 =	sld [smem:$0x3FFD];
	_ =	sdelay $0x3  }
0x97: {  	_ =	strace s4  }
0x98: {  	_ =	strace $0x8FFFFFFF  }
0x99: {  	s19 =	sld [smem:$0x3FDB];
	_ =	sdelay $0x1  }
0x9a: {  	s5 =	simm.s32 $_scs_section_size  }
0x9b: {  	s6 =	simm.s32 $_size__tile_overlayer_lowered;
	s7 =	simm.s32 $_tile_overlayer_lowered  }
0x9c: {  	s22 =	simm.s32 $0x1BFF;
	s21 =	sshll.u32 s7, $0x1;
	s4 =	sadd.s32 s5, s19  }
0x9d: {  	s8 =	simm.s32 $0x0;
	s20 =	sshll.u32 s6, $0x1;
	s6 =	sadd.s32 s21, s4  }
0x9e: {  	[timem:s8], [sflag:s22] =	dma.local [hbm:s6], s20  }
0x9f: {  	_ =	swait.ge [sflag:s22], s20  }
0xa0: {  	s5 =	ssub.s32 $0x0, s20;
	[sflag:s22] =	ssyncset.done $0x0  }
0xa1: {  	[sflag:s22] =	ssyncadd.s32 s5;
	_ =	sdelay $0x1  }
0xa2: {  	s23 =	simm.s32 $0x1B8B  }
0xa3: {  	_ =	swait.ge [sflag:s23], $0x1  }
0xa4: {  	[sflag:s23] =	ssyncset.done $0x0  }
0xa5: {  	s25 =	simm.s32 $0x1B8E;
	s24 =	sld [smem:$0x3FFE];
	[sflag:s23] =	ssyncadd.s32 $0xFFFFFFFF  }
0xa6: {  	s26 =	simm.s32 $execute0_lowered;
	[smem:$0x3FD2] =	sst s25  }
0xa7: {  	s6 =	sshll.u32 s26, $0x1;
	_ =	strace $0x80000046;
	[dreg:$0x1] =	wrdreg $0xFFFFFFFF  }
0xa8: {  	s28 =	simm.s32 $_size_execute0_lowered;
	s4 =	sadd.s32 s4, s6;
	[dreg:$0x0] =	wrdreg $0x0  }
0xa9: {  	s6 =	sshll.u32 s28, $0x1;
	[dreg:$0x2] =	wrdreg s4  }
0xaa: {  	[dreg:$0x3] =	wrdreg s6  }
0xab: {  	[dreg:$0x4] =	wrdreg $0xC0  }
0xac: {  	_ =	task [dreg:s8], $0x5FFFF  }
0xad: {  	[dreg:$0x1] =	wrdreg $0xFFFFFFFF  }
0xae: {  	[dreg:$0x0] =	wrdreg $0x60  }
0xaf: {  	[dreg:$0x2] =	wrdreg s24  }
0xb0: {  	[dreg:$0x3] =	wrdreg s2  }
0xb1: {  	[dreg:$0x4] =	wrdreg s18  }
0xb2: {  	[dreg:$0x5] =	wrdreg $0x9  }
0xb3: {  	_ =	task.clear_ibuf [dreg:s8], $0x6FFFF;
	_ =	strace $0x90000046  }
0xb4: {  	s29 =	simm.s32 $0x9;
	_ =	strace $0x80000048  }
0xb5: {  	_ =	swait.ge [sflag:s29], $0x1  }
0xb6: {  	[sflag:s29] =	ssyncadd.s32 $0xFFFFFFFF  }
0xb7: {  	_ =	strace $0x90000048  }
0xb8: {  	_ =	sfence  }
0xb9: {  	s30 =	sld [smem:$0x0];
	_ =	sdelay $0x2  }
0xba: {  	s31 =	sshll.u32 s1, $0xD;
	s1 =	sshrl.u32 s1, $0x2  }
0xbb: {  	s3 =	sand.u32 $0x4000, s31;
	s1 =	sadd.s32 s1, s30  }
0xbc: {  	s0 =	sor.u32 s3, s0;
	s1 =	sshll.u32 s1, $0x11  }
0xbd: {  	s0 =	sor.u32 s1, s0  }
0xbe: {  	s0 =	sadd.s32 $0x8F2B, s0  }
0xbf: {  	[sflag:s0] =	ssyncadd.remote.s32 $0x1  }
0xc0: {  	_ =	sfence.sel $0xFFFF  }
0xc1: {  	[dreg:$0x0] =	wrdreg $0xFFFFFFFF;
	(pc) =	sbr.abs _section_cstart, $3  }
0xc2: {  	[dreg:$0x1] =	wrdreg $0xFFFFFFFF  }
0xc3: {  	_ =	task.clear_ibuf [dreg:s8], $0x2FFFF;
	_ =	strace $0x9FFFFFFF  }
0xc4: {  	(tm) =	ssettm $0x7FFFFFFF  }
0xc5: {  	_ =	shalt  }
tec
execute0_lowered:
.L_overlay_start_1:
0x0: {  	(tag) =	ssettag $0x1  }
0x1: {  	s0 =	rddreg [dreg:$0x0]  }
0x2: {  	s5 =	rddreg [dreg:$0x1]  }
0x3: {  	s6 =	rddreg [dreg:$0x2]  }
0x4: {  	s1 =	srdreg.scid;
	s4 =	simm.s32 $0x0;
	s3 =	stileid.u32  }
0x5: {  	s1 =	sand.u32 $0x1, s1;
	[smem:$0x7FF] =	sst s4;
	s7 =	sadd.s32 $0x2200, s0  }
0x6: {  	s2 =	sshll.u32 s1, $0x4;
	_ =	strace $0x80000047;
	[dreg:$0x4] =	wrdreg s7  }
0x7: {  	s7 =	sadd.s32 $0x50400, s0;
	s24 =	ssub.s32 $0x2, s1;
	s0 =	sadd.s32 $0x9E600, s0  }
0x8: {  	s10 =	sxor.u32 $0x3F, s1;
	s31 =	ssub.s32 $0x3E, s1;
	[dreg:$0x6] =	wrdreg s0  }
0x9: {  	s1 =	sxor.u32 $0x3D, s1;
	s9 =	sor.u32 s3, s2;
	[dreg:$0xc] =	wrdreg s31  }
0xa: {  	v2 =	vlaneseq.u32;
	s25 =	sshrl.u32 s24, $0x1;
	[dreg:$0xd] =	wrdreg s1;
	s3 =	smul.u32 $0x50, s9  }
0xb: {  	vm0 =	vmmov $0xffff;
	v3 =	vimm.s32 $0xF;
	vm1 =	vmmov $0x1;
	[dreg:$0x7] =	wrdreg s10;
	s8 =	smul.u32 $0xA, s9;
	s0 =	ssub.s32 s24, s25  }
0xc: {  	vm2 =	vmmov $0x3;
	vm3 =	vmmov $0x7;
	vm4 =	vmmov $0xf;
	[dreg:$0x5] =	wrdreg s9;
	s0 =	smax.u32 s0, $0x1;
	s26 =	sshrl.u32 s3, $0x3  }
.Ltmp0:
0xd: {  	vm5 =	vmmov $0x1f;
	v1 =	vshrl.u32 v2, $0x3;
	v0 =	vand.u32 $0x7, v2;
	s28 =	sadd.s32 s5, s8;
	[dreg:$0xe] =	wrdreg s0;
	(pc) =	sbr.rel .LBB2_1-.Ltmp0, $4  }
0xe: {  	vm6 =	vmmov $0x3f;
	vm7 =	vmmov $0x7f;
	[tilespmem:$0x1FFD0] =	vst v0;
	v0 =	vmul.u32 $0x8, v1;
	s29 =	sadd.s32 s6, s8;
	[dreg:$0x8] =	wrdreg s28;
	s2 =	sadd.s32 $0x140, s26  }
0xf: {  	vm8 =	vmmov $0xff;
	vm9 =	vmmov $0x1ff;
	vm10 =	vmmov $0x3ff;
	[dreg:$0x9] =	wrdreg s29;
	s30 =	sadd.s32 s5, s2  }
0x10: {  	vm11 =	vmmov $0x7ff;
	vm12 =	vmmov $0xfff;
	[tilespmem:$0x1FFE0] =	vst v0;
	v0 =	vor.u32 $0x8, v2;
	s2 =	sadd.s32 s6, s2;
	[dreg:$0xa] =	wrdreg s30  }
0x11: {  	vm13 =	vmmov $0x1fff;
	vm14 =	vmmov $0x3fff;
	vm15 =	vmmov $0x7fff;
	[tilespmem:$0x1FFF0] =	vst v0;
	[dreg:$0xb] =	wrdreg s2;
	s2 =	simm.s32 $0x0  }
.LBB2_15:
0x12: {  	s0 =	simm.s32 $0x5  }
0x13: {  	_ =	swait.ge [sflag:s0], $0x280  }
0x14: {  	[sflag:s0] =	ssyncset.done $0x0  }
0x15: {  	s1 =	simm.s32 $0x6;
	[sflag:s0] =	ssyncadd.s32 $0xFFFFFD80  }
0x16: {  	_ =	swait.ge [sflag:s1], $0x280  }
0x17: {  	s2 =	rddreg [dreg:$0xf]  }
0x18: {  	s31 =	rddreg [dreg:$0xe];
	s2 =	sadd.s32 $0x1, s2  }
0x19: {  	p0 =	sne.s32 s2, s31  }
.Ltmp1:
0x1a: {  	_ = 	snop;
	(pc) =	sbr.rel @!p0 .LBB2_16-.Ltmp1, $3  }
0x1b: {  	_ =	sdelay $0x1  }
0x1c: {  	[sflag:s1] =	ssyncset.done $0x0  }
0x1d: {  	[sflag:s1] =	ssyncadd.s32 $0xFFFFFD80  }
.LBB2_1:
0x1e: {  	s0 =	rddreg [dreg:$0x8]  }
0x1f: {  	[tilespmem:s4], [sflag:$0x1] =	stream.linear.gather [hbm4b:s0+s4], $0x50, $0x38;
	[tilespmem:$0x14700] =	vst v63  }
0x20: {  	s31 =	rddreg [dreg:$0x9];
	s1 =	simm.s32 $0x100  }
0x21: {  	[tilespmem:s1], [sflag:$0x1] =	stream.linear.gather [hbm4b:s31+s4], $0x50, $0x38;
	[tilespmem:$0x14700] =	vst v63  }
0x22: {  	[dreg:$0xf] =	wrdreg s2;
	s1 =	simm.s32 $0x1  }
0x23: {  	_ =	swait.ge [sflag:s1], $0x50  }
0x24: {  	[sflag:s1] =	ssyncset.done $0x0  }
0x25: {  	[sflag:s1] =	ssyncadd.s32 $0xFFFFFFB0  }
0x26: {  	_ =	swait.ge [sflag:s1], $0x50  }
0x27: {  	[sflag:s1] =	ssyncset.done $0x0  }
0x28: {  	[sflag:s1] =	ssyncadd.s32 $0xFFFFFFB0  }
0x29: {  	v4 =	vld [tilespmem:$0x0];
	_ =	sdelay $0x2  }
0x2a: {  	v0 =	vld [tilespmem:$0x1FFD0]  }
0x2b: {  	v1 =	vld [tilespmem:$0x1FFE0]  }
0x2c: {  	v2 =	vld [tilespmem:$0x1FFF0];
	v5 =	vshll.u32 v4, $0x1  }
0x2d: {  	v4 =	vand.u32 $0x7, v4;
	v5 =	vand.u32 $0xFFFFFFF0, v5  }
0x2e: {  	v4 =	vor.u32 v4, v5  }
0x2f: {  	v5 =	vperm.xlane v4, v0;
	_ =	sdelay $0x1  }
0x30: {  	v4 =	vperm.xlane v4, v2;
	v5 =	vadd.s32 v1, v5;
	_ =	sdelay $0x1  }
0x31: {  	v4 =	vadd.s32 v1, v4;
	_ =	sdelay $0x1  }
0x32: {  	s3 =	simm.s32 $0x200;
	s2 =	rddreg [dreg:$0x4]  }
0x33: {  	[tilespmem:s3], [sflag:$0x3] =	stream.indirect_vreg.gather [hbm4b:s2+s4], $0x80, v5, vm0, $0xb8;
	[tilespmem:$0x14700] =	vst v63  }
0x34: {  	s5 =	simm.s32 $0xA00  }
0x35: {  	[tilespmem:s5], [sflag:$0x3] =	stream.indirect_vreg.gather [hbm4b:s2+s4], $0x80, v4, vm0, $0xb8;
	[tilespmem:$0x14700] =	vst v63  }
0x36: {  	v4 =	vld [tilespmem:$0x10];
	_ =	sdelay $0x4  }
0x37: {  	v5 =	vshll.u32 v4, $0x1  }
0x38: {  	v4 =	vand.u32 $0x7, v4;
	v5 =	vand.u32 $0xFFFFFFF0, v5  }
0x39: {  	v4 =	vor.u32 v4, v5  }
0x3a: {  	v5 =	vperm.xlane v4, v0;
	_ =	sdelay $0x1  }
0x3b: {  	v4 =	vperm.xlane v4, v2;
	v5 =	vadd.s32 v1, v5;
	_ =	sdelay $0x1  }
0x3c: {  	v4 =	vadd.s32 v1, v4;
	_ =	sdelay $0x1  }
0x3d: {  	s6 =	simm.s32 $0x1200  }
0x3e: {  	[tilespmem:s6], [sflag:$0x3] =	stream.indirect_vreg.gather [hbm4b:s2+s4], $0x80, v5, vm0, $0xb8;
	[tilespmem:$0x14700] =	vst v63  }
0x3f: {  	s8 =	simm.s32 $0x1A00  }
0x40: {  	[tilespmem:s8], [sflag:$0x3] =	stream.indirect_vreg.gather [hbm4b:s2+s4], $0x80, v4, vm0, $0xb8;
	[tilespmem:$0x14700] =	vst v63  }
0x41: {  	v4 =	vld [tilespmem:$0x20];
	_ =	sdelay $0x4  }
0x42: {  	v5 =	vshll.u32 v4, $0x1  }
0x43: {  	v4 =	vand.u32 $0x7, v4;
	v5 =	vand.u32 $0xFFFFFFF0, v5  }
0x44: {  	v4 =	vor.u32 v4, v5  }
0x45: {  	v5 =	vperm.xlane v4, v0;
	_ =	sdelay $0x1  }
0x46: {  	v4 =	vperm.xlane v4, v2;
	v5 =	vadd.s32 v1, v5;
	_ =	sdelay $0x1  }
0x47: {  	v4 =	vadd.s32 v1, v4;
	_ =	sdelay $0x1  }
0x48: {  	s11 =	simm.s32 $0x2200  }
0x49: {  	[tilespmem:s11], [sflag:$0x3] =	stream.indirect_vreg.gather [hbm4b:s2+s4], $0x80, v5, vm0, $0xb8;
	[tilespmem:$0x14700] =	vst v63  }
0x4a: {  	s12 =	simm.s32 $0x2A00  }
0x4b: {  	[tilespmem:s12], [sflag:$0x3] =	stream.indirect_vreg.gather [hbm4b:s2+s4], $0x80, v4, vm0, $0xb8;
	[tilespmem:$0x14700] =	vst v63  }
0x4c: {  	v4 =	vld [tilespmem:$0x30];
	_ =	sdelay $0x4  }
0x4d: {  	v5 =	vshll.u32 v4, $0x1  }
0x4e: {  	v4 =	vand.u32 $0x7, v4;
	v5 =	vand.u32 $0xFFFFFFF0, v5  }
0x4f: {  	v4 =	vor.u32 v4, v5  }
0x50: {  	v5 =	vperm.xlane v4, v0;
	_ =	sdelay $0x1  }
0x51: {  	v4 =	vperm.xlane v4, v2;
	v5 =	vadd.s32 v1, v5;
	_ =	sdelay $0x1  }
0x52: {  	v4 =	vadd.s32 v1, v4;
	_ =	sdelay $0x1  }
0x53: {  	s13 =	simm.s32 $0x3200  }
0x54: {  	[tilespmem:s13], [sflag:$0x3] =	stream.indirect_vreg.gather [hbm4b:s2+s4], $0x80, v5, vm0, $0xb8;
	[tilespmem:$0x14700] =	vst v63  }
0x55: {  	s14 =	simm.s32 $0x3A00  }
0x56: {  	[tilespmem:s14], [sflag:$0x3] =	stream.indirect_vreg.gather [hbm4b:s2+s4], $0x80, v4, vm0, $0xb8;
	[tilespmem:$0x14700] =	vst v63  }
0x57: {  	v4 =	vld [tilespmem:$0x40];
	_ =	sdelay $0x4  }
0x58: {  	v5 =	vshll.u32 v4, $0x1  }
0x59: {  	v4 =	vand.u32 $0x7, v4;
	v5 =	vand.u32 $0xFFFFFFF0, v5  }
0x5a: {  	v4 =	vor.u32 v4, v5  }
0x5b: {  	v5 =	vperm.xlane v4, v0;
	_ =	sdelay $0x1  }
0x5c: {  	v4 =	vperm.xlane v4, v2;
	v5 =	vadd.s32 v1, v5;
	_ =	sdelay $0x1  }
0x5d: {  	v4 =	vadd.s32 v1, v4;
	_ =	sdelay $0x1  }
0x5e: {  	s15 =	simm.s32 $0x4200  }
0x5f: {  	[tilespmem:s15], [sflag:$0x3] =	stream.indirect_vreg.gather [hbm4b:s2+s4], $0x80, v5, vm0, $0xb8;
	[tilespmem:$0x14700] =	vst v63  }
0x60: {  	s16 =	simm.s32 $0x4A00  }
0x61: {  	[tilespmem:s16], [sflag:$0x3] =	stream.indirect_vreg.gather [hbm4b:s2+s4], $0x80, v4, vm0, $0xb8;
	[tilespmem:$0x14700] =	vst v63  }
0x62: {  	v4 =	vld [tilespmem:$0x100];
	_ =	sdelay $0x4  }
0x63: {  	v5 =	vshll.u32 v4, $0x1  }
0x64: {  	v4 =	vand.u32 $0x7, v4;
	v5 =	vand.u32 $0xFFFFFFF0, v5  }
0x65: {  	v4 =	vor.u32 v4, v5  }
0x66: {  	v5 =	vperm.xlane v4, v0;
	_ =	sdelay $0x1  }
0x67: {  	v4 =	vperm.xlane v4, v2;
	v5 =	vadd.s32 v1, v5;
	_ =	sdelay $0x1  }
0x68: {  	v4 =	vadd.s32 v1, v4;
	_ =	sdelay $0x1  }
0x69: {  	s17 =	simm.s32 $0xA200  }
0x6a: {  	[tilespmem:s17], [sflag:$0x3] =	stream.indirect_vreg.gather [hbm4b:s7+s4], $0x80, v5, vm0, $0xb8;
	[tilespmem:$0x14700] =	vst v63  }
0x6b: {  	s18 =	simm.s32 $0xAA00  }
0x6c: {  	[tilespmem:s18], [sflag:$0x3] =	stream.indirect_vreg.gather [hbm4b:s7+s4], $0x80, v4, vm0, $0xb8;
	[tilespmem:$0x14700] =	vst v63  }
0x6d: {  	v4 =	vld [tilespmem:$0x110];
	_ =	sdelay $0x4  }
0x6e: {  	v5 =	vshll.u32 v4, $0x1  }
0x6f: {  	v4 =	vand.u32 $0x7, v4;
	v5 =	vand.u32 $0xFFFFFFF0, v5  }
0x70: {  	v4 =	vor.u32 v4, v5  }
0x71: {  	v5 =	vperm.xlane v4, v0;
	_ =	sdelay $0x1  }
0x72: {  	v4 =	vperm.xlane v4, v2;
	v5 =	vadd.s32 v1, v5;
	_ =	sdelay $0x1  }
0x73: {  	v4 =	vadd.s32 v1, v4;
	_ =	sdelay $0x1  }
0x74: {  	s19 =	simm.s32 $0xB200  }
0x75: {  	[tilespmem:s19], [sflag:$0x3] =	stream.indirect_vreg.gather [hbm4b:s7+s4], $0x80, v5, vm0, $0xb8;
	[tilespmem:$0x14700] =	vst v63  }
0x76: {  	s20 =	simm.s32 $0xBA00  }
0x77: {  	[tilespmem:s20], [sflag:$0x3] =	stream.indirect_vreg.gather [hbm4b:s7+s4], $0x80, v4, vm0, $0xb8;
	[tilespmem:$0x14700] =	vst v63  }
0x78: {  	v4 =	vld [tilespmem:$0x120];
	_ =	sdelay $0x4  }
0x79: {  	v5 =	vshll.u32 v4, $0x1  }
0x7a: {  	v4 =	vand.u32 $0x7, v4;
	v5 =	vand.u32 $0xFFFFFFF0, v5  }
0x7b: {  	v4 =	vor.u32 v4, v5  }
0x7c: {  	v5 =	vperm.xlane v4, v0;
	_ =	sdelay $0x1  }
0x7d: {  	v4 =	vperm.xlane v4, v2;
	v5 =	vadd.s32 v1, v5;
	_ =	sdelay $0x1  }
0x7e: {  	v4 =	vadd.s32 v1, v4;
	_ =	sdelay $0x1  }
0x7f: {  	s21 =	simm.s32 $0xC200  }
0x80: {  	[tilespmem:s21], [sflag:$0x3] =	stream.indirect_vreg.gather [hbm4b:s7+s4], $0x80, v5, vm0, $0xb8;
	[tilespmem:$0x14700] =	vst v63  }
0x81: {  	s22 =	simm.s32 $0xCA00  }
0x82: {  	[tilespmem:s22], [sflag:$0x3] =	stream.indirect_vreg.gather [hbm4b:s7+s4], $0x80, v4, vm0, $0xb8;
	[tilespmem:$0x14700] =	vst v63  }
0x83: {  	v4 =	vld [tilespmem:$0x130];
	_ =	sdelay $0x4  }
0x84: {  	v5 =	vshll.u32 v4, $0x1  }
0x85: {  	v4 =	vand.u32 $0x7, v4;
	v5 =	vand.u32 $0xFFFFFFF0, v5  }
0x86: {  	v4 =	vor.u32 v4, v5  }
0x87: {  	v5 =	vperm.xlane v4, v0;
	_ =	sdelay $0x1  }
0x88: {  	v4 =	vperm.xlane v4, v2;
	v5 =	vadd.s32 v1, v5;
	_ =	sdelay $0x1  }
0x89: {  	v4 =	vadd.s32 v1, v4;
	_ =	sdelay $0x1  }
0x8a: {  	s23 =	simm.s32 $0xD200  }
0x8b: {  	[tilespmem:s23], [sflag:$0x3] =	stream.indirect_vreg.gather [hbm4b:s7+s4], $0x80, v5, vm0, $0xb8;
	[tilespmem:$0x14700] =	vst v63  }
0x8c: {  	s24 =	simm.s32 $0xDA00  }
0x8d: {  	[tilespmem:s24], [sflag:$0x3] =	stream.indirect_vreg.gather [hbm4b:s7+s4], $0x80, v4, vm0, $0xb8;
	[tilespmem:$0x14700] =	vst v63  }
0x8e: {  	v4 =	vld [tilespmem:$0x140];
	_ =	sdelay $0x4  }
0x8f: {  	v5 =	vshll.u32 v4, $0x1  }
0x90: {  	v4 =	vand.u32 $0x7, v4;
	v5 =	vand.u32 $0xFFFFFFF0, v5  }
0x91: {  	v4 =	vor.u32 v4, v5  }
0x92: {  	v5 =	vperm.xlane v4, v0;
	_ =	sdelay $0x1  }
0x93: {  	v4 =	vperm.xlane v4, v2;
	v5 =	vadd.s32 v1, v5;
	_ =	sdelay $0x1  }
0x94: {  	v4 =	vadd.s32 v1, v4;
	_ =	sdelay $0x1  }
0x95: {  	s25 =	simm.s32 $0xE200  }
0x96: {  	[tilespmem:s25], [sflag:$0x3] =	stream.indirect_vreg.gather [hbm4b:s7+s4], $0x80, v5, vm0, $0xb8;
	[tilespmem:$0x14700] =	vst v63  }
0x97: {  	s26 =	simm.s32 $0xEA00  }
0x98: {  	[tilespmem:s26], [sflag:$0x3] =	stream.indirect_vreg.gather [hbm4b:s7+s4], $0x80, v4, vm0, $0xb8;
	[tilespmem:$0x14700] =	vst v63  }
.Ltmp2:
0x99: {  	_ = 	snop;
	(pc) =	sbr.rel .LBB2_2-.Ltmp2, $4  }
0x9a: {  	s29 =	simm.s32 $0x80;
	s28 =	rddreg [dreg:$0xa]  }
0x9b: {  	[tilespmem:s29], [sflag:$0x2] =	stream.linear.gather [hbm4b:s28+s4], $0x50, $0x38;
	[tilespmem:$0x14700] =	vst v63  }
0x9c: {  	s31 =	simm.s32 $0x180;
	s30 =	rddreg [dreg:$0xb];
	s25 =	simm.s32 $0x0  }
0x9d: {  	[tilespmem:s31], [sflag:$0x2] =	stream.linear.gather [hbm4b:s30+s4], $0x50, $0x38;
	[tilespmem:$0x14700] =	vst v63  }
.LBB2_14:
0x9e: {  	s25 =	sadd.s32 $0x1, s25  }
0x9f: {  	p0 =	sne.s32 s25, $0x20  }
.Ltmp3:
0xa0: {  	_ = 	snop;
	(pc) =	sbr.rel @!p0 .LBB2_15-.Ltmp3, $1  }
0xa1: {  	_ =	sdelay $0x3  }
.LBB2_2:
0xa2: {  	s26 =	sshll.u32 s25, $0x1  }
0xa3: {  	p0 =	sge.u32 s26, s10  }
.Ltmp4:
0xa4: {  	_ = 	snop;
	(pc) =	sbr.rel @p0 .LBB2_8-.Ltmp4, $1  }
0xa5: {  	_ =	sdelay $0x3  }
0xa6: {  	s0 =	simm.s32 $0x3  }
0xa7: {  	_ =	swait.ge [sflag:s0], $0x5000  }
0xa8: {  	[sflag:s0] =	ssyncset.done $0x0  }
0xa9: {  	[sflag:s0] =	ssyncadd.s32 $0xFFFFB000  }
0xaa: {  	_ =	swait.ge [sflag:s0], $0x5000  }
0xab: {  	p0 =	seq.s32 s25, $0x0;
	[sflag:s0] =	ssyncset.done $0x0  }
0xac: {  	[sflag:s0] =	ssyncadd.s32 $0xFFFFB000;
	s0 =	simm.s32 @!p0 $0x5  }
0xad: {  	_ =	swait.ge @!p0 [sflag:s0], $0x280  }
0xae: {  	s1 =	rddreg [dreg:$0xc]  }
0xaf: {  	p1 =	sge.u32 s26, s1  }
.Ltmp5:
0xb0: {  	_ = 	snop;
	(pc) =	sbr.rel @p1 .LBB2_5-.Ltmp5, $3  }
0xb1: {  	_ =	sdelay $0x1  }
0xb2: {  	[sflag:s0] =	ssyncset.done @!p0 $0x0  }
0xb3: {  	[sflag:s0] =	ssyncadd.s32 @!p0 $0xFFFFFD80  }
0xb4: {  	s0 =	simm.s32 $0x2  }
0xb5: {  	_ =	swait.ge [sflag:s0], $0x50  }
0xb6: {  	[sflag:s0] =	ssyncset.done $0x0  }
0xb7: {  	[sflag:s0] =	ssyncadd.s32 $0xFFFFFFB0  }
0xb8: {  	_ =	swait.ge [sflag:s0], $0x50  }
0xb9: {  	[sflag:s0] =	ssyncset.done $0x0  }
0xba: {  	[sflag:s0] =	ssyncadd.s32 $0xFFFFFFB0  }
0xbb: {  	v4 =	vld [tilespmem:$0x80];
	_ =	sdelay $0x2  }
0xbc: {  	v0 =	vld [tilespmem:$0x1FFD0]  }
0xbd: {  	v1 =	vld [tilespmem:$0x1FFE0]  }
0xbe: {  	v2 =	vld [tilespmem:$0x1FFF0];
	v5 =	vshll.u32 v4, $0x1  }
0xbf: {  	v4 =	vand.u32 $0x7, v4;
	v5 =	vand.u32 $0xFFFFFFF0, v5  }
0xc0: {  	v4 =	vor.u32 v4, v5  }
0xc1: {  	v5 =	vperm.xlane v4, v0;
	_ =	sdelay $0x1  }
0xc2: {  	v4 =	vperm.xlane v4, v2;
	v5 =	vadd.s32 v1, v5;
	_ =	sdelay $0x1  }
0xc3: {  	v4 =	vadd.s32 v1, v4;
	_ =	sdelay $0x1  }
0xc4: {  	s1 =	simm.s32 $0x5200;
	s6 =	rddreg [dreg:$0x4]  }
0xc5: {  	[tilespmem:s1], [sflag:$0x4] =	stream.indirect_vreg.gather [hbm4b:s6+s4], $0x80, v5, vm0, $0xb8;
	[tilespmem:$0x14700] =	vst v63  }
0xc6: {  	s8 =	simm.s32 $0x5A00  }
0xc7: {  	[tilespmem:s8], [sflag:$0x4] =	stream.indirect_vreg.gather [hbm4b:s6+s4], $0x80, v4, vm0, $0xb8;
	[tilespmem:$0x14700] =	vst v63  }
0xc8: {  	v4 =	vld [tilespmem:$0x90];
	_ =	sdelay $0x4  }
0xc9: {  	v5 =	vshll.u32 v4, $0x1  }
0xca: {  	v4 =	vand.u32 $0x7, v4;
	v5 =	vand.u32 $0xFFFFFFF0, v5  }
0xcb: {  	v4 =	vor.u32 v4, v5  }
0xcc: {  	v5 =	vperm.xlane v4, v0;
	_ =	sdelay $0x1  }
0xcd: {  	v4 =	vperm.xlane v4, v2;
	v5 =	vadd.s32 v1, v5;
	_ =	sdelay $0x1  }
0xce: {  	v4 =	vadd.s32 v1, v4;
	_ =	sdelay $0x1  }
0xcf: {  	s11 =	simm.s32 $0x6200  }
0xd0: {  	[tilespmem:s11], [sflag:$0x4] =	stream.indirect_vreg.gather [hbm4b:s6+s4], $0x80, v5, vm0, $0xb8;
	[tilespmem:$0x14700] =	vst v63  }
0xd1: {  	s12 =	simm.s32 $0x6A00  }
0xd2: {  	[tilespmem:s12], [sflag:$0x4] =	stream.indirect_vreg.gather [hbm4b:s6+s4], $0x80, v4, vm0, $0xb8;
	[tilespmem:$0x14700] =	vst v63  }
0xd3: {  	v4 =	vld [tilespmem:$0xA0];
	_ =	sdelay $0x4  }
0xd4: {  	v5 =	vshll.u32 v4, $0x1  }
0xd5: {  	v4 =	vand.u32 $0x7, v4;
	v5 =	vand.u32 $0xFFFFFFF0, v5  }
0xd6: {  	v4 =	vor.u32 v4, v5  }
0xd7: {  	v5 =	vperm.xlane v4, v0;
	_ =	sdelay $0x1  }
0xd8: {  	v4 =	vperm.xlane v4, v2;
	v5 =	vadd.s32 v1, v5;
	_ =	sdelay $0x1  }
0xd9: {  	v4 =	vadd.s32 v1, v4;
	_ =	sdelay $0x1  }
0xda: {  	s13 =	simm.s32 $0x7200  }
0xdb: {  	[tilespmem:s13], [sflag:$0x4] =	stream.indirect_vreg.gather [hbm4b:s6+s4], $0x80, v5, vm0, $0xb8;
	[tilespmem:$0x14700] =	vst v63  }
0xdc: {  	s14 =	simm.s32 $0x7A00  }
0xdd: {  	[tilespmem:s14], [sflag:$0x4] =	stream.indirect_vreg.gather [hbm4b:s6+s4], $0x80, v4, vm0, $0xb8;
	[tilespmem:$0x14700] =	vst v63  }
0xde: {  	v4 =	vld [tilespmem:$0xB0];
	_ =	sdelay $0x4  }
0xdf: {  	v5 =	vshll.u32 v4, $0x1  }
0xe0: {  	v4 =	vand.u32 $0x7, v4;
	v5 =	vand.u32 $0xFFFFFFF0, v5  }
0xe1: {  	v4 =	vor.u32 v4, v5  }
0xe2: {  	v5 =	vperm.xlane v4, v0;
	_ =	sdelay $0x1  }
0xe3: {  	v4 =	vperm.xlane v4, v2;
	v5 =	vadd.s32 v1, v5;
	_ =	sdelay $0x1  }
0xe4: {  	v4 =	vadd.s32 v1, v4;
	_ =	sdelay $0x1  }
0xe5: {  	s15 =	simm.s32 $0x8200  }
0xe6: {  	[tilespmem:s15], [sflag:$0x4] =	stream.indirect_vreg.gather [hbm4b:s6+s4], $0x80, v5, vm0, $0xb8;
	[tilespmem:$0x14700] =	vst v63  }
0xe7: {  	s16 =	simm.s32 $0x8A00  }
0xe8: {  	[tilespmem:s16], [sflag:$0x4] =	stream.indirect_vreg.gather [hbm4b:s6+s4], $0x80, v4, vm0, $0xb8;
	[tilespmem:$0x14700] =	vst v63  }
0xe9: {  	v4 =	vld [tilespmem:$0xC0];
	_ =	sdelay $0x4  }
0xea: {  	v5 =	vshll.u32 v4, $0x1  }
0xeb: {  	v4 =	vand.u32 $0x7, v4;
	v5 =	vand.u32 $0xFFFFFFF0, v5  }
0xec: {  	v4 =	vor.u32 v4, v5  }
0xed: {  	v5 =	vperm.xlane v4, v0;
	_ =	sdelay $0x1  }
0xee: {  	v4 =	vperm.xlane v4, v2;
	v5 =	vadd.s32 v1, v5;
	_ =	sdelay $0x1  }
0xef: {  	v4 =	vadd.s32 v1, v4;
	_ =	sdelay $0x1  }
0xf0: {  	s17 =	simm.s32 $0x9200  }
0xf1: {  	[tilespmem:s17], [sflag:$0x4] =	stream.indirect_vreg.gather [hbm4b:s6+s4], $0x80, v5, vm0, $0xb8;
	[tilespmem:$0x14700] =	vst v63  }
0xf2: {  	s18 =	simm.s32 $0x9A00  }
0xf3: {  	[tilespmem:s18], [sflag:$0x4] =	stream.indirect_vreg.gather [hbm4b:s6+s4], $0x80, v4, vm0, $0xb8;
	[tilespmem:$0x14700] =	vst v63  }
0xf4: {  	v4 =	vld [tilespmem:$0x180];
	_ =	sdelay $0x4  }
0xf5: {  	v5 =	vshll.u32 v4, $0x1  }
0xf6: {  	v4 =	vand.u32 $0x7, v4;
	v5 =	vand.u32 $0xFFFFFFF0, v5  }
0xf7: {  	v4 =	vor.u32 v4, v5  }
0xf8: {  	v5 =	vperm.xlane v4, v0;
	_ =	sdelay $0x1  }
0xf9: {  	v4 =	vperm.xlane v4, v2;
	v5 =	vadd.s32 v1, v5;
	_ =	sdelay $0x1  }
0xfa: {  	v4 =	vadd.s32 v1, v4;
	_ =	sdelay $0x1  }
0xfb: {  	s19 =	simm.s32 $0xF200  }
0xfc: {  	[tilespmem:s19], [sflag:$0x4] =	stream.indirect_vreg.gather [hbm4b:s7+s4], $0x80, v5, vm0, $0xb8;
	[tilespmem:$0x14700] =	vst v63  }
0xfd: {  	s20 =	simm.s32 $0xFA00  }
0xfe: {  	[tilespmem:s20], [sflag:$0x4] =	stream.indirect_vreg.gather [hbm4b:s7+s4], $0x80, v4, vm0, $0xb8;
	[tilespmem:$0x14700] =	vst v63  }
0xff: {  	v4 =	vld [tilespmem:$0x190];
	_ =	sdelay $0x4  }
0x100: {  	v5 =	vshll.u32 v4, $0x1  }
0x101: {  	v4 =	vand.u32 $0x7, v4;
	v5 =	vand.u32 $0xFFFFFFF0, v5  }
0x102: {  	v4 =	vor.u32 v4, v5  }
0x103: {  	v5 =	vperm.xlane v4, v0;
	_ =	sdelay $0x1  }
0x104: {  	v4 =	vperm.xlane v4, v2;
	v5 =	vadd.s32 v1, v5;
	_ =	sdelay $0x1  }
0x105: {  	v4 =	vadd.s32 v1, v4;
	_ =	sdelay $0x1  }
0x106: {  	s21 =	simm.s32 $0x10200  }
0x107: {  	[tilespmem:s21], [sflag:$0x4] =	stream.indirect_vreg.gather [hbm4b:s7+s4], $0x80, v5, vm0, $0xb8;
	[tilespmem:$0x14700] =	vst v63  }
0x108: {  	s22 =	simm.s32 $0x10A00  }
0x109: {  	[tilespmem:s22], [sflag:$0x4] =	stream.indirect_vreg.gather [hbm4b:s7+s4], $0x80, v4, vm0, $0xb8;
	[tilespmem:$0x14700] =	vst v63  }
0x10a: {  	v4 =	vld [tilespmem:$0x1A0];
	_ =	sdelay $0x4  }
0x10b: {  	v5 =	vshll.u32 v4, $0x1  }
0x10c: {  	v4 =	vand.u32 $0x7, v4;
	v5 =	vand.u32 $0xFFFFFFF0, v5  }
0x10d: {  	v4 =	vor.u32 v4, v5  }
0x10e: {  	v5 =	vperm.xlane v4, v0;
	_ =	sdelay $0x1  }
0x10f: {  	v4 =	vperm.xlane v4, v2;
	v5 =	vadd.s32 v1, v5;
	_ =	sdelay $0x1  }
0x110: {  	v4 =	vadd.s32 v1, v4;
	_ =	sdelay $0x1  }
0x111: {  	s23 =	simm.s32 $0x11200  }
0x112: {  	[tilespmem:s23], [sflag:$0x4] =	stream.indirect_vreg.gather [hbm4b:s7+s4], $0x80, v5, vm0, $0xb8;
	[tilespmem:$0x14700] =	vst v63  }
0x113: {  	s24 =	simm.s32 $0x11A00  }
0x114: {  	[tilespmem:s24], [sflag:$0x4] =	stream.indirect_vreg.gather [hbm4b:s7+s4], $0x80, v4, vm0, $0xb8;
	[tilespmem:$0x14700] =	vst v63  }
0x115: {  	v4 =	vld [tilespmem:$0x1B0];
	_ =	sdelay $0x4  }
0x116: {  	v5 =	vshll.u32 v4, $0x1  }
0x117: {  	v4 =	vand.u32 $0x7, v4;
	v5 =	vand.u32 $0xFFFFFFF0, v5  }
0x118: {  	v4 =	vor.u32 v4, v5  }
0x119: {  	v5 =	vperm.xlane v4, v0;
	_ =	sdelay $0x1  }
0x11a: {  	v4 =	vperm.xlane v4, v2;
	v5 =	vadd.s32 v1, v5;
	_ =	sdelay $0x1  }
0x11b: {  	v4 =	vadd.s32 v1, v4;
	_ =	sdelay $0x1  }
0x11c: {  	s28 =	simm.s32 $0x12200  }
0x11d: {  	[tilespmem:s28], [sflag:$0x4] =	stream.indirect_vreg.gather [hbm4b:s7+s4], $0x80, v5, vm0, $0xb8;
	[tilespmem:$0x14700] =	vst v63  }
0x11e: {  	s29 =	simm.s32 $0x12A00  }
0x11f: {  	[tilespmem:s29], [sflag:$0x4] =	stream.indirect_vreg.gather [hbm4b:s7+s4], $0x80, v4, vm0, $0xb8;
	[tilespmem:$0x14700] =	vst v63  }
0x120: {  	v4 =	vld [tilespmem:$0x1C0];
	_ =	sdelay $0x4  }
0x121: {  	v5 =	vshll.u32 v4, $0x1  }
0x122: {  	v4 =	vand.u32 $0x7, v4;
	v5 =	vand.u32 $0xFFFFFFF0, v5  }
0x123: {  	v4 =	vor.u32 v4, v5  }
0x124: {  	v5 =	vperm.xlane v4, v0;
	_ =	sdelay $0x1  }
0x125: {  	v4 =	vperm.xlane v4, v2;
	v5 =	vadd.s32 v1, v5;
	_ =	sdelay $0x1  }
0x126: {  	v4 =	vadd.s32 v1, v4;
	_ =	sdelay $0x1  }
0x127: {  	s30 =	simm.s32 $0x13200  }
0x128: {  	[tilespmem:s30], [sflag:$0x4] =	stream.indirect_vreg.gather [hbm4b:s7+s4], $0x80, v5, vm0, $0xb8;
	[tilespmem:$0x14700] =	vst v63  }
0x129: {  	s31 =	simm.s32 $0x13A00  }
0x12a: {  	[tilespmem:s31], [sflag:$0x4] =	stream.indirect_vreg.gather [hbm4b:s7+s4], $0x80, v4, vm0, $0xb8;
	[tilespmem:$0x14700] =	vst v63  }
.LBB2_5:
0x12b: {  	s0 =	sadd.s32 $0x2, s26  }
0x12c: {  	p0 =	sge.u32 s0, s10  }
0x12d: {  	s0 =	sshll.u32 @!p0 s0, $0x5  }
0x12e: {  	s0 =	sor.u32 @!p0 s9, s0  }
0x12f: {  	s0 =	smul.u32 @!p0 $0xA, s0  }
0x130: {  	s1 =	rddreg [dreg:$0x1]  }
0x131: {  	s2 =	simm.s32 @!p0 $0x0;
	s1 =	sadd.s32 @!p0 s1, s0  }
0x132: {  	[tilespmem:s2], [sflag:$0x1] =	stream.linear.gather @!p0 [hbm4b:s1+s2], $0x50, $0x38;
	[tilespmem:$0x14700] =	vst v63  }
0x133: {  	s28 =	simm.s32 $0x0;
	s1 =	rddreg [dreg:$0x2]  }
0x134: {  	s13 =	simm.s32 $0x100;
	s0 =	sadd.s32 @!p0 s1, s0;
	s1 =	simm.s32 @!p0 $0x100  }
0x135: {  	[tilespmem:s1], [sflag:$0x1] =	stream.linear.gather @!p0 [hbm4b:s0+s2], $0x50, $0x38;
	[tilespmem:$0x14700] =	vst v63  }
0x136: {  	s14 =	sand.u32 $0x7800, s28;
	s1 =	sand.u32 $0x300, s13  }
0x137: {  	s1 =	sor.u32 s14, s1  }
0x138: {  	v4 =	vld [tilespmem:s1+$0x2E0]  }
0x139: {  	v5 =	vld [tilespmem:s1+$0x2F0]  }
0x13a: {  	v6 =	vld [tilespmem:s1+$0xA2E0]  }
0x13b: {  	v7 =	vld [tilespmem:s1+$0xA2F0]  }
0x13c: {  	v8 =	vld [tilespmem:s1+$0x2C0]  }
0x13d: {  	v9 =	vld [tilespmem:s1+$0x2D0]  }
0x13e: {  	v10 =	vld [tilespmem:s1+$0xA2C0]  }
0x13f: {  	v11 =	vld [tilespmem:s1+$0xA2D0]  }
0x140: {  	v12 =	vld [tilespmem:s1+$0x2A0]  }
0x141: {  	v13 =	vld [tilespmem:s1+$0x2B0]  }
0x142: {  	v14 =	vld [tilespmem:s1+$0xA2A0]  }
0x143: {  	v15 =	vld [tilespmem:s1+$0xA2B0]  }
0x144: {  	v16 =	vld [tilespmem:s1+$0x280]  }
0x145: {  	v17 =	vld [tilespmem:s1+$0x290]  }
0x146: {  	v18 =	vld [tilespmem:s1+$0xA280]  }
0x147: {  	v19 =	vld [tilespmem:s1+$0xA290]  }
0x148: {  	v20 =	vld [tilespmem:s1+$0x260]  }
0x149: {  	v21 =	vld [tilespmem:s1+$0x270]  }
0x14a: {  	v22 =	vld [tilespmem:s1+$0xA260]  }
0x14b: {  	v23 =	vld [tilespmem:s1+$0xA270]  }
0x14c: {  	v24 =	vld [tilespmem:s1+$0x240]  }
0x14d: {  	v25 =	vld [tilespmem:s1+$0x250]  }
0x14e: {  	v26 =	vld [tilespmem:s1+$0xA240]  }
0x14f: {  	v27 =	vld [tilespmem:s1+$0xA250]  }
0x150: {  	v28 =	vld [tilespmem:s1+$0x200]  }
0x151: {  	v29 =	vld [tilespmem:s1+$0x210]  }
0x152: {  	v30 =	vld [tilespmem:s1+$0xA200]  }
0x153: {  	s15 =	sand.u32 $0x3, s28;
	v31 =	vld [tilespmem:s1+$0xA210]  }
0x154: {  	s2 =	sshll.u32 s15, $0x8;
	v32 =	vld [tilespmem:s1+$0x220]  }
0x155: {  	s2 =	sadd.s32 $0x0, s2;
	v33 =	vld [tilespmem:s1+$0x230]  }
0x156: {  	v34 =	vld [tilespmem:s1+$0xA220];
	s3 =	sadd.s32 $0x180, s2  }
0x157: {  	v35 =	vld [tilespmem:s1+$0xA230];
	s16 =	sor.u32 $0x440, s3  }
0x158: {  	s8 =	sor.u32 $0x450, s3;
	v36 =	vld [tilespmem:s16+$0x200]  }
0x159: {  	s2 =	sadd.s32 $0x100, s2;
	v37 =	vld [tilespmem:s8+$0x200]  }
0x15a: {  	s19 =	sor.u32 $0x460, s2;
	v38 =	vld [tilespmem:s16+$0xA200]  }
0x15b: {  	v0 =	vld [tilespmem:s19+$0x200]  }
0x15c: {  	s17 =	sor.u32 $0x420, s3;
	v39 =	vld [tilespmem:s8+$0xA200]  }
0x15d: {  	s18 =	sor.u32 $0x430, s3;
	v40 =	vld [tilespmem:s17+$0x200]  }
0x15e: {  	v41 =	vld [tilespmem:s18+$0x200]  }
0x15f: {  	v42 =	vld [tilespmem:s17+$0xA200]  }
0x160: {  	s20 =	sor.u32 $0x440, s2;
	v43 =	vld [tilespmem:s18+$0xA200];
	[tilespmem:$0x1FF50] =	vst v0  }
0x161: {  	s21 =	sor.u32 $0x450, s2;
	v45 =	vld [tilespmem:s20+$0x200]  }
0x162: {  	v46 =	vld [tilespmem:s21+$0x200]  }
0x163: {  	v47 =	vld [tilespmem:s20+$0xA200]  }
0x164: {  	s22 =	sor.u32 $0x420, s2;
	v48 =	vld [tilespmem:s21+$0xA200]  }
0x165: {  	s23 =	sor.u32 $0x430, s2;
	v49 =	vld [tilespmem:s22+$0x200]  }
0x166: {  	v50 =	vld [tilespmem:s23+$0x200]  }
0x167: {  	v51 =	vld [tilespmem:s22+$0xA200]  }
0x168: {  	s24 =	sor.u32 $0x400, s2;
	v52 =	vld [tilespmem:s23+$0xA200]  }
0x169: {  	s5 =	sor.u32 $0x410, s2;
	v53 =	vld [tilespmem:s24+$0x200]  }
0x16a: {  	s6 =	sor.u32 $0x460, s3;
	v54 =	vld [tilespmem:s5+$0x200]  }
0x16b: {  	v0 =	vld [tilespmem:s6+$0x200]  }
0x16c: {  	v55 =	vld [tilespmem:s24+$0xA200]  }
0x16d: {  	s2 =	sor.u32 $0x470, s2;
	v56 =	vld [tilespmem:s5+$0xA200]  }
0x16e: {  	v57 =	vld [tilespmem:s2+$0x200]  }
0x16f: {  	v58 =	vld [tilespmem:s19+$0xA200]  }
0x170: {  	s8 =	sor.u32 $0x400, s3;
	v59 =	vld [tilespmem:s2+$0xA200];
	[tilespmem:$0x1FF60] =	vst v0  }
0x171: {  	s11 =	sand.u32 $0x200, s28;
	s9 =	sor.u32 $0x410, s3;
	v61 =	vld [tilespmem:s8+$0x200]  }
0x172: {  	s0 =	sor.u32 s11, s14;
	v62 =	vld [tilespmem:s9+$0x200]  }
0x173: {  	v60 =	vld [tilespmem:s0+$0x200]  }
0x174: {  	v63 =	vld [tilespmem:s8+$0xA200]  }
0x175: {  	s10 =	sor.u32 $0x470, s3;
	v2 =	vld [tilespmem:s9+$0xA200]  }
0x176: {  	v44 =	vld [tilespmem:s10+$0x200]  }
0x177: {  	v1 =	vld [tilespmem:s6+$0xA200]  }
0x178: {  	v0 =	vld [tilespmem:s10+$0xA200];
	[tilespmem:$0x1FF70] =	vst v60  }
0x179: {  	v60 =	vld [tilespmem:s0+$0x210];
	_ =	sdelay $0x4  }
0x17a: {  	[tilespmem:$0x1FF90] =	vst v60  }
0x17b: {  	v60 =	vld [tilespmem:s0+$0xA200];
	_ =	sdelay $0x1  }
0x17c: {  	v4 =	vmul.f32 v6, v4;
	v5 =	vmul.f32 v7, v5  }
0x17d: {  	v7 =	vmul.f32 v10, v8;
	v8 =	vmul.f32 v11, v9  }
0x17e: {  	v10 =	vmul.f32 v15, v13;
	v4 =	vadd.f32 v5, v4;
	v5 =	vmul.f32 v14, v12  }
0x17f: {  	v7 =	vadd.f32 v8, v7;
	v8 =	vmul.f32 v18, v16;
	v12 =	vmul.f32 v19, v17;
	[tilespmem:$0x1FF80] =	vst v60  }
0x180: {  	(xrf2) =	vadd.scan.msk.f32 $0xffff, v4;
	v4 =	vadd.f32 v10, v5;
	v5 =	vmul.f32 v22, v20;
	v10 =	vmul.f32 v23, v21;
	v60 =	vld [tilespmem:s0+$0xA210]  }
0x181: {  	(xrf2) =	vadd.scan.msk.f32 $0xffff, v7;
	v7 =	vadd.f32 v12, v8;
	v8 =	vmul.f32 v26, v24;
	v12 =	vmul.f32 v27, v25  }
0x182: {  	(xrf2) =	vadd.scan.msk.f32 $0xffff, v4;
	v4 =	vadd.f32 v10, v5;
	v5 =	vmul.f32 v30, v28;
	v10 =	vmul.f32 v31, v29  }
0x183: {  	(xrf2) =	vadd.scan.msk.f32 $0xffff, v7;
	v7 =	vadd.f32 v12, v8  }
0x184: {  	v8 =	vmul.f32 v34, v32;
	v12 =	vmul.f32 v35, v33;
	(xrf2) =	vadd.scan.msk.f32 $0xffff, v4;
	v4 =	vadd.f32 v10, v5  }
0x185: {  	v42 =	vmul.f32 v42, v40;
	(xrf2) =	vadd.scan.msk.f32 $0xffff, v7;
	[tilespmem:$0x1FFA0] =	vst v60  }
0x186: {  	v7 =	vadd.f32 v12, v8;
	v12 =	vmul.f32 v39, v37;
	(xrf2) =	vadd.scan.msk.f32 $0xffff, v4;
	v4 =	vmul.f32 v38, v36;
	v60 =	vld [tilespmem:s0+$0x220]  }
0x187: {  	v43 =	vmul.f32 v43, v41;
	v47 =	vmul.f32 v47, v45  }
0x188: {  	v48 =	vmul.f32 v48, v46;
	v53 =	vmul.f32 v55, v53;
	v55 =	vld [tilespmem:$0x1FF50];
	v12 =	vadd.f32 v12, v4  }
0x189: {  	v19 =	vadd.f32 v43, v42;
	v51 =	vmul.f32 v51, v49;
	v52 =	vmul.f32 v52, v50;
	(xrf2) =	vadd.scan.msk.f32 $0xffff, v7  }
0x18a: {  	v4, _, _ =	vpop (xrf2);
	(xrf2) =	vadd.scan.msk.f32 $0xffff, v12;
	v12 =	vadd.f32 v48, v47  }
0x18b: {  	v20 =	vadd.f32 v52, v51;
	v0 =	vmul.f32 v0, v44;
	(xrf2) =	vadd.scan.msk.f32 $0xffff, v19;
	v44 =	vld [tilespmem:$0x1FF70];
	[tilespmem:$0x1FFB0] =	vst v60  }
0x18c: {  	(xrf2) =	vadd.scan.msk.f32 $0xffff, v12;
	v60 =	vld [tilespmem:s0+$0x230]  }
0x18d: {  	v25, _, _ =	vpop (xrf2);
	(xrf2) =	vadd.scan.msk.f32 $0xffff, v20;
	v20 =	vmul.f32 v58, v55;
	v58 =	vmul.f32 v63, v61;
	v61 =	vld [tilespmem:$0x1FF60]  }
0x18e: {  	v48 =	vld [tilespmem:$0x1FF90]  }
0x18f: {  	v45 =	vld [tilespmem:$0x1FF80]  }
0x190: {  	v49 =	vld [tilespmem:$0x1FFA0]  }
0x191: {  	v50 =	vld [tilespmem:$0x1FFB0];
	[tilespmem:$0x1FFC0] =	vst v60  }
0x192: {  	v6 =	vld [tilespmem:s0+$0xA220]  }
0x193: {  	v9 =	vld [tilespmem:s0+$0xA230]  }
0x194: {  	v11 =	vld [tilespmem:s0+$0x240]  }
0x195: {  	v13 =	vld [tilespmem:s0+$0x250]  }
0x196: {  	v14 =	vld [tilespmem:s0+$0xA240]  }
0x197: {  	p0 =	por $0x0, $0x0;
	s1 =	simm.s32 $0x1;
	v15 =	vld [tilespmem:s0+$0xA250]  }
0x198: {  	s1 =	simm.s32 @!p0 $0x0;
	v16 =	vld [tilespmem:s0+$0x260]  }
0x199: {  	s1 =	sshll.u32 s1, $0x9;
	v17 =	vld [tilespmem:s0+$0x270]  }
0x19a: {  	s1 =	sadd.s32 $0x0, s1;
	v5 =	vld [tilespmem:s0+$0xA260]  }
0x19b: {  	s12 =	sor.u32 $0x400, s1;
	v8 =	vld [tilespmem:s0+$0xA270]  }
0x19c: {  	s13 =	sor.u32 $0x410, s1;
	v10 =	vld [tilespmem:s12+$0x200]  }
0x19d: {  	v7 =	vld [tilespmem:s13+$0x200]  }
0x19e: {  	v18 =	vld [tilespmem:s12+$0xA200]  }
0x19f: {  	s14 =	sor.u32 $0x420, s1;
	v21 =	vld [tilespmem:s13+$0xA200]  }
0x1a0: {  	s15 =	sor.u32 $0x430, s1;
	v24 =	vld [tilespmem:s14+$0x200]  }
0x1a1: {  	v27 =	vld [tilespmem:s15+$0x200]  }
0x1a2: {  	v29 =	vld [tilespmem:s14+$0xA200]  }
0x1a3: {  	s16 =	sor.u32 $0x440, s1;
	v54 =	vmul.f32 v56, v54;
	v26 =	vld [tilespmem:s15+$0xA200]  }
0x1a4: {  	s17 =	sor.u32 $0x450, s1;
	v23, _, _ =	vpop (xrf2);
	v28 =	vld [tilespmem:s16+$0x200]  }
0x1a5: {  	v22 =	vadd.f32 v54, v53;
	v19, _, _ =	vpop (xrf2);
	v32 =	vld [tilespmem:s17+$0x200]  }
0x1a6: {  	v57 =	vmul.f32 v59, v57;
	v12, _, _ =	vpop (xrf2);
	v52 =	vld [tilespmem:$0x1FFC0]  }
0x1a7: {  	v2 =	vmul.f32 v2, v62;
	(xrf2) =	vadd.scan.msk.f32 $0xffff, v22;
	v56, _, _ =	vpop (xrf2);
	v60 =	vld [tilespmem:s16+$0xA200]  }
0x1a8: {  	s18 =	sor.u32 $0x460, s1;
	v20 =	vadd.f32 v57, v20;
	v12 =	vperm.xlane v12, v3;
	v59, _, _ =	vpop (xrf2);
	v1 =	vmul.f32 v1, v61;
	v63 =	vld [tilespmem:s17+$0xA200]  }
0x1a9: {  	s19 =	sor.u32 $0x470, s1;
	v2 =	vadd.f32 v2, v58;
	v43 =	vperm.xlane v56, v3;
	v62, _, _ =	vpop (xrf2);
	v40 =	vperm.xlane v59, v3;
	v42 =	vld [tilespmem:s18+$0x200]  }
0x1aa: {  	(xrf2) =	vadd.scan.msk.f32 $0xffff, v20;
	v41 =	vperm.xlane v62, v3;
	v0 =	vadd.f32 v0, v1;
	v20 =	vmul.f32 v45, v44;
	v1 =	vld [tilespmem:s19+$0x200]  }
0x1ab: {  	v51 =	vld [tilespmem:s19+$0xA200];
	v6 =	vmul.f32 v6, v50;
	v9 =	vmul.f32 v9, v52  }
0x1ac: {  	(xrf2) =	vadd.scan.msk.f32 $0xffff, v2;
	v46 =	vsel vm1, v40, v41;
	v33 =	vmul.f32 v49, v48;
	v47 =	vld [tilespmem:s18+$0xA200];
	v11 =	vmul.f32 v14, v11  }
0x1ad: {  	v53, _, _ =	vpop (xrf2);
	v22 =	vsel vm2, v46, v43;
	(xrf2) =	vadd.scan.msk.f32 $0xffff, v0;
	v54 =	vld [tilespmem:s0+$0x290];
	v0 =	vadd.f32 v9, v6;
	v6 =	vmul.f32 v8, v17  }
0x1ae: {  	v2 =	vadd.f32 v33, v20;
	v55 =	vld [tilespmem:s0+$0xA290];
	v13 =	vmul.f32 v15, v13;
	v15, _, _ =	vpop (xrf2);
	v5 =	vmul.f32 v5, v16  }
0x1af: {  	v12 =	vsel vm3, v22, v12;
	v14 =	vld [tilespmem:s0+$0x280];
	v7 =	vmul.f32 v21, v7;
	v56 =	vmul.f32 v60, v28;
	v8, _, _ =	vpop (xrf2)  }
0x1b0: {  	(xrf2) =	vadd.scan.msk.f32 $0xffff, v2;
	v1 =	vmul.f32 v51, v1;
	v9 =	vmul.f32 v18, v10;
	v10 =	vld [tilespmem:s0+$0xA280];
	v2 =	vadd.f32 v13, v11;
	v11, _, _ =	vpop (xrf2)  }
0x1b1: {  	v57 =	vld [tilespmem:s0+$0x2A0];
	v13 =	vmul.f32 v29, v24;
	(xrf2) =	vadd.scan.msk.f32 $0xffff, v0;
	v0 =	vadd.f32 v6, v5;
	v5 =	vmul.f32 v26, v27;
	v6, _, _ =	vpop (xrf2)  }
0x1b2: {  	(xrf2) =	vadd.scan.msk.f32 $0xffff, v2;
	v2 =	vadd.f32 v7, v9;
	v7 =	vmul.f32 v63, v32;
	v9 =	vld [tilespmem:s0+$0x2B0];
	v6 =	vperm.xlane v6, v3  }
0x1b3: {  	(xrf2) =	vadd.scan.msk.f32 $0xffff, v0;
	v0 =	vadd.f32 v5, v13;
	v5 =	vperm.xlane v11, v3;
	v11 =	vmul.f32 v47, v42;
	v13 =	vld [tilespmem:s0+$0xA2A0]  }
0x1b4: {  	(xrf2) =	vadd.scan.msk.f32 $0xffff, v2;
	v2 =	vadd.f32 v7, v56;
	v7 =	vperm.xlane v8, v3;
	v8 =	vld [tilespmem:s0+$0xA2B0];
	v6 =	vsel vm4, v12, v6  }
0x1b5: {  	v12, _, _ =	vpop (xrf2);
	(xrf2) =	vadd.scan.msk.f32 $0xffff, v0;
	v0 =	vmul.f32 v10, v14;
	v10 =	vmul.f32 v55, v54;
	v5 =	vsel vm5, v6, v5  }
0x1b6: {  	v14 =	vld [tilespmem:s0+$0x2C0];
	v5 =	vsel vm6, v5, v7;
	v7 =	vperm.xlane v19, v3  }
0x1b7: {  	v1 =	vadd.f32 v1, v11;
	v6 =	vperm.xlane v12, v3;
	v0 =	vadd.f32 v10, v0;
	v10 =	vld [tilespmem:s0+$0xA2C0]  }
0x1b8: {  	(xrf2) =	vadd.scan.msk.f32 $0xffff, v2;
	v2 =	vld [tilespmem:s0+$0x2D0];
	v13 =	vmul.f32 v13, v57  }
0x1b9: {  	s1 =	sadd.s32 $0x80, s1;
	v12, _, _ =	vpop (xrf2);
	(xrf2) =	vadd.scan.msk.f32 $0xffff, v1;
	v1 =	vld [tilespmem:s0+$0xA2D0];
	v5 =	vsel vm7, v5, v6;
	v6 =	vperm.xlane v23, v3;
	v8 =	vmul.f32 v8, v9  }
0x1ba: {  	s21 =	sor.u32 $0x410, s1;
	v4 =	vperm.xlane v4, v3;
	v59 =	vld [tilespmem:s0+$0xA2F0];
	v11 =	vperm.xlane v25, v3;
	v5 =	vsel vm8, v5, v7;
	v7, _, _ =	vpop (xrf2)  }
0x1bb: {  	v15 =	vperm.xlane v15, v3;
	v63 =	vld [tilespmem:s21+$0xA200];
	v5 =	vsel vm9, v5, v6;
	v8 =	vadd.f32 v8, v13;
	(xrf2) =	vadd.scan.msk.f32 $0xffff, v0;
	v0, _, _ =	vpop (xrf2)  }
0x1bc: {  	v9 =	vld [tilespmem:s0+$0x2E0];
	v5 =	vsel vm10, v5, v11;
	v11 =	vperm.xlane v12, v3;
	v10 =	vmul.f32 v10, v14;
	v58, _, _ =	vpop (xrf2)  }
0x1bd: {  	v6 =	vld [tilespmem:s0+$0x2F0];
	v4 =	vsel vm11, v5, v4;
	v0 =	vperm.xlane v0, v3;
	v13, _, _ =	vpop (xrf2);
	v5 =	vperm.xlane v58, v3  }
0x1be: {  	v12 =	vld [tilespmem:s0+$0xA2E0];
	(xrf2) =	vadd.scan.msk.f32 $0xffff, v8;
	v1 =	vmul.f32 v1, v2;
	v4 =	vsel vm12, v4, v11;
	v11 =	vperm.xlane v13, v3;
	v13, _, _ =	vpop (xrf2)  }
0x1bf: {  	s20 =	sor.u32 $0x400, s1;
	v61 =	vperm.xlane v53, v3;
	v0 =	vsel vm1, v0, v5;
	v5 =	vperm.xlane v13, v3;
	v13 =	vld [tilespmem:s21+$0x200]  }
0x1c0: {  	v60 =	vld [tilespmem:s20+$0x200];
	v7 =	vperm.xlane v7, v3;
	v4 =	vsel vm13, v4, v15;
	v1 =	vadd.f32 v1, v10;
	v8, _, _ =	vpop (xrf2)  }
0x1c1: {  	s23 =	sor.u32 $0x430, s1;
	v18 =	vsel vm14, v4, v61;
	v62, _, _ =	vpop (xrf2);
	v0 =	vsel vm2, v0, v11;
	v8 =	vperm.xlane v8, v3;
	v11 =	vld [tilespmem:s20+$0xA200]  }
0x1c2: {  	s22 =	sor.u32 $0x420, s1;
	v10 =	vld [tilespmem:s23+$0xA200];
	v6 =	vmul.f32 v59, v6;
	v0 =	vsel vm3, v0, v5;
	v5 =	vperm.xlane v62, v3;
	v15, _, _ =	vpop (xrf2)  }
0x1c3: {  	s10 =	sor.u32 $0x450, s1;
	v4 =	vld [tilespmem:s22+$0x200];
	v9 =	vmul.f32 v12, v9;
	(xrf2) =	vadd.scan.msk.f32 $0xffff, v1;
	v0 =	vsel vm4, v0, v8;
	v8 =	vperm.xlane v15, v3  }
0x1c4: {  	v14 =	vsel vm15, v18, v7;
	v7 =	vld [tilespmem:s10+$0x200];
	v2, _, _ =	vpop (xrf2);
	v0 =	vsel vm5, v0, v5;
	v13 =	vmul.f32 v63, v13  }
0x1c5: {  	v9 =	vadd.f32 v6, v9;
	v2 =	vperm.xlane v2, v3;
	v0 =	vsel vm6, v0, v8;
	v8 =	vld [tilespmem:s22+$0xA200];
	v12, _, _ =	vpop (xrf2)  }
0x1c6: {  	s29 =	simm.s32 $0x14210;
	s24 =	sor.u32 $0x440, s1;
	v5 =	vld [tilespmem:s23+$0x200];
	v12 =	vperm.xlane v12, v3;
	v11 =	vmul.f32 v11, v60  }
0x1c7: {  	s30 =	simm.s32 $0x0;
	s31 =	simm.s32 $0x0;
	p0 =	por !p0, !p0;
	v6 =	vld [tilespmem:s24+$0x200];
	(xrf2) =	vadd.scan.msk.f32 $0xffff, v9;
	v0 =	vsel vm7, v0, v2  }
0x1c8: {  	s3 =	sor.u32 $0x470, s1;
	s17 =	sor.u32 $0x460, s1;
	s0 =	simm.s32 $0x0;
	[tilespmem:s29+$0x0] =	vst v14;
	v9 =	vsel vm8, v0, v12;
	v12 =	vadd.f32 v13, v11;
	v11 =	vld [tilespmem:s24+$0xA200];
	v13, _, _ =	vpop (xrf2)  }
.LBB2_6:
0x1c9: {  	s1 =	simm.s32 $0x1  }
0x1ca: {  	v0 =	vperm.xlane v13, v3;
	v1 =	vmul.f32 v8, v4;
	v2 =	vld [tilespmem:s10+$0xA200];
	s1 =	simm.s32 @!p0 $0x0  }
0x1cb: {  	s28 =	sadd.s32 $0x200, s28;
	v4 =	vmul.f32 v10, v5;
	s1 =	sshll.u32 s1, $0x9;
	v5 =	vld [tilespmem:s17+$0x200];
	(xrf2) =	vadd.scan.msk.f32 $0xffff, v12  }
0x1cc: {  	s31 =	sadd.s32 $0x400, s31;
	s2 =	sand.u32 $0x200, s28;
	s8 =	sadd.s32 $0x100, s28;
	v0 =	vsel vm9, v9, v0;
	v8 =	vld [tilespmem:s3+$0x200]  }
0x1cd: {  	s8 =	sand.u32 $0x300, s8;
	s10 =	sadd.s32 s1, s31;
	s1 =	sand.u32 $0x7800, s31;
	v1 =	vadd.f32 v4, v1;
	v4 =	vld [tilespmem:s17+$0xA200];
	v9, _, _ =	vpop (xrf2)  }
0x1ce: {  	s12 =	sor.u32 s2, s1;
	s18 =	sor.u32 $0x400, s10;
	s22 =	sor.u32 s1, s8;
	v12 =	vmul.f32 v11, v6;
	v9 =	vperm.xlane v9, v3;
	v10 =	vld [tilespmem:s3+$0xA200]  }
0x1cf: {  	s8 =	sor.u32 $0x410, s10;
	s20 =	sor.u32 $0x420, s10;
	s15 =	sor.u32 $0x430, s10;
	v2 =	vmul.f32 v2, v7;
	v11 =	vld [tilespmem:s22+$0x2E0];
	(xrf2) =	vadd.scan.msk.f32 $0xffff, v1  }
0x1d0: {  	s14 =	sor.u32 $0x440, s10;
	s2 =	sor.u32 $0x450, s10;
	s1 =	sor.u32 $0x460, s10;
	v1 =	vld [tilespmem:s22+$0x2F0];
	v0 =	vsel vm10, v0, v9  }
0x1d1: {  	s23 =	sor.u32 $0x470, s10;
	s3 =	sadd.s32 $0x80, s10;
	v2 =	vadd.f32 v2, v12;
	v7 =	vld [tilespmem:s22+$0xA2E0];
	v6, _, _ =	vpop (xrf2)  }
0x1d2: {  	s21 =	sor.u32 $0x400, s3;
	s24 =	sor.u32 $0x410, s3;
	s13 =	sor.u32 $0x420, s3;
	v9 =	vld [tilespmem:s22+$0xA2F0];
	v6 =	vperm.xlane v6, v3;
	v4 =	vmul.f32 v4, v5  }
0x1d3: {  	s16 =	sor.u32 $0x430, s3;
	s11 =	sor.u32 $0x440, s3;
	s10 =	sor.u32 $0x450, s3;
	v5 =	vld [tilespmem:s22+$0x2C0];
	v10 =	vmul.f32 v10, v8;
	(xrf2) =	vadd.scan.msk.f32 $0xffff, v2  }
0x1d4: {  	s17 =	sor.u32 $0x460, s3;
	s3 =	sor.u32 $0x470, s3;
	v2 =	vld [tilespmem:s22+$0x2D0];
	v0 =	vsel vm11, v0, v6  }
0x1d5: {  	v6 =	vld [tilespmem:s22+$0xA2C0];
	v4 =	vadd.f32 v10, v4;
	v8, _, _ =	vpop (xrf2)  }
0x1d6: {  	v10 =	vld [tilespmem:s22+$0xA2D0];
	v8 =	vperm.xlane v8, v3  }
0x1d7: {  	v12 =	vld [tilespmem:s22+$0x2A0];
	(xrf2) =	vadd.scan.msk.f32 $0xffff, v4  }
0x1d8: {  	v4 =	vld [tilespmem:s22+$0x2B0];
	v0 =	vsel vm12, v0, v8  }
0x1d9: {  	v8 =	vld [tilespmem:s22+$0xA2A0];
	v13, _, _ =	vpop (xrf2)  }
0x1da: {  	v14 =	vld [tilespmem:s22+$0xA2B0];
	v13 =	vperm.xlane v13, v3  }
0x1db: {  	v15 =	vld [tilespmem:s22+$0x280]  }
0x1dc: {  	v16 =	vld [tilespmem:s22+$0x290];
	v0 =	vsel vm13, v0, v13  }
0x1dd: {  	v13 =	vld [tilespmem:s22+$0xA280];
	v17, _, _ =	vpop (xrf2)  }
0x1de: {  	v18 =	vld [tilespmem:s22+$0xA290];
	v17 =	vperm.xlane v17, v3  }
0x1df: {  	v19 =	vld [tilespmem:s22+$0x260]  }
0x1e0: {  	v20 =	vld [tilespmem:s22+$0x270];
	v0 =	vsel vm14, v0, v17  }
0x1e1: {  	v17 =	vld [tilespmem:s22+$0xA260];
	v21, _, _ =	vpop (xrf2)  }
0x1e2: {  	v22 =	vld [tilespmem:s22+$0xA270];
	v21 =	vperm.xlane v21, v3  }
0x1e3: {  	v23 =	vld [tilespmem:s22+$0x240]  }
0x1e4: {  	v7 =	vmul.f32 v7, v11;
	v1 =	vmul.f32 v9, v1;
	v24 =	vld [tilespmem:s22+$0x250];
	v0 =	vsel vm15, v0, v21  }
0x1e5: {  	v9 =	vld [tilespmem:s22+$0xA240];
	[tilespmem:s29+$0xFFFFFFF0] =	vst v0  }
0x1e6: {  	v1 =	vadd.f32 v1, v7;
	v0 =	vld [tilespmem:s22+$0xA250]  }
0x1e7: {  	v5 =	vmul.f32 v6, v5;
	v2 =	vmul.f32 v10, v2;
	v7 =	vld [tilespmem:s22+$0x200]  }
0x1e8: {  	v6 =	vld [tilespmem:s22+$0x210];
	(xrf2) =	vadd.scan.msk.f32 $0xffff, v1  }
0x1e9: {  	s0 =	sadd.s32 $0x2, s0;
	v2 =	vadd.f32 v2, v5;
	v1 =	vld [tilespmem:s22+$0xA200]  }
0x1ea: {  	s19 =	sand.u32 $0x3, s0;
	v5 =	vmul.f32 v8, v12;
	v4 =	vmul.f32 v14, v4;
	v10 =	vld [tilespmem:s22+$0xA210]  }
0x1eb: {  	s19 =	sshll.u32 s19, $0x8;
	v8 =	vld [tilespmem:s22+$0x220];
	(xrf2) =	vadd.scan.msk.f32 $0xffff, v2  }
0x1ec: {  	s6 =	sadd.s32 s19, s31;
	v4 =	vadd.f32 v4, v5;
	v2 =	vld [tilespmem:s22+$0x230]  }
0x1ed: {  	s19 =	sadd.s32 $0x180, s6;
	v5 =	vmul.f32 v13, v15;
	v12 =	vmul.f32 v18, v16;
	v11 =	vld [tilespmem:s22+$0xA220]  }
0x1ee: {  	v13 =	vld [tilespmem:s22+$0xA230];
	s22 =	sor.u32 $0x440, s19;
	(xrf2) =	vadd.scan.msk.f32 $0xffff, v4  }
0x1ef: {  	s9 =	sor.u32 $0x450, s19;
	v18 =	vadd.f32 v12, v5;
	v12 =	vld [tilespmem:s22+$0x200]  }
0x1f0: {  	v5 =	vmul.f32 v17, v19;
	v14 =	vmul.f32 v22, v20;
	v15 =	vld [tilespmem:s9+$0x200]  }
0x1f1: {  	v16 =	vld [tilespmem:s22+$0xA200];
	(xrf2) =	vadd.scan.msk.f32 $0xffff, v18  }
0x1f2: {  	v19 =	vadd.f32 v14, v5;
	s22 =	sor.u32 $0x420, s19;
	v14 =	vld [tilespmem:s9+$0xA200];
	v4, _, _ =	vpop (xrf2)  }
0x1f3: {  	v9 =	vmul.f32 v9, v23;
	v0 =	vmul.f32 v0, v24;
	s9 =	sor.u32 $0x430, s19;
	v17 =	vld [tilespmem:s22+$0x200]  }
0x1f4: {  	v18 =	vld [tilespmem:s9+$0x200];
	(xrf2) =	vadd.scan.msk.f32 $0xffff, v19  }
0x1f5: {  	s6 =	sadd.s32 $0x100, s6;
	v0 =	vadd.f32 v0, v9;
	v9 =	vld [tilespmem:s22+$0xA200];
	v5, _, _ =	vpop (xrf2)  }
0x1f6: {  	v1 =	vmul.f32 v1, v7;
	v7 =	vmul.f32 v10, v6;
	s22 =	sor.u32 $0x460, s6;
	v10 =	vld [tilespmem:s9+$0xA200]  }
0x1f7: {  	s9 =	sor.u32 $0x440, s6;
	v19 =	vld [tilespmem:s22+$0x200];
	(xrf2) =	vadd.scan.msk.f32 $0xffff, v0  }
0x1f8: {  	s5 =	sor.u32 $0x450, s6;
	v0 =	vadd.f32 v7, v1;
	v1 =	vld [tilespmem:s9+$0x200];
	v6, _, _ =	vpop (xrf2)  }
0x1f9: {  	v20 =	vmul.f32 v11, v8;
	v2 =	vmul.f32 v13, v2;
	v8 =	vld [tilespmem:s5+$0x200]  }
0x1fa: {  	v11 =	vld [tilespmem:s9+$0xA200];
	(xrf2) =	vadd.scan.msk.f32 $0xffff, v0  }
0x1fb: {  	v0 =	vadd.f32 v2, v20;
	s9 =	sor.u32 $0x420, s6;
	v2 =	vld [tilespmem:s5+$0xA200];
	v7, _, _ =	vpop (xrf2)  }
0x1fc: {  	v12 =	vmul.f32 v16, v12;
	v16 =	vmul.f32 v14, v15;
	s5 =	sor.u32 $0x430, s6;
	v13 =	vld [tilespmem:s9+$0x200]  }
0x1fd: {  	s30 =	sadd.s32 $0x2, s30;
	v15 =	vld [tilespmem:s5+$0x200];
	(xrf2) =	vadd.scan.msk.f32 $0xffff, v0  }
0x1fe: {  	p1 =	slt.u32 s30, $0x26;
	v12 =	vadd.f32 v16, v12;
	v0 =	vld [tilespmem:s9+$0xA200];
	v14, _, _ =	vpop (xrf2)  }
0x1ff: {  	v9 =	vmul.f32 v9, v17;
	v18 =	vmul.f32 v10, v18;
	s9 =	sor.u32 $0x400, s6;
	v16 =	vld [tilespmem:s5+$0xA200]  }
0x200: {  	s5 =	sor.u32 $0x410, s6;
	v17 =	vld [tilespmem:s9+$0x200];
	(xrf2) =	vadd.scan.msk.f32 $0xffff, v12  }
0x201: {  	v20 =	vadd.f32 v18, v9;
	v12 =	vld [tilespmem:s5+$0x200];
	v10, _, _ =	vpop (xrf2)  }
0x202: {  	v1 =	vmul.f32 v11, v1;
	v2 =	vmul.f32 v2, v8;
	v18 =	vld [tilespmem:s9+$0xA200]  }
0x203: {  	v8 =	vld [tilespmem:s5+$0xA200];
	s5 =	sor.u32 $0x470, s6;
	(xrf2) =	vadd.scan.msk.f32 $0xffff, v20  }
0x204: {  	v1 =	vadd.f32 v2, v1;
	v2 =	vld [tilespmem:s5+$0x200];
	v9, _, _ =	vpop (xrf2)  }
0x205: {  	v0 =	vmul.f32 v0, v13;
	v16 =	vmul.f32 v16, v15;
	v13 =	vld [tilespmem:s22+$0xA200]  }
0x206: {  	v15 =	vld [tilespmem:s5+$0xA200];
	s5 =	sor.u32 $0x460, s19;
	(xrf2) =	vadd.scan.msk.f32 $0xffff, v1  }
0x207: {  	s6 =	sor.u32 $0x400, s19;
	v0 =	vadd.f32 v16, v0;
	v1 =	vld [tilespmem:s5+$0x200];
	v11, _, _ =	vpop (xrf2)  }
0x208: {  	s9 =	sor.u32 $0x410, s19;
	v18 =	vmul.f32 v18, v17;
	v8 =	vmul.f32 v8, v12;
	v12 =	vld [tilespmem:s6+$0x200]  }
0x209: {  	v17 =	vld [tilespmem:s9+$0x200];
	(xrf2) =	vadd.scan.msk.f32 $0xffff, v0  }
0x20a: {  	v0 =	vadd.f32 v8, v18;
	v8 =	vld [tilespmem:s6+$0xA200];
	v16, _, _ =	vpop (xrf2)  }
0x20b: {  	v19 =	vmul.f32 v13, v19;
	s6 =	sor.u32 $0x470, s19;
	v2 =	vmul.f32 v15, v2;
	v15 =	vld [tilespmem:s9+$0xA200]  }
0x20c: {  	v18 =	vld [tilespmem:s6+$0x200];
	(xrf2) =	vadd.scan.msk.f32 $0xffff, v0  }
0x20d: {  	v0 =	vadd.f32 v2, v19;
	v2 =	vld [tilespmem:s5+$0xA200];
	v13, _, _ =	vpop (xrf2)  }
0x20e: {  	v19 =	vld [tilespmem:s6+$0xA200]  }
0x20f: {  	v20 =	vld [tilespmem:s12+$0x200];
	(xrf2) =	vadd.scan.msk.f32 $0xffff, v0  }
0x210: {  	v8 =	vmul.f32 v8, v12;
	v0 =	vld [tilespmem:s12+$0x210];
	v12 =	vmul.f32 v15, v17;
	v15, _, _ =	vpop (xrf2)  }
0x211: {  	v17 =	vld [tilespmem:s12+$0xA200]  }
0x212: {  	v21 =	vld [tilespmem:s12+$0xA210];
	v8 =	vadd.f32 v12, v8  }
0x213: {  	v1 =	vmul.f32 v2, v1;
	v12 =	vld [tilespmem:s12+$0x220];
	v2 =	vmul.f32 v19, v18;
	v18, _, _ =	vpop (xrf2)  }
0x214: {  	v9 =	vperm.xlane v9, v3;
	v11 =	vperm.xlane v11, v3;
	v19 =	vld [tilespmem:s12+$0x230];
	(xrf2) =	vadd.scan.msk.f32 $0xffff, v8  }
0x215: {  	v10 =	vperm.xlane v10, v3;
	v8 =	vld [tilespmem:s12+$0xA220];
	v1 =	vadd.f32 v2, v1  }
0x216: {  	v9 =	vsel vm1, v9, v11;
	v11 =	vperm.xlane v14, v3;
	v2 =	vmul.f32 v17, v20;
	v17 =	vld [tilespmem:s12+$0xA230];
	v14, _, _ =	vpop (xrf2)  }
0x217: {  	v9 =	vsel vm2, v9, v10;
	v0 =	vmul.f32 v21, v0;
	v20 =	vld [tilespmem:s12+$0x240];
	v10 =	vperm.xlane v14, v3;
	(xrf2) =	vadd.scan.msk.f32 $0xffff, v1  }
0x218: {  	v9 =	vsel vm3, v9, v11;
	v11 =	vperm.xlane v18, v3;
	v1 =	vld [tilespmem:s12+$0x250]  }
0x219: {  	v0 =	vadd.f32 v0, v2;
	v2 =	vld [tilespmem:s12+$0xA240];
	v9 =	vsel vm4, v9, v10;
	v10 =	vperm.xlane v15, v3;
	v14, _, _ =	vpop (xrf2)  }
0x21a: {  	v8 =	vmul.f32 v8, v12;
	v12 =	vld [tilespmem:s12+$0xA250];
	v9 =	vsel vm5, v9, v11;
	v11 =	vperm.xlane v14, v3  }
0x21b: {  	v14 =	vmul.f32 v17, v19;
	v15 =	vld [tilespmem:s12+$0x260];
	v9 =	vsel vm6, v9, v10;
	v17 =	vperm.xlane v7, v3;
	(xrf2) =	vadd.scan.msk.f32 $0xffff, v0  }
0x21c: {  	v6 =	vperm.xlane v6, v3;
	v0 =	vld [tilespmem:s12+$0x270];
	v9 =	vsel vm7, v9, v11  }
0x21d: {  	v5 =	vperm.xlane v5, v3;
	v8 =	vadd.f32 v14, v8;
	v10 =	vld [tilespmem:s12+$0xA260];
	v11 =	vsel vm8, v9, v17  }
0x21e: {  	v4 =	vperm.xlane v4, v3;
	v2 =	vmul.f32 v2, v20;
	v9 =	vld [tilespmem:s12+$0xA270];
	v6 =	vsel vm9, v11, v6;
	v7, _, _ =	vpop (xrf2)  }
0x21f: {  	v1 =	vmul.f32 v12, v1;
	v11 =	vld [tilespmem:s18+$0x200];
	v5 =	vsel vm10, v6, v5;
	v6 =	vperm.xlane v7, v3;
	(xrf2) =	vadd.scan.msk.f32 $0xffff, v8  }
0x220: {  	v7 =	vld [tilespmem:s8+$0x200];
	v4 =	vsel vm11, v5, v4;
	v5 =	vperm.xlane v13, v3  }
0x221: {  	v1 =	vadd.f32 v1, v2;
	v2 =	vld [tilespmem:s18+$0xA200];
	v4 =	vsel vm12, v4, v6;
	v6 =	vperm.xlane v16, v3;
	v8, _, _ =	vpop (xrf2)  }
0x222: {  	v10 =	vmul.f32 v10, v15;
	v12 =	vld [tilespmem:s8+$0xA200];
	v4 =	vsel vm13, v4, v5;
	v5 =	vperm.xlane v8, v3  }
0x223: {  	v0 =	vmul.f32 v9, v0;
	v8 =	vld [tilespmem:s20+$0x200];
	v9 =	vsel vm14, v4, v6;
	(xrf2) =	vadd.scan.msk.f32 $0xffff, v1  }
0x224: {  	s29 =	sadd.s32 $0x20, s29;
	v1 =	vld [tilespmem:s15+$0x200];
	v6 =	vsel vm15, v9, v5  }
0x225: {  	v0 =	vadd.f32 v0, v10;
	v5 =	vld [tilespmem:s20+$0xA200];
	[tilespmem:s29+$0x0] =	vst v6;
	v4, _, _ =	vpop (xrf2)  }
0x226: {  	v4 =	vperm.xlane v4, v3;
	v2 =	vmul.f32 v2, v11;
	v6 =	vld [tilespmem:s15+$0xA200]  }
0x227: {  	v7 =	vmul.f32 v12, v7;
	v9 =	vld [tilespmem:s14+$0x200];
	(xrf2) =	vadd.scan.msk.f32 $0xffff, v0  }
0x228: {  	v0 =	vld [tilespmem:s2+$0x200]  }
0x229: {  	v2 =	vadd.f32 v7, v2;
	v7 =	vld [tilespmem:s14+$0xA200];
	v10, _, _ =	vpop (xrf2)  }
0x22a: {  	v11 =	vperm.xlane v10, v3;
	v5 =	vmul.f32 v5, v8;
	v8 =	vld [tilespmem:s2+$0xA200]  }
0x22b: {  	v1 =	vmul.f32 v6, v1;
	v6 =	vld [tilespmem:s1+$0x200];
	(xrf2) =	vadd.scan.msk.f32 $0xffff, v2  }
0x22c: {  	v2 =	vsel vm1, v4, v11;
	v4 =	vld [tilespmem:s23+$0x200]  }
0x22d: {  	v1 =	vadd.f32 v1, v5;
	v5 =	vld [tilespmem:s1+$0xA200];
	v10, _, _ =	vpop (xrf2)  }
0x22e: {  	v11 =	vperm.xlane v10, v3;
	v7 =	vmul.f32 v7, v9;
	v9 =	vld [tilespmem:s23+$0xA200]  }
0x22f: {  	v0 =	vmul.f32 v8, v0;
	v8 =	vld [tilespmem:s12+$0x280];
	(xrf2) =	vadd.scan.msk.f32 $0xffff, v1  }
0x230: {  	v1 =	vsel vm2, v2, v11;
	v2 =	vld [tilespmem:s12+$0x290]  }
0x231: {  	v0 =	vadd.f32 v0, v7;
	v7 =	vld [tilespmem:s12+$0xA280];
	v10, _, _ =	vpop (xrf2)  }
0x232: {  	v11 =	vperm.xlane v10, v3;
	v5 =	vmul.f32 v5, v6;
	v6 =	vld [tilespmem:s12+$0xA290]  }
0x233: {  	v4 =	vmul.f32 v9, v4;
	v9 =	vld [tilespmem:s12+$0x2A0];
	(xrf2) =	vadd.scan.msk.f32 $0xffff, v0  }
0x234: {  	v0 =	vsel vm3, v1, v11;
	v1 =	vld [tilespmem:s12+$0x2B0]  }
0x235: {  	v4 =	vadd.f32 v4, v5;
	v5 =	vld [tilespmem:s12+$0xA2A0];
	v10, _, _ =	vpop (xrf2)  }
0x236: {  	v11 =	vperm.xlane v10, v3;
	v7 =	vmul.f32 v7, v8;
	v8 =	vld [tilespmem:s12+$0xA2B0]  }
0x237: {  	v2 =	vmul.f32 v6, v2;
	v6 =	vld [tilespmem:s12+$0x2C0];
	(xrf2) =	vadd.scan.msk.f32 $0xffff, v4  }
0x238: {  	v0 =	vsel vm4, v0, v11;
	v4 =	vld [tilespmem:s12+$0x2D0]  }
0x239: {  	v2 =	vadd.f32 v2, v7;
	v7 =	vld [tilespmem:s12+$0xA2C0];
	v10, _, _ =	vpop (xrf2)  }
0x23a: {  	v11 =	vperm.xlane v10, v3;
	v5 =	vmul.f32 v5, v9;
	v9 =	vld [tilespmem:s12+$0xA2D0]  }
0x23b: {  	v1 =	vmul.f32 v8, v1;
	v8 =	vld [tilespmem:s12+$0x2E0];
	(xrf2) =	vadd.scan.msk.f32 $0xffff, v2  }
0x23c: {  	v0 =	vsel vm5, v0, v11;
	v2 =	vld [tilespmem:s12+$0x2F0]  }
0x23d: {  	v1 =	vadd.f32 v1, v5;
	v5 =	vld [tilespmem:s12+$0xA2E0];
	v10, _, _ =	vpop (xrf2)  }
0x23e: {  	v10 =	vperm.xlane v10, v3;
	v6 =	vmul.f32 v7, v6;
	v7 =	vld [tilespmem:s12+$0xA2F0]  }
0x23f: {  	v11 =	vmul.f32 v9, v4;
	v9 =	vld [tilespmem:s21+$0x200];
	(xrf2) =	vadd.scan.msk.f32 $0xffff, v1  }
0x240: {  	v0 =	vsel vm6, v0, v10;
	v1 =	vld [tilespmem:s24+$0x200]  }
0x241: {  	v6 =	vadd.f32 v11, v6;
	v10 =	vld [tilespmem:s21+$0xA200];
	v4, _, _ =	vpop (xrf2)  }
0x242: {  	v11 =	vperm.xlane v4, v3;
	v8 =	vmul.f32 v5, v8;
	v12 =	vld [tilespmem:s24+$0xA200]  }
0x243: {  	v2 =	vmul.f32 v7, v2;
	v4 =	vld [tilespmem:s13+$0x200];
	(xrf2) =	vadd.scan.msk.f32 $0xffff, v6  }
0x244: {  	v0 =	vsel vm7, v0, v11;
	v5 =	vld [tilespmem:s16+$0x200]  }
.Ltmp6:
0x245: {  	v2 =	vadd.f32 v2, v8;
	v8 =	vld [tilespmem:s13+$0xA200];
	v6, _, _ =	vpop (xrf2);
	(pc) =	sbr.rel @p1 .LBB2_6-.Ltmp6, $4  }
0x246: {  	v7 =	vperm.xlane v6, v3;
	v11 =	vmul.f32 v10, v9;
	v10 =	vld [tilespmem:s16+$0xA200]  }
0x247: {  	v1 =	vmul.f32 v12, v1;
	v6 =	vld [tilespmem:s11+$0x200];
	(xrf2) =	vadd.scan.msk.f32 $0xffff, v2  }
0x248: {  	v9 =	vsel vm8, v0, v7;
	v7 =	vld [tilespmem:s10+$0x200]  }
0x249: {  	p0 =	por !p0, !p0;
	v12 =	vadd.f32 v1, v11;
	v11 =	vld [tilespmem:s11+$0xA200];
	v13, _, _ =	vpop (xrf2)  }
0x24a: {  	v0 =	vld [tilespmem:s10+$0xA200]  }
0x24b: {  	v1 =	vld [tilespmem:s17+$0x200]  }
0x24c: {  	v2 =	vld [tilespmem:s3+$0x200]  }
0x24d: {  	v14 =	vld [tilespmem:s17+$0xA200]  }
0x24e: {  	v15 =	vld [tilespmem:s3+$0xA200];
	_ =	sdelay $0x2  }
0x24f: {  	v4 =	vmul.f32 v8, v4;
	v5 =	vmul.f32 v10, v5  }
0x250: {  	v6 =	vmul.f32 v11, v6;
	v0 =	vmul.f32 v0, v7  }
0x251: {  	v4 =	vadd.f32 v5, v4;
	v1 =	vmul.f32 v14, v1;
	v2 =	vmul.f32 v15, v2  }
0x252: {  	(xrf2) =	vadd.scan.msk.f32 $0xffff, v12;
	v0 =	vadd.f32 v0, v6  }
0x253: {  	(xrf2) =	vadd.scan.msk.f32 $0xffff, v4;
	v1 =	vadd.f32 v2, v1  }
0x254: {  	(xrf2) =	vadd.scan.msk.f32 $0xffff, v0  }
0x255: {  	(xrf2) =	vadd.scan.msk.f32 $0xffff, v1;
	_ =	sdelay $0x4  }
0x256: {  	v1 =	vperm.xlane v13, v3;
	v0, _, _ =	vpop (xrf2)  }
0x257: {  	v2, _, _ =	vpop (xrf2);
	v0 =	vperm.xlane v0, v3  }
0x258: {  	v1 =	vsel vm9, v9, v1;
	v4, _, _ =	vpop (xrf2);
	v2 =	vperm.xlane v2, v3  }
0x259: {  	v0 =	vsel vm10, v1, v0;
	v1 =	vperm.xlane v4, v3;
	v4, _, _ =	vpop (xrf2)  }
0x25a: {  	v0 =	vsel vm11, v0, v2;
	v2 =	vperm.xlane v4, v3;
	v4, _, _ =	vpop (xrf2)  }
0x25b: {  	v0 =	vsel vm12, v0, v1;
	v1 =	vperm.xlane v4, v3;
	v4, _, _ =	vpop (xrf2)  }
0x25c: {  	v0 =	vsel vm13, v0, v2;
	v2 =	vperm.xlane v4, v3  }
0x25d: {  	s0 =	sshll.u32 s25, $0x6;
	s9 =	rddreg [dreg:$0x5];
	v0 =	vsel vm14, v0, v1  }
0x25e: {  	s0 =	sor.u32 s9, s0;
	v0 =	vsel vm15, v0, v2  }
0x25f: {  	s0 =	smul.u32 $0x50, s0;
	[tilespmem:s29+$0xFFFFFFF0] =	vst v0  }
0x260: {  	s1 =	rddreg [dreg:$0x6]  }
0x261: {  	s31 =	simm.s32 $0x14200;
	s10 =	rddreg [dreg:$0x7];
	s0 =	sadd.s32 s1, s0  }
0x262: {  	[hbm4b:s0+s4] =	stream.linear.scatter [tilespmem:s31], [sflag:$0x5], $0x280, $0x38;
	[tilespmem:$0x14700] =	vst v63  }
.LBB2_8:
0x263: {  	s28 =	sor.u32 $0x1, s26  }
0x264: {  	p0 =	sge.u32 s28, s10  }
.Ltmp7:
0x265: {  	_ = 	snop;
	(pc) =	sbr.rel @p0 .LBB2_14-.Ltmp7, $1  }
0x266: {  	_ =	sdelay $0x3  }
0x267: {  	s0 =	simm.s32 $0x4  }
0x268: {  	_ =	swait.ge [sflag:s0], $0x5000  }
0x269: {  	[sflag:s0] =	ssyncset.done $0x0  }
0x26a: {  	[sflag:s0] =	ssyncadd.s32 $0xFFFFB000  }
0x26b: {  	_ =	swait.ge [sflag:s0], $0x5000  }
0x26c: {  	p0 =	seq.s32 s25, $0x0;
	[sflag:s0] =	ssyncset.done $0x0  }
0x26d: {  	[sflag:s0] =	ssyncadd.s32 $0xFFFFB000;
	s0 =	simm.s32 @!p0 $0x6  }
0x26e: {  	_ =	swait.ge @!p0 [sflag:s0], $0x280  }
0x26f: {  	s1 =	rddreg [dreg:$0xd]  }
0x270: {  	p1 =	sge.u32 s26, s1  }
.Ltmp8:
0x271: {  	_ = 	snop;
	(pc) =	sbr.rel @p1 .LBB2_11-.Ltmp8, $3  }
0x272: {  	_ =	sdelay $0x1  }
0x273: {  	[sflag:s0] =	ssyncset.done @!p0 $0x0  }
0x274: {  	[sflag:s0] =	ssyncadd.s32 @!p0 $0xFFFFFD80  }
0x275: {  	s0 =	simm.s32 $0x1  }
0x276: {  	_ =	swait.ge [sflag:s0], $0x50  }
0x277: {  	[sflag:s0] =	ssyncset.done $0x0  }
0x278: {  	[sflag:s0] =	ssyncadd.s32 $0xFFFFFFB0  }
0x279: {  	_ =	swait.ge [sflag:s0], $0x50  }
0x27a: {  	[sflag:s0] =	ssyncset.done $0x0  }
0x27b: {  	[sflag:s0] =	ssyncadd.s32 $0xFFFFFFB0  }
0x27c: {  	v0 =	vld [tilespmem:$0x0];
	_ =	sdelay $0x2  }
0x27d: {  	v2 =	vld [tilespmem:$0x1FFD0]  }
0x27e: {  	v4 =	vld [tilespmem:$0x1FFE0]  }
0x27f: {  	v5 =	vld [tilespmem:$0x1FFF0];
	v1 =	vshll.u32 v0, $0x1  }
0x280: {  	v0 =	vand.u32 $0x7, v0;
	v1 =	vand.u32 $0xFFFFFFF0, v1  }
0x281: {  	v0 =	vor.u32 v0, v1  }
0x282: {  	v1 =	vperm.xlane v0, v2;
	_ =	sdelay $0x1  }
0x283: {  	v0 =	vperm.xlane v0, v5;
	v1 =	vadd.s32 v4, v1;
	_ =	sdelay $0x1  }
0x284: {  	v0 =	vadd.s32 v4, v0;
	_ =	sdelay $0x1  }
0x285: {  	s1 =	simm.s32 $0x200;
	s5 =	rddreg [dreg:$0x4]  }
0x286: {  	[tilespmem:s1], [sflag:$0x3] =	stream.indirect_vreg.gather [hbm4b:s5+s4], $0x80, v1, vm0, $0xb8;
	[tilespmem:$0x14700] =	vst v63  }
0x287: {  	s6 =	simm.s32 $0xA00  }
0x288: {  	[tilespmem:s6], [sflag:$0x3] =	stream.indirect_vreg.gather [hbm4b:s5+s4], $0x80, v0, vm0, $0xb8;
	[tilespmem:$0x14700] =	vst v63  }
0x289: {  	v0 =	vld [tilespmem:$0x10];
	_ =	sdelay $0x4  }
0x28a: {  	v1 =	vshll.u32 v0, $0x1  }
0x28b: {  	v0 =	vand.u32 $0x7, v0;
	v1 =	vand.u32 $0xFFFFFFF0, v1  }
0x28c: {  	v0 =	vor.u32 v0, v1  }
0x28d: {  	v1 =	vperm.xlane v0, v2;
	_ =	sdelay $0x1  }
0x28e: {  	v0 =	vperm.xlane v0, v5;
	v1 =	vadd.s32 v4, v1;
	_ =	sdelay $0x1  }
0x28f: {  	v0 =	vadd.s32 v4, v0;
	_ =	sdelay $0x1  }
0x290: {  	s8 =	simm.s32 $0x1200  }
0x291: {  	[tilespmem:s8], [sflag:$0x3] =	stream.indirect_vreg.gather [hbm4b:s5+s4], $0x80, v1, vm0, $0xb8;
	[tilespmem:$0x14700] =	vst v63  }
0x292: {  	s11 =	simm.s32 $0x1A00  }
0x293: {  	[tilespmem:s11], [sflag:$0x3] =	stream.indirect_vreg.gather [hbm4b:s5+s4], $0x80, v0, vm0, $0xb8;
	[tilespmem:$0x14700] =	vst v63  }
0x294: {  	v0 =	vld [tilespmem:$0x20];
	_ =	sdelay $0x4  }
0x295: {  	v1 =	vshll.u32 v0, $0x1  }
0x296: {  	v0 =	vand.u32 $0x7, v0;
	v1 =	vand.u32 $0xFFFFFFF0, v1  }
0x297: {  	v0 =	vor.u32 v0, v1  }
0x298: {  	v1 =	vperm.xlane v0, v2;
	_ =	sdelay $0x1  }
0x299: {  	v0 =	vperm.xlane v0, v5;
	v1 =	vadd.s32 v4, v1;
	_ =	sdelay $0x1  }
0x29a: {  	v0 =	vadd.s32 v4, v0;
	_ =	sdelay $0x1  }
0x29b: {  	s12 =	simm.s32 $0x2200  }
0x29c: {  	[tilespmem:s12], [sflag:$0x3] =	stream.indirect_vreg.gather [hbm4b:s5+s4], $0x80, v1, vm0, $0xb8;
	[tilespmem:$0x14700] =	vst v63  }
0x29d: {  	s13 =	simm.s32 $0x2A00  }
0x29e: {  	[tilespmem:s13], [sflag:$0x3] =	stream.indirect_vreg.gather [hbm4b:s5+s4], $0x80, v0, vm0, $0xb8;
	[tilespmem:$0x14700] =	vst v63  }
0x29f: {  	v0 =	vld [tilespmem:$0x30];
	_ =	sdelay $0x4  }
0x2a0: {  	v1 =	vshll.u32 v0, $0x1  }
0x2a1: {  	v0 =	vand.u32 $0x7, v0;
	v1 =	vand.u32 $0xFFFFFFF0, v1  }
0x2a2: {  	v0 =	vor.u32 v0, v1  }
0x2a3: {  	v1 =	vperm.xlane v0, v2;
	_ =	sdelay $0x1  }
0x2a4: {  	v0 =	vperm.xlane v0, v5;
	v1 =	vadd.s32 v4, v1;
	_ =	sdelay $0x1  }
0x2a5: {  	v0 =	vadd.s32 v4, v0;
	_ =	sdelay $0x1  }
0x2a6: {  	s14 =	simm.s32 $0x3200  }
0x2a7: {  	[tilespmem:s14], [sflag:$0x3] =	stream.indirect_vreg.gather [hbm4b:s5+s4], $0x80, v1, vm0, $0xb8;
	[tilespmem:$0x14700] =	vst v63  }
0x2a8: {  	s15 =	simm.s32 $0x3A00  }
0x2a9: {  	[tilespmem:s15], [sflag:$0x3] =	stream.indirect_vreg.gather [hbm4b:s5+s4], $0x80, v0, vm0, $0xb8;
	[tilespmem:$0x14700] =	vst v63  }
0x2aa: {  	v0 =	vld [tilespmem:$0x40];
	_ =	sdelay $0x4  }
0x2ab: {  	v1 =	vshll.u32 v0, $0x1  }
0x2ac: {  	v0 =	vand.u32 $0x7, v0;
	v1 =	vand.u32 $0xFFFFFFF0, v1  }
0x2ad: {  	v0 =	vor.u32 v0, v1  }
0x2ae: {  	v1 =	vperm.xlane v0, v2;
	_ =	sdelay $0x1  }
0x2af: {  	v0 =	vperm.xlane v0, v5;
	v1 =	vadd.s32 v4, v1;
	_ =	sdelay $0x1  }
0x2b0: {  	v0 =	vadd.s32 v4, v0;
	_ =	sdelay $0x1  }
0x2b1: {  	s16 =	simm.s32 $0x4200  }
0x2b2: {  	[tilespmem:s16], [sflag:$0x3] =	stream.indirect_vreg.gather [hbm4b:s5+s4], $0x80, v1, vm0, $0xb8;
	[tilespmem:$0x14700] =	vst v63  }
0x2b3: {  	s17 =	simm.s32 $0x4A00  }
0x2b4: {  	[tilespmem:s17], [sflag:$0x3] =	stream.indirect_vreg.gather [hbm4b:s5+s4], $0x80, v0, vm0, $0xb8;
	[tilespmem:$0x14700] =	vst v63  }
0x2b5: {  	v0 =	vld [tilespmem:$0x100];
	_ =	sdelay $0x4  }
0x2b6: {  	v1 =	vshll.u32 v0, $0x1  }
0x2b7: {  	v0 =	vand.u32 $0x7, v0;
	v1 =	vand.u32 $0xFFFFFFF0, v1  }
0x2b8: {  	v0 =	vor.u32 v0, v1  }
0x2b9: {  	v1 =	vperm.xlane v0, v2;
	_ =	sdelay $0x1  }
0x2ba: {  	v0 =	vperm.xlane v0, v5;
	v1 =	vadd.s32 v4, v1;
	_ =	sdelay $0x1  }
0x2bb: {  	v0 =	vadd.s32 v4, v0;
	_ =	sdelay $0x1  }
0x2bc: {  	s18 =	simm.s32 $0xA200  }
0x2bd: {  	[tilespmem:s18], [sflag:$0x3] =	stream.indirect_vreg.gather [hbm4b:s7+s4], $0x80, v1, vm0, $0xb8;
	[tilespmem:$0x14700] =	vst v63  }
0x2be: {  	s19 =	simm.s32 $0xAA00  }
0x2bf: {  	[tilespmem:s19], [sflag:$0x3] =	stream.indirect_vreg.gather [hbm4b:s7+s4], $0x80, v0, vm0, $0xb8;
	[tilespmem:$0x14700] =	vst v63  }
0x2c0: {  	v0 =	vld [tilespmem:$0x110];
	_ =	sdelay $0x4  }
0x2c1: {  	v1 =	vshll.u32 v0, $0x1  }
0x2c2: {  	v0 =	vand.u32 $0x7, v0;
	v1 =	vand.u32 $0xFFFFFFF0, v1  }
0x2c3: {  	v0 =	vor.u32 v0, v1  }
0x2c4: {  	v1 =	vperm.xlane v0, v2;
	_ =	sdelay $0x1  }
0x2c5: {  	v0 =	vperm.xlane v0, v5;
	v1 =	vadd.s32 v4, v1;
	_ =	sdelay $0x1  }
0x2c6: {  	v0 =	vadd.s32 v4, v0;
	_ =	sdelay $0x1  }
0x2c7: {  	s20 =	simm.s32 $0xB200  }
0x2c8: {  	[tilespmem:s20], [sflag:$0x3] =	stream.indirect_vreg.gather [hbm4b:s7+s4], $0x80, v1, vm0, $0xb8;
	[tilespmem:$0x14700] =	vst v63  }
0x2c9: {  	s21 =	simm.s32 $0xBA00  }
0x2ca: {  	[tilespmem:s21], [sflag:$0x3] =	stream.indirect_vreg.gather [hbm4b:s7+s4], $0x80, v0, vm0, $0xb8;
	[tilespmem:$0x14700] =	vst v63  }
0x2cb: {  	v0 =	vld [tilespmem:$0x120];
	_ =	sdelay $0x4  }
0x2cc: {  	v1 =	vshll.u32 v0, $0x1  }
0x2cd: {  	v0 =	vand.u32 $0x7, v0;
	v1 =	vand.u32 $0xFFFFFFF0, v1  }
0x2ce: {  	v0 =	vor.u32 v0, v1  }
0x2cf: {  	v1 =	vperm.xlane v0, v2;
	_ =	sdelay $0x1  }
0x2d0: {  	v0 =	vperm.xlane v0, v5;
	v1 =	vadd.s32 v4, v1;
	_ =	sdelay $0x1  }
0x2d1: {  	v0 =	vadd.s32 v4, v0;
	_ =	sdelay $0x1  }
0x2d2: {  	s22 =	simm.s32 $0xC200  }
0x2d3: {  	[tilespmem:s22], [sflag:$0x3] =	stream.indirect_vreg.gather [hbm4b:s7+s4], $0x80, v1, vm0, $0xb8;
	[tilespmem:$0x14700] =	vst v63  }
0x2d4: {  	s23 =	simm.s32 $0xCA00  }
0x2d5: {  	[tilespmem:s23], [sflag:$0x3] =	stream.indirect_vreg.gather [hbm4b:s7+s4], $0x80, v0, vm0, $0xb8;
	[tilespmem:$0x14700] =	vst v63  }
0x2d6: {  	v0 =	vld [tilespmem:$0x130];
	_ =	sdelay $0x4  }
0x2d7: {  	v1 =	vshll.u32 v0, $0x1  }
0x2d8: {  	v0 =	vand.u32 $0x7, v0;
	v1 =	vand.u32 $0xFFFFFFF0, v1  }
0x2d9: {  	v0 =	vor.u32 v0, v1  }
0x2da: {  	v1 =	vperm.xlane v0, v2;
	_ =	sdelay $0x1  }
0x2db: {  	v0 =	vperm.xlane v0, v5;
	v1 =	vadd.s32 v4, v1;
	_ =	sdelay $0x1  }
0x2dc: {  	v0 =	vadd.s32 v4, v0;
	_ =	sdelay $0x1  }
0x2dd: {  	s24 =	simm.s32 $0xD200  }
0x2de: {  	[tilespmem:s24], [sflag:$0x3] =	stream.indirect_vreg.gather [hbm4b:s7+s4], $0x80, v1, vm0, $0xb8;
	[tilespmem:$0x14700] =	vst v63  }
0x2df: {  	s29 =	simm.s32 $0xDA00  }
0x2e0: {  	[tilespmem:s29], [sflag:$0x3] =	stream.indirect_vreg.gather [hbm4b:s7+s4], $0x80, v0, vm0, $0xb8;
	[tilespmem:$0x14700] =	vst v63  }
0x2e1: {  	v0 =	vld [tilespmem:$0x140];
	_ =	sdelay $0x4  }
0x2e2: {  	v1 =	vshll.u32 v0, $0x1  }
0x2e3: {  	v0 =	vand.u32 $0x7, v0;
	v1 =	vand.u32 $0xFFFFFFF0, v1  }
0x2e4: {  	v0 =	vor.u32 v0, v1  }
0x2e5: {  	v1 =	vperm.xlane v0, v2;
	_ =	sdelay $0x1  }
0x2e6: {  	v0 =	vperm.xlane v0, v5;
	v1 =	vadd.s32 v4, v1;
	_ =	sdelay $0x1  }
0x2e7: {  	v0 =	vadd.s32 v4, v0;
	_ =	sdelay $0x1  }
0x2e8: {  	s30 =	simm.s32 $0xE200  }
0x2e9: {  	[tilespmem:s30], [sflag:$0x3] =	stream.indirect_vreg.gather [hbm4b:s7+s4], $0x80, v1, vm0, $0xb8;
	[tilespmem:$0x14700] =	vst v63  }
0x2ea: {  	s31 =	simm.s32 $0xEA00  }
0x2eb: {  	[tilespmem:s31], [sflag:$0x3] =	stream.indirect_vreg.gather [hbm4b:s7+s4], $0x80, v0, vm0, $0xb8;
	[tilespmem:$0x14700] =	vst v63  }
.LBB2_11:
0x2ec: {  	s0 =	sadd.s32 $0x3, s26  }
0x2ed: {  	p0 =	sge.u32 s0, s10  }
0x2ee: {  	s0 =	sshll.u32 @!p0 s0, $0x5  }
0x2ef: {  	s0 =	sor.u32 @!p0 s9, s0  }
0x2f0: {  	s0 =	smul.u32 @!p0 $0xA, s0  }
0x2f1: {  	s1 =	rddreg [dreg:$0x1]  }
0x2f2: {  	s2 =	simm.s32 @!p0 $0x0;
	s3 =	simm.s32 @!p0 $0x80;
	s1 =	sadd.s32 @!p0 s1, s0  }
0x2f3: {  	[tilespmem:s3], [sflag:$0x2] =	stream.linear.gather @!p0 [hbm4b:s1+s2], $0x50, $0x38;
	[tilespmem:$0x14700] =	vst v63  }
0x2f4: {  	s26 =	simm.s32 $0x0;
	s1 =	rddreg [dreg:$0x2]  }
0x2f5: {  	s12 =	simm.s32 $0x100;
	s0 =	sadd.s32 @!p0 s1, s0;
	s1 =	simm.s32 @!p0 $0x180  }
0x2f6: {  	[tilespmem:s1], [sflag:$0x2] =	stream.linear.gather @!p0 [hbm4b:s0+s2], $0x50, $0x38;
	[tilespmem:$0x14700] =	vst v63  }
0x2f7: {  	s13 =	sand.u32 $0x7800, s26;
	s1 =	sand.u32 $0x300, s12  }
0x2f8: {  	s1 =	sor.u32 s13, s1  }
0x2f9: {  	v0 =	vld [tilespmem:s1+$0x52E0]  }
0x2fa: {  	v1 =	vld [tilespmem:s1+$0x52F0]  }
0x2fb: {  	v2 =	vld [tilespmem:s1+$0xF2E0]  }
0x2fc: {  	v4 =	vld [tilespmem:s1+$0xF2F0]  }
0x2fd: {  	v5 =	vld [tilespmem:s1+$0x52C0]  }
0x2fe: {  	v6 =	vld [tilespmem:s1+$0x52D0]  }
0x2ff: {  	v7 =	vld [tilespmem:s1+$0xF2C0]  }
0x300: {  	v8 =	vld [tilespmem:s1+$0xF2D0]  }
0x301: {  	v9 =	vld [tilespmem:s1+$0x52A0]  }
0x302: {  	v10 =	vld [tilespmem:s1+$0x52B0]  }
0x303: {  	v11 =	vld [tilespmem:s1+$0xF2A0]  }
0x304: {  	v12 =	vld [tilespmem:s1+$0xF2B0]  }
0x305: {  	v13 =	vld [tilespmem:s1+$0x5280]  }
0x306: {  	v14 =	vld [tilespmem:s1+$0x5290]  }
0x307: {  	v15 =	vld [tilespmem:s1+$0xF280]  }
0x308: {  	v16 =	vld [tilespmem:s1+$0xF290]  }
0x309: {  	v17 =	vld [tilespmem:s1+$0x5260]  }
0x30a: {  	v18 =	vld [tilespmem:s1+$0x5270]  }
0x30b: {  	v19 =	vld [tilespmem:s1+$0xF260]  }
0x30c: {  	v20 =	vld [tilespmem:s1+$0xF270]  }
0x30d: {  	v21 =	vld [tilespmem:s1+$0x5240]  }
0x30e: {  	v22 =	vld [tilespmem:s1+$0x5250]  }
0x30f: {  	v23 =	vld [tilespmem:s1+$0xF240]  }
0x310: {  	v24 =	vld [tilespmem:s1+$0xF250]  }
0x311: {  	v25 =	vld [tilespmem:s1+$0x5200]  }
0x312: {  	v26 =	vld [tilespmem:s1+$0x5210]  }
0x313: {  	v27 =	vld [tilespmem:s1+$0xF200]  }
0x314: {  	s14 =	sand.u32 $0x3, s26;
	v28 =	vld [tilespmem:s1+$0xF210]  }
0x315: {  	s2 =	sshll.u32 s14, $0x8;
	v29 =	vld [tilespmem:s1+$0x5220]  }
0x316: {  	s2 =	sadd.s32 $0x0, s2;
	v30 =	vld [tilespmem:s1+$0x5230]  }
0x317: {  	v31 =	vld [tilespmem:s1+$0xF220];
	s15 =	sadd.s32 $0x180, s2  }
0x318: {  	v32 =	vld [tilespmem:s1+$0xF230];
	s16 =	sor.u32 $0x440, s15  }
0x319: {  	s5 =	sor.u32 $0x450, s15;
	v41 =	vld [tilespmem:s16+$0x5200]  }
0x31a: {  	s2 =	sadd.s32 $0x100, s2;
	v34 =	vld [tilespmem:s5+$0x5200]  }
0x31b: {  	s19 =	sor.u32 $0x460, s2;
	v35 =	vld [tilespmem:s16+$0xF200]  }
0x31c: {  	v33 =	vld [tilespmem:s19+$0x5200]  }
0x31d: {  	s17 =	sor.u32 $0x420, s15;
	v36 =	vld [tilespmem:s5+$0xF200]  }
0x31e: {  	s18 =	sor.u32 $0x430, s15;
	v37 =	vld [tilespmem:s17+$0x5200]  }
0x31f: {  	v38 =	vld [tilespmem:s18+$0x5200]  }
0x320: {  	v39 =	vld [tilespmem:s17+$0xF200]  }
0x321: {  	s20 =	sor.u32 $0x440, s2;
	v40 =	vld [tilespmem:s18+$0xF200];
	[tilespmem:$0x1FED0] =	vst v33  }
0x322: {  	s6 =	sor.u32 $0x450, s2;
	v42 =	vld [tilespmem:s20+$0x5200]  }
0x323: {  	v43 =	vld [tilespmem:s6+$0x5200]  }
0x324: {  	v44 =	vld [tilespmem:s20+$0xF200]  }
0x325: {  	s21 =	sor.u32 $0x420, s2;
	v45 =	vld [tilespmem:s6+$0xF200]  }
0x326: {  	s22 =	sor.u32 $0x430, s2;
	v46 =	vld [tilespmem:s21+$0x5200]  }
0x327: {  	v47 =	vld [tilespmem:s22+$0x5200]  }
0x328: {  	v48 =	vld [tilespmem:s21+$0xF200]  }
0x329: {  	s23 =	sor.u32 $0x400, s2;
	v49 =	vld [tilespmem:s22+$0xF200]  }
0x32a: {  	s24 =	sor.u32 $0x410, s2;
	v50 =	vld [tilespmem:s23+$0x5200]  }
0x32b: {  	v51 =	vld [tilespmem:s24+$0x5200];
	s6 =	sor.u32 $0x460, s15  }
0x32c: {  	v33 =	vld [tilespmem:s6+$0x5200]  }
0x32d: {  	v52 =	vld [tilespmem:s23+$0xF200]  }
0x32e: {  	s2 =	sor.u32 $0x470, s2;
	v53 =	vld [tilespmem:s24+$0xF200]  }
0x32f: {  	v54 =	vld [tilespmem:s2+$0x5200]  }
0x330: {  	v55 =	vld [tilespmem:s19+$0xF200]  }
0x331: {  	s8 =	sor.u32 $0x400, s15;
	v56 =	vld [tilespmem:s2+$0xF200];
	[tilespmem:$0x1FEE0] =	vst v33  }
0x332: {  	s11 =	sand.u32 $0x200, s26;
	s9 =	sor.u32 $0x410, s15;
	v58 =	vld [tilespmem:s8+$0x5200]  }
0x333: {  	s0 =	sor.u32 s11, s13;
	v59 =	vld [tilespmem:s9+$0x5200]  }
0x334: {  	v57 =	vld [tilespmem:s0+$0x5200]  }
0x335: {  	v60 =	vld [tilespmem:s8+$0xF200]  }
0x336: {  	s10 =	sor.u32 $0x470, s15;
	v61 =	vld [tilespmem:s9+$0xF200]  }
0x337: {  	v62 =	vld [tilespmem:s10+$0x5200]  }
0x338: {  	v63 =	vld [tilespmem:s6+$0xF200]  }
0x339: {  	v33 =	vld [tilespmem:s10+$0xF200];
	[tilespmem:$0x1FEF0] =	vst v57  }
0x33a: {  	v57 =	vld [tilespmem:s0+$0x5210];
	_ =	sdelay $0x4  }
0x33b: {  	v0 =	vmul.f32 v2, v0;
	v1 =	vmul.f32 v4, v1;
	[tilespmem:$0x1FF10] =	vst v57  }
0x33c: {  	v4 =	vmul.f32 v7, v5;
	v5 =	vmul.f32 v8, v6;
	v57 =	vld [tilespmem:s0+$0xF200]  }
0x33d: {  	v0 =	vadd.f32 v1, v0  }
0x33e: {  	v7 =	vmul.f32 v12, v10;
	v1 =	vmul.f32 v11, v9;
	v4 =	vadd.f32 v5, v4  }
0x33f: {  	v5 =	vmul.f32 v15, v13;
	v9 =	vmul.f32 v16, v14;
	(xrf2) =	vadd.scan.msk.f32 $0xffff, v0  }
0x340: {  	v0 =	vadd.f32 v7, v1;
	v1 =	vmul.f32 v19, v17;
	v7 =	vmul.f32 v20, v18;
	(xrf2) =	vadd.scan.msk.f32 $0xffff, v4  }
0x341: {  	v4 =	vadd.f32 v9, v5;
	v5 =	vmul.f32 v23, v21;
	v9 =	vmul.f32 v24, v22;
	[tilespmem:$0x1FF00] =	vst v57  }
0x342: {  	(xrf2) =	vadd.scan.msk.f32 $0xffff, v0;
	v0 =	vadd.f32 v7, v1;
	v1 =	vmul.f32 v27, v25;
	v7 =	vmul.f32 v28, v26;
	v57 =	vld [tilespmem:s0+$0xF210]  }
0x343: {  	(xrf2) =	vadd.scan.msk.f32 $0xffff, v4;
	v4 =	vadd.f32 v9, v5;
	v5 =	vmul.f32 v31, v29;
	v9 =	vmul.f32 v32, v30  }
0x344: {  	(xrf2) =	vadd.scan.msk.f32 $0xffff, v0;
	v0 =	vadd.f32 v7, v1  }
0x345: {  	(xrf2) =	vadd.scan.msk.f32 $0xffff, v4;
	v4 =	vadd.f32 v9, v5  }
0x346: {  	v39 =	vmul.f32 v39, v37;
	(xrf2) =	vadd.scan.msk.f32 $0xffff, v0  }
0x347: {  	v9 =	vmul.f32 v36, v34;
	(xrf2) =	vadd.scan.msk.f32 $0xffff, v4;
	v4 =	vmul.f32 v35, v41;
	[tilespmem:$0x1FF20] =	vst v57  }
0x348: {  	v44 =	vmul.f32 v44, v42;
	v41 =	vmul.f32 v40, v38;
	v57 =	vld [tilespmem:s0+$0x5220]  }
0x349: {  	v45 =	vmul.f32 v45, v43;
	v50 =	vmul.f32 v52, v50;
	v52 =	vld [tilespmem:$0x1FED0];
	v9 =	vadd.f32 v9, v4  }
0x34a: {  	v48 =	vmul.f32 v48, v46;
	v49 =	vmul.f32 v49, v47;
	v16 =	vadd.f32 v41, v39  }
0x34b: {  	v4, _, _ =	vpop (xrf2);
	(xrf2) =	vadd.scan.msk.f32 $0xffff, v9;
	v9 =	vadd.f32 v45, v44  }
0x34c: {  	v17 =	vadd.f32 v49, v48;
	(xrf2) =	vadd.scan.msk.f32 $0xffff, v16  }
0x34d: {  	v44 =	vld [tilespmem:$0x1FEF0];
	(xrf2) =	vadd.scan.msk.f32 $0xffff, v9;
	[tilespmem:$0x1FF30] =	vst v57  }
0x34e: {  	v22, _, _ =	vpop (xrf2);
	(xrf2) =	vadd.scan.msk.f32 $0xffff, v17;
	v17 =	vmul.f32 v55, v52;
	v57 =	vld [tilespmem:s0+$0x5230]  }
0x34f: {  	v55 =	vmul.f32 v56, v54;
	v56 =	vmul.f32 v60, v58;
	v60 =	vld [tilespmem:$0x1FEE0]  }
0x350: {  	v47 =	vld [tilespmem:$0x1FF10]  }
0x351: {  	v45 =	vld [tilespmem:$0x1FF00]  }
0x352: {  	v48 =	vld [tilespmem:$0x1FF20]  }
0x353: {  	v49 =	vld [tilespmem:$0x1FF30];
	[tilespmem:$0x1FF40] =	vst v57  }
0x354: {  	v2 =	vld [tilespmem:s0+$0xF220]  }
0x355: {  	v6 =	vld [tilespmem:s0+$0xF230]  }
0x356: {  	v8 =	vld [tilespmem:s0+$0x5240]  }
0x357: {  	v10 =	vld [tilespmem:s0+$0x5250]  }
0x358: {  	v11 =	vld [tilespmem:s0+$0xF240]  }
0x359: {  	p0 =	por $0x0, $0x0;
	s1 =	simm.s32 $0x1;
	v12 =	vld [tilespmem:s0+$0xF250]  }
0x35a: {  	s1 =	simm.s32 @!p0 $0x0;
	v13 =	vld [tilespmem:s0+$0x5260]  }
0x35b: {  	s1 =	sshll.u32 s1, $0x9;
	v14 =	vld [tilespmem:s0+$0x5270]  }
0x35c: {  	s1 =	sadd.s32 $0x0, s1;
	v1 =	vld [tilespmem:s0+$0xF260]  }
0x35d: {  	s12 =	sor.u32 $0x400, s1;
	v5 =	vld [tilespmem:s0+$0xF270]  }
0x35e: {  	s13 =	sor.u32 $0x410, s1;
	v0 =	vld [tilespmem:s12+$0x5200]  }
0x35f: {  	v7 =	vld [tilespmem:s13+$0x5200]  }
0x360: {  	v15 =	vld [tilespmem:s12+$0xF200]  }
0x361: {  	s14 =	sor.u32 $0x420, s1;
	v18 =	vld [tilespmem:s13+$0xF200]  }
0x362: {  	s15 =	sor.u32 $0x430, s1;
	v21 =	vld [tilespmem:s14+$0x5200]  }
0x363: {  	v24 =	vld [tilespmem:s15+$0x5200]  }
0x364: {  	v26 =	vld [tilespmem:s14+$0xF200]  }
0x365: {  	s16 =	sor.u32 $0x440, s1;
	v51 =	vmul.f32 v53, v51;
	v23 =	vld [tilespmem:s15+$0xF200]  }
0x366: {  	s17 =	sor.u32 $0x450, s1;
	v25 =	vld [tilespmem:s16+$0x5200]  }
0x367: {  	v19 =	vadd.f32 v51, v50;
	v20, _, _ =	vpop (xrf2);
	v29 =	vld [tilespmem:s17+$0x5200]  }
0x368: {  	v33 =	vmul.f32 v33, v62;
	v16, _, _ =	vpop (xrf2);
	v51 =	vld [tilespmem:$0x1FF40]  }
0x369: {  	v58 =	vmul.f32 v61, v59;
	v9, _, _ =	vpop (xrf2);
	(xrf2) =	vadd.scan.msk.f32 $0xffff, v19;
	v34 =	vmul.f32 v63, v60;
	v59 =	vld [tilespmem:s16+$0xF200]  }
0x36a: {  	s18 =	sor.u32 $0x460, s1;
	v53, _, _ =	vpop (xrf2);
	v17 =	vadd.f32 v55, v17;
	v9 =	vperm.xlane v9, v3;
	v63 =	vld [tilespmem:s17+$0xF200]  }
0x36b: {  	s19 =	sor.u32 $0x470, s1;
	v27 =	vperm.xlane v53, v3;
	v42 =	vadd.f32 v33, v34;
	v34 =	vmul.f32 v48, v47;
	v57, _, _ =	vpop (xrf2);
	v41 =	vld [tilespmem:s18+$0x5200]  }
0x36c: {  	v61, _, _ =	vpop (xrf2);
	v39 =	vperm.xlane v57, v3;
	v43 =	vld [tilespmem:s19+$0x5200];
	(xrf2) =	vadd.scan.msk.f32 $0xffff, v17;
	v17 =	vmul.f32 v45, v44  }
0x36d: {  	v19 =	vadd.f32 v58, v56;
	v46 =	vld [tilespmem:s18+$0xF200];
	v40 =	vperm.xlane v61, v3;
	v6 =	vmul.f32 v6, v51  }
0x36e: {  	v50 =	vld [tilespmem:s19+$0xF200];
	v17 =	vadd.f32 v34, v17;
	v2 =	vmul.f32 v2, v49;
	v10 =	vmul.f32 v12, v10  }
0x36f: {  	v53 =	vld [tilespmem:s0+$0xF290];
	v52, _, _ =	vpop (xrf2);
	v28 =	vsel vm1, v39, v40;
	v8 =	vmul.f32 v11, v8;
	v5 =	vmul.f32 v5, v14  }
0x370: {  	(xrf2) =	vadd.scan.msk.f32 $0xffff, v19;
	v27 =	vsel vm2, v28, v27;
	v11 =	vld [tilespmem:s0+$0x5280];
	v12, _, _ =	vpop (xrf2);
	v1 =	vmul.f32 v1, v13;
	v0 =	vmul.f32 v15, v0  }
0x371: {  	(xrf2) =	vadd.scan.msk.f32 $0xffff, v42;
	v13 =	vld [tilespmem:s0+$0x5290];
	v7 =	vmul.f32 v18, v7;
	v15 =	vmul.f32 v26, v21;
	v2 =	vadd.f32 v6, v2;
	v6, _, _ =	vpop (xrf2)  }
0x372: {  	(xrf2) =	vadd.scan.msk.f32 $0xffff, v17;
	v14 =	vld [tilespmem:s0+$0xF280];
	v54 =	vmul.f32 v59, v25;
	v8 =	vadd.f32 v10, v8;
	v1 =	vadd.f32 v5, v1;
	v10, _, _ =	vpop (xrf2)  }
0x373: {  	v55 =	vld [tilespmem:s0+$0x52A0];
	v0 =	vadd.f32 v7, v0;
	v7 =	vmul.f32 v63, v29;
	(xrf2) =	vadd.scan.msk.f32 $0xffff, v2;
	v2 =	vmul.f32 v23, v24;
	v5, _, _ =	vpop (xrf2)  }
0x374: {  	v56 =	vld [tilespmem:s0+$0xF2B0];
	v9 =	vsel vm3, v27, v9;
	(xrf2) =	vadd.scan.msk.f32 $0xffff, v8;
	v6 =	vperm.xlane v6, v3;
	v5 =	vperm.xlane v5, v3  }
0x375: {  	v8 =	vld [tilespmem:s0+$0x52B0];
	(xrf2) =	vadd.scan.msk.f32 $0xffff, v1;
	v1 =	vadd.f32 v2, v15;
	v2 =	vperm.xlane v10, v3;
	v10 =	vmul.f32 v46, v41  }
0x376: {  	v15 =	vld [tilespmem:s0+$0xF2A0];
	(xrf2) =	vadd.scan.msk.f32 $0xffff, v0;
	v0 =	vadd.f32 v7, v54;
	v7 =	vmul.f32 v50, v43;
	v5 =	vsel vm4, v9, v5  }
0x377: {  	v9, _, _ =	vpop (xrf2);
	(xrf2) =	vadd.scan.msk.f32 $0xffff, v1;
	v1 =	vmul.f32 v14, v11;
	v11 =	vmul.f32 v53, v13;
	v2 =	vsel vm5, v5, v2  }
0x378: {  	v5 =	vperm.xlane v9, v3;
	v2 =	vsel vm6, v2, v6;
	v6 =	vperm.xlane v16, v3  }
0x379: {  	v1 =	vadd.f32 v11, v1  }
0x37a: {  	(xrf2) =	vadd.scan.msk.f32 $0xffff, v0;
	v0 =	vadd.f32 v7, v10;
	v2 =	vsel vm7, v2, v5;
	v5 =	vperm.xlane v20, v3  }
0x37b: {  	v8 =	vmul.f32 v56, v8;
	v14 =	vmul.f32 v15, v55;
	v11, _, _ =	vpop (xrf2)  }
0x37c: {  	v57 =	vld [tilespmem:s0+$0x52F0];
	v10 =	vperm.xlane v22, v3;
	(xrf2) =	vadd.scan.msk.f32 $0xffff, v0;
	v2 =	vsel vm8, v2, v6;
	v6, _, _ =	vpop (xrf2)  }
0x37d: {  	v4 =	vperm.xlane v4, v3;
	v13 =	vld [tilespmem:s0+$0x52C0];
	v8 =	vadd.f32 v8, v14;
	v2 =	vsel vm9, v2, v5;
	(xrf2) =	vadd.scan.msk.f32 $0xffff, v1;
	v1, _, _ =	vpop (xrf2)  }
0x37e: {  	v7 =	vld [tilespmem:s0+$0x52D0];
	v2 =	vsel vm10, v2, v10;
	v10 =	vperm.xlane v11, v3;
	v5, _, _ =	vpop (xrf2)  }
0x37f: {  	v9 =	vld [tilespmem:s0+$0xF2C0];
	v2 =	vsel vm11, v2, v4;
	v1 =	vperm.xlane v1, v3;
	v14, _, _ =	vpop (xrf2);
	v4 =	vperm.xlane v5, v3  }
0x380: {  	v0 =	vld [tilespmem:s0+$0xF2D0];
	v2 =	vsel vm12, v2, v10;
	v5 =	vperm.xlane v12, v3;
	v10 =	vperm.xlane v14, v3;
	v12, _, _ =	vpop (xrf2)  }
0x381: {  	v58 =	vld [tilespmem:s0+$0xF2F0];
	(xrf2) =	vadd.scan.msk.f32 $0xffff, v8;
	v8, _, _ =	vpop (xrf2);
	v1 =	vsel vm1, v1, v4;
	v4 =	vperm.xlane v12, v3  }
0x382: {  	s1 =	sadd.s32 $0x80, s1;
	v15 =	vld [tilespmem:s0+$0x52E0];
	v2 =	vsel vm13, v2, v5;
	v60, _, _ =	vpop (xrf2);
	v1 =	vsel vm2, v1, v10;
	v5 =	vperm.xlane v8, v3  }
0x383: {  	s20 =	sor.u32 $0x400, s1;
	v11 =	vld [tilespmem:s0+$0xF2E0];
	v62 =	vperm.xlane v6, v3;
	v1 =	vsel vm3, v1, v4;
	v6 =	vperm.xlane v60, v3  }
0x384: {  	s21 =	sor.u32 $0x410, s1;
	v61 =	vld [tilespmem:s20+$0xF200];
	v1 =	vsel vm4, v1, v5  }
0x385: {  	v63 =	vld [tilespmem:s21+$0xF200];
	v0 =	vmul.f32 v0, v7;
	v1 =	vsel vm5, v1, v6;
	v6 =	vmul.f32 v9, v13  }
0x386: {  	v14 =	vld [tilespmem:s20+$0x5200]  }
0x387: {  	s23 =	sor.u32 $0x430, s1;
	v12 =	vld [tilespmem:s21+$0x5200];
	v4, _, _ =	vpop (xrf2);
	v0 =	vadd.f32 v0, v6  }
0x388: {  	s22 =	sor.u32 $0x420, s1;
	v5 =	vld [tilespmem:s23+$0x5200];
	v9 =	vmul.f32 v11, v15;
	v7, _, _ =	vpop (xrf2)  }
0x389: {  	s24 =	sor.u32 $0x440, s1;
	v11 =	vmul.f32 v58, v57;
	v8 =	vperm.xlane v4, v3;
	v4 =	vld [tilespmem:s22+$0x5200];
	v10, _, _ =	vpop (xrf2);
	(xrf2) =	vadd.scan.msk.f32 $0xffff, v0  }
0x38a: {  	v59 =	vperm.xlane v52, v3;
	v6 =	vld [tilespmem:s24+$0x5200];
	v13 =	vperm.xlane v10, v3  }
0x38b: {  	v7 =	vperm.xlane v7, v3;
	v9 =	vadd.f32 v11, v9;
	v1 =	vsel vm6, v1, v8;
	v8 =	vld [tilespmem:s22+$0xF200]  }
0x38c: {  	s29 =	simm.s32 $0x14490;
	s10 =	sor.u32 $0x450, s1;
	v2 =	vsel vm14, v2, v59;
	v12 =	vmul.f32 v63, v12;
	v11 =	vmul.f32 v61, v14;
	v10 =	vld [tilespmem:s23+$0xF200]  }
0x38d: {  	s30 =	simm.s32 $0x0;
	s31 =	simm.s32 $0x0;
	p0 =	por !p0, !p0;
	v2 =	vsel vm15, v2, v62;
	v0 =	vsel vm7, v1, v7;
	v7 =	vld [tilespmem:s10+$0x5200];
	(xrf2) =	vadd.scan.msk.f32 $0xffff, v9  }
0x38e: {  	s3 =	sor.u32 $0x470, s1;
	s17 =	sor.u32 $0x460, s1;
	s0 =	simm.s32 $0x0;
	[tilespmem:s29+$0x0] =	vst v2;
	v12 =	vadd.f32 v12, v11;
	v11 =	vld [tilespmem:s24+$0xF200];
	v9 =	vsel vm8, v0, v13;
	v13, _, _ =	vpop (xrf2)  }
.LBB2_12:
0x38f: {  	s1 =	simm.s32 $0x1  }
0x390: {  	v0 =	vperm.xlane v13, v3;
	v1 =	vmul.f32 v8, v4;
	v2 =	vld [tilespmem:s10+$0xF200];
	s1 =	simm.s32 @!p0 $0x0  }
0x391: {  	s26 =	sadd.s32 $0x200, s26;
	v4 =	vmul.f32 v10, v5;
	s1 =	sshll.u32 s1, $0x9;
	v5 =	vld [tilespmem:s17+$0x5200];
	(xrf2) =	vadd.scan.msk.f32 $0xffff, v12  }
0x392: {  	s31 =	sadd.s32 $0x400, s31;
	s2 =	sand.u32 $0x200, s26;
	s5 =	sadd.s32 $0x100, s26;
	v0 =	vsel vm9, v9, v0;
	v8 =	vld [tilespmem:s3+$0x5200]  }
0x393: {  	s5 =	sand.u32 $0x300, s5;
	s6 =	sadd.s32 s1, s31;
	s1 =	sand.u32 $0x7800, s31;
	v1 =	vadd.f32 v4, v1;
	v4 =	vld [tilespmem:s17+$0xF200];
	v9, _, _ =	vpop (xrf2)  }
0x394: {  	s12 =	sor.u32 s2, s1;
	s8 =	sor.u32 $0x400, s6;
	s22 =	sor.u32 s1, s5;
	v12 =	vmul.f32 v11, v6;
	v9 =	vperm.xlane v9, v3;
	v10 =	vld [tilespmem:s3+$0xF200]  }
0x395: {  	s18 =	sor.u32 $0x410, s6;
	s20 =	sor.u32 $0x420, s6;
	s15 =	sor.u32 $0x430, s6;
	v2 =	vmul.f32 v2, v7;
	v11 =	vld [tilespmem:s22+$0x52E0];
	(xrf2) =	vadd.scan.msk.f32 $0xffff, v1  }
0x396: {  	s14 =	sor.u32 $0x440, s6;
	s2 =	sor.u32 $0x450, s6;
	s1 =	sor.u32 $0x460, s6;
	v1 =	vld [tilespmem:s22+$0x52F0];
	v0 =	vsel vm10, v0, v9  }
0x397: {  	s23 =	sor.u32 $0x470, s6;
	s3 =	sadd.s32 $0x80, s6;
	v2 =	vadd.f32 v2, v12;
	v7 =	vld [tilespmem:s22+$0xF2E0];
	v6, _, _ =	vpop (xrf2)  }
0x398: {  	s21 =	sor.u32 $0x400, s3;
	s24 =	sor.u32 $0x410, s3;
	s13 =	sor.u32 $0x420, s3;
	v9 =	vld [tilespmem:s22+$0xF2F0];
	v6 =	vperm.xlane v6, v3;
	v4 =	vmul.f32 v4, v5  }
0x399: {  	s16 =	sor.u32 $0x430, s3;
	s11 =	sor.u32 $0x440, s3;
	s10 =	sor.u32 $0x450, s3;
	v5 =	vld [tilespmem:s22+$0x52C0];
	v10 =	vmul.f32 v10, v8;
	(xrf2) =	vadd.scan.msk.f32 $0xffff, v2  }
0x39a: {  	s17 =	sor.u32 $0x460, s3;
	s3 =	sor.u32 $0x470, s3;
	v2 =	vld [tilespmem:s22+$0x52D0];
	v0 =	vsel vm11, v0, v6  }
0x39b: {  	v6 =	vld [tilespmem:s22+$0xF2C0];
	v4 =	vadd.f32 v10, v4;
	v8, _, _ =	vpop (xrf2)  }
0x39c: {  	v10 =	vld [tilespmem:s22+$0xF2D0];
	v8 =	vperm.xlane v8, v3  }
0x39d: {  	v12 =	vld [tilespmem:s22+$0x52A0];
	(xrf2) =	vadd.scan.msk.f32 $0xffff, v4  }
0x39e: {  	v4 =	vld [tilespmem:s22+$0x52B0];
	v0 =	vsel vm12, v0, v8  }
0x39f: {  	v8 =	vld [tilespmem:s22+$0xF2A0];
	v13, _, _ =	vpop (xrf2)  }
0x3a0: {  	v14 =	vld [tilespmem:s22+$0xF2B0];
	v13 =	vperm.xlane v13, v3  }
0x3a1: {  	v15 =	vld [tilespmem:s22+$0x5280]  }
0x3a2: {  	v16 =	vld [tilespmem:s22+$0x5290];
	v0 =	vsel vm13, v0, v13  }
0x3a3: {  	v13 =	vld [tilespmem:s22+$0xF280];
	v17, _, _ =	vpop (xrf2)  }
0x3a4: {  	v18 =	vld [tilespmem:s22+$0xF290];
	v17 =	vperm.xlane v17, v3  }
0x3a5: {  	v19 =	vld [tilespmem:s22+$0x5260]  }
0x3a6: {  	v20 =	vld [tilespmem:s22+$0x5270];
	v0 =	vsel vm14, v0, v17  }
0x3a7: {  	v17 =	vld [tilespmem:s22+$0xF260];
	v21, _, _ =	vpop (xrf2)  }
0x3a8: {  	v22 =	vld [tilespmem:s22+$0xF270];
	v21 =	vperm.xlane v21, v3  }
0x3a9: {  	v23 =	vld [tilespmem:s22+$0x5240]  }
0x3aa: {  	v7 =	vmul.f32 v7, v11;
	v1 =	vmul.f32 v9, v1;
	v24 =	vld [tilespmem:s22+$0x5250];
	v0 =	vsel vm15, v0, v21  }
0x3ab: {  	v9 =	vld [tilespmem:s22+$0xF240];
	[tilespmem:s29+$0xFFFFFFF0] =	vst v0  }
0x3ac: {  	v1 =	vadd.f32 v1, v7;
	v0 =	vld [tilespmem:s22+$0xF250]  }
0x3ad: {  	v5 =	vmul.f32 v6, v5;
	v2 =	vmul.f32 v10, v2;
	v7 =	vld [tilespmem:s22+$0x5200]  }
0x3ae: {  	v6 =	vld [tilespmem:s22+$0x5210];
	(xrf2) =	vadd.scan.msk.f32 $0xffff, v1  }
0x3af: {  	s0 =	sadd.s32 $0x2, s0;
	v2 =	vadd.f32 v2, v5;
	v1 =	vld [tilespmem:s22+$0xF200]  }
0x3b0: {  	s5 =	sand.u32 $0x3, s0;
	v5 =	vmul.f32 v8, v12;
	v4 =	vmul.f32 v14, v4;
	v10 =	vld [tilespmem:s22+$0xF210]  }
0x3b1: {  	s5 =	sshll.u32 s5, $0x8;
	v8 =	vld [tilespmem:s22+$0x5220];
	(xrf2) =	vadd.scan.msk.f32 $0xffff, v2  }
0x3b2: {  	s5 =	sadd.s32 s5, s31;
	v4 =	vadd.f32 v4, v5;
	v2 =	vld [tilespmem:s22+$0x5230]  }
0x3b3: {  	s19 =	sadd.s32 $0x180, s5;
	v5 =	vmul.f32 v13, v15;
	v12 =	vmul.f32 v18, v16;
	v11 =	vld [tilespmem:s22+$0xF220]  }
0x3b4: {  	s6 =	sor.u32 $0x440, s19;
	v13 =	vld [tilespmem:s22+$0xF230];
	(xrf2) =	vadd.scan.msk.f32 $0xffff, v4  }
0x3b5: {  	s9 =	sor.u32 $0x450, s19;
	v18 =	vadd.f32 v12, v5;
	v12 =	vld [tilespmem:s6+$0x5200]  }
0x3b6: {  	v5 =	vmul.f32 v17, v19;
	v14 =	vmul.f32 v22, v20;
	v15 =	vld [tilespmem:s9+$0x5200]  }
0x3b7: {  	v16 =	vld [tilespmem:s6+$0xF200];
	(xrf2) =	vadd.scan.msk.f32 $0xffff, v18  }
0x3b8: {  	v19 =	vadd.f32 v14, v5;
	s6 =	sor.u32 $0x420, s19;
	v14 =	vld [tilespmem:s9+$0xF200];
	v4, _, _ =	vpop (xrf2)  }
0x3b9: {  	v9 =	vmul.f32 v9, v23;
	v0 =	vmul.f32 v0, v24;
	s9 =	sor.u32 $0x430, s19;
	v17 =	vld [tilespmem:s6+$0x5200]  }
0x3ba: {  	v18 =	vld [tilespmem:s9+$0x5200];
	(xrf2) =	vadd.scan.msk.f32 $0xffff, v19  }
0x3bb: {  	s5 =	sadd.s32 $0x100, s5;
	v0 =	vadd.f32 v0, v9;
	v9 =	vld [tilespmem:s6+$0xF200];
	v5, _, _ =	vpop (xrf2)  }
0x3bc: {  	v1 =	vmul.f32 v1, v7;
	s22 =	sor.u32 $0x460, s5;
	v7 =	vmul.f32 v10, v6;
	v10 =	vld [tilespmem:s9+$0xF200]  }
0x3bd: {  	s6 =	sor.u32 $0x440, s5;
	v19 =	vld [tilespmem:s22+$0x5200];
	(xrf2) =	vadd.scan.msk.f32 $0xffff, v0  }
0x3be: {  	s9 =	sor.u32 $0x450, s5;
	v0 =	vadd.f32 v7, v1;
	v1 =	vld [tilespmem:s6+$0x5200];
	v6, _, _ =	vpop (xrf2)  }
0x3bf: {  	v20 =	vmul.f32 v11, v8;
	v2 =	vmul.f32 v13, v2;
	v8 =	vld [tilespmem:s9+$0x5200]  }
0x3c0: {  	v11 =	vld [tilespmem:s6+$0xF200];
	(xrf2) =	vadd.scan.msk.f32 $0xffff, v0  }
0x3c1: {  	v0 =	vadd.f32 v2, v20;
	s6 =	sor.u32 $0x420, s5;
	v2 =	vld [tilespmem:s9+$0xF200];
	v7, _, _ =	vpop (xrf2)  }
0x3c2: {  	v12 =	vmul.f32 v16, v12;
	v16 =	vmul.f32 v14, v15;
	s9 =	sor.u32 $0x430, s5;
	v13 =	vld [tilespmem:s6+$0x5200]  }
0x3c3: {  	s30 =	sadd.s32 $0x2, s30;
	v15 =	vld [tilespmem:s9+$0x5200];
	(xrf2) =	vadd.scan.msk.f32 $0xffff, v0  }
0x3c4: {  	p1 =	slt.u32 s30, $0x26;
	v12 =	vadd.f32 v16, v12;
	v0 =	vld [tilespmem:s6+$0xF200];
	v14, _, _ =	vpop (xrf2)  }
0x3c5: {  	v9 =	vmul.f32 v9, v17;
	v18 =	vmul.f32 v10, v18;
	s6 =	sor.u32 $0x400, s5;
	v16 =	vld [tilespmem:s9+$0xF200]  }
0x3c6: {  	s9 =	sor.u32 $0x410, s5;
	v17 =	vld [tilespmem:s6+$0x5200];
	(xrf2) =	vadd.scan.msk.f32 $0xffff, v12  }
0x3c7: {  	v20 =	vadd.f32 v18, v9;
	v12 =	vld [tilespmem:s9+$0x5200];
	v10, _, _ =	vpop (xrf2)  }
0x3c8: {  	v1 =	vmul.f32 v11, v1;
	v2 =	vmul.f32 v2, v8;
	v18 =	vld [tilespmem:s6+$0xF200]  }
0x3c9: {  	s5 =	sor.u32 $0x470, s5;
	v8 =	vld [tilespmem:s9+$0xF200];
	(xrf2) =	vadd.scan.msk.f32 $0xffff, v20  }
0x3ca: {  	v1 =	vadd.f32 v2, v1;
	v2 =	vld [tilespmem:s5+$0x5200];
	v9, _, _ =	vpop (xrf2)  }
0x3cb: {  	v0 =	vmul.f32 v0, v13;
	v16 =	vmul.f32 v16, v15;
	v13 =	vld [tilespmem:s22+$0xF200]  }
0x3cc: {  	v15 =	vld [tilespmem:s5+$0xF200];
	s5 =	sor.u32 $0x460, s19;
	(xrf2) =	vadd.scan.msk.f32 $0xffff, v1  }
0x3cd: {  	s6 =	sor.u32 $0x400, s19;
	v0 =	vadd.f32 v16, v0;
	v1 =	vld [tilespmem:s5+$0x5200];
	v11, _, _ =	vpop (xrf2)  }
0x3ce: {  	s9 =	sor.u32 $0x410, s19;
	v18 =	vmul.f32 v18, v17;
	v8 =	vmul.f32 v8, v12;
	v12 =	vld [tilespmem:s6+$0x5200]  }
0x3cf: {  	v17 =	vld [tilespmem:s9+$0x5200];
	(xrf2) =	vadd.scan.msk.f32 $0xffff, v0  }
0x3d0: {  	v0 =	vadd.f32 v8, v18;
	v8 =	vld [tilespmem:s6+$0xF200];
	v16, _, _ =	vpop (xrf2)  }
0x3d1: {  	v19 =	vmul.f32 v13, v19;
	s6 =	sor.u32 $0x470, s19;
	v2 =	vmul.f32 v15, v2;
	v15 =	vld [tilespmem:s9+$0xF200]  }
0x3d2: {  	v18 =	vld [tilespmem:s6+$0x5200];
	(xrf2) =	vadd.scan.msk.f32 $0xffff, v0  }
0x3d3: {  	v0 =	vadd.f32 v2, v19;
	v2 =	vld [tilespmem:s5+$0xF200];
	v13, _, _ =	vpop (xrf2)  }
0x3d4: {  	v19 =	vld [tilespmem:s6+$0xF200]  }
0x3d5: {  	v20 =	vld [tilespmem:s12+$0x5200];
	(xrf2) =	vadd.scan.msk.f32 $0xffff, v0  }
0x3d6: {  	v8 =	vmul.f32 v8, v12;
	v0 =	vld [tilespmem:s12+$0x5210];
	v12 =	vmul.f32 v15, v17;
	v15, _, _ =	vpop (xrf2)  }
0x3d7: {  	v17 =	vld [tilespmem:s12+$0xF200]  }
0x3d8: {  	v21 =	vld [tilespmem:s12+$0xF210];
	v8 =	vadd.f32 v12, v8  }
0x3d9: {  	v1 =	vmul.f32 v2, v1;
	v12 =	vld [tilespmem:s12+$0x5220];
	v2 =	vmul.f32 v19, v18;
	v18, _, _ =	vpop (xrf2)  }
0x3da: {  	v9 =	vperm.xlane v9, v3;
	v11 =	vperm.xlane v11, v3;
	v19 =	vld [tilespmem:s12+$0x5230];
	(xrf2) =	vadd.scan.msk.f32 $0xffff, v8  }
0x3db: {  	v10 =	vperm.xlane v10, v3;
	v8 =	vld [tilespmem:s12+$0xF220];
	v1 =	vadd.f32 v2, v1  }
0x3dc: {  	v9 =	vsel vm1, v9, v11;
	v11 =	vperm.xlane v14, v3;
	v2 =	vmul.f32 v17, v20;
	v17 =	vld [tilespmem:s12+$0xF230];
	v14, _, _ =	vpop (xrf2)  }
0x3dd: {  	v9 =	vsel vm2, v9, v10;
	v0 =	vmul.f32 v21, v0;
	v20 =	vld [tilespmem:s12+$0x5240];
	v10 =	vperm.xlane v14, v3;
	(xrf2) =	vadd.scan.msk.f32 $0xffff, v1  }
0x3de: {  	v9 =	vsel vm3, v9, v11;
	v11 =	vperm.xlane v18, v3;
	v1 =	vld [tilespmem:s12+$0x5250]  }
0x3df: {  	v0 =	vadd.f32 v0, v2;
	v2 =	vld [tilespmem:s12+$0xF240];
	v9 =	vsel vm4, v9, v10;
	v10 =	vperm.xlane v15, v3;
	v14, _, _ =	vpop (xrf2)  }
0x3e0: {  	v8 =	vmul.f32 v8, v12;
	v12 =	vld [tilespmem:s12+$0xF250];
	v9 =	vsel vm5, v9, v11;
	v11 =	vperm.xlane v14, v3  }
0x3e1: {  	v14 =	vmul.f32 v17, v19;
	v15 =	vld [tilespmem:s12+$0x5260];
	v9 =	vsel vm6, v9, v10;
	v17 =	vperm.xlane v7, v3;
	(xrf2) =	vadd.scan.msk.f32 $0xffff, v0  }
0x3e2: {  	v6 =	vperm.xlane v6, v3;
	v0 =	vld [tilespmem:s12+$0x5270];
	v9 =	vsel vm7, v9, v11  }
0x3e3: {  	v5 =	vperm.xlane v5, v3;
	v8 =	vadd.f32 v14, v8;
	v10 =	vld [tilespmem:s12+$0xF260];
	v11 =	vsel vm8, v9, v17  }
0x3e4: {  	v4 =	vperm.xlane v4, v3;
	v2 =	vmul.f32 v2, v20;
	v9 =	vld [tilespmem:s12+$0xF270];
	v6 =	vsel vm9, v11, v6;
	v7, _, _ =	vpop (xrf2)  }
0x3e5: {  	v1 =	vmul.f32 v12, v1;
	v11 =	vld [tilespmem:s8+$0x5200];
	v5 =	vsel vm10, v6, v5;
	v6 =	vperm.xlane v7, v3;
	(xrf2) =	vadd.scan.msk.f32 $0xffff, v8  }
0x3e6: {  	v7 =	vld [tilespmem:s18+$0x5200];
	v4 =	vsel vm11, v5, v4;
	v5 =	vperm.xlane v13, v3  }
0x3e7: {  	v1 =	vadd.f32 v1, v2;
	v2 =	vld [tilespmem:s8+$0xF200];
	v4 =	vsel vm12, v4, v6;
	v6 =	vperm.xlane v16, v3;
	v8, _, _ =	vpop (xrf2)  }
0x3e8: {  	v10 =	vmul.f32 v10, v15;
	v12 =	vld [tilespmem:s18+$0xF200];
	v4 =	vsel vm13, v4, v5;
	v5 =	vperm.xlane v8, v3  }
0x3e9: {  	v0 =	vmul.f32 v9, v0;
	v8 =	vld [tilespmem:s20+$0x5200];
	v9 =	vsel vm14, v4, v6;
	(xrf2) =	vadd.scan.msk.f32 $0xffff, v1  }
0x3ea: {  	s29 =	sadd.s32 $0x20, s29;
	v1 =	vld [tilespmem:s15+$0x5200];
	v6 =	vsel vm15, v9, v5  }
0x3eb: {  	v0 =	vadd.f32 v0, v10;
	v5 =	vld [tilespmem:s20+$0xF200];
	[tilespmem:s29+$0x0] =	vst v6;
	v4, _, _ =	vpop (xrf2)  }
0x3ec: {  	v4 =	vperm.xlane v4, v3;
	v2 =	vmul.f32 v2, v11;
	v6 =	vld [tilespmem:s15+$0xF200]  }
0x3ed: {  	v7 =	vmul.f32 v12, v7;
	v9 =	vld [tilespmem:s14+$0x5200];
	(xrf2) =	vadd.scan.msk.f32 $0xffff, v0  }
0x3ee: {  	v0 =	vld [tilespmem:s2+$0x5200]  }
0x3ef: {  	v2 =	vadd.f32 v7, v2;
	v7 =	vld [tilespmem:s14+$0xF200];
	v10, _, _ =	vpop (xrf2)  }
0x3f0: {  	v11 =	vperm.xlane v10, v3;
	v5 =	vmul.f32 v5, v8;
	v8 =	vld [tilespmem:s2+$0xF200]  }
0x3f1: {  	v1 =	vmul.f32 v6, v1;
	v6 =	vld [tilespmem:s1+$0x5200];
	(xrf2) =	vadd.scan.msk.f32 $0xffff, v2  }
0x3f2: {  	v2 =	vsel vm1, v4, v11;
	v4 =	vld [tilespmem:s23+$0x5200]  }
0x3f3: {  	v1 =	vadd.f32 v1, v5;
	v5 =	vld [tilespmem:s1+$0xF200];
	v10, _, _ =	vpop (xrf2)  }
0x3f4: {  	v11 =	vperm.xlane v10, v3;
	v7 =	vmul.f32 v7, v9;
	v9 =	vld [tilespmem:s23+$0xF200]  }
0x3f5: {  	v0 =	vmul.f32 v8, v0;
	v8 =	vld [tilespmem:s12+$0x5280];
	(xrf2) =	vadd.scan.msk.f32 $0xffff, v1  }
0x3f6: {  	v1 =	vsel vm2, v2, v11;
	v2 =	vld [tilespmem:s12+$0x5290]  }
0x3f7: {  	v0 =	vadd.f32 v0, v7;
	v7 =	vld [tilespmem:s12+$0xF280];
	v10, _, _ =	vpop (xrf2)  }
0x3f8: {  	v11 =	vperm.xlane v10, v3;
	v5 =	vmul.f32 v5, v6;
	v6 =	vld [tilespmem:s12+$0xF290]  }
0x3f9: {  	v4 =	vmul.f32 v9, v4;
	v9 =	vld [tilespmem:s12+$0x52A0];
	(xrf2) =	vadd.scan.msk.f32 $0xffff, v0  }
0x3fa: {  	v0 =	vsel vm3, v1, v11;
	v1 =	vld [tilespmem:s12+$0x52B0]  }
0x3fb: {  	v4 =	vadd.f32 v4, v5;
	v5 =	vld [tilespmem:s12+$0xF2A0];
	v10, _, _ =	vpop (xrf2)  }
0x3fc: {  	v11 =	vperm.xlane v10, v3;
	v7 =	vmul.f32 v7, v8;
	v8 =	vld [tilespmem:s12+$0xF2B0]  }
0x3fd: {  	v2 =	vmul.f32 v6, v2;
	v6 =	vld [tilespmem:s12+$0x52C0];
	(xrf2) =	vadd.scan.msk.f32 $0xffff, v4  }
0x3fe: {  	v0 =	vsel vm4, v0, v11;
	v4 =	vld [tilespmem:s12+$0x52D0]  }
0x3ff: {  	v2 =	vadd.f32 v2, v7;
	v7 =	vld [tilespmem:s12+$0xF2C0];
	v10, _, _ =	vpop (xrf2)  }
0x400: {  	v11 =	vperm.xlane v10, v3;
	v5 =	vmul.f32 v5, v9;
	v9 =	vld [tilespmem:s12+$0xF2D0]  }
0x401: {  	v1 =	vmul.f32 v8, v1;
	v8 =	vld [tilespmem:s12+$0x52E0];
	(xrf2) =	vadd.scan.msk.f32 $0xffff, v2  }
0x402: {  	v0 =	vsel vm5, v0, v11;
	v2 =	vld [tilespmem:s12+$0x52F0]  }
0x403: {  	v1 =	vadd.f32 v1, v5;
	v5 =	vld [tilespmem:s12+$0xF2E0];
	v10, _, _ =	vpop (xrf2)  }
0x404: {  	v10 =	vperm.xlane v10, v3;
	v6 =	vmul.f32 v7, v6;
	v7 =	vld [tilespmem:s12+$0xF2F0]  }
0x405: {  	v11 =	vmul.f32 v9, v4;
	v9 =	vld [tilespmem:s21+$0x5200];
	(xrf2) =	vadd.scan.msk.f32 $0xffff, v1  }
0x406: {  	v0 =	vsel vm6, v0, v10;
	v1 =	vld [tilespmem:s24+$0x5200]  }
0x407: {  	v6 =	vadd.f32 v11, v6;
	v10 =	vld [tilespmem:s21+$0xF200];
	v4, _, _ =	vpop (xrf2)  }
0x408: {  	v11 =	vperm.xlane v4, v3;
	v8 =	vmul.f32 v5, v8;
	v12 =	vld [tilespmem:s24+$0xF200]  }
0x409: {  	v2 =	vmul.f32 v7, v2;
	v4 =	vld [tilespmem:s13+$0x5200];
	(xrf2) =	vadd.scan.msk.f32 $0xffff, v6  }
0x40a: {  	v0 =	vsel vm7, v0, v11;
	v5 =	vld [tilespmem:s16+$0x5200]  }
.Ltmp9:
0x40b: {  	v2 =	vadd.f32 v2, v8;
	v8 =	vld [tilespmem:s13+$0xF200];
	v6, _, _ =	vpop (xrf2);
	(pc) =	sbr.rel @p1 .LBB2_12-.Ltmp9, $4  }
0x40c: {  	v7 =	vperm.xlane v6, v3;
	v11 =	vmul.f32 v10, v9;
	v10 =	vld [tilespmem:s16+$0xF200]  }
0x40d: {  	v1 =	vmul.f32 v12, v1;
	v6 =	vld [tilespmem:s11+$0x5200];
	(xrf2) =	vadd.scan.msk.f32 $0xffff, v2  }
0x40e: {  	v9 =	vsel vm8, v0, v7;
	v7 =	vld [tilespmem:s10+$0x5200]  }
0x40f: {  	p0 =	por !p0, !p0;
	v12 =	vadd.f32 v1, v11;
	v11 =	vld [tilespmem:s11+$0xF200];
	v13, _, _ =	vpop (xrf2)  }
0x410: {  	v0 =	vld [tilespmem:s10+$0xF200]  }
0x411: {  	v1 =	vld [tilespmem:s17+$0x5200]  }
0x412: {  	v2 =	vld [tilespmem:s3+$0x5200]  }
0x413: {  	v14 =	vld [tilespmem:s17+$0xF200]  }
0x414: {  	v15 =	vld [tilespmem:s3+$0xF200];
	_ =	sdelay $0x2  }
0x415: {  	v4 =	vmul.f32 v8, v4;
	v5 =	vmul.f32 v10, v5  }
0x416: {  	v6 =	vmul.f32 v11, v6;
	v0 =	vmul.f32 v0, v7  }
0x417: {  	v4 =	vadd.f32 v5, v4;
	v1 =	vmul.f32 v14, v1;
	v2 =	vmul.f32 v15, v2  }
0x418: {  	(xrf2) =	vadd.scan.msk.f32 $0xffff, v12;
	v0 =	vadd.f32 v0, v6  }
0x419: {  	(xrf2) =	vadd.scan.msk.f32 $0xffff, v4;
	v1 =	vadd.f32 v2, v1  }
0x41a: {  	(xrf2) =	vadd.scan.msk.f32 $0xffff, v0  }
0x41b: {  	(xrf2) =	vadd.scan.msk.f32 $0xffff, v1;
	_ =	sdelay $0x4  }
0x41c: {  	v1 =	vperm.xlane v13, v3;
	v0, _, _ =	vpop (xrf2)  }
0x41d: {  	v2, _, _ =	vpop (xrf2);
	v0 =	vperm.xlane v0, v3  }
0x41e: {  	v1 =	vsel vm9, v9, v1;
	v4, _, _ =	vpop (xrf2);
	v2 =	vperm.xlane v2, v3  }
0x41f: {  	v0 =	vsel vm10, v1, v0;
	v1 =	vperm.xlane v4, v3;
	v4, _, _ =	vpop (xrf2)  }
0x420: {  	v0 =	vsel vm11, v0, v2;
	v2 =	vperm.xlane v4, v3;
	v4, _, _ =	vpop (xrf2)  }
0x421: {  	v0 =	vsel vm12, v0, v1;
	v1 =	vperm.xlane v4, v3;
	v4, _, _ =	vpop (xrf2)  }
0x422: {  	v0 =	vsel vm13, v0, v2;
	v2 =	vperm.xlane v4, v3  }
0x423: {  	s0 =	sshll.u32 s28, $0x5;
	s9 =	rddreg [dreg:$0x5];
	v0 =	vsel vm14, v0, v1  }
.Ltmp10:
0x424: {  	s0 =	sor.u32 s9, s0;
	v0 =	vsel vm15, v0, v2;
	(pc) =	sbr.rel .LBB2_14-.Ltmp10, $4  }
0x425: {  	s0 =	smul.u32 $0x50, s0;
	[tilespmem:s29+$0xFFFFFFF0] =	vst v0  }
0x426: {  	s1 =	rddreg [dreg:$0x6]  }
0x427: {  	s31 =	simm.s32 $0x14480;
	s10 =	rddreg [dreg:$0x7];
	s0 =	sadd.s32 s1, s0  }
0x428: {  	[hbm4b:s0+s4] =	stream.linear.scatter [tilespmem:s31], [sflag:$0x6], $0x280, $0x38;
	[tilespmem:$0x14700] =	vst v63  }
.LBB2_16:
0x429: {  	_ =	sfence.sel $0x180000  }
0x42a: {  	[bflag:$0x0] =	sbarrier.arrive $0xFFFF  }
0x42b: {  	_ =	strace $0x90000047  }
0x42c: {  	s0 =	stileid.u32;
	[bflag:$0x2] =	sbarrier.arrive $0xFFFF  }
0x42d: {  	p0 =	sne.s32 s0, $0x0;
	s0 =	rddreg [dreg:$0x3]  }
0x42e: {  	s0 =	sadd.s32 @!p0 $0x100000, s0  }
0x42f: {  	[sflag:s0] =	ssyncadd.tile.s32 @!p0 $0x1;
	_ =	shalt  }
.Lfunc_end2:
_tile_overlayer_lowered:
.L_overlay_start_2:
0x430: {  	(tag) =	ssettag $0x2  }
0x431: {  	s0 =	rddreg [dreg:$0x0];
	s2 =	stileid.u32  }
0x432: {  	s1 =	rddreg [dreg:$0x1];
	p0 =	sne.s32 s2, $0x0  }
0x433: {  	s3 =	rddreg [dreg:$0x2];
	[bflag:$0x3] =	sbarrier.arrive $0xFFFF;
	s2 =	simm.s32 @!p0 $0x1C07  }
0x434: {  	[timem:s3], [sflag:s2] =	dma.local @!p0 [hbm:s0], s1  }
0x435: {  	s0 =	simm.s32 @!p0 $0x7  }
0x436: {  	_ =	swait.ge @!p0 [sflag:s0], s1  }
0x437: {  	s1 =	ssub.s32 @!p0 $0x0, s1;
	[sflag:s0] =	ssyncset.done @!p0 $0x0  }
0x438: {  	[sflag:s0] =	ssyncadd.s32 @!p0 s1  }
0x439: {  	[bflag:$0x3] =	sbarrier.arrive $0xFFFF  }
0x43a: {  	_ =	shalt  }

// kernel: kernel.9.cloned.1.call-start
scs
__scs_entry_jumppad:
0x0: {  	(pc) =	sbr.rel $0x88, $3  }
0x1: {  	(tag) =	ssettag $0x0;
	lr =	simm.s32 $0x1  }
0x2: {  	[smem:$0x3F99] =	sst lr;
	_ =	strace $0xD0000000  }
0x3: {  	_ = 	snop  }
0x4: {  	_ = 	snop  }
0x5: {  	_ = 	snop  }
0x6: {  	_ = 	snop  }
0x7: {  	_ = 	snop  }
__scs_overlays_trampoline_lowered:
0x8: {  	[smem:$0x3FA8] =	sst s0  }
0x9: {  	[smem:$0x3FA9] =	sst s1  }
0xa: {  	[smem:$0x3FAA] =	sst s2  }
0xb: {  	[smem:$0x3FAB] =	sst s3  }
0xc: {  	[smem:$0x3FAC] =	sst s4  }
0xd: {  	[smem:$0x3FAD] =	sst s5  }
0xe: {  	[smem:$0x3FAE] =	sst s6  }
0xf: {  	[smem:$0x3FAF] =	sst s7  }
0x10: {  	[smem:$0x3FB0] =	sst s8  }
0x11: {  	[smem:$0x3FB1] =	sst s9;
	s0 =	simm.s32 @!p0 $0x0  }
0x12: {  	s1 =	sld [smem:$0x3F97];
	s0 =	simm.s32 @p0 $0x1  }
0x13: {  	[smem:$0x3FB2] =	sst s0;
	s0 =	simm.s32 @!p1 $0x0  }
0x14: {  	s2 =	sld [smem:$0x3F96];
	s0 =	simm.s32 @p1 $0x1  }
0x15: {  	[smem:$0x3FB3] =	sst s0;
	s0 =	simm.s32 @!p2 $0x0  }
0x16: {  	s3 =	sld [smem:$0x3FDB];
	s0 =	simm.s32 @p2 $0x1  }
0x17: {  	s4 =	simm.s32 $0x1BF5;
	[smem:$0x3FB5] =	sst s0  }
0x18: {  	s0 =	sld [smem:$0x3F98];
	_ =	swait.ge [sflag:s4], $0x0  }
0x19: {  	s7 =	sld [smem:$0x3F99]  }
0x1a: {  	s8 =	sadd.s32 $0xFFFFE003, lr  }
0x1b: {  	s9 =	sadd.s32 $0xFFFFFEF7, lr;
	s5 =	simm.s32 $0xFFFFFFFF;
	p2 =	slt.u32 s8, $0xFFFFF086  }
0x1c: {  	p1 =	slt.u32 s9, $0xF7A;
	s5 =	simm.s32 @!p2 $0x0  }
0x1d: {  	s5 =	simm.s32 @p1 $0x1;
	p0 =	seq.s32 s7, s2  }
0x1e: {  	s7 =	smul.u32 @!p0 $0xF7A, s2;
	p2 =	seq.s32 @!p0 s5, $0x0  }
0x1f: {  	s9 =	smul.u32 $0xF7A, s1;
	s8 =	simm.s32 @!p0 $0x1BF5;
	p2 =	por !p2, p0  }
0x20: {  	[sflag:s8] =	ssyncset.s32 @!p0 $0xFFFFF086;
	s6 =	sadd.s32 @!p0 s3, s7;
	s7 =	simm.s32 @!p0 $0x108  }
0x21: {  	s3 =	sadd.s32 s3, s9;
	s6 =	sadd.s32 @!p0 $0x88, s6;
	s7 =	simm.s32 @p2 $0x1082  }
0x22: {  	[simem:s7], [sflag:s8] =	dma.local @!p0 [hbm:s6], $0xF7A  }
0x23: {  	s9 =	sor.u32 $0xD0000000, s2;
	s6 =	simm.s32 $0x108;
	_ =	swait.ge @!p0 [sflag:s8], $0x0  }
0x24: {  	s3 =	sadd.s32 $0x88, s3;
	s6 =	simm.s32 @!p1 $0x1082;
	[sflag:s4] =	ssyncset.s32 $0xFFFFF086  }
0x25: {  	[simem:s6], [sflag:s4] =	dma.local [hbm:s3], $0xF7A  }
0x26: {  	[smem:$0x3F99] =	sst s1;
	(tag) =	ssettag s2;
	_ =	strace s9  }
0x27: {  	s1 =	sld [smem:$0x3FA9]  }
0x28: {  	s2 =	sld [smem:$0x3FAA]  }
0x29: {  	s4 =	sld [smem:$0x3FAC]  }
0x2a: {  	p0 =	seq.s32 s5, $0x0;
	s5 =	sld [smem:$0x3FAD]  }
0x2b: {  	s6 =	sld [smem:$0x3FAE]  }
0x2c: {  	s7 =	sld [smem:$0x3FAF]  }
0x2d: {  	s3 =	simm.s32 $0x108;
	s8 =	sld [smem:$0x3FB0]  }
0x2e: {  	s3 =	simm.s32 @!p0 $0x1082;
	s9 =	sld [smem:$0x3FB1]  }
0x2f: {  	lr =	sadd.s32 s0, s3;
	s0 =	sld [smem:$0x3FA8]  }
0x30: {  	s3 =	sld [smem:$0x3FAB]  }
0x31: {  	[smem:$0x3FB4] =	sst s10  }
0x32: {  	s10 =	sld [smem:$0x3FB2];
	_ =	sdelay $0x3  }
0x33: {  	p0 =	seq.s32 s10, $0x1;
	s10 =	sld [smem:$0x3FB4];
	_ =	sdelay $0x3  }
0x34: {  	[smem:$0x3FB4] =	sst s10  }
0x35: {  	s10 =	sld [smem:$0x3FB3];
	_ =	sdelay $0x3  }
0x36: {  	p1 =	seq.s32 s10, $0x1;
	s10 =	sld [smem:$0x3FB4];
	_ =	sdelay $0x3  }
0x37: {  	[smem:$0x3FB4] =	sst s10  }
0x38: {  	s10 =	sld [smem:$0x3FB5]  }
0x39: {  	_ = 	snop;
	(pc) =	sbr.ind lr, $3  }
0x3a: {  	_ = 	snop  }
0x3b: {  	_ = 	snop  }
0x3c: {  	p2 =	seq.s32 s10, $0x1;
	s10 =	sld [smem:$0x3FB4]  }
0x3d: {  	_ =	shalt  }
0x3e: {  	_ =	shalt  }
0x3f: {  	_ =	shalt  }
0x40: {  	_ =	shalt  }
0x41: {  	_ =	shalt  }
0x42: {  	_ =	shalt  }
0x43: {  	_ =	shalt  }
0x44: {  	_ =	shalt  }
0x45: {  	_ =	shalt  }
0x46: {  	_ =	shalt  }
0x47: {  	_ =	shalt  }
0x48: {  	_ =	shalt  }
0x49: {  	_ =	shalt  }
0x4a: {  	_ =	shalt  }
0x4b: {  	_ =	shalt  }
0x4c: {  	_ =	shalt  }
0x4d: {  	_ =	shalt  }
0x4e: {  	_ =	shalt  }
0x4f: {  	_ =	shalt  }
0x50: {  	_ =	shalt  }
0x51: {  	_ =	shalt  }
0x52: {  	_ =	shalt  }
0x53: {  	_ =	shalt  }
0x54: {  	_ =	shalt  }
0x55: {  	_ =	shalt  }
0x56: {  	_ =	shalt  }
0x57: {  	_ =	shalt  }
0x58: {  	_ =	shalt  }
0x59: {  	_ =	shalt  }
0x5a: {  	_ =	shalt  }
0x5b: {  	_ =	shalt  }
0x5c: {  	_ =	shalt  }
0x5d: {  	_ =	shalt  }
0x5e: {  	_ =	shalt  }
0x5f: {  	_ =	shalt  }
0x60: {  	_ =	shalt  }
0x61: {  	_ =	shalt  }
0x62: {  	_ =	shalt  }
0x63: {  	_ =	shalt  }
0x64: {  	_ =	shalt  }
0x65: {  	_ =	shalt  }
0x66: {  	_ =	shalt  }
0x67: {  	_ =	shalt  }
0x68: {  	_ =	shalt  }
0x69: {  	_ =	shalt  }
0x6a: {  	_ =	shalt  }
0x6b: {  	_ =	shalt  }
0x6c: {  	_ =	shalt  }
0x6d: {  	_ =	shalt  }
0x6e: {  	_ =	shalt  }
0x6f: {  	_ =	shalt  }
0x70: {  	_ =	shalt  }
0x71: {  	_ =	shalt  }
0x72: {  	_ =	shalt  }
0x73: {  	_ =	shalt  }
0x74: {  	_ =	shalt  }
0x75: {  	_ =	shalt  }
0x76: {  	_ =	shalt  }
0x77: {  	_ =	shalt  }
0x78: {  	_ =	shalt  }
0x79: {  	_ =	shalt  }
0x7a: {  	_ =	shalt  }
0x7b: {  	_ =	shalt  }
0x7c: {  	_ =	shalt  }
0x7d: {  	_ =	shalt  }
0x7e: {  	_ =	shalt  }
0x7f: {  	_ =	shalt  }
0x80: {  	_ =	shalt  }
0x81: {  	_ =	shalt  }
0x82: {  	_ =	shalt  }
0x83: {  	_ =	shalt  }
0x84: {  	_ =	shalt  }
0x85: {  	_ =	shalt  }
0x86: {  	_ =	shalt  }
0x87: {  	_ =	shalt  }
.Lfunc_end0:
.L_simem_size_0:
called_computation.1_lowered:
.L_overlay_start_0:
0x88: {  	s2 =	sld [smem:$0x3FD9]  }
0x89: {  	s3 =	sld [smem:$0x3FFE];
	_ =	sdelay $0x1  }
0x8a: {  	s1 =	srdreg.scid  }
0x8b: {  	s0 =	sand.u32 $0x1, s1  }
0x8c: {  	s17 =	sshll.u32 s0, $0xA;
	s2 =	sadd.s32 s3, s2  }
0x8d: {  	s2 =	sadd.s32 s2, s17  }
0x8e: {  	[smem:$0x3FC0] =	sst s2  }
0x8f: {  	_ = 	snop  }
0x90: {  	s2 =	sld [smem:$0x3FC7]  }
0x91: {  	s18 =	sld [smem:$0x3FC6]  }
0x92: {  	s4 =	sld [smem:$0x3FD0];
	(tm) =	ssettm $0x1  }
0x93: {  	s5 =	sld [smem:$0x3FFB];
	_ =	sdelay $0x3  }
0x94: {  	_ =	strace s5  }
0x95: {  	s5 =	sld [smem:$0x3FFC];
	_ =	sdelay $0x3  }
0x96: {  	_ =	strace s5  }
0x97: {  	s5 =	sld [smem:$0x3FFD];
	_ =	sdelay $0x3  }
0x98: {  	_ =	strace s5  }
0x99: {  	_ =	strace $0x8FFFFFFF  }
0x9a: {  	s19 =	sld [smem:$0x3FDB];
	_ =	sdelay $0x1  }
0x9b: {  	s6 =	simm.s32 $_scs_section_size  }
0x9c: {  	s7 =	simm.s32 $_size__tile_overlayer_lowered;
	s8 =	simm.s32 $_tile_overlayer_lowered  }
0x9d: {  	s22 =	simm.s32 $0x1BFF;
	s21 =	sshll.u32 s8, $0x1;
	s5 =	sadd.s32 s6, s19  }
0x9e: {  	s9 =	simm.s32 $0x0;
	s20 =	sshll.u32 s7, $0x1;
	s7 =	sadd.s32 s21, s5  }
0x9f: {  	[timem:s9], [sflag:s22] =	dma.local [hbm:s7], s20  }
0xa0: {  	_ =	swait.ge [sflag:s22], s20  }
0xa1: {  	s6 =	ssub.s32 $0x0, s20;
	[sflag:s22] =	ssyncset.done $0x0  }
0xa2: {  	[sflag:s22] =	ssyncadd.s32 s6;
	_ =	sdelay $0x1  }
0xa3: {  	s23 =	simm.s32 $0x1B8B  }
0xa4: {  	_ =	swait.ge [sflag:s23], $0x1  }
0xa5: {  	[sflag:s23] =	ssyncset.done $0x0  }
0xa6: {  	s25 =	simm.s32 $0x1B8E;
	s24 =	sld [smem:$0x3FFE];
	[sflag:s23] =	ssyncadd.s32 $0xFFFFFFFF  }
0xa7: {  	s26 =	simm.s32 $execute0_lowered;
	[smem:$0x3FD2] =	sst s25  }
0xa8: {  	s7 =	sshll.u32 s26, $0x1;
	_ =	strace $0x80000049;
	[dreg:$0x1] =	wrdreg $0xFFFFFFFF  }
0xa9: {  	s28 =	simm.s32 $_size_execute0_lowered;
	s5 =	sadd.s32 s5, s7;
	[dreg:$0x0] =	wrdreg $0x0  }
0xaa: {  	s7 =	sshll.u32 s28, $0x1;
	[dreg:$0x2] =	wrdreg s5  }
0xab: {  	[dreg:$0x3] =	wrdreg s7  }
0xac: {  	[dreg:$0x4] =	wrdreg $0xC0  }
0xad: {  	_ =	task [dreg:s9], $0x5FFFF  }
0xae: {  	[dreg:$0x1] =	wrdreg $0xFFFFFFFF  }
0xaf: {  	[dreg:$0x0] =	wrdreg $0x60  }
0xb0: {  	[dreg:$0x2] =	wrdreg s24  }
0xb1: {  	[dreg:$0x3] =	wrdreg s2  }
0xb2: {  	[dreg:$0x4] =	wrdreg s18  }
0xb3: {  	[dreg:$0x5] =	wrdreg s4  }
0xb4: {  	[dreg:$0x6] =	wrdreg $0xAC000  }
0xb5: {  	[dreg:$0x7] =	wrdreg $0x9  }
0xb6: {  	_ =	task.clear_ibuf [dreg:s9], $0x8FFFF;
	_ =	strace $0x90000049  }
0xb7: {  	s29 =	simm.s32 $0x9;
	_ =	strace $0x8000004B  }
0xb8: {  	_ =	swait.ge [sflag:s29], $0x1  }
0xb9: {  	[sflag:s29] =	ssyncadd.s32 $0xFFFFFFFF  }
0xba: {  	_ =	strace $0x9000004B  }
0xbb: {  	_ =	sfence  }
0xbc: {  	s30 =	sld [smem:$0x0];
	_ =	sdelay $0x2  }
0xbd: {  	s31 =	sshll.u32 s1, $0xD;
	s1 =	sshrl.u32 s1, $0x2  }
0xbe: {  	s3 =	sand.u32 $0x4000, s31;
	s1 =	sadd.s32 s1, s30  }
0xbf: {  	s0 =	sor.u32 s3, s0;
	s1 =	sshll.u32 s1, $0x11  }
0xc0: {  	s0 =	sor.u32 s1, s0  }
0xc1: {  	s0 =	sadd.s32 $0x8F2B, s0  }
0xc2: {  	[sflag:s0] =	ssyncadd.remote.s32 $0x1  }
0xc3: {  	_ =	sfence.sel $0xFFFF  }
0xc4: {  	[dreg:$0x0] =	wrdreg $0xFFFFFFFF;
	(pc) =	sbr.abs _section_cstart, $3  }
0xc5: {  	[dreg:$0x1] =	wrdreg $0xFFFFFFFF  }
0xc6: {  	_ =	task.clear_ibuf [dreg:s9], $0x2FFFF;
	_ =	strace $0x9FFFFFFF  }
0xc7: {  	(tm) =	ssettm $0x7FFFFFFF  }
tec
execute0_lowered:
.L_overlay_start_1:
0x0: {  	(tag) =	ssettag $0x1  }
0x1: {  	s1 =	rddreg [dreg:$0x0]  }
0x2: {  	s0 =	rddreg [dreg:$0x1]  }
0x3: {  	s2 =	rddreg [dreg:$0x2]  }
0x4: {  	s3 =	rddreg [dreg:$0x3];
	s5 =	srdreg.scid  }
0x5: {  	s4 =	rddreg [dreg:$0x4];
	s20 =	stileid.u32;
	s8 =	simm.s32 $0x0  }
0x6: {  	s5 =	sand.u32 $0x1, s5;
	s7 =	smul.u32 $0x14C08, s20;
	[smem:$0x7FF] =	sst s8  }
0x7: {  	s9 =	sadd.s32 $0x2200, s1;
	s6 =	ssub.s32 $0x2, s5;
	s12 =	smul.u32 $0x14C080, s5  }
0x8: {  	s19 =	sshrl.u32 s6, $0x1;
	s21 =	sadd.s32 $0x2A80, s7;
	s10 =	sadd.s32 $0x5500, s7  }
0x9: {  	s11 =	sadd.s32 $0x7F80, s7;
	s13 =	sadd.s32 $0xAA00, s7;
	s14 =	sadd.s32 $0xD480, s7  }
0xa: {  	s16 =	sadd.s32 $0xFF00, s7;
	s17 =	sadd.s32 $0x12980, s7;
	s6 =	ssub.s32 s6, s19  }
0xb: {  	s15 =	sadd.s32 s7, s12;
	s18 =	sadd.s32 s12, s21;
	s19 =	sadd.s32 s12, s10  }
0xc: {  	s24 =	sadd.s32 s12, s11;
	s25 =	sadd.s32 s12, s13;
	s26 =	sadd.s32 s12, s14  }
0xd: {  	s30 =	sadd.s32 s12, s16;
	s12 =	sadd.s32 s12, s17;
	s15 =	sshrl.u32 s15, $0x3  }
0xe: {  	s18 =	sshrl.u32 s18, $0x3;
	s23 =	sshrl.u32 s19, $0x3;
	s15 =	sadd.s32 s9, s15  }
0xf: {  	s29 =	sshrl.u32 s26, $0x3;
	s22 =	sadd.s32 s9, s18;
	[dreg:$0x6] =	wrdreg s15  }
0x10: {  	s18 =	sshrl.u32 s25, $0x3;
	[dreg:$0x7] =	wrdreg s22;
	s15 =	sadd.s32 s9, s23  }
0x11: {  	s28 =	sadd.s32 s9, s18;
	[dreg:$0x8] =	wrdreg s15;
	s15 =	sshrl.u32 s24, $0x3  }
0x12: {  	s18 =	sadd.s32 s21, s4;
	s21 =	sadd.s32 s11, s4;
	s15 =	sadd.s32 s9, s15  }
0x13: {  	s11 =	smul.u32 $0x50, s20;
	[dreg:$0x9] =	wrdreg s15;
	s15 =	sadd.s32 s9, s29  }
0x14: {  	s12 =	sshrl.u32 s12, $0x3;
	[dreg:$0xb] =	wrdreg s15;
	s15 =	sshrl.u32 s30, $0x3  }
0x15: {  	[dreg:$0xa] =	wrdreg s28;
	s22 =	sshrl.u32 s11, $0x3;
	s15 =	sadd.s32 s9, s15  }
0x16: {  	s24 =	sadd.s32 $0xA0, s22;
	s9 =	sadd.s32 s9, s12;
	[dreg:$0xc] =	wrdreg s15  }
0x17: {  	s25 =	sadd.s32 s0, s24;
	[dreg:$0xd] =	wrdreg s9  }
0x18: {  	s26 =	sadd.s32 s2, s24;
	_ =	strace $0x8000004A;
	[dreg:$0x19] =	wrdreg s25  }
0x19: {  	s28 =	smax.u32 s6, $0x1;
	[dreg:$0x1a] =	wrdreg s26  }
0x1a: {  	s30 =	sor.u32 $0x30, s20;
	[dreg:$0x1b] =	wrdreg s28  }
0x1b: {  	s9 =	sadd.s32 s7, s4;
	[dreg:$0x1c] =	wrdreg s30  }
0x1c: {  	s8 =	simm.s32 $0x7;
	[dreg:$0xe] =	wrdreg s9  }
0x1d: {  	s31 =	sshll.u32 s5, $0x4;
	s19 =	sadd.s32 s10, s4;
	[dreg:$0xf] =	wrdreg s18  }
0x1e: {  	s13 =	sadd.s32 s13, s4;
	s14 =	sadd.s32 s14, s4;
	[dreg:$0x10] =	wrdreg s19  }
0x1f: {  	s16 =	sadd.s32 s16, s4;
	s17 =	sadd.s32 s17, s4;
	[dreg:$0x11] =	wrdreg s21  }
0x20: {  	s10 =	simm.s32 $0x1;
	s29 =	smul.u32 $0x2710, s5;
	[dreg:$0x12] =	wrdreg s13  }
0x21: {  	s5 =	simm.s32 $0x0;
	s12 =	smul.u32 $0xA, s20;
	[dreg:$0x13] =	wrdreg s14  }
.Ltmp0:
0x22: {  	s24 =	simm.s32 $0x3;
	[dreg:$0x14] =	wrdreg s16;
	(pc) =	sbr.rel .LBB2_1-.Ltmp0, $4  }
0x23: {  	s15 =	sadd.s32 $0x9E600, s1;
	s23 =	sadd.s32 s0, s12;
	[dreg:$0x15] =	wrdreg s17  }
0x24: {  	s7 =	sadd.s32 s2, s12;
	s1 =	sadd.s32 s15, s11;
	[dreg:$0x16] =	wrdreg s23  }
0x25: {  	v1 =	vimm.f32 $0.0e+00;
	v2 =	vimm.s32 $0x0;
	v3 =	vimm.s32 $0x1;
	s11 =	sor.u32 $0x20, s20;
	s12 =	simm.s32 $0x50;
	[dreg:$0x17] =	wrdreg s7  }
0x26: {  	v4 =	vimm.s32 $0x2;
	v5 =	vimm.s32 $0x3;
	v0 =	vmov s29;
	s26 =	simm.s32 $0x4;
	[dreg:$0x18] =	wrdreg s1;
	s7 =	simm.s32 $0x5700  }
.LBB2_15:
0x27: {  	s1 =	simm.s32 $0x5  }
0x28: {  	_ =	swait.ge [sflag:s1], $0x2A80  }
0x29: {  	[sflag:s1] =	ssyncset.done $0x0  }
0x2a: {  	s5 =	simm.s32 $0x6;
	[sflag:s1] =	ssyncadd.s32 $0xFFFFD580  }
0x2b: {  	_ =	swait.ge [sflag:s5], $0x2A80  }
0x2c: {  	[sflag:s5] =	ssyncset.done $0x0  }
0x2d: {  	[sflag:s5] =	ssyncadd.s32 $0xFFFFD580  }
0x2e: {  	[bflag:$0x0] =	sbarrier.arrive $0xFFFF  }
0x2f: {  	s9 =	rddreg [dreg:$0xe]  }
0x30: {  	[tilespmem:s7], [sflag:$0x7] =	stream.linear.gather [spmem:s9], $0x2A80, $0x38;
	[tilespmem:$0x1F808] =	vst v63  }
0x31: {  	_ =	swait.ge [sflag:s8], $0x2A80  }
0x32: {  	[sflag:s8] =	ssyncset.done $0x0  }
0x33: {  	s6 =	simm.s32 $0x0;
	s5 =	rddreg [dreg:$0x6];
	[sflag:s8] =	ssyncadd.s32 $0xFFFFD580  }
0x34: {  	[hbm4b:s5+s6] =	stream.linear.scatter [tilespmem:s7], [sflag:$0x7], $0x2A80, $0x38;
	[tilespmem:$0x1F808] =	vst v63  }
0x35: {  	_ =	swait.ge [sflag:s8], $0x2A80  }
0x36: {  	[sflag:s8] =	ssyncset.done $0x0  }
0x37: {  	s18 =	rddreg [dreg:$0xf];
	[sflag:s8] =	ssyncadd.s32 $0xFFFFD580  }
0x38: {  	[tilespmem:s7], [sflag:$0x7] =	stream.linear.gather [spmem:s18], $0x2A80, $0x38;
	[tilespmem:$0x1F808] =	vst v63  }
0x39: {  	_ =	swait.ge [sflag:s8], $0x2A80  }
0x3a: {  	[sflag:s8] =	ssyncset.done $0x0  }
0x3b: {  	s16 =	rddreg [dreg:$0x7];
	[sflag:s8] =	ssyncadd.s32 $0xFFFFD580  }
0x3c: {  	[hbm4b:s16+s6] =	stream.linear.scatter [tilespmem:s7], [sflag:$0x7], $0x2A80, $0x38;
	[tilespmem:$0x1F808] =	vst v63  }
0x3d: {  	_ =	swait.ge [sflag:s8], $0x2A80  }
0x3e: {  	[sflag:s8] =	ssyncset.done $0x0  }
0x3f: {  	s19 =	rddreg [dreg:$0x10];
	[sflag:s8] =	ssyncadd.s32 $0xFFFFD580  }
0x40: {  	[tilespmem:s7], [sflag:$0x7] =	stream.linear.gather [spmem:s19], $0x2A80, $0x38;
	[tilespmem:$0x1F808] =	vst v63  }
0x41: {  	_ =	swait.ge [sflag:s8], $0x2A80  }
0x42: {  	[sflag:s8] =	ssyncset.done $0x0  }
0x43: {  	s17 =	rddreg [dreg:$0x8];
	[sflag:s8] =	ssyncadd.s32 $0xFFFFD580  }
0x44: {  	[hbm4b:s17+s6] =	stream.linear.scatter [tilespmem:s7], [sflag:$0x7], $0x2A80, $0x38;
	[tilespmem:$0x1F808] =	vst v63  }
0x45: {  	_ =	swait.ge [sflag:s8], $0x2A80  }
0x46: {  	[sflag:s8] =	ssyncset.done $0x0  }
0x47: {  	s21 =	rddreg [dreg:$0x11];
	[sflag:s8] =	ssyncadd.s32 $0xFFFFD580  }
0x48: {  	[tilespmem:s7], [sflag:$0x7] =	stream.linear.gather [spmem:s21], $0x2A80, $0x38;
	[tilespmem:$0x1F808] =	vst v63  }
0x49: {  	_ =	swait.ge [sflag:s8], $0x2A80  }
0x4a: {  	[sflag:s8] =	ssyncset.done $0x0  }
0x4b: {  	s20 =	rddreg [dreg:$0x9];
	[sflag:s8] =	ssyncadd.s32 $0xFFFFD580  }
0x4c: {  	[hbm4b:s20+s6] =	stream.linear.scatter [tilespmem:s7], [sflag:$0x7], $0x2A80, $0x38;
	[tilespmem:$0x1F808] =	vst v63  }
0x4d: {  	_ =	swait.ge [sflag:s8], $0x2A80  }
0x4e: {  	[sflag:s8] =	ssyncset.done $0x0  }
0x4f: {  	s13 =	rddreg [dreg:$0x12];
	[sflag:s8] =	ssyncadd.s32 $0xFFFFD580  }
0x50: {  	[tilespmem:s7], [sflag:$0x7] =	stream.linear.gather [spmem:s13], $0x2A80, $0x38;
	[tilespmem:$0x1F808] =	vst v63  }
0x51: {  	_ =	swait.ge [sflag:s8], $0x2A80  }
0x52: {  	[sflag:s8] =	ssyncset.done $0x0  }
0x53: {  	s22 =	rddreg [dreg:$0xa];
	[sflag:s8] =	ssyncadd.s32 $0xFFFFD580  }
0x54: {  	[hbm4b:s22+s6] =	stream.linear.scatter [tilespmem:s7], [sflag:$0x7], $0x2A80, $0x38;
	[tilespmem:$0x1F808] =	vst v63  }
0x55: {  	_ =	swait.ge [sflag:s8], $0x2A80  }
0x56: {  	[sflag:s8] =	ssyncset.done $0x0  }
0x57: {  	s14 =	rddreg [dreg:$0x13];
	[sflag:s8] =	ssyncadd.s32 $0xFFFFD580  }
0x58: {  	[tilespmem:s7], [sflag:$0x7] =	stream.linear.gather [spmem:s14], $0x2A80, $0x38;
	[tilespmem:$0x1F808] =	vst v63  }
0x59: {  	_ =	swait.ge [sflag:s8], $0x2A80  }
0x5a: {  	[sflag:s8] =	ssyncset.done $0x0  }
0x5b: {  	s23 =	rddreg [dreg:$0xb];
	[sflag:s8] =	ssyncadd.s32 $0xFFFFD580  }
0x5c: {  	[hbm4b:s23+s6] =	stream.linear.scatter [tilespmem:s7], [sflag:$0x7], $0x2A80, $0x38;
	[tilespmem:$0x1F808] =	vst v63  }
0x5d: {  	_ =	swait.ge [sflag:s8], $0x2A80  }
0x5e: {  	[sflag:s8] =	ssyncset.done $0x0  }
0x5f: {  	s16 =	rddreg [dreg:$0x14];
	[sflag:s8] =	ssyncadd.s32 $0xFFFFD580  }
0x60: {  	[tilespmem:s7], [sflag:$0x7] =	stream.linear.gather [spmem:s16], $0x2A80, $0x38;
	[tilespmem:$0x1F808] =	vst v63  }
0x61: {  	_ =	swait.ge [sflag:s8], $0x2A80  }
0x62: {  	[sflag:s8] =	ssyncset.done $0x0  }
0x63: {  	s25 =	rddreg [dreg:$0xc];
	[sflag:s8] =	ssyncadd.s32 $0xFFFFD580  }
0x64: {  	[hbm4b:s25+s6] =	stream.linear.scatter [tilespmem:s7], [sflag:$0x7], $0x2A80, $0x38;
	[tilespmem:$0x1F808] =	vst v63  }
0x65: {  	_ =	swait.ge [sflag:s8], $0x2A80  }
0x66: {  	[sflag:s8] =	ssyncset.done $0x0  }
0x67: {  	s17 =	rddreg [dreg:$0x15];
	[sflag:s8] =	ssyncadd.s32 $0xFFFFD580  }
0x68: {  	[tilespmem:s7], [sflag:$0x7] =	stream.linear.gather [spmem:s17], $0x2288, $0x38;
	[tilespmem:$0x1F808] =	vst v63  }
0x69: {  	_ =	swait.ge [sflag:s8], $0x2288  }
0x6a: {  	[sflag:s8] =	ssyncset.done $0x0  }
0x6b: {  	s28 =	rddreg [dreg:$0xd];
	[sflag:s8] =	ssyncadd.s32 $0xFFFFDD78  }
0x6c: {  	[hbm4b:s28+s6] =	stream.linear.scatter [tilespmem:s7], [sflag:$0x7], $0x2288, $0x38;
	[tilespmem:$0x1F808] =	vst v63  }
0x6d: {  	_ =	swait.ge [sflag:s8], $0x2288  }
0x6e: {  	s29 =	rddreg [dreg:$0x1d]  }
0x6f: {  	s30 =	rddreg [dreg:$0x1b];
	s5 =	sadd.s32 $0x1, s29  }
0x70: {  	p0 =	sne.s32 s5, s30  }
.Ltmp1:
0x71: {  	_ = 	snop;
	(pc) =	sbr.rel @!p0 .LBB2_16-.Ltmp1, $3  }
0x72: {  	_ =	sdelay $0x1  }
0x73: {  	[sflag:s8] =	ssyncset.done $0x0  }
0x74: {  	[sflag:s8] =	ssyncadd.s32 $0xFFFFDD78  }
.LBB2_1:
0x75: {  	s1 =	simm.s32 $0x0  }
0x76: {  	[dreg:$0x1d] =	wrdreg s5;
	s5 =	simm.s32 $0x220;
	[tilespmem:s1+$0x5770] =	vst v1  }
.LBB2_2:
0x77: {  	p0 =	sne.s32 s5, $0xA7E0;
	[tilespmem:s1+$0x5778] =	vst v1  }
0x78: {  	[tilespmem:s1+$0x5700] =	vst v1  }
0x79: {  	[tilespmem:s1+$0x5710] =	vst v1  }
0x7a: {  	[tilespmem:s1+$0x5720] =	vst v1  }
.Ltmp2:
0x7b: {  	[tilespmem:s1+$0x5730] =	vst v1;
	(pc) =	sbr.rel @p0 .LBB2_2-.Ltmp2, $4  }
0x7c: {  	[tilespmem:s1+$0x5740] =	vst v1  }
0x7d: {  	[tilespmem:s1+$0x5750] =	vst v1  }
0x7e: {  	[tilespmem:s1+$0x5760] =	vst v1;
	s1 =	sshra.s32 s5, $0x2  }
0x7f: {  	s5 =	sadd.s32 $0x220, s5;
	[tilespmem:s1+$0x5770] =	vst v1  }
0x80: {  	[tilespmem:s1+$0x5778] =	vst v1  }
0x81: {  	[tilespmem:s1+$0x5700] =	vst v1  }
0x82: {  	[tilespmem:s1+$0x5710] =	vst v1  }
0x83: {  	[tilespmem:s1+$0x5720] =	vst v1  }
0x84: {  	[tilespmem:s1+$0x5730] =	vst v1  }
0x85: {  	[tilespmem:s1+$0x5740] =	vst v1  }
0x86: {  	[tilespmem:s1+$0x5750] =	vst v1  }
0x87: {  	[tilespmem:s1+$0x5760] =	vst v1  }
0x88: {  	[spmem:s9] =	stream.linear.scatter [tilespmem:s7], [sflag:$0x7], $0x2A80, $0x38;
	[tilespmem:$0x1F808] =	vst v63  }
0x89: {  	_ =	swait.ge [sflag:s8], $0x2A80  }
0x8a: {  	[sflag:s8] =	ssyncset.done $0x0  }
0x8b: {  	[sflag:s8] =	ssyncadd.s32 $0xFFFFD580  }
0x8c: {  	[spmem:s18] =	stream.linear.scatter [tilespmem:s7], [sflag:$0x7], $0x2A80, $0x38;
	[tilespmem:$0x1F808] =	vst v63  }
0x8d: {  	_ =	swait.ge [sflag:s8], $0x2A80  }
0x8e: {  	[sflag:s8] =	ssyncset.done $0x0  }
0x8f: {  	[sflag:s8] =	ssyncadd.s32 $0xFFFFD580  }
0x90: {  	[spmem:s19] =	stream.linear.scatter [tilespmem:s7], [sflag:$0x7], $0x2A80, $0x38;
	[tilespmem:$0x1F808] =	vst v63  }
0x91: {  	_ =	swait.ge [sflag:s8], $0x2A80  }
0x92: {  	[sflag:s8] =	ssyncset.done $0x0  }
0x93: {  	[sflag:s8] =	ssyncadd.s32 $0xFFFFD580  }
0x94: {  	[spmem:s21] =	stream.linear.scatter [tilespmem:s7], [sflag:$0x7], $0x2A80, $0x38;
	[tilespmem:$0x1F808] =	vst v63  }
0x95: {  	_ =	swait.ge [sflag:s8], $0x2A80  }
0x96: {  	[sflag:s8] =	ssyncset.done $0x0  }
0x97: {  	[sflag:s8] =	ssyncadd.s32 $0xFFFFD580  }
0x98: {  	[spmem:s13] =	stream.linear.scatter [tilespmem:s7], [sflag:$0x7], $0x2A80, $0x38;
	[tilespmem:$0x1F808] =	vst v63  }
0x99: {  	_ =	swait.ge [sflag:s8], $0x2A80  }
0x9a: {  	[sflag:s8] =	ssyncset.done $0x0  }
0x9b: {  	[sflag:s8] =	ssyncadd.s32 $0xFFFFD580  }
0x9c: {  	[spmem:s14] =	stream.linear.scatter [tilespmem:s7], [sflag:$0x7], $0x2A80, $0x38;
	[tilespmem:$0x1F808] =	vst v63  }
0x9d: {  	_ =	swait.ge [sflag:s8], $0x2A80  }
0x9e: {  	[sflag:s8] =	ssyncset.done $0x0  }
0x9f: {  	[sflag:s8] =	ssyncadd.s32 $0xFFFFD580  }
0xa0: {  	[spmem:s16] =	stream.linear.scatter [tilespmem:s7], [sflag:$0x7], $0x2A80, $0x38;
	[tilespmem:$0x1F808] =	vst v63  }
0xa1: {  	_ =	swait.ge [sflag:s8], $0x2A80  }
0xa2: {  	[sflag:s8] =	ssyncset.done $0x0  }
0xa3: {  	[sflag:s8] =	ssyncadd.s32 $0xFFFFD580  }
0xa4: {  	[spmem:s17] =	stream.linear.scatter [tilespmem:s7], [sflag:$0x7], $0x2288, $0x38;
	[tilespmem:$0x1F808] =	vst v63  }
0xa5: {  	_ =	swait.ge [sflag:s8], $0x2288  }
0xa6: {  	[sflag:s8] =	ssyncset.done $0x0  }
0xa7: {  	[sflag:s8] =	ssyncadd.s32 $0xFFFFDD78  }
0xa8: {  	[bflag:$0x0] =	sbarrier.arrive $0xFFFF  }
0xa9: {  	s16 =	simm.s32 $0x0;
	s20 =	rddreg [dreg:$0x16]  }
0xaa: {  	[tilespmem:s16], [sflag:$0x1] =	stream.linear.gather [hbm4b:s20+s16], $0x50, $0x38;
	[tilespmem:$0x1F808] =	vst v63  }
0xab: {  	s5 =	simm.s32 $0xA0;
	s21 =	rddreg [dreg:$0x17]  }
0xac: {  	[tilespmem:s5], [sflag:$0x1] =	stream.linear.gather [hbm4b:s21+s16], $0x50, $0x38;
	[tilespmem:$0x1F808] =	vst v63  }
0xad: {  	_ =	swait.ge [sflag:s10], $0x50  }
0xae: {  	[sflag:s10] =	ssyncset.done $0x0  }
0xaf: {  	[sflag:s10] =	ssyncadd.s32 $0xFFFFFFB0  }
0xb0: {  	_ =	swait.ge [sflag:s10], $0x50  }
0xb1: {  	[sflag:s10] =	ssyncset.done $0x0  }
0xb2: {  	[sflag:s10] =	ssyncadd.s32 $0xFFFFFFB0  }
0xb3: {  	v6 =	vld [tilespmem:$0xA0]  }
0xb4: {  	v7 =	vld [tilespmem:$0xB0]  }
0xb5: {  	v8 =	vld [tilespmem:$0xC0]  }
0xb6: {  	v9 =	vld [tilespmem:$0xD0]  }
0xb7: {  	v10 =	vld [tilespmem:$0xE0]  }
0xb8: {  	v6 =	vadd.s32 v0, v6  }
0xb9: {  	[tilespmem:$0xA0] =	vst v6;
	v6 =	vadd.s32 v0, v7  }
0xba: {  	[tilespmem:$0xB0] =	vst v6;
	v6 =	vadd.s32 v0, v8  }
0xbb: {  	[tilespmem:$0xC0] =	vst v6;
	v6 =	vadd.s32 v0, v9  }
0xbc: {  	[tilespmem:$0xD0] =	vst v6;
	v6 =	vadd.s32 v0, v10  }
0xbd: {  	s22 =	simm.s32 $0x1E0;
	[tilespmem:$0xE0] =	vst v6  }
0xbe: {  	[tilespmem:s22], [sflag:$0x3] =	stream.indirect.gather [hbm4b:s3+s12], $0x80, s5, s12, $0xb8;
	[tilespmem:$0x1F808] =	vst v63  }
0xbf: {  	s25 =	simm.s32 $0x51E0;
	s23 =	rddreg [dreg:$0x18]  }
0xc0: {  	[tilespmem:s25], [sflag:$0x3] =	stream.linear.gather [hbm4b:s23+s16], $0x280, $0x38;
	[tilespmem:$0x1F808] =	vst v63  }
.Ltmp3:
0xc1: {  	_ = 	snop;
	(pc) =	sbr.rel .LBB2_4-.Ltmp3, $4  }
0xc2: {  	s28 =	rddreg [dreg:$0x19]  }
0xc3: {  	[tilespmem:s12], [sflag:$0x2] =	stream.linear.gather [hbm4b:s28+s16], $0x50, $0x38;
	[tilespmem:$0x1F808] =	vst v63  }
0xc4: {  	s30 =	simm.s32 $0xF0;
	s29 =	rddreg [dreg:$0x1a]  }
0xc5: {  	[tilespmem:s30], [sflag:$0x2] =	stream.linear.gather [hbm4b:s29+s16], $0x50, $0x38;
	[tilespmem:$0x1F808] =	vst v63  }
.LBB2_14:
0xc6: {  	s16 =	sadd.s32 $0x1, s16  }
0xc7: {  	p0 =	sne.s32 s16, $0x3F  }
.Ltmp4:
0xc8: {  	_ = 	snop;
	(pc) =	sbr.rel @!p0 .LBB2_15-.Ltmp4, $1  }
0xc9: {  	_ =	sdelay $0x3  }
.LBB2_4:
0xca: {  	_ =	swait.ge [sflag:s24], $0x2800  }
0xcb: {  	[sflag:s24] =	ssyncset.done $0x0  }
0xcc: {  	[sflag:s24] =	ssyncadd.s32 $0xFFFFD800  }
0xcd: {  	_ =	swait.ge [sflag:s24], $0x280  }
0xce: {  	p0 =	seq.s32 s16, $0x0;
	[sflag:s24] =	ssyncset.done $0x0  }
0xcf: {  	s1 =	simm.s32 @!p0 $0x5;
	[sflag:s24] =	ssyncadd.s32 $0xFFFFFD80  }
0xd0: {  	_ =	swait.ge @!p0 [sflag:s1], $0x2A80  }
0xd1: {  	[sflag:s1] =	ssyncset.done @!p0 $0x0  }
0xd2: {  	[sflag:s1] =	ssyncadd.s32 @!p0 $0xFFFFD580  }
0xd3: {  	v6 =	vld [tilespmem:$0x0]  }
0xd4: {  	v7 =	vld [tilespmem:$0x10]  }
0xd5: {  	v8 =	vld [tilespmem:$0x20]  }
0xd6: {  	v9 =	vld [tilespmem:$0x30]  }
0xd7: {  	v10 =	vld [tilespmem:$0x40]  }
0xd8: {  	[tilespmem:$0x140] =	vst v6  }
0xd9: {  	s29 =	sshll.u32 s16, $0x1;
	[tilespmem:$0x150] =	vst v7  }
0xda: {  	s1 =	sor.u32 $0x1, s29;
	[tilespmem:$0x160] =	vst v8  }
0xdb: {  	p1 =	sgt.u32 s1, $0x7C;
	[tilespmem:$0x170] =	vst v9  }
0xdc: {  	s5 =	simm.s32 @!p1 $0x2;
	[tilespmem:$0x180] =	vst v10  }
0xdd: {  	_ =	swait.ge @!p1 [sflag:s5], $0x50  }
0xde: {  	[sflag:s5] =	ssyncset.done @!p1 $0x0  }
0xdf: {  	[sflag:s5] =	ssyncadd.s32 @!p1 $0xFFFFFFB0  }
0xe0: {  	_ =	swait.ge @!p1 [sflag:s5], $0x50  }
0xe1: {  	[sflag:s5] =	ssyncset.done @!p1 $0x0  }
0xe2: {  	[sflag:s5] =	ssyncadd.s32 @!p1 $0xFFFFFFB0  }
0xe3: {  	v6 =	vld @!p1 [tilespmem:$0xF0]  }
0xe4: {  	v7 =	vld @!p1 [tilespmem:$0x100]  }
0xe5: {  	v8 =	vld @!p1 [tilespmem:$0x110]  }
0xe6: {  	v9 =	vld @!p1 [tilespmem:$0x120]  }
0xe7: {  	v10 =	vld @!p1 [tilespmem:$0x130]  }
0xe8: {  	v6 =	vadd.s32 @!p1 v0, v6  }
0xe9: {  	[tilespmem:$0xF0] =	vst @!p1 v6;
	v6 =	vadd.s32 @!p1 v0, v7  }
0xea: {  	[tilespmem:$0x100] =	vst @!p1 v6;
	v6 =	vadd.s32 @!p1 v0, v8  }
0xeb: {  	s1 =	sshll.u32 @!p1 s1, $0x4;
	s5 =	stileid.u32;
	[tilespmem:$0x110] =	vst @!p1 v6;
	v6 =	vadd.s32 @!p1 v0, v9  }
0xec: {  	p2 =	seq.s32 s16, $0x3E;
	s6 =	simm.s32 @!p1 $0xF0;
	s1 =	sor.u32 @!p1 s5, s1;
	[tilespmem:$0x120] =	vst @!p1 v6;
	v6 =	vadd.s32 @!p1 v0, v10  }
0xed: {  	s9 =	simm.s32 @!p1 $0x29E0;
	s5 =	simm.s32 @!p1 $0x50;
	s1 =	smul.u32 @!p1 $0x50, s1;
	[tilespmem:$0x130] =	vst @!p1 v6  }
0xee: {  	[tilespmem:s9], [sflag:$0x4] =	stream.indirect.gather @!p1 [hbm4b:s3+s5], $0x80, s6, s5, $0xb8;
	[tilespmem:$0x1F808] =	vst v63  }
0xef: {  	s5 =	sshll.u32 @!p2 s16, $0x5  }
0xf0: {  	s1 =	sadd.s32 @!p1 s15, s1;
	s5 =	sadd.s32 @!p2 s11, s5  }
0xf1: {  	s6 =	simm.s32 @!p1 $0x0;
	s9 =	simm.s32 @!p1 $0x5470;
	s5 =	smul.u32 @!p2 $0xA, s5  }
0xf2: {  	[tilespmem:s9], [sflag:$0x4] =	stream.linear.gather @!p1 [hbm4b:s1+s6], $0x280, $0x38;
	[tilespmem:$0x1F808] =	vst v63  }
0xf3: {  	s6 =	simm.s32 @!p2 $0x0;
	s1 =	sadd.s32 @!p2 s0, s5  }
0xf4: {  	[tilespmem:s6], [sflag:$0x1] =	stream.linear.gather @!p2 [hbm4b:s1+s6], $0x50, $0x38;
	[tilespmem:$0x1F808] =	vst v63  }
0xf5: {  	s30 =	simm.s32 $0x5200;
	s1 =	sadd.s32 @!p2 s2, s5;
	s5 =	simm.s32 @!p2 $0xA0  }
0xf6: {  	[tilespmem:s5], [sflag:$0x1] =	stream.linear.gather @!p2 [hbm4b:s1+s6], $0x50, $0x38;
	[tilespmem:$0x1F808] =	vst v63  }
0xf7: {  	v6 =	vld [tilespmem:s30+$0xFFFFFFF0]  }
0xf8: {  	v7 =	vld [tilespmem:s30+$0x10]  }
0xf9: {  	v8 =	vld [tilespmem:s30+$0xFFFFFFE0]  }
0xfa: {  	v9 =	vld [tilespmem:s30+$0x0]  }
0xfb: {  	s9 =	simm.s32 $0x5240  }
0xfc: {  	v10 =	vld [tilespmem:s9+$0xFFFFFFF0];
	v6 =	vmul.f32 $1.767766920e-01, v6  }
0xfd: {  	v11 =	vld [tilespmem:s9+$0x10];
	v7 =	vmul.f32 $1.767766920e-01, v7  }
0xfe: {  	v8 =	vmul.f32 $1.767766920e-01, v8;
	v6 =	vmul.f32 $1.442695020e+00, v6  }
0xff: {  	v12 =	vld [tilespmem:s9+$0xFFFFFFE0];
	v9 =	vmul.f32 $1.767766920e-01, v9;
	v7 =	vmul.f32 $1.442695020e+00, v7  }
0x100: {  	v8 =	vmul.f32 $1.442695020e+00, v8;
	(erf) = vpow2.f32 v6;
	v6 =	vld [tilespmem:s9+$0x0]  }
0x101: {  	s13 =	simm.s32 $0x5280;
	(erf) = vpow2.f32 v7;
	v7 =	vmul.f32 $1.767766920e-01, v10  }
0x102: {  	v11 =	vmul.f32 $1.767766920e-01, v11;
	v9 =	vmul.f32 $1.442695020e+00, v9;
	v10 =	vld [tilespmem:s13+$0xFFFFFFF0]  }
0x103: {  	(erf) = vpow2.f32 v8;
	v8 =	vld [tilespmem:s13+$0x10];
	v7 =	vmul.f32 $1.442695020e+00, v7  }
0x104: {  	(erf) = vpow2.f32 v9;
	v9 =	vmul.f32 $1.767766920e-01, v12  }
0x105: {  	v11 =	vmul.f32 $1.442695020e+00, v11;
	v6 =	vmul.f32 $1.767766920e-01, v6  }
0x106: {  	v60 =	vld [tilespmem:s13+$0xFFFFFFE0];
	(erf) = vpow2.f32 v7;
	v7 =	vmul.f32 $1.442695020e+00, v9  }
0x107: {  	v13 =	vld [tilespmem:s13+$0x0];
	v9 =	vmul.f32 $1.767766920e-01, v10;
	v6 =	vmul.f32 $1.442695020e+00, v6  }
0x108: {  	s1 =	simm.s32 $0x52C0;
	(erf) = vpow2.f32 v11;
	v8 =	vmul.f32 $1.767766920e-01, v8  }
0x109: {  	v10 =	vld [tilespmem:s1+$0xFFFFFFF0];
	(erf) = vpow2.f32 v7;
	v9 =	vmul.f32 $1.442695020e+00, v9  }
0x10a: {  	v7 =	vpop (erf);
	(erf) = vpow2.f32 v6;
	v8 =	vmul.f32 $1.442695020e+00, v8  }
0x10b: {  	v11 =	vmul.f32 $1.767766920e-01, v60;
	[tilespmem:s30+$0xFFFFFFF0] =	vst v7;
	v7 =	vld [tilespmem:s1+$0x10];
	v6 =	vpop (erf);
	(erf) = vpow2.f32 v9  }
0x10c: {  	v61 =	vmul.f32 $1.767766920e-01, v13;
	[tilespmem:s30+$0x10] =	vst v6;
	v62 =	vpop (erf);
	(erf) = vpow2.f32 v8  }
0x10d: {  	v9 =	vmul.f32 $1.442695020e+00, v11;
	v6 =	vld [tilespmem:s1+$0xFFFFFFE0];
	[tilespmem:s30+$0xFFFFFFE0] =	vst v62;
	v63 =	vpop (erf)  }
0x10e: {  	s14 =	simm.s32 $0x5300;
	s6 =	simm.s32 $0xC;
	v10 =	vmul.f32 $1.767766920e-01, v10;
	v11 =	vmul.f32 $1.442695020e+00, v61;
	v8 =	vld [tilespmem:s1+$0x0];
	[tilespmem:s30+$0x0] =	vst v63  }
.LBB2_5:
0x10f: {  	s6 =	sadd.s32 $0x4, s6  }
0x110: {  	v12 =	vld [tilespmem:s14+$0xFFFFFFF0];
	v13 =	vmul.f32 $1.767766920e-01, v7;
	(erf) = vpow2.f32 v9;
	v9 =	vpop (erf);
	s5 =	simm.s32 $0x51E8;
	p2 =	slt.u32 s6, $0x24  }
.Ltmp5:
0x111: {  	s17 =	smov.u32 s9;
	v7 =	vld [tilespmem:s14+$0x10];
	v15 =	vmul.f32 $1.442695020e+00, v10;
	(erf) = vpow2.f32 v11;
	[tilespmem:s9+$0xFFFFFFF0] =	vst v9;
	v9 =	vpop (erf);
	(pc) =	sbr.rel @p2 .LBB2_5-.Ltmp5, $4  }
0x112: {  	v11 =	vmul.f32 $1.767766920e-01, v6;
	s9 =	smov.u32 s13;
	s13 =	smov.u32 s1;
	s1 =	smov.u32 s14;
	v6 =	vld [tilespmem:s14+$0xFFFFFFE0];
	v16 =	vmul.f32 $1.442695020e+00, v13;
	[tilespmem:s17+$0x10] =	vst v9  }
0x113: {  	v14 =	vmul.f32 $1.767766920e-01, v8;
	v8 =	vld [tilespmem:s14+$0x0];
	(erf) = vpow2.f32 v15;
	v10 =	vpop (erf)  }
0x114: {  	v9 =	vmul.f32 $1.442695020e+00, v11;
	(erf) = vpow2.f32 v16;
	[tilespmem:s17+$0xFFFFFFE0] =	vst v10;
	v13 =	vpop (erf)  }
0x115: {  	s14 =	sadd.s32 $0x40, s14;
	v11 =	vmul.f32 $1.442695020e+00, v14;
	v10 =	vmul.f32 $1.767766920e-01, v12;
	[tilespmem:s17+$0x0] =	vst v13  }
0x116: {  	v7 =	vmul.f32 $1.767766920e-01, v7  }
0x117: {  	(erf) = vpow2.f32 v9;
	v9 =	vmul.f32 $1.442695020e+00, v10  }
0x118: {  	(erf) = vpow2.f32 v11;
	v6 =	vmul.f32 $1.767766920e-01, v6  }
0x119: {  	v7 =	vmul.f32 $1.442695020e+00, v7;
	v8 =	vmul.f32 $1.767766920e-01, v8  }
0x11a: {  	(erf) = vpow2.f32 v9;
	v6 =	vmul.f32 $1.442695020e+00, v6  }
0x11b: {  	v9 =	vpop (erf);
	(erf) = vpow2.f32 v7;
	v7 =	vmul.f32 $1.442695020e+00, v8;
	_ =	sdelay $0x1  }
0x11c: {  	[tilespmem:s9+$0xFFFFFFF0] =	vst v9;
	v8 =	vpop (erf);
	(erf) = vpow2.f32 v6  }
0x11d: {  	[tilespmem:s9+$0x10] =	vst v8;
	v6 =	vpop (erf);
	(erf) = vpow2.f32 v7  }
0x11e: {  	[tilespmem:s9+$0xFFFFFFE0] =	vst v6;
	v7 =	vpop (erf)  }
0x11f: {  	v6 =	vpop (erf);
	[tilespmem:s9+$0x0] =	vst v7  }
0x120: {  	[tilespmem:s13+$0xFFFFFFF0] =	vst v6;
	v6 =	vpop (erf)  }
0x121: {  	[tilespmem:s13+$0x10] =	vst v6;
	v6 =	vpop (erf)  }
0x122: {  	[tilespmem:s13+$0xFFFFFFE0] =	vst v6;
	v6 =	vpop (erf)  }
0x123: {  	[tilespmem:s13+$0x0] =	vst v6;
	v6 =	vpop (erf)  }
0x124: {  	[tilespmem:s1+$0xFFFFFFF0] =	vst v6;
	v6 =	vpop (erf)  }
0x125: {  	[tilespmem:s1+$0x10] =	vst v6;
	v6 =	vpop (erf)  }
0x126: {  	[tilespmem:s1+$0xFFFFFFE0] =	vst v6;
	v6 =	vpop (erf)  }
0x127: {  	[tilespmem:s1+$0x0] =	vst v6  }
0x128: {  	v6 =	vld [tilespmem:s5+$0x0];
	_ =	sdelay $0x3  }
0x129: {  	s18 =	simm.s32 $0x5788;
	s17 =	sshrl.u32 s31, $0x2  }
0x12a: {  	s25 =	sadd.s32 $0x51E8, s17;
	[tilespmem:s18+$0x0] =	vst v6  }
0x12b: {  	v6 =	vld [tilespmem:s25+$0x0]  }
0x12c: {  	s13 =	simm.s32 $0x260  }
0x12d: {  	v7 =	vld [tilespmem:s13+$0x0];
	_ =	sdelay $0x2  }
0x12e: {  	v8 =	vperm.xlane v6, v2;
	_ =	sdelay $0x1  }
0x12f: {  	v7 =	vmul.f32 v7, v8;
	_ =	sdelay $0x1  }
0x130: {  	[tilespmem:s18+$0x8] =	vst v7  }
0x131: {  	s6 =	simm.s32 $0x51F8;
	v7 =	vld [tilespmem:s13+$0x10]  }
0x132: {  	v10 =	vld [tilespmem:s6+$0x0];
	_ =	sdelay $0x1  }
0x133: {  	v9 =	vld [tilespmem:s5+$0xFFFFFFF8];
	_ =	sdelay $0x1  }
0x134: {  	s19 =	simm.s32 $0x5898;
	v7 =	vmul.f32 v7, v8  }
0x135: {  	s9 =	sadd.s32 $0x51F8, s17;
	v15 =	vld [tilespmem:s6+$0xFFFFFFF8];
	[tilespmem:s19+$0x0] =	vst v10  }
0x136: {  	[tilespmem:s18+$0x18] =	vst v7;
	v7 =	vld [tilespmem:s9+$0x0]  }
0x137: {  	[tilespmem:s18+$0xFFFFFF78] =	vst v9;
	v9 =	vld [tilespmem:s13+$0x20]  }
0x138: {  	s21 =	simm.s32 $0x360;
	v8 =	vld [tilespmem:s25+$0xFFFFFFF8]  }
0x139: {  	v10 =	vld [tilespmem:s21+$0x0]  }
0x13a: {  	v11 =	vld [tilespmem:s13+$0xFFFFFF80];
	v12 =	vperm.xlane v6, v3;
	_ =	sdelay $0x1  }
0x13b: {  	v13 =	vperm.xlane v7, v2;
	v9 =	vmul.f32 v9, v12  }
0x13c: {  	v14 =	vperm.xlane v8, v2  }
0x13d: {  	v10 =	vmul.f32 v10, v13;
	[tilespmem:s18+$0x28] =	vst v9  }
0x13e: {  	s14 =	simm.s32 $0x5208;
	[tilespmem:s19+$0xFFFFFF78] =	vst v15;
	v9 =	vmul.f32 v11, v14;
	v11 =	vld [tilespmem:s13+$0x30]  }
0x13f: {  	v15 =	vld [tilespmem:s14+$0x0];
	[tilespmem:s19+$0x8] =	vst v10  }
0x140: {  	v10 =	vld [tilespmem:s21+$0x10];
	[tilespmem:s18+$0xFFFFFF80] =	vst v9  }
0x141: {  	v16 =	vld [tilespmem:s13+$0xFFFFFF90];
	_ =	sdelay $0x1  }
0x142: {  	v9 =	vld [tilespmem:s9+$0xFFFFFFF8];
	v11 =	vmul.f32 v11, v12;
	_ =	sdelay $0x1  }
0x143: {  	s20 =	simm.s32 $0x59A8;
	v12 =	vld [tilespmem:s21+$0xFFFFFF80];
	v10 =	vmul.f32 v10, v13;
	[tilespmem:s18+$0x38] =	vst v11  }
0x144: {  	s23 =	sadd.s32 $0x5208, s17;
	[tilespmem:s20+$0x0] =	vst v15;
	v11 =	vmul.f32 v16, v14;
	v13 =	vld [tilespmem:s13+$0x40]  }
0x145: {  	[tilespmem:s19+$0x18] =	vst v10;
	v10 =	vld [tilespmem:s23+$0x0]  }
0x146: {  	v14 =	vld [tilespmem:s21+$0x20];
	[tilespmem:s18+$0xFFFFFF90] =	vst v11;
	v11 =	vperm.xlane v9, v2  }
0x147: {  	s22 =	simm.s32 $0x460;
	v16 =	vperm.xlane v6, v4;
	v15 =	vld [tilespmem:s13+$0xFFFFFFA0]  }
0x148: {  	v17 =	vld [tilespmem:s22+$0x0];
	v12 =	vmul.f32 v12, v11  }
0x149: {  	v18 =	vperm.xlane v7, v3;
	v13 =	vmul.f32 v13, v16  }
0x14a: {  	v19 =	vperm.xlane v8, v3;
	[tilespmem:s19+$0xFFFFFF80] =	vst v12;
	v12 =	vld [tilespmem:s14+$0xFFFFFFF8]  }
0x14b: {  	v21 =	vperm.xlane v10, v2;
	v20 =	vld [tilespmem:s21+$0xFFFFFF90];
	v14 =	vmul.f32 v14, v18;
	[tilespmem:s18+$0x48] =	vst v13  }
0x14c: {  	v15 =	vmul.f32 v15, v19;
	v13 =	vld [tilespmem:s13+$0x50]  }
0x14d: {  	[tilespmem:s19+$0x28] =	vst v14;
	v14 =	vmul.f32 v17, v21  }
0x14e: {  	[tilespmem:s18+$0xFFFFFFA0] =	vst v15;
	v15 =	vld [tilespmem:s21+$0x30]  }
0x14f: {  	v17 =	vld [tilespmem:s13+$0xFFFFFFB0];
	[tilespmem:s20+$0x8] =	vst v14  }
0x150: {  	[tilespmem:s20+$0xFFFFFF78] =	vst v12;
	v12 =	vmul.f32 v20, v11;
	v14 =	vld [tilespmem:s22+$0x10]  }
0x151: {  	v11 =	vld [tilespmem:s23+$0xFFFFFFF8];
	v13 =	vmul.f32 v13, v16  }
0x152: {  	s25 =	simm.s32 $0x5218;
	[tilespmem:s19+$0xFFFFFF90] =	vst v12;
	v12 =	vld [tilespmem:s22+$0xFFFFFF80]  }
0x153: {  	v15 =	vmul.f32 v15, v18;
	[tilespmem:s18+$0x58] =	vst v13;
	v13 =	vld [tilespmem:s25+$0x0]  }
0x154: {  	v17 =	vmul.f32 v17, v19;
	v18 =	vld [tilespmem:s13+$0x60]  }
0x155: {  	[tilespmem:s19+$0x38] =	vst v15;
	v14 =	vmul.f32 v14, v21;
	v21 =	vld [tilespmem:s25+$0xFFFFFFF8]  }
0x156: {  	v15 =	vperm.xlane v11, v2;
	[tilespmem:s18+$0xFFFFFFB0] =	vst v17;
	v17 =	vld [tilespmem:s21+$0x40]  }
0x157: {  	v16 =	vld [tilespmem:s21+$0xFFFFFFA0];
	[tilespmem:s20+$0x18] =	vst v14  }
0x158: {  	s23 =	simm.s32 $0x5AB8;
	v12 =	vmul.f32 v12, v15;
	v14 =	vperm.xlane v6, v5;
	v20 =	vld [tilespmem:s22+$0x20]  }
0x159: {  	s5 =	sadd.s32 $0x5218, s17;
	v22 =	vperm.xlane v7, v4;
	v19 =	vld [tilespmem:s13+$0xFFFFFFC0];
	[tilespmem:s23+$0x0] =	vst v13  }
0x15a: {  	v13 =	vperm.xlane v9, v3;
	[tilespmem:s20+$0xFFFFFF80] =	vst v12;
	v12 =	vmul.f32 v18, v14;
	v6 =	vld [tilespmem:s5+$0x0]  }
0x15b: {  	s30 =	simm.s32 $0x560;
	v23 =	vperm.xlane v10, v3;
	v18 =	vld [tilespmem:s22+$0xFFFFFF90];
	[tilespmem:s23+$0xFFFFFF78] =	vst v21;
	v17 =	vmul.f32 v17, v22  }
0x15c: {  	v16 =	vmul.f32 v16, v13;
	[tilespmem:s18+$0x68] =	vst v12;
	v12 =	vld [tilespmem:s30+$0x0]  }
0x15d: {  	v21 =	vld [tilespmem:s5+$0xFFFFFFF8];
	[tilespmem:s19+$0x48] =	vst v17;
	v17 =	vmul.f32 v20, v23  }
0x15e: {  	[tilespmem:s19+$0xFFFFFFA0] =	vst v16;
	v16 =	vld [tilespmem:s21+$0x50]  }
0x15f: {  	v24 =	vld [tilespmem:s13+$0x70];
	v25 =	vperm.xlane v6, v2;
	[tilespmem:s20+$0x28] =	vst v17  }
0x160: {  	v15 =	vmul.f32 v18, v15;
	v18 =	vld [tilespmem:s22+$0x30]  }
0x161: {  	v20 =	vld [tilespmem:s21+$0xFFFFFFB0];
	v12 =	vmul.f32 v12, v25  }
0x162: {  	v17 =	vperm.xlane v8, v4;
	[tilespmem:s20+$0xFFFFFF90] =	vst v15;
	v15 =	vld [tilespmem:s30+$0xFFFFFF80]  }
0x163: {  	v26 =	vld [tilespmem:s22+$0xFFFFFFA0];
	v16 =	vmul.f32 v16, v22;
	[tilespmem:s23+$0x8] =	vst v12  }
0x164: {  	s6 =	simm.s32 $0x5228;
	v19 =	vmul.f32 v19, v17;
	v12 =	vld [tilespmem:s30+$0x10]  }
0x165: {  	v22 =	vld [tilespmem:s6+$0x0];
	[tilespmem:s19+$0x58] =	vst v16;
	v16 =	vmul.f32 v18, v23  }
0x166: {  	[tilespmem:s18+$0xFFFFFFC0] =	vst v19;
	v13 =	vmul.f32 v20, v13;
	v18 =	vperm.xlane v21, v2;
	v20 =	vld [tilespmem:s21+$0x60]  }
0x167: {  	v19 =	vld [tilespmem:s13+$0xFFFFFFD0];
	[tilespmem:s20+$0x38] =	vst v16  }
0x168: {  	[tilespmem:s19+$0xFFFFFFB0] =	vst v13;
	v13 =	vmul.f32 v15, v18;
	v15 =	vld [tilespmem:s22+$0x40]  }
0x169: {  	v23 =	vperm.xlane v7, v5;
	v7 =	vmul.f32 v12, v25;
	v12 =	vld [tilespmem:s6+$0xFFFFFFF8]  }
0x16a: {  	v16 =	vld [tilespmem:s21+$0xFFFFFFC0];
	[tilespmem:s23+$0xFFFFFF80] =	vst v13  }
0x16b: {  	s28 =	simm.s32 $0x5BC8;
	v25 =	vperm.xlane v10, v4;
	v13 =	vmul.f32 v20, v23;
	v20 =	vld [tilespmem:s30+$0xFFFFFF90];
	[tilespmem:s23+$0x18] =	vst v7  }
0x16c: {  	s9 =	sadd.s32 $0x5228, s17;
	v27 =	vperm.xlane v11, v3;
	[tilespmem:s28+$0x0] =	vst v22;
	v28 =	vld [tilespmem:s30+$0x20]  }
0x16d: {  	s29 =	simm.s32 $0x660;
	v7 =	vld [tilespmem:s9+$0x0];
	[tilespmem:s19+$0x68] =	vst v13;
	v13 =	vmul.f32 v15, v25  }
0x16e: {  	v29 =	vld [tilespmem:s29+$0x0];
	v15 =	vmul.f32 v26, v27;
	[tilespmem:s28+$0xFFFFFF78] =	vst v12  }
0x16f: {  	v26 =	vperm.xlane v6, v3;
	v22 =	vld [tilespmem:s21+$0x70];
	[tilespmem:s20+$0x48] =	vst v13  }
0x170: {  	v17 =	vmul.f32 v19, v17;
	[tilespmem:s20+$0xFFFFFFA0] =	vst v15;
	v15 =	vperm.xlane v9, v4;
	v13 =	vld [tilespmem:s22+$0x50]  }
0x171: {  	v18 =	vmul.f32 v20, v18;
	v20 =	vld [tilespmem:s9+$0xFFFFFFF8];
	v28 =	vmul.f32 v28, v26  }
0x172: {  	[tilespmem:s18+$0xFFFFFFD0] =	vst v17;
	v12 =	vld [tilespmem:s22+$0xFFFFFFB0];
	v30 =	vperm.xlane v7, v2  }
0x173: {  	v31 =	vld [tilespmem:s29+$0xFFFFFF80];
	v16 =	vmul.f32 v16, v15;
	[tilespmem:s23+$0x28] =	vst v28  }
0x174: {  	[tilespmem:s23+$0xFFFFFF90] =	vst v18;
	v18 =	vmul.f32 v29, v30;
	v28 =	vld [tilespmem:s30+$0x30]  }
0x175: {  	[tilespmem:s19+$0xFFFFFFC0] =	vst v16;
	v16 =	vld [tilespmem:s30+$0xFFFFFFA0]  }
0x176: {  	[tilespmem:s28+$0x8] =	vst v18;
	v13 =	vmul.f32 v13, v25;
	v25 =	vld [tilespmem:s21+$0xFFFFFFD0];
	v17 =	vperm.xlane v20, v2  }
0x177: {  	s14 =	simm.s32 $0x5238;
	v12 =	vmul.f32 v12, v27;
	v18 =	vld [tilespmem:s29+$0x10]  }
0x178: {  	v14 =	vmul.f32 v24, v14;
	v27 =	vld [tilespmem:s14+$0x0];
	[tilespmem:s20+$0x58] =	vst v13;
	v24 =	vmul.f32 v31, v17  }
0x179: {  	[tilespmem:s20+$0xFFFFFFB0] =	vst v12;
	v12 =	vld [tilespmem:s22+$0x60];
	v19 =	vmul.f32 v28, v26  }
0x17a: {  	[tilespmem:s28+$0xFFFFFF80] =	vst v24;
	v24 =	vld [tilespmem:s14+$0xFFFFFFF8]  }
0x17b: {  	v13 =	vld [tilespmem:s22+$0xFFFFFFC0];
	[tilespmem:s23+$0x38] =	vst v19  }
0x17c: {  	[tilespmem:s18+$0x78] =	vst v14;
	s9 =	simm.s32 $0x5CD8;
	v19 =	vperm.xlane v10, v5;
	v10 =	vmul.f32 v18, v30;
	v18 =	vld [tilespmem:s30+$0x40]  }
0x17d: {  	v26 =	vld [tilespmem:s13+$0xFFFFFFE0];
	v28 =	vperm.xlane v21, v3;
	[tilespmem:s9+$0x0] =	vst v27  }
0x17e: {  	s25 =	sadd.s32 $0x5238, s17;
	v29 =	vld [tilespmem:s29+$0xFFFFFF90];
	v12 =	vmul.f32 v12, v19;
	[tilespmem:s28+$0x18] =	vst v10  }
0x17f: {  	v30 =	vperm.xlane v6, v4;
	v14 =	vld [tilespmem:s25+$0x0];
	v10 =	vmul.f32 v16, v28;
	[tilespmem:s9+$0xFFFFFF78] =	vst v24  }
0x180: {  	v31 =	vperm.xlane v11, v4;
	s14 =	simm.s32 $0x760;
	v16 =	vld [tilespmem:s29+$0x20];
	[tilespmem:s20+$0x68] =	vst v12;
	v12 =	vmul.f32 v22, v23  }
0x181: {  	v32 =	vperm.xlane v7, v3;
	v27 =	vld [tilespmem:s14+$0x0];
	[tilespmem:s23+$0xFFFFFFA0] =	vst v10;
	v18 =	vmul.f32 v18, v30  }
0x182: {  	v10 =	vperm.xlane v11, v5;
	v23 =	vmul.f32 v13, v31;
	[tilespmem:s19+$0x78] =	vst v12;
	v12 =	vld [tilespmem:s30+$0xFFFFFFB0]  }
0x183: {  	v13 =	vperm.xlane v21, v4;
	v11 =	vperm.xlane v21, v5;
	v21 =	vld [tilespmem:s25+$0xFFFFFFF8];
	[tilespmem:s23+$0x48] =	vst v18  }
0x184: {  	v8 =	vperm.xlane v8, v5;
	v17 =	vmul.f32 v29, v17;
	v29 =	vld [tilespmem:s30+$0x50]  }
0x185: {  	v22 =	vld [tilespmem:s22+$0x70];
	v24 =	vperm.xlane v14, v2;
	[tilespmem:s20+$0xFFFFFFC0] =	vst v23;
	v16 =	vmul.f32 v16, v32  }
0x186: {  	v23 =	vmul.f32 v25, v15;
	[tilespmem:s28+$0xFFFFFF90] =	vst v17;
	v17 =	vld [tilespmem:s14+$0xFFFFFF80];
	v15 =	vperm.xlane v20, v4  }
0x187: {  	v33 =	vld [tilespmem:s29+$0xFFFFFFA0];
	v25 =	vmul.f32 v27, v24;
	[tilespmem:s28+$0x28] =	vst v16;
	v16 =	vmul.f32 v12, v28  }
0x188: {  	v18 =	vperm.xlane v20, v3;
	[tilespmem:s19+$0xFFFFFFD0] =	vst v23;
	v23 =	vperm.xlane v21, v2;
	v28 =	vld [tilespmem:s29+$0x30]  }
0x189: {  	v12 =	vperm.xlane v20, v5;
	v20 =	vld [tilespmem:s22+$0xFFFFFFD0];
	[tilespmem:s23+$0xFFFFFFB0] =	vst v16;
	v16 =	vmul.f32 v29, v30  }
0x18a: {  	[tilespmem:s9+$0x8] =	vst v25;
	v22 =	vmul.f32 v22, v19;
	v29 =	vmul.f32 v26, v8;
	v26 =	vld [tilespmem:s30+$0xFFFFFFC0]  }
0x18b: {  	v9 =	vperm.xlane v9, v5;
	v19 =	vperm.xlane v21, v3;
	v27 =	vld [tilespmem:s14+$0x10];
	[tilespmem:s23+$0x58] =	vst v16  }
0x18c: {  	[tilespmem:s20+$0x78] =	vst v22;
	v30 =	vmul.f32 v17, v23;
	v17 =	vperm.xlane v21, v5;
	v25 =	vld [tilespmem:s30+$0x60]  }
0x18d: {  	v22 =	vld [tilespmem:s21+$0xFFFFFFE0];
	[tilespmem:s18+$0xFFFFFFE0] =	vst v29;
	v16 =	vperm.xlane v21, v4;
	v29 =	vmul.f32 v28, v32  }
0x18e: {  	s1 =	simm.s32 $0x5248;
	s5 =	simm.s32 $0xA;
	v28 =	vmul.f32 v33, v18;
	[tilespmem:s9+$0xFFFFFF80] =	vst v30;
	v21 =	vmul.f32 v20, v31;
	v20 =	vld [tilespmem:s13+$0xFFFFFFF0];
	s13 =	simm.s32 $0x5CD8  }
.LBB2_7:
0x18f: {  	v30 =	vld [tilespmem:s1+$0x0];
	[tilespmem:s28+$0x38] =	vst v29;
	v26 =	vmul.f32 v26, v13;
	v29 =	vperm.xlane v6, v5;
	v6 =	vmovc v7;
	v7 =	vmov v14;
	s6 =	smov.u32 s30;
	s30 =	smov.u32 s29;
	s29 =	smov.u32 s14  }
0x190: {  	s5 =	sadd.s32 $0x2, s5;
	v14 =	vmul.f32 v27, v24;
	[tilespmem:s28+$0xFFFFFFA0] =	vst v28;
	v24 =	vld [tilespmem:s30+$0x40]  }
0x191: {  	p2 =	slt.u32 s5, $0x4E;
	v27 =	vld [tilespmem:s1+$0xFFFFFFF8];
	[tilespmem:s23+$0xFFFFFFC0] =	vst v26;
	v25 =	vmul.f32 v25, v29  }
0x192: {  	v26 =	vld [tilespmem:s14+$0xFFFFFF90];
	[tilespmem:s9+$0x18] =	vst v14;
	v22 =	vmul.f32 v22, v9  }
0x193: {  	v31 =	vperm.xlane v6, v4;
	s9 =	sadd.s32 $0x110, s9;
	v28 =	vld [tilespmem:s14+$0x20];
	[tilespmem:s23+$0x68] =	vst v25;
	v20 =	vmul.f32 v20, v8;
	v8 =	vmovc v9;
	v9 =	vmov v10  }
0x194: {  	s25 =	sadd.s32 s17, s1;
	v10 =	vmov v11;
	v11 =	vmov v12;
	v12 =	vmov v17;
	[tilespmem:s9+$0x0] =	vst v30;
	v25 =	vld [tilespmem:s6+$0x70]  }
0x195: {  	v14 =	vld [tilespmem:s25+$0x0];
	v17 =	vmul.f32 v24, v31;
	[tilespmem:s20+$0xFFFFFFD0] =	vst v21  }
0x196: {  	s14 =	sadd.s32 $0x100, s14;
	v21 =	vperm.xlane v7, v3;
	[tilespmem:s9+$0xFFFFFF78] =	vst v27;
	v27 =	vld [tilespmem:s30+$0xFFFFFFB0]  }
0x197: {  	v30 =	vld [tilespmem:s14+$0x0];
	v23 =	vmul.f32 v26, v23;
	[tilespmem:s28+$0x48] =	vst v17  }
0x198: {  	v17 =	vmul.f32 v28, v21;
	v26 =	vld [tilespmem:s30+$0x50];
	[tilespmem:s19+$0xFFFFFFE0] =	vst v22  }
0x199: {  	v22 =	vld [tilespmem:s25+$0xFFFFFFF8];
	[tilespmem:s13+$0xFFFFFF90] =	vst v23;
	v23 =	vmul.f32 v25, v29  }
0x19a: {  	v25 =	vld [tilespmem:s14+$0xFFFFFF80];
	v24 =	vperm.xlane v14, v2;
	[tilespmem:s13+$0x28] =	vst v17  }
0x19b: {  	v28 =	vld [tilespmem:s29+$0xFFFFFFA0];
	v17 =	vmul.f32 v27, v18;
	[tilespmem:s23+$0x78] =	vst v23;
	v18 =	vmov v19  }
0x19c: {  	v27 =	vmul.f32 v30, v24;
	v29 =	vld [tilespmem:s29+$0x30];
	[tilespmem:s18+$0xFFFFFFF0] =	vst v20;
	s18 =	smov.u32 s19;
	s19 =	smov.u32 s20;
	s20 =	smov.u32 s23  }
0x19d: {  	s23 =	smov.u32 s28;
	[tilespmem:s28+$0xFFFFFFB0] =	vst v17;
	v20 =	vmul.f32 v26, v31;
	v30 =	vld [tilespmem:s6+$0xFFFFFFD0];
	s28 =	smov.u32 s13;
	s13 =	smov.u32 s9  }
.Ltmp6:
0x19e: {  	v23 =	vperm.xlane v22, v2;
	v19 =	vperm.xlane v22, v3;
	[tilespmem:s9+$0x8] =	vst v27;
	v26 =	vld [tilespmem:s30+$0xFFFFFFC0];
	(pc) =	sbr.rel @p2 .LBB2_7-.Ltmp6, $4  }
0x19f: {  	v31 =	vperm.xlane v22, v4;
	v17 =	vperm.xlane v22, v5;
	v27 =	vld [tilespmem:s14+$0x10];
	[tilespmem:s23+$0x58] =	vst v20  }
0x1a0: {  	v20 =	vmul.f32 v25, v23;
	v28 =	vmul.f32 v28, v18;
	v25 =	vld [tilespmem:s30+$0x60]  }
0x1a1: {  	v29 =	vmul.f32 v29, v21;
	v22 =	vld [tilespmem:s22+$0xFFFFFFE0]  }
0x1a2: {  	s1 =	sadd.s32 $0x10, s1;
	[tilespmem:s9+$0xFFFFFF80] =	vst v20;
	v21 =	vmul.f32 v30, v13;
	v20 =	vld [tilespmem:s21+$0xFFFFFFF0];
	v13 =	vmovc v15;
	v15 =	vmov v16;
	v16 =	vmov v31;
	s21 =	smov.u32 s22;
	s22 =	smov.u32 s6  }
0x1a3: {  	v30 =	vld [tilespmem:s14+$0xFFFFFF90]  }
0x1a4: {  	v24 =	vmul.f32 v27, v24;
	_ =	sdelay $0x1  }
0x1a5: {  	[tilespmem:s9+$0x18] =	vst v24  }
0x1a6: {  	v24 =	vld [tilespmem:s14+$0x20]  }
0x1a7: {  	v23 =	vmul.f32 v30, v23;
	_ =	sdelay $0x1  }
0x1a8: {  	v61 =	vperm.xlane v14, v3;
	[tilespmem:s13+$0xFFFFFF90] =	vst v23  }
0x1a9: {  	v23 =	vld [tilespmem:s14+$0xFFFFFFA0]  }
0x1aa: {  	v24 =	vmul.f32 v24, v61;
	_ =	sdelay $0x1  }
0x1ab: {  	[tilespmem:s13+$0x28] =	vst v24  }
0x1ac: {  	v24 =	vld [tilespmem:s14+$0x30]  }
0x1ad: {  	v23 =	vmul.f32 v23, v19  }
0x1ae: {  	[tilespmem:s28+$0xFFFFFFA0] =	vst v28  }
0x1af: {  	v28 =	vld [tilespmem:s29+$0xFFFFFFB0];
	[tilespmem:s13+$0xFFFFFFA0] =	vst v23  }
0x1b0: {  	v23 =	vld [tilespmem:s14+$0xFFFFFFB0]  }
0x1b1: {  	v24 =	vmul.f32 v24, v61  }
0x1b2: {  	[tilespmem:s28+$0x38] =	vst v29  }
0x1b3: {  	v62 =	vld [tilespmem:s29+$0x40];
	[tilespmem:s13+$0x38] =	vst v24  }
0x1b4: {  	v18 =	vmul.f32 v28, v18;
	v24 =	vld [tilespmem:s14+$0x40]  }
0x1b5: {  	v32 =	vmul.f32 v23, v19  }
0x1b6: {  	v63 =	vperm.xlane v7, v4;
	[tilespmem:s28+$0xFFFFFFB0] =	vst v18  }
0x1b7: {  	v35 =	vperm.xlane v14, v4;
	v34 =	vld [tilespmem:s29+$0xFFFFFFC0];
	[tilespmem:s13+$0xFFFFFFB0] =	vst v32  }
0x1b8: {  	v33 =	vmul.f32 v62, v63;
	v19 =	vld [tilespmem:s14+$0xFFFFFFC0]  }
0x1b9: {  	v36 =	vmul.f32 v24, v35  }
0x1ba: {  	[tilespmem:s28+$0x48] =	vst v33  }
0x1bb: {  	v26 =	vmul.f32 v26, v13;
	v37 =	vld [tilespmem:s29+$0x50];
	[tilespmem:s13+$0x48] =	vst v36  }
0x1bc: {  	v38 =	vmul.f32 v34, v15;
	v39 =	vld [tilespmem:s14+$0x50]  }
0x1bd: {  	v6 =	vperm.xlane v6, v5;
	[tilespmem:s23+$0xFFFFFFC0] =	vst v26;
	v19 =	vmul.f32 v19, v16  }
0x1be: {  	v26 =	vld [tilespmem:s30+$0xFFFFFFD0];
	[tilespmem:s28+$0xFFFFFFC0] =	vst v38  }
0x1bf: {  	v42 =	vmul.f32 v25, v6;
	v41 =	vld [tilespmem:s29+$0xFFFFFFD0];
	[tilespmem:s13+$0xFFFFFFC0] =	vst v19  }
0x1c0: {  	v40 =	vmul.f32 v37, v63;
	v43 =	vld [tilespmem:s14+$0xFFFFFFD0]  }
0x1c1: {  	[tilespmem:s23+$0x68] =	vst v42;
	v44 =	vmul.f32 v39, v35  }
0x1c2: {  	v46 =	vld [tilespmem:s30+$0x70];
	[tilespmem:s28+$0x58] =	vst v40  }
0x1c3: {  	v47 =	vmul.f32 v26, v13;
	v45 =	vld [tilespmem:s29+$0x60];
	[tilespmem:s13+$0x58] =	vst v44  }
0x1c4: {  	[tilespmem:s20+$0xFFFFFFD0] =	vst v21;
	v48 =	vmul.f32 v41, v15;
	v18 =	vld [tilespmem:s14+$0x60]  }
0x1c5: {  	v21 =	vld [tilespmem:s22+$0xFFFFFFE0];
	[tilespmem:s23+$0xFFFFFFD0] =	vst v47;
	v49 =	vmul.f32 v43, v16  }
0x1c6: {  	v7 =	vperm.xlane v7, v5;
	v50 =	vmul.f32 v22, v9;
	v51 =	vld [tilespmem:s30+$0xFFFFFFE0];
	[tilespmem:s28+$0xFFFFFFD0] =	vst v48  }
0x1c7: {  	v53 =	vperm.xlane v14, v5;
	v6 =	vmul.f32 v46, v6;
	v54 =	vld [tilespmem:s29+$0xFFFFFFE0];
	[tilespmem:s13+$0xFFFFFFD0] =	vst v49  }
0x1c8: {  	[tilespmem:s19+$0xFFFFFFE0] =	vst v50;
	v52 =	vmul.f32 v45, v7;
	v13 =	vld [tilespmem:s14+$0xFFFFFFE0]  }
0x1c9: {  	[tilespmem:s23+$0x78] =	vst v6;
	v55 =	vmul.f32 v18, v53  }
0x1ca: {  	v57 =	vld [tilespmem:s21+$0xFFFFFFF0];
	v6 =	vmul.f32 v21, v10;
	[tilespmem:s28+$0x68] =	vst v52  }
0x1cb: {  	v58 =	vmul.f32 v51, v11;
	v56 =	vld [tilespmem:s29+$0x70];
	[tilespmem:s13+$0x68] =	vst v55  }
0x1cc: {  	[tilespmem:s20+$0xFFFFFFE0] =	vst v6;
	v59 =	vmul.f32 v54, v12;
	v6 =	vld [tilespmem:s14+$0x70]  }
0x1cd: {  	v60 =	vld [tilespmem:s22+$0xFFFFFFF0];
	[tilespmem:s23+$0xFFFFFFE0] =	vst v58;
	v13 =	vmul.f32 v13, v17  }
0x1ce: {  	v8 =	vmul.f32 v20, v8;
	v61 =	vld [tilespmem:s30+$0xFFFFFFF0];
	[tilespmem:s28+$0xFFFFFFE0] =	vst v59  }
0x1cf: {  	v62 =	vmul.f32 v57, v9;
	v15 =	vld [tilespmem:s29+$0xFFFFFFF0];
	[tilespmem:s13+$0xFFFFFFE0] =	vst v13  }
0x1d0: {  	[tilespmem:s18+$0xFFFFFFF0] =	vst v8;
	v7 =	vmul.f32 v56, v7;
	v63 =	vld [tilespmem:s14+$0xFFFFFFF0]  }
0x1d1: {  	[tilespmem:s19+$0xFFFFFFF0] =	vst v62;
	v6 =	vmul.f32 v6, v53  }
0x1d2: {  	[tilespmem:s28+$0x78] =	vst v7;
	v7 =	vmul.f32 v60, v10  }
0x1d3: {  	[tilespmem:s13+$0x78] =	vst v6;
	v6 =	vmul.f32 v61, v11  }
.Ltmp7:
0x1d4: {  	[tilespmem:s20+$0xFFFFFFF0] =	vst v7;
	v7 =	vmul.f32 v15, v12;
	(pc) =	sbr.rel @p1 .LBB2_14-.Ltmp7, $4  }
0x1d5: {  	[tilespmem:s23+$0xFFFFFFF0] =	vst v6;
	v6 =	vmul.f32 v63, v17  }
0x1d6: {  	[tilespmem:s28+$0xFFFFFFF0] =	vst v7  }
0x1d7: {  	s1 =	simm.s32 $0x140;
	[tilespmem:s13+$0xFFFFFFF0] =	vst v6  }
0x1d8: {  	[spmem:s4] =	stream.indirect.scatter.add.f32 [tilespmem:s7], [sflag:$0x5], $0x88, s1, s12, $0xb8;
	[tilespmem:$0x1F808] =	vst v63  }
0x1d9: {  	_ =	swait.ge [sflag:s26], $0x2800  }
0x1da: {  	[sflag:s26] =	ssyncset.done $0x0  }
0x1db: {  	[sflag:s26] =	ssyncadd.s32 $0xFFFFD800  }
0x1dc: {  	_ =	swait.ge [sflag:s26], $0x280  }
0x1dd: {  	[sflag:s26] =	ssyncset.done $0x0  }
0x1de: {  	s1 =	simm.s32 @!p0 $0x6;
	[sflag:s26] =	ssyncadd.s32 $0xFFFFFD80  }
0x1df: {  	_ =	swait.ge @!p0 [sflag:s1], $0x2A80  }
0x1e0: {  	[sflag:s1] =	ssyncset.done @!p0 $0x0  }
0x1e1: {  	[sflag:s1] =	ssyncadd.s32 @!p0 $0xFFFFD580  }
0x1e2: {  	v6 =	vld [tilespmem:$0x50]  }
0x1e3: {  	v7 =	vld [tilespmem:$0x60]  }
0x1e4: {  	v8 =	vld [tilespmem:$0x70]  }
0x1e5: {  	v9 =	vld [tilespmem:$0x80]  }
0x1e6: {  	v10 =	vld [tilespmem:$0x90]  }
0x1e7: {  	[tilespmem:$0x190] =	vst v6  }
0x1e8: {  	[tilespmem:$0x1A0] =	vst v7  }
0x1e9: {  	[tilespmem:$0x1B0] =	vst v8  }
0x1ea: {  	[tilespmem:$0x1C0] =	vst v9  }
0x1eb: {  	[tilespmem:$0x1D0] =	vst v10  }
0x1ec: {  	_ =	swait.ge [sflag:s10], $0x50  }
0x1ed: {  	[sflag:s10] =	ssyncset.done $0x0  }
0x1ee: {  	[sflag:s10] =	ssyncadd.s32 $0xFFFFFFB0  }
0x1ef: {  	_ =	swait.ge [sflag:s10], $0x50  }
0x1f0: {  	[sflag:s10] =	ssyncset.done $0x0  }
0x1f1: {  	[sflag:s10] =	ssyncadd.s32 $0xFFFFFFB0  }
0x1f2: {  	v6 =	vld [tilespmem:$0xA0]  }
0x1f3: {  	v7 =	vld [tilespmem:$0xB0]  }
0x1f4: {  	v8 =	vld [tilespmem:$0xC0]  }
0x1f5: {  	v9 =	vld [tilespmem:$0xD0]  }
0x1f6: {  	v10 =	vld [tilespmem:$0xE0]  }
0x1f7: {  	v6 =	vadd.s32 v0, v6  }
0x1f8: {  	[tilespmem:$0xA0] =	vst v6;
	v6 =	vadd.s32 v0, v7  }
0x1f9: {  	[tilespmem:$0xB0] =	vst v6;
	v6 =	vadd.s32 v0, v8  }
0x1fa: {  	[tilespmem:$0xC0] =	vst v6;
	v6 =	vadd.s32 v0, v9  }
0x1fb: {  	s1 =	sshll.u32 s16, $0x5;
	[tilespmem:$0xD0] =	vst v6;
	v6 =	vadd.s32 v0, v10  }
0x1fc: {  	s6 =	simm.s32 $0xA0;
	s9 =	simm.s32 $0x1E0;
	s5 =	sadd.s32 s11, s1;
	[tilespmem:$0xE0] =	vst v6  }
0x1fd: {  	[tilespmem:s9], [sflag:$0x3] =	stream.indirect.gather [hbm4b:s3+s12], $0x80, s6, s12, $0xb8;
	[tilespmem:$0x1F808] =	vst v63  }
0x1fe: {  	p0 =	sgt.u32 s16, $0x3C;
	s5 =	smul.u32 $0x50, s5;
	s6 =	rddreg [dreg:$0x1c]  }
0x1ff: {  	s28 =	simm.s32 $0x0;
	s1 =	sadd.s32 @!p0 s6, s1  }
0x200: {  	s29 =	simm.s32 $0x51E0;
	s5 =	sadd.s32 s15, s5;
	s1 =	smul.u32 @!p0 $0xA, s1  }
0x201: {  	[tilespmem:s29], [sflag:$0x3] =	stream.linear.gather [hbm4b:s5+s28], $0x280, $0x38;
	[tilespmem:$0x1F808] =	vst v63  }
0x202: {  	s9 =	simm.s32 @!p0 $0x50;
	s6 =	simm.s32 @!p0 $0x0;
	s5 =	sadd.s32 @!p0 s0, s1  }
0x203: {  	[tilespmem:s9], [sflag:$0x2] =	stream.linear.gather @!p0 [hbm4b:s5+s6], $0x50, $0x38;
	[tilespmem:$0x1F808] =	vst v63  }
0x204: {  	s30 =	simm.s32 $0x5490;
	s1 =	sadd.s32 @!p0 s2, s1;
	s5 =	simm.s32 @!p0 $0xF0  }
0x205: {  	[tilespmem:s5], [sflag:$0x2] =	stream.linear.gather @!p0 [hbm4b:s1+s6], $0x50, $0x38;
	[tilespmem:$0x1F808] =	vst v63  }
0x206: {  	v6 =	vld [tilespmem:s30+$0xFFFFFFF0]  }
0x207: {  	v7 =	vld [tilespmem:s30+$0x10]  }
0x208: {  	v8 =	vld [tilespmem:s30+$0xFFFFFFE0]  }
0x209: {  	v9 =	vld [tilespmem:s30+$0x0]  }
0x20a: {  	s9 =	simm.s32 $0x54D0  }
0x20b: {  	v10 =	vld [tilespmem:s9+$0xFFFFFFF0];
	v6 =	vmul.f32 $1.767766920e-01, v6  }
0x20c: {  	v11 =	vld [tilespmem:s9+$0x10];
	v7 =	vmul.f32 $1.767766920e-01, v7  }
0x20d: {  	v8 =	vmul.f32 $1.767766920e-01, v8;
	v6 =	vmul.f32 $1.442695020e+00, v6  }
0x20e: {  	v12 =	vld [tilespmem:s9+$0xFFFFFFE0];
	v9 =	vmul.f32 $1.767766920e-01, v9;
	v7 =	vmul.f32 $1.442695020e+00, v7  }
0x20f: {  	v8 =	vmul.f32 $1.442695020e+00, v8;
	(erf) = vpow2.f32 v6;
	v6 =	vld [tilespmem:s9+$0x0]  }
0x210: {  	s13 =	simm.s32 $0x5510;
	(erf) = vpow2.f32 v7;
	v7 =	vmul.f32 $1.767766920e-01, v10  }
0x211: {  	v11 =	vmul.f32 $1.767766920e-01, v11;
	v9 =	vmul.f32 $1.442695020e+00, v9;
	v10 =	vld [tilespmem:s13+$0xFFFFFFF0]  }
0x212: {  	(erf) = vpow2.f32 v8;
	v8 =	vld [tilespmem:s13+$0x10];
	v7 =	vmul.f32 $1.442695020e+00, v7  }
0x213: {  	(erf) = vpow2.f32 v9;
	v9 =	vmul.f32 $1.767766920e-01, v12  }
0x214: {  	v11 =	vmul.f32 $1.442695020e+00, v11;
	v6 =	vmul.f32 $1.767766920e-01, v6  }
0x215: {  	v60 =	vld [tilespmem:s13+$0xFFFFFFE0];
	(erf) = vpow2.f32 v7;
	v7 =	vmul.f32 $1.442695020e+00, v9  }
0x216: {  	v13 =	vld [tilespmem:s13+$0x0];
	v9 =	vmul.f32 $1.767766920e-01, v10;
	v6 =	vmul.f32 $1.442695020e+00, v6  }
0x217: {  	s1 =	simm.s32 $0x5550;
	(erf) = vpow2.f32 v11;
	v8 =	vmul.f32 $1.767766920e-01, v8  }
0x218: {  	v10 =	vld [tilespmem:s1+$0xFFFFFFF0];
	(erf) = vpow2.f32 v7;
	v9 =	vmul.f32 $1.442695020e+00, v9  }
0x219: {  	v7 =	vpop (erf);
	(erf) = vpow2.f32 v6;
	v8 =	vmul.f32 $1.442695020e+00, v8  }
0x21a: {  	v11 =	vmul.f32 $1.767766920e-01, v60;
	[tilespmem:s30+$0xFFFFFFF0] =	vst v7;
	v7 =	vld [tilespmem:s1+$0x10];
	v6 =	vpop (erf);
	(erf) = vpow2.f32 v9  }
0x21b: {  	v61 =	vmul.f32 $1.767766920e-01, v13;
	[tilespmem:s30+$0x10] =	vst v6;
	v62 =	vpop (erf);
	(erf) = vpow2.f32 v8  }
0x21c: {  	v9 =	vmul.f32 $1.442695020e+00, v11;
	v6 =	vld [tilespmem:s1+$0xFFFFFFE0];
	[tilespmem:s30+$0xFFFFFFE0] =	vst v62;
	v63 =	vpop (erf)  }
0x21d: {  	s14 =	simm.s32 $0x5590;
	s6 =	simm.s32 $0xC;
	v10 =	vmul.f32 $1.767766920e-01, v10;
	v11 =	vmul.f32 $1.442695020e+00, v61;
	v8 =	vld [tilespmem:s1+$0x0];
	[tilespmem:s30+$0x0] =	vst v63  }
.LBB2_10:
0x21e: {  	s6 =	sadd.s32 $0x4, s6  }
0x21f: {  	v12 =	vld [tilespmem:s14+$0xFFFFFFF0];
	v13 =	vmul.f32 $1.767766920e-01, v7;
	(erf) = vpow2.f32 v9;
	v9 =	vpop (erf);
	s5 =	simm.s32 $0x5478;
	p0 =	slt.u32 s6, $0x24  }
.Ltmp8:
0x220: {  	s18 =	smov.u32 s9;
	v7 =	vld [tilespmem:s14+$0x10];
	v15 =	vmul.f32 $1.442695020e+00, v10;
	(erf) = vpow2.f32 v11;
	[tilespmem:s9+$0xFFFFFFF0] =	vst v9;
	v9 =	vpop (erf);
	(pc) =	sbr.rel @p0 .LBB2_10-.Ltmp8, $4  }
0x221: {  	v11 =	vmul.f32 $1.767766920e-01, v6;
	s9 =	smov.u32 s13;
	s13 =	smov.u32 s1;
	s1 =	smov.u32 s14;
	v6 =	vld [tilespmem:s14+$0xFFFFFFE0];
	v16 =	vmul.f32 $1.442695020e+00, v13;
	[tilespmem:s18+$0x10] =	vst v9  }
0x222: {  	v14 =	vmul.f32 $1.767766920e-01, v8;
	v8 =	vld [tilespmem:s14+$0x0];
	(erf) = vpow2.f32 v15;
	v10 =	vpop (erf)  }
0x223: {  	v9 =	vmul.f32 $1.442695020e+00, v11;
	(erf) = vpow2.f32 v16;
	[tilespmem:s18+$0xFFFFFFE0] =	vst v10;
	v13 =	vpop (erf)  }
0x224: {  	s14 =	sadd.s32 $0x40, s14;
	v11 =	vmul.f32 $1.442695020e+00, v14;
	v10 =	vmul.f32 $1.767766920e-01, v12;
	[tilespmem:s18+$0x0] =	vst v13  }
0x225: {  	v7 =	vmul.f32 $1.767766920e-01, v7  }
0x226: {  	(erf) = vpow2.f32 v9;
	v9 =	vmul.f32 $1.442695020e+00, v10  }
0x227: {  	(erf) = vpow2.f32 v11;
	v6 =	vmul.f32 $1.767766920e-01, v6  }
0x228: {  	v7 =	vmul.f32 $1.442695020e+00, v7;
	v8 =	vmul.f32 $1.767766920e-01, v8  }
0x229: {  	(erf) = vpow2.f32 v9;
	v6 =	vmul.f32 $1.442695020e+00, v6  }
0x22a: {  	v9 =	vpop (erf);
	(erf) = vpow2.f32 v7;
	v7 =	vmul.f32 $1.442695020e+00, v8;
	_ =	sdelay $0x1  }
0x22b: {  	[tilespmem:s9+$0xFFFFFFF0] =	vst v9;
	v8 =	vpop (erf);
	(erf) = vpow2.f32 v6  }
0x22c: {  	[tilespmem:s9+$0x10] =	vst v8;
	v6 =	vpop (erf);
	(erf) = vpow2.f32 v7  }
0x22d: {  	[tilespmem:s9+$0xFFFFFFE0] =	vst v6;
	v7 =	vpop (erf)  }
0x22e: {  	v6 =	vpop (erf);
	[tilespmem:s9+$0x0] =	vst v7  }
0x22f: {  	[tilespmem:s13+$0xFFFFFFF0] =	vst v6;
	v6 =	vpop (erf)  }
0x230: {  	[tilespmem:s13+$0x10] =	vst v6;
	v6 =	vpop (erf)  }
0x231: {  	[tilespmem:s13+$0xFFFFFFE0] =	vst v6;
	v6 =	vpop (erf)  }
0x232: {  	[tilespmem:s13+$0x0] =	vst v6;
	v6 =	vpop (erf)  }
0x233: {  	[tilespmem:s1+$0xFFFFFFF0] =	vst v6;
	v6 =	vpop (erf)  }
0x234: {  	[tilespmem:s1+$0x10] =	vst v6;
	v6 =	vpop (erf)  }
0x235: {  	[tilespmem:s1+$0xFFFFFFE0] =	vst v6;
	v6 =	vpop (erf)  }
0x236: {  	[tilespmem:s1+$0x0] =	vst v6  }
0x237: {  	v6 =	vld [tilespmem:s5+$0x0];
	_ =	sdelay $0x3  }
0x238: {  	s18 =	simm.s32 $0x8208  }
0x239: {  	s25 =	sadd.s32 $0x5478, s17;
	[tilespmem:s18+$0x0] =	vst v6  }
0x23a: {  	v6 =	vld [tilespmem:s25+$0x0]  }
0x23b: {  	s13 =	simm.s32 $0x2A60  }
0x23c: {  	v7 =	vld [tilespmem:s13+$0x0];
	_ =	sdelay $0x2  }
0x23d: {  	v8 =	vperm.xlane v6, v2;
	_ =	sdelay $0x1  }
0x23e: {  	v7 =	vmul.f32 v7, v8;
	_ =	sdelay $0x1  }
0x23f: {  	[tilespmem:s18+$0x8] =	vst v7  }
0x240: {  	s6 =	simm.s32 $0x5488;
	v7 =	vld [tilespmem:s13+$0x10]  }
0x241: {  	v10 =	vld [tilespmem:s6+$0x0];
	_ =	sdelay $0x1  }
0x242: {  	v9 =	vld [tilespmem:s5+$0xFFFFFFF8];
	_ =	sdelay $0x1  }
0x243: {  	s19 =	simm.s32 $0x8318;
	v7 =	vmul.f32 v7, v8  }
0x244: {  	s9 =	sadd.s32 $0x5488, s17;
	v15 =	vld [tilespmem:s6+$0xFFFFFFF8];
	[tilespmem:s19+$0x0] =	vst v10  }
0x245: {  	[tilespmem:s18+$0x18] =	vst v7;
	v7 =	vld [tilespmem:s9+$0x0]  }
0x246: {  	[tilespmem:s18+$0xFFFFFF78] =	vst v9;
	v9 =	vld [tilespmem:s13+$0x20]  }
0x247: {  	s21 =	simm.s32 $0x2B60;
	v8 =	vld [tilespmem:s25+$0xFFFFFFF8]  }
0x248: {  	v10 =	vld [tilespmem:s21+$0x0]  }
0x249: {  	v11 =	vld [tilespmem:s13+$0xFFFFFF80];
	v12 =	vperm.xlane v6, v3;
	_ =	sdelay $0x1  }
0x24a: {  	v13 =	vperm.xlane v7, v2;
	v9 =	vmul.f32 v9, v12  }
0x24b: {  	v14 =	vperm.xlane v8, v2  }
0x24c: {  	v10 =	vmul.f32 v10, v13;
	[tilespmem:s18+$0x28] =	vst v9  }
0x24d: {  	s14 =	simm.s32 $0x5498;
	[tilespmem:s19+$0xFFFFFF78] =	vst v15;
	v9 =	vmul.f32 v11, v14;
	v11 =	vld [tilespmem:s13+$0x30]  }
0x24e: {  	v15 =	vld [tilespmem:s14+$0x0];
	[tilespmem:s19+$0x8] =	vst v10  }
0x24f: {  	v10 =	vld [tilespmem:s21+$0x10];
	[tilespmem:s18+$0xFFFFFF80] =	vst v9  }
0x250: {  	v16 =	vld [tilespmem:s13+$0xFFFFFF90];
	_ =	sdelay $0x1  }
0x251: {  	v9 =	vld [tilespmem:s9+$0xFFFFFFF8];
	v11 =	vmul.f32 v11, v12;
	_ =	sdelay $0x1  }
0x252: {  	s20 =	simm.s32 $0x8428;
	v12 =	vld [tilespmem:s21+$0xFFFFFF80];
	v10 =	vmul.f32 v10, v13;
	[tilespmem:s18+$0x38] =	vst v11  }
0x253: {  	s23 =	sadd.s32 $0x5498, s17;
	[tilespmem:s20+$0x0] =	vst v15;
	v11 =	vmul.f32 v16, v14;
	v13 =	vld [tilespmem:s13+$0x40]  }
0x254: {  	[tilespmem:s19+$0x18] =	vst v10;
	v10 =	vld [tilespmem:s23+$0x0]  }
0x255: {  	v14 =	vld [tilespmem:s21+$0x20];
	[tilespmem:s18+$0xFFFFFF90] =	vst v11;
	v11 =	vperm.xlane v9, v2  }
0x256: {  	s22 =	simm.s32 $0x2C60;
	v16 =	vperm.xlane v6, v4;
	v15 =	vld [tilespmem:s13+$0xFFFFFFA0]  }
0x257: {  	v17 =	vld [tilespmem:s22+$0x0];
	v12 =	vmul.f32 v12, v11  }
0x258: {  	v18 =	vperm.xlane v7, v3;
	v13 =	vmul.f32 v13, v16  }
0x259: {  	v19 =	vperm.xlane v8, v3;
	[tilespmem:s19+$0xFFFFFF80] =	vst v12;
	v12 =	vld [tilespmem:s14+$0xFFFFFFF8]  }
0x25a: {  	v21 =	vperm.xlane v10, v2;
	v20 =	vld [tilespmem:s21+$0xFFFFFF90];
	v14 =	vmul.f32 v14, v18;
	[tilespmem:s18+$0x48] =	vst v13  }
0x25b: {  	v15 =	vmul.f32 v15, v19;
	v13 =	vld [tilespmem:s13+$0x50]  }
0x25c: {  	[tilespmem:s19+$0x28] =	vst v14;
	v14 =	vmul.f32 v17, v21  }
0x25d: {  	[tilespmem:s18+$0xFFFFFFA0] =	vst v15;
	v15 =	vld [tilespmem:s21+$0x30]  }
0x25e: {  	v17 =	vld [tilespmem:s13+$0xFFFFFFB0];
	[tilespmem:s20+$0x8] =	vst v14  }
0x25f: {  	[tilespmem:s20+$0xFFFFFF78] =	vst v12;
	v12 =	vmul.f32 v20, v11;
	v14 =	vld [tilespmem:s22+$0x10]  }
0x260: {  	v11 =	vld [tilespmem:s23+$0xFFFFFFF8];
	v13 =	vmul.f32 v13, v16  }
0x261: {  	s25 =	simm.s32 $0x54A8;
	[tilespmem:s19+$0xFFFFFF90] =	vst v12;
	v12 =	vld [tilespmem:s22+$0xFFFFFF80]  }
0x262: {  	v15 =	vmul.f32 v15, v18;
	[tilespmem:s18+$0x58] =	vst v13;
	v13 =	vld [tilespmem:s25+$0x0]  }
0x263: {  	v17 =	vmul.f32 v17, v19;
	v18 =	vld [tilespmem:s13+$0x60]  }
0x264: {  	[tilespmem:s19+$0x38] =	vst v15;
	v14 =	vmul.f32 v14, v21;
	v21 =	vld [tilespmem:s25+$0xFFFFFFF8]  }
0x265: {  	v15 =	vperm.xlane v11, v2;
	[tilespmem:s18+$0xFFFFFFB0] =	vst v17;
	v17 =	vld [tilespmem:s21+$0x40]  }
0x266: {  	v16 =	vld [tilespmem:s21+$0xFFFFFFA0];
	[tilespmem:s20+$0x18] =	vst v14  }
0x267: {  	s23 =	simm.s32 $0x8538;
	v12 =	vmul.f32 v12, v15;
	v14 =	vperm.xlane v6, v5;
	v20 =	vld [tilespmem:s22+$0x20]  }
0x268: {  	s5 =	sadd.s32 $0x54A8, s17;
	v22 =	vperm.xlane v7, v4;
	v19 =	vld [tilespmem:s13+$0xFFFFFFC0];
	[tilespmem:s23+$0x0] =	vst v13  }
0x269: {  	v13 =	vperm.xlane v9, v3;
	[tilespmem:s20+$0xFFFFFF80] =	vst v12;
	v12 =	vmul.f32 v18, v14;
	v6 =	vld [tilespmem:s5+$0x0]  }
0x26a: {  	s30 =	simm.s32 $0x2D60;
	v23 =	vperm.xlane v10, v3;
	v18 =	vld [tilespmem:s22+$0xFFFFFF90];
	[tilespmem:s23+$0xFFFFFF78] =	vst v21;
	v17 =	vmul.f32 v17, v22  }
0x26b: {  	v16 =	vmul.f32 v16, v13;
	[tilespmem:s18+$0x68] =	vst v12;
	v12 =	vld [tilespmem:s30+$0x0]  }
0x26c: {  	v21 =	vld [tilespmem:s5+$0xFFFFFFF8];
	[tilespmem:s19+$0x48] =	vst v17;
	v17 =	vmul.f32 v20, v23  }
0x26d: {  	[tilespmem:s19+$0xFFFFFFA0] =	vst v16;
	v16 =	vld [tilespmem:s21+$0x50]  }
0x26e: {  	v24 =	vld [tilespmem:s13+$0x70];
	v25 =	vperm.xlane v6, v2;
	[tilespmem:s20+$0x28] =	vst v17  }
0x26f: {  	v15 =	vmul.f32 v18, v15;
	v18 =	vld [tilespmem:s22+$0x30]  }
0x270: {  	v20 =	vld [tilespmem:s21+$0xFFFFFFB0];
	v12 =	vmul.f32 v12, v25  }
0x271: {  	v17 =	vperm.xlane v8, v4;
	[tilespmem:s20+$0xFFFFFF90] =	vst v15;
	v15 =	vld [tilespmem:s30+$0xFFFFFF80]  }
0x272: {  	v26 =	vld [tilespmem:s22+$0xFFFFFFA0];
	v16 =	vmul.f32 v16, v22;
	[tilespmem:s23+$0x8] =	vst v12  }
0x273: {  	s6 =	simm.s32 $0x54B8;
	v19 =	vmul.f32 v19, v17;
	v12 =	vld [tilespmem:s30+$0x10]  }
0x274: {  	v22 =	vld [tilespmem:s6+$0x0];
	[tilespmem:s19+$0x58] =	vst v16;
	v16 =	vmul.f32 v18, v23  }
0x275: {  	[tilespmem:s18+$0xFFFFFFC0] =	vst v19;
	v13 =	vmul.f32 v20, v13;
	v18 =	vperm.xlane v21, v2;
	v20 =	vld [tilespmem:s21+$0x60]  }
0x276: {  	v19 =	vld [tilespmem:s13+$0xFFFFFFD0];
	[tilespmem:s20+$0x38] =	vst v16  }
0x277: {  	[tilespmem:s19+$0xFFFFFFB0] =	vst v13;
	v13 =	vmul.f32 v15, v18;
	v15 =	vld [tilespmem:s22+$0x40]  }
0x278: {  	v23 =	vperm.xlane v7, v5;
	v7 =	vmul.f32 v12, v25;
	v12 =	vld [tilespmem:s6+$0xFFFFFFF8]  }
0x279: {  	v16 =	vld [tilespmem:s21+$0xFFFFFFC0];
	[tilespmem:s23+$0xFFFFFF80] =	vst v13  }
0x27a: {  	s28 =	simm.s32 $0x8648;
	v25 =	vperm.xlane v10, v4;
	v13 =	vmul.f32 v20, v23;
	v20 =	vld [tilespmem:s30+$0xFFFFFF90];
	[tilespmem:s23+$0x18] =	vst v7  }
0x27b: {  	s9 =	sadd.s32 $0x54B8, s17;
	v27 =	vperm.xlane v11, v3;
	[tilespmem:s28+$0x0] =	vst v22;
	v28 =	vld [tilespmem:s30+$0x20]  }
0x27c: {  	s29 =	simm.s32 $0x2E60;
	v7 =	vld [tilespmem:s9+$0x0];
	[tilespmem:s19+$0x68] =	vst v13;
	v13 =	vmul.f32 v15, v25  }
0x27d: {  	v29 =	vld [tilespmem:s29+$0x0];
	v15 =	vmul.f32 v26, v27;
	[tilespmem:s28+$0xFFFFFF78] =	vst v12  }
0x27e: {  	v26 =	vperm.xlane v6, v3;
	v22 =	vld [tilespmem:s21+$0x70];
	[tilespmem:s20+$0x48] =	vst v13  }
0x27f: {  	v17 =	vmul.f32 v19, v17;
	[tilespmem:s20+$0xFFFFFFA0] =	vst v15;
	v15 =	vperm.xlane v9, v4;
	v13 =	vld [tilespmem:s22+$0x50]  }
0x280: {  	v18 =	vmul.f32 v20, v18;
	v20 =	vld [tilespmem:s9+$0xFFFFFFF8];
	v28 =	vmul.f32 v28, v26  }
0x281: {  	[tilespmem:s18+$0xFFFFFFD0] =	vst v17;
	v12 =	vld [tilespmem:s22+$0xFFFFFFB0];
	v30 =	vperm.xlane v7, v2  }
0x282: {  	v31 =	vld [tilespmem:s29+$0xFFFFFF80];
	v16 =	vmul.f32 v16, v15;
	[tilespmem:s23+$0x28] =	vst v28  }
0x283: {  	[tilespmem:s23+$0xFFFFFF90] =	vst v18;
	v18 =	vmul.f32 v29, v30;
	v28 =	vld [tilespmem:s30+$0x30]  }
0x284: {  	[tilespmem:s19+$0xFFFFFFC0] =	vst v16;
	v16 =	vld [tilespmem:s30+$0xFFFFFFA0]  }
0x285: {  	[tilespmem:s28+$0x8] =	vst v18;
	v13 =	vmul.f32 v13, v25;
	v25 =	vld [tilespmem:s21+$0xFFFFFFD0];
	v17 =	vperm.xlane v20, v2  }
0x286: {  	s14 =	simm.s32 $0x54C8;
	v12 =	vmul.f32 v12, v27;
	v18 =	vld [tilespmem:s29+$0x10]  }
0x287: {  	v14 =	vmul.f32 v24, v14;
	v27 =	vld [tilespmem:s14+$0x0];
	[tilespmem:s20+$0x58] =	vst v13;
	v24 =	vmul.f32 v31, v17  }
0x288: {  	[tilespmem:s20+$0xFFFFFFB0] =	vst v12;
	v12 =	vld [tilespmem:s22+$0x60];
	v19 =	vmul.f32 v28, v26  }
0x289: {  	[tilespmem:s28+$0xFFFFFF80] =	vst v24;
	v24 =	vld [tilespmem:s14+$0xFFFFFFF8]  }
0x28a: {  	v13 =	vld [tilespmem:s22+$0xFFFFFFC0];
	[tilespmem:s23+$0x38] =	vst v19  }
0x28b: {  	[tilespmem:s18+$0x78] =	vst v14;
	s9 =	simm.s32 $0x8758;
	v19 =	vperm.xlane v10, v5;
	v10 =	vmul.f32 v18, v30;
	v18 =	vld [tilespmem:s30+$0x40]  }
0x28c: {  	v26 =	vld [tilespmem:s13+$0xFFFFFFE0];
	v28 =	vperm.xlane v21, v3;
	[tilespmem:s9+$0x0] =	vst v27  }
0x28d: {  	s25 =	sadd.s32 $0x54C8, s17;
	v29 =	vld [tilespmem:s29+$0xFFFFFF90];
	v12 =	vmul.f32 v12, v19;
	[tilespmem:s28+$0x18] =	vst v10  }
0x28e: {  	v30 =	vperm.xlane v6, v4;
	v14 =	vld [tilespmem:s25+$0x0];
	v10 =	vmul.f32 v16, v28;
	[tilespmem:s9+$0xFFFFFF78] =	vst v24  }
0x28f: {  	v31 =	vperm.xlane v11, v4;
	s14 =	simm.s32 $0x2F60;
	v16 =	vld [tilespmem:s29+$0x20];
	[tilespmem:s20+$0x68] =	vst v12;
	v12 =	vmul.f32 v22, v23  }
0x290: {  	v32 =	vperm.xlane v7, v3;
	v27 =	vld [tilespmem:s14+$0x0];
	[tilespmem:s23+$0xFFFFFFA0] =	vst v10;
	v18 =	vmul.f32 v18, v30  }
0x291: {  	v10 =	vperm.xlane v11, v5;
	v23 =	vmul.f32 v13, v31;
	[tilespmem:s19+$0x78] =	vst v12;
	v12 =	vld [tilespmem:s30+$0xFFFFFFB0]  }
0x292: {  	v13 =	vperm.xlane v21, v4;
	v11 =	vperm.xlane v21, v5;
	v21 =	vld [tilespmem:s25+$0xFFFFFFF8];
	[tilespmem:s23+$0x48] =	vst v18  }
0x293: {  	v8 =	vperm.xlane v8, v5;
	v17 =	vmul.f32 v29, v17;
	v29 =	vld [tilespmem:s30+$0x50]  }
0x294: {  	v22 =	vld [tilespmem:s22+$0x70];
	v24 =	vperm.xlane v14, v2;
	[tilespmem:s20+$0xFFFFFFC0] =	vst v23;
	v16 =	vmul.f32 v16, v32  }
0x295: {  	v23 =	vmul.f32 v25, v15;
	[tilespmem:s28+$0xFFFFFF90] =	vst v17;
	v17 =	vld [tilespmem:s14+$0xFFFFFF80];
	v15 =	vperm.xlane v20, v4  }
0x296: {  	v33 =	vld [tilespmem:s29+$0xFFFFFFA0];
	v25 =	vmul.f32 v27, v24;
	[tilespmem:s28+$0x28] =	vst v16;
	v16 =	vmul.f32 v12, v28  }
0x297: {  	v18 =	vperm.xlane v20, v3;
	[tilespmem:s19+$0xFFFFFFD0] =	vst v23;
	v23 =	vperm.xlane v21, v2;
	v28 =	vld [tilespmem:s29+$0x30]  }
0x298: {  	v12 =	vperm.xlane v20, v5;
	v20 =	vld [tilespmem:s22+$0xFFFFFFD0];
	[tilespmem:s23+$0xFFFFFFB0] =	vst v16;
	v16 =	vmul.f32 v29, v30  }
0x299: {  	[tilespmem:s9+$0x8] =	vst v25;
	v22 =	vmul.f32 v22, v19;
	v29 =	vmul.f32 v26, v8;
	v26 =	vld [tilespmem:s30+$0xFFFFFFC0]  }
0x29a: {  	v9 =	vperm.xlane v9, v5;
	v19 =	vperm.xlane v21, v3;
	v27 =	vld [tilespmem:s14+$0x10];
	[tilespmem:s23+$0x58] =	vst v16  }
0x29b: {  	[tilespmem:s20+$0x78] =	vst v22;
	v30 =	vmul.f32 v17, v23;
	v17 =	vperm.xlane v21, v5;
	v25 =	vld [tilespmem:s30+$0x60]  }
0x29c: {  	v22 =	vld [tilespmem:s21+$0xFFFFFFE0];
	[tilespmem:s18+$0xFFFFFFE0] =	vst v29;
	v16 =	vperm.xlane v21, v4;
	v29 =	vmul.f32 v28, v32  }
0x29d: {  	s1 =	simm.s32 $0x54D8;
	s5 =	simm.s32 $0xA;
	v28 =	vmul.f32 v33, v18;
	[tilespmem:s9+$0xFFFFFF80] =	vst v30;
	v21 =	vmul.f32 v20, v31;
	v20 =	vld [tilespmem:s13+$0xFFFFFFF0];
	s13 =	simm.s32 $0x8758  }
.LBB2_12:
0x29e: {  	v30 =	vld [tilespmem:s1+$0x0];
	[tilespmem:s28+$0x38] =	vst v29;
	v26 =	vmul.f32 v26, v13;
	v29 =	vperm.xlane v6, v5;
	v6 =	vmovc v7;
	v7 =	vmov v14;
	s6 =	smov.u32 s30;
	s30 =	smov.u32 s29;
	s29 =	smov.u32 s14  }
0x29f: {  	s5 =	sadd.s32 $0x2, s5;
	v14 =	vmul.f32 v27, v24;
	[tilespmem:s28+$0xFFFFFFA0] =	vst v28;
	v24 =	vld [tilespmem:s30+$0x40]  }
0x2a0: {  	p0 =	slt.u32 s5, $0x4E;
	v27 =	vld [tilespmem:s1+$0xFFFFFFF8];
	[tilespmem:s23+$0xFFFFFFC0] =	vst v26;
	v25 =	vmul.f32 v25, v29  }
0x2a1: {  	v26 =	vld [tilespmem:s14+$0xFFFFFF90];
	[tilespmem:s9+$0x18] =	vst v14;
	v22 =	vmul.f32 v22, v9  }
0x2a2: {  	v31 =	vperm.xlane v6, v4;
	s9 =	sadd.s32 $0x110, s9;
	v28 =	vld [tilespmem:s14+$0x20];
	[tilespmem:s23+$0x68] =	vst v25;
	v20 =	vmul.f32 v20, v8;
	v8 =	vmovc v9;
	v9 =	vmov v10  }
0x2a3: {  	s25 =	sadd.s32 s17, s1;
	v10 =	vmov v11;
	v11 =	vmov v12;
	v12 =	vmov v17;
	[tilespmem:s9+$0x0] =	vst v30;
	v25 =	vld [tilespmem:s6+$0x70]  }
0x2a4: {  	v14 =	vld [tilespmem:s25+$0x0];
	v17 =	vmul.f32 v24, v31;
	[tilespmem:s20+$0xFFFFFFD0] =	vst v21  }
0x2a5: {  	s14 =	sadd.s32 $0x100, s14;
	v21 =	vperm.xlane v7, v3;
	[tilespmem:s9+$0xFFFFFF78] =	vst v27;
	v27 =	vld [tilespmem:s30+$0xFFFFFFB0]  }
0x2a6: {  	v30 =	vld [tilespmem:s14+$0x0];
	v23 =	vmul.f32 v26, v23;
	[tilespmem:s28+$0x48] =	vst v17  }
0x2a7: {  	v17 =	vmul.f32 v28, v21;
	v26 =	vld [tilespmem:s30+$0x50];
	[tilespmem:s19+$0xFFFFFFE0] =	vst v22  }
0x2a8: {  	v22 =	vld [tilespmem:s25+$0xFFFFFFF8];
	[tilespmem:s13+$0xFFFFFF90] =	vst v23;
	v23 =	vmul.f32 v25, v29  }
0x2a9: {  	v25 =	vld [tilespmem:s14+$0xFFFFFF80];
	v24 =	vperm.xlane v14, v2;
	[tilespmem:s13+$0x28] =	vst v17  }
0x2aa: {  	v28 =	vld [tilespmem:s29+$0xFFFFFFA0];
	v17 =	vmul.f32 v27, v18;
	[tilespmem:s23+$0x78] =	vst v23;
	v18 =	vmov v19  }
0x2ab: {  	v27 =	vmul.f32 v30, v24;
	v29 =	vld [tilespmem:s29+$0x30];
	[tilespmem:s18+$0xFFFFFFF0] =	vst v20;
	s18 =	smov.u32 s19;
	s19 =	smov.u32 s20;
	s20 =	smov.u32 s23  }
0x2ac: {  	s23 =	smov.u32 s28;
	[tilespmem:s28+$0xFFFFFFB0] =	vst v17;
	v20 =	vmul.f32 v26, v31;
	v30 =	vld [tilespmem:s6+$0xFFFFFFD0];
	s28 =	smov.u32 s13;
	s13 =	smov.u32 s9  }
.Ltmp9:
0x2ad: {  	v23 =	vperm.xlane v22, v2;
	v19 =	vperm.xlane v22, v3;
	[tilespmem:s9+$0x8] =	vst v27;
	v26 =	vld [tilespmem:s30+$0xFFFFFFC0];
	(pc) =	sbr.rel @p0 .LBB2_12-.Ltmp9, $4  }
0x2ae: {  	v31 =	vperm.xlane v22, v4;
	v17 =	vperm.xlane v22, v5;
	v27 =	vld [tilespmem:s14+$0x10];
	[tilespmem:s23+$0x58] =	vst v20  }
0x2af: {  	v20 =	vmul.f32 v25, v23;
	v28 =	vmul.f32 v28, v18;
	v25 =	vld [tilespmem:s30+$0x60]  }
0x2b0: {  	v29 =	vmul.f32 v29, v21;
	v22 =	vld [tilespmem:s22+$0xFFFFFFE0]  }
0x2b1: {  	s1 =	sadd.s32 $0x10, s1;
	[tilespmem:s9+$0xFFFFFF80] =	vst v20;
	v21 =	vmul.f32 v30, v13;
	v20 =	vld [tilespmem:s21+$0xFFFFFFF0];
	v13 =	vmovc v15;
	v15 =	vmov v16;
	v16 =	vmov v31;
	s21 =	smov.u32 s22;
	s22 =	smov.u32 s6  }
0x2b2: {  	v30 =	vld [tilespmem:s14+$0xFFFFFF90]  }
0x2b3: {  	v24 =	vmul.f32 v27, v24;
	_ =	sdelay $0x1  }
0x2b4: {  	[tilespmem:s9+$0x18] =	vst v24  }
0x2b5: {  	v24 =	vld [tilespmem:s14+$0x20]  }
0x2b6: {  	v23 =	vmul.f32 v30, v23;
	_ =	sdelay $0x1  }
0x2b7: {  	v61 =	vperm.xlane v14, v3;
	[tilespmem:s13+$0xFFFFFF90] =	vst v23  }
0x2b8: {  	v23 =	vld [tilespmem:s14+$0xFFFFFFA0]  }
0x2b9: {  	v24 =	vmul.f32 v24, v61;
	_ =	sdelay $0x1  }
0x2ba: {  	[tilespmem:s13+$0x28] =	vst v24  }
0x2bb: {  	v24 =	vld [tilespmem:s14+$0x30]  }
0x2bc: {  	v23 =	vmul.f32 v23, v19  }
0x2bd: {  	[tilespmem:s28+$0xFFFFFFA0] =	vst v28  }
0x2be: {  	v28 =	vld [tilespmem:s29+$0xFFFFFFB0];
	[tilespmem:s13+$0xFFFFFFA0] =	vst v23  }
0x2bf: {  	v23 =	vld [tilespmem:s14+$0xFFFFFFB0]  }
0x2c0: {  	v24 =	vmul.f32 v24, v61  }
0x2c1: {  	[tilespmem:s28+$0x38] =	vst v29  }
0x2c2: {  	v62 =	vld [tilespmem:s29+$0x40];
	[tilespmem:s13+$0x38] =	vst v24  }
0x2c3: {  	v18 =	vmul.f32 v28, v18;
	v24 =	vld [tilespmem:s14+$0x40]  }
0x2c4: {  	v32 =	vmul.f32 v23, v19  }
0x2c5: {  	v63 =	vperm.xlane v7, v4;
	[tilespmem:s28+$0xFFFFFFB0] =	vst v18  }
0x2c6: {  	v35 =	vperm.xlane v14, v4;
	v34 =	vld [tilespmem:s29+$0xFFFFFFC0];
	[tilespmem:s13+$0xFFFFFFB0] =	vst v32  }
0x2c7: {  	v33 =	vmul.f32 v62, v63;
	v19 =	vld [tilespmem:s14+$0xFFFFFFC0]  }
0x2c8: {  	v36 =	vmul.f32 v24, v35  }
0x2c9: {  	[tilespmem:s28+$0x48] =	vst v33  }
0x2ca: {  	v26 =	vmul.f32 v26, v13;
	v37 =	vld [tilespmem:s29+$0x50];
	[tilespmem:s13+$0x48] =	vst v36  }
0x2cb: {  	v38 =	vmul.f32 v34, v15;
	v39 =	vld [tilespmem:s14+$0x50]  }
0x2cc: {  	v6 =	vperm.xlane v6, v5;
	[tilespmem:s23+$0xFFFFFFC0] =	vst v26;
	v19 =	vmul.f32 v19, v16  }
0x2cd: {  	v26 =	vld [tilespmem:s30+$0xFFFFFFD0];
	[tilespmem:s28+$0xFFFFFFC0] =	vst v38  }
0x2ce: {  	v42 =	vmul.f32 v25, v6;
	v41 =	vld [tilespmem:s29+$0xFFFFFFD0];
	[tilespmem:s13+$0xFFFFFFC0] =	vst v19  }
0x2cf: {  	v40 =	vmul.f32 v37, v63;
	v43 =	vld [tilespmem:s14+$0xFFFFFFD0]  }
0x2d0: {  	[tilespmem:s23+$0x68] =	vst v42;
	v44 =	vmul.f32 v39, v35  }
0x2d1: {  	v46 =	vld [tilespmem:s30+$0x70];
	[tilespmem:s28+$0x58] =	vst v40  }
0x2d2: {  	v47 =	vmul.f32 v26, v13;
	v45 =	vld [tilespmem:s29+$0x60];
	[tilespmem:s13+$0x58] =	vst v44  }
0x2d3: {  	[tilespmem:s20+$0xFFFFFFD0] =	vst v21;
	v48 =	vmul.f32 v41, v15;
	v18 =	vld [tilespmem:s14+$0x60]  }
0x2d4: {  	v21 =	vld [tilespmem:s22+$0xFFFFFFE0];
	[tilespmem:s23+$0xFFFFFFD0] =	vst v47;
	v49 =	vmul.f32 v43, v16  }
0x2d5: {  	v7 =	vperm.xlane v7, v5;
	v50 =	vmul.f32 v22, v9;
	v51 =	vld [tilespmem:s30+$0xFFFFFFE0];
	[tilespmem:s28+$0xFFFFFFD0] =	vst v48  }
0x2d6: {  	v53 =	vperm.xlane v14, v5;
	v6 =	vmul.f32 v46, v6;
	v54 =	vld [tilespmem:s29+$0xFFFFFFE0];
	[tilespmem:s13+$0xFFFFFFD0] =	vst v49  }
0x2d7: {  	[tilespmem:s19+$0xFFFFFFE0] =	vst v50;
	v52 =	vmul.f32 v45, v7;
	v13 =	vld [tilespmem:s14+$0xFFFFFFE0]  }
0x2d8: {  	[tilespmem:s23+$0x78] =	vst v6;
	v55 =	vmul.f32 v18, v53  }
0x2d9: {  	v57 =	vld [tilespmem:s21+$0xFFFFFFF0];
	v6 =	vmul.f32 v21, v10;
	[tilespmem:s28+$0x68] =	vst v52  }
0x2da: {  	v58 =	vmul.f32 v51, v11;
	v56 =	vld [tilespmem:s29+$0x70];
	[tilespmem:s13+$0x68] =	vst v55  }
0x2db: {  	[tilespmem:s20+$0xFFFFFFE0] =	vst v6;
	v59 =	vmul.f32 v54, v12;
	v6 =	vld [tilespmem:s14+$0x70]  }
0x2dc: {  	v60 =	vld [tilespmem:s22+$0xFFFFFFF0];
	[tilespmem:s23+$0xFFFFFFE0] =	vst v58;
	v13 =	vmul.f32 v13, v17  }
0x2dd: {  	v8 =	vmul.f32 v20, v8;
	v61 =	vld [tilespmem:s30+$0xFFFFFFF0];
	[tilespmem:s28+$0xFFFFFFE0] =	vst v59  }
0x2de: {  	v62 =	vmul.f32 v57, v9;
	v15 =	vld [tilespmem:s29+$0xFFFFFFF0];
	[tilespmem:s13+$0xFFFFFFE0] =	vst v13  }
0x2df: {  	[tilespmem:s18+$0xFFFFFFF0] =	vst v8;
	v7 =	vmul.f32 v56, v7;
	v63 =	vld [tilespmem:s14+$0xFFFFFFF0]  }
0x2e0: {  	[tilespmem:s19+$0xFFFFFFF0] =	vst v62;
	v6 =	vmul.f32 v6, v53  }
0x2e1: {  	[tilespmem:s28+$0x78] =	vst v7;
	v7 =	vmul.f32 v60, v10  }
0x2e2: {  	[tilespmem:s13+$0x78] =	vst v6;
	v6 =	vmul.f32 v61, v11  }
.Ltmp10:
0x2e3: {  	[tilespmem:s20+$0xFFFFFFF0] =	vst v7;
	v7 =	vmul.f32 v15, v12;
	(pc) =	sbr.rel .LBB2_14-.Ltmp10, $4  }
0x2e4: {  	[tilespmem:s23+$0xFFFFFFF0] =	vst v6;
	v6 =	vmul.f32 v63, v17  }
0x2e5: {  	[tilespmem:s28+$0xFFFFFFF0] =	vst v7  }
0x2e6: {  	s1 =	simm.s32 $0x190;
	s5 =	simm.s32 $0x8180;
	[tilespmem:s13+$0xFFFFFFF0] =	vst v6  }
0x2e7: {  	[spmem:s4] =	stream.indirect.scatter.add.f32 [tilespmem:s5], [sflag:$0x6], $0x88, s1, s12, $0xb8;
	[tilespmem:$0x1F808] =	vst v63  }
.LBB2_16:
0x2e8: {  	_ =	sfence.sel $0x180000  }
0x2e9: {  	[bflag:$0x0] =	sbarrier.arrive $0xFFFF  }
0x2ea: {  	_ =	strace $0x9000004A  }
0x2eb: {  	s0 =	stileid.u32;
	[bflag:$0x2] =	sbarrier.arrive $0xFFFF  }
0x2ec: {  	p0 =	sne.s32 s0, $0x0;
	s0 =	rddreg [dreg:$0x5]  }
0x2ed: {  	s0 =	sadd.s32 @!p0 $0x100000, s0  }
0x2ee: {  	[sflag:s0] =	ssyncadd.tile.s32 @!p0 $0x1;
	_ =	shalt  }
.Lfunc_end2:
_tile_overlayer_lowered:
.L_overlay_start_2:
0x2ef: {  	(tag) =	ssettag $0x2  }
0x2f0: {  	s0 =	rddreg [dreg:$0x0];
	s2 =	stileid.u32  }
0x2f1: {  	s1 =	rddreg [dreg:$0x1];
	p0 =	sne.s32 s2, $0x0  }
0x2f2: {  	s3 =	rddreg [dreg:$0x2];
	[bflag:$0x3] =	sbarrier.arrive $0xFFFF;
	s2 =	simm.s32 @!p0 $0x1C07  }
0x2f3: {  	[timem:s3], [sflag:s2] =	dma.local @!p0 [hbm:s0], s1  }
0x2f4: {  	s0 =	simm.s32 @!p0 $0x7  }
0x2f5: {  	_ =	swait.ge @!p0 [sflag:s0], s1  }
0x2f6: {  	s1 =	ssub.s32 @!p0 $0x0, s1;
	[sflag:s0] =	ssyncset.done @!p0 $0x0  }
0x2f7: {  	[sflag:s0] =	ssyncadd.s32 @!p0 s1  }
0x2f8: {  	[bflag:$0x3] =	sbarrier.arrive $0xFFFF  }
0x2f9: {  	_ =	shalt  }

</sc_bundles>
